<compile_context>
chip_gen: v7x
topology: tpu7x:2x2x1
jax: 0.10.2.dev20260603
libtpu: 0.0.44.dev20260713+nightly
codegen_flags: <defaults>
</compile_context>

<pallas_src>
import functools

import jax
import jax.numpy as jnp
from jax import lax
from jax.experimental import pallas as pl
from jax.experimental.pallas import tpu as pltpu
from jax.experimental.pallas import tpu_sc as plsc

N = 10000
E = 320000
D = 128
H = 128
O = 64
G = 128

NC = 2
NS = 16
NW = NC * NS
CH = 80
EPW = E // NW
NCHUNK = EPW // CH
RPT = 624
RTAIL = N - NS * RPT

CHA = 80
EPWP = 10000
NCHA = EPWP // CHA
NPAD = EPWP - EPW
NA = N + 16

BN = 2000
NB = N // BN

_mesh = plsc.VectorSubcoreMesh(core_axis_name="c", subcore_axis_name="s")



NBUF = 4
NPRE = NBUF - 1
NIDX = NBUF + 1


@functools.partial(
    pl.kernel,
    mesh=_mesh,
    out_type=jax.ShapeDtypeStruct((NC, N, H), jnp.float32),
    scratch_types=[
        pltpu.VMEM((NIDX, 2, CHA), jnp.int32),
        pltpu.VMEM((NBUF, CHA, H), jnp.float32),
        pltpu.VMEM_SHARED((NA, H), jnp.float32),
        pltpu.SemaphoreType.DMA((NIDX,)),
        pltpu.SemaphoreType.DMA((NBUF,)),
        pltpu.SemaphoreType.DMA((NBUF,)),
        pltpu.SemaphoreType.DMA((2,)),
    ],
)
def _sc_aggregate(hp_hbm, edges_hbm, zeros_hbm, out_hbm,
                  idx_v, rows_v, acc, sem_i, sem_g, sem_s, sem_z):
    c = lax.axis_index("c")
    s = lax.axis_index("s")
    wid = s * NC + c
    pltpu.async_copy(zeros_hbm.at[pl.ds(s * RPT, RPT)],
                     acc.at[pl.ds(s * RPT, RPT)], sem_z.at[0])

    @pl.when(s == NS - 1)
    def _():
        pltpu.async_copy(zeros_hbm.at[pl.ds(NS * RPT, RTAIL)],
                         acc.at[pl.ds(NS * RPT, RTAIL)], sem_z.at[1])

    for m in range(NPRE):
        pltpu.async_copy(edges_hbm.at[wid, m], idx_v.at[m], sem_i.at[m])
    for m in range(NPRE):
        pltpu.make_async_copy(edges_hbm.at[wid, m], idx_v.at[m],
                              sem_i.at[m]).wait()
    for g0 in range(NPRE):
        pltpu.async_copy(hp_hbm.at[idx_v.at[g0, 0]], rows_v.at[g0],
                         sem_g.at[g0])
    pltpu.async_copy(edges_hbm.at[wid, NPRE], idx_v.at[NPRE], sem_i.at[NPRE])
    pltpu.make_async_copy(zeros_hbm.at[pl.ds(s * RPT, RPT)],
                          acc.at[pl.ds(s * RPT, RPT)], sem_z.at[0]).wait()

    @pl.when(s == NS - 1)
    def _():
        pltpu.make_async_copy(zeros_hbm.at[pl.ds(NS * RPT, RTAIL)],
                              acc.at[pl.ds(NS * RPT, RTAIL)], sem_z.at[1]).wait()

    plsc.subcore_barrier()

    def body(g, carry):
        b = lax.rem(g, NBUF)
        bi = lax.rem(g, NIDX)
        pltpu.make_async_copy(hp_hbm.at[idx_v.at[0, 0]], rows_v.at[b],
                              sem_g.at[b]).wait()
        pltpu.async_copy(rows_v.at[b], acc.at[idx_v.at[bi, 1]], sem_s.at[b],
                         add=True)

        @pl.when(g + NPRE < NCHA)
        def _():
            gn = g + NPRE
            bn = lax.rem(gn, NBUF)

            @pl.when(g >= 1)
            def _():
                pltpu.make_async_copy(rows_v.at[bn], acc.at[idx_v.at[0, 1]],
                                      sem_s.at[bn]).wait()

            bin_ = lax.rem(gn, NIDX)
            pltpu.make_async_copy(edges_hbm.at[wid, 0], idx_v.at[bin_],
                                  sem_i.at[bin_]).wait()
            pltpu.async_copy(hp_hbm.at[idx_v.at[bin_, 0]], rows_v.at[bn],
                             sem_g.at[bn])

        @pl.when(g + NPRE + 1 < NCHA)
        def _():
            m = g + NPRE + 1
            bim = lax.rem(m, NIDX)
            pltpu.async_copy(edges_hbm.at[wid, m], idx_v.at[bim],
                             sem_i.at[bim])

        return carry

    lax.fori_loop(0, NCHA, body, 0)
    for t in range(NCHA - NBUF, NCHA):
        b = t % NBUF
        pltpu.make_async_copy(rows_v.at[b], acc.at[idx_v.at[0, 1]],
                              sem_s.at[b]).wait()
    plsc.subcore_barrier()
    pltpu.sync_copy(acc.at[pl.ds(s * RPT, RPT)], out_hbm.at[c, pl.ds(s * RPT, RPT)])

    @pl.when(s == NS - 1)
    def _():
        pltpu.sync_copy(acc.at[pl.ds(NS * RPT, RTAIL)],
                        out_hbm.at[c, pl.ds(NS * RPT, RTAIL)])


@functools.partial(
    pl.kernel,
    mesh=_mesh,
    out_type=jax.ShapeDtypeStruct((NC, N), jnp.float32),
    scratch_types=[
        pltpu.VMEM((NCHUNK, CH), jnp.int32),
        pltpu.VMEM((CH,), jnp.float32),
        pltpu.VMEM_SHARED((N,), jnp.float32),
        pltpu.SemaphoreType.DMA((8,)),
    ],
)
def _sc_degree(dst_hbm, zeros_hbm, out_hbm, dst_v, ones_v, acc, sem_d):
    c = lax.axis_index("c")
    s = lax.axis_index("s")
    wid = s * NC + c
    pltpu.sync_copy(dst_hbm.at[wid], dst_v)
    for j in range(CH // 16):
        ones_v[pl.ds(j * 16, 16)] = jnp.ones((16,), jnp.float32)

    @pl.when(s == 0)
    def _():
        pltpu.sync_copy(zeros_hbm, acc)

    plsc.subcore_barrier()

    for i0 in range(8):
        pltpu.async_copy(ones_v, acc.at[dst_v.at[i0]], sem_d.at[i0], add=True)

    def body(i, carry):
        sl = lax.rem(i, 8)
        pltpu.make_async_copy(ones_v, acc.at[dst_v.at[0]], sem_d.at[sl]).wait()
        pltpu.async_copy(ones_v, acc.at[dst_v.at[i]], sem_d.at[sl], add=True)
        return carry

    lax.fori_loop(8, NCHUNK, body, 0)
    for i0 in range(8):
        pltpu.make_async_copy(ones_v, acc.at[dst_v.at[0]], sem_d.at[i0]).wait()
    plsc.subcore_barrier()

    @pl.when(s == 0)
    def _():
        pltpu.sync_copy(acc, out_hbm.at[c])



def _dinv_of(deg_blk):
    return lax.rsqrt(jnp.sum(deg_blk, axis=1, keepdims=True) + 1.0)


def _tc_first_body(x_ref, w_ref, deg_ref, hp_ref):
    dinv = _dinv_of(deg_ref[...])
    hp_ref[...] = jnp.dot(x_ref[...], w_ref[...],
                          preferred_element_type=jnp.float32) * dinv


def _tc_first(x, w, deg8):
    return pl.pallas_call(
        _tc_first_body,
        grid=(NB,),
        in_specs=[
            pl.BlockSpec((BN, D), lambda i: (i, 0)),
            pl.BlockSpec((D, H), lambda i: (0, 0)),
            pl.BlockSpec((BN, 8), lambda i: (i, 0)),
        ],
        out_specs=pl.BlockSpec((BN, H), lambda i: (i, 0)),
        out_shape=jax.ShapeDtypeStruct((N, H), jnp.float32),
    )(x, w, deg8)


def _tc_mid_body(acc_ref, hp_ref, deg_ref, w_ref, p_ref, out_ref):
    dinv = _dinv_of(deg_ref[...])
    p = p_ref[...]
    b, g, be, rm, rv = p[0:1], p[1:2], p[2:3], p[3:4], p[4:5]
    t = (acc_ref[0] + acc_ref[1] + hp_ref[...]) * dinv + b
    t = (t - rm) * (g * lax.rsqrt(rv + 1e-5)) + be
    t = jnp.maximum(t, 0.0)
    out_ref[...] = jnp.dot(t, w_ref[...],
                           preferred_element_type=jnp.float32) * dinv


def _tc_mid(acc, hp, deg8, w, pvec):
    return pl.pallas_call(
        _tc_mid_body,
        grid=(NB,),
        in_specs=[
            pl.BlockSpec((NC, BN, H), lambda i: (0, i, 0)),
            pl.BlockSpec((BN, H), lambda i: (i, 0)),
            pl.BlockSpec((BN, 8), lambda i: (i, 0)),
            pl.BlockSpec((H, H), lambda i: (0, 0)),
            pl.BlockSpec((8, H), lambda i: (0, 0)),
        ],
        out_specs=pl.BlockSpec((BN, H), lambda i: (i, 0)),
        out_shape=jax.ShapeDtypeStruct((N, H), jnp.float32),
    )(acc, hp, deg8, w, pvec)


def _tc_final_body(acc_ref, hp_ref, deg_ref, b2_ref, batch_ref, lw_ref, lb_ref,
                   out_ref, sums, cnt):
    i = pl.program_id(0)

    @pl.when(i == 0)
    def _():
        sums[...] = jnp.zeros_like(sums)
        cnt[...] = jnp.zeros_like(cnt)

    dinv = _dinv_of(deg_ref[...])
    conv = (acc_ref[0] + acc_ref[1] + hp_ref[...]) * dinv + b2_ref[...]
    onehot = (batch_ref[...] ==
              lax.broadcasted_iota(jnp.int32, (BN, G), 1)).astype(jnp.float32)
    sums[...] += lax.dot_general(onehot, conv, (((0,), (0,)), ((), ())),
                                 preferred_element_type=jnp.float32)
    cnt[...] += lax.dot_general(onehot, jnp.ones((BN, H), jnp.float32),
                                (((0,), (0,)), ((), ())),
                                preferred_element_type=jnp.float32)

    @pl.when(i == pl.num_programs(0) - 1)
    def _():
        pooled = sums[...] / jnp.maximum(cnt[...], 1.0)
        out_ref[...] = jnp.dot(pooled, lw_ref[...],
                               preferred_element_type=jnp.float32) + lb_ref[...]


def _tc_final(acc, hp, deg8, b2, batch2d, lw, lb2d):
    return pl.pallas_call(
        _tc_final_body,
        grid=(NB,),
        in_specs=[
            pl.BlockSpec((NC, BN, H), lambda i: (0, i, 0)),
            pl.BlockSpec((BN, H), lambda i: (i, 0)),
            pl.BlockSpec((BN, 8), lambda i: (i, 0)),
            pl.BlockSpec((1, H), lambda i: (0, 0)),
            pl.BlockSpec((BN, 1), lambda i: (i, 0)),
            pl.BlockSpec((H, O), lambda i: (0, 0)),
            pl.BlockSpec((1, O), lambda i: (0, 0)),
        ],
        out_specs=pl.BlockSpec((G, O), lambda i: (0, 0)),
        out_shape=jax.ShapeDtypeStruct((G, O), jnp.float32),
        scratch_shapes=[
            pltpu.VMEM((G, H), jnp.float32),
            pltpu.VMEM((G, H), jnp.float32),
        ],
    )(acc, hp, deg8, b2, batch2d, lw, lb2d)



def kernel(x, edge_index, batch, W0, b0, W1, b1, W2, b2,
           g0, be0, rm0, rv0, g1, be1, rm1, rv1, lw, lb):
    src = edge_index[0].reshape(NW, NCHUNK, CH)
    dst = edge_index[1].reshape(NW, NCHUNK, CH)
    srcp = jnp.concatenate(
        [edge_index[0].reshape(NW, EPW),
         jnp.zeros((NW, NPAD), jnp.int32)], axis=1).reshape(NW, NCHA, CHA)
    dstp = jnp.concatenate(
        [edge_index[1].reshape(NW, EPW),
         jnp.full((NW, NPAD), N, jnp.int32)], axis=1).reshape(NW, NCHA, CHA)
    edges = jnp.stack([srcp, dstp], axis=2)
    zeros_nh = jnp.zeros((N, H), jnp.float32)
    zeros_n = jnp.zeros((N,), jnp.float32)

    deg2 = _sc_degree(dst, zeros_n)
    deg8 = jnp.concatenate(
        [jnp.swapaxes(deg2, 0, 1), jnp.zeros((N, 6), jnp.float32)], axis=1)

    p1 = jnp.concatenate([b0[None], g0[None], be0[None], rm0[None], rv0[None],
                          jnp.zeros((3, H), jnp.float32)], axis=0)
    p2 = jnp.concatenate([b1[None], g1[None], be1[None], rm1[None], rv1[None],
                          jnp.zeros((3, H), jnp.float32)], axis=0)

    hp0 = _tc_first(x, W0, deg8)
    acc0 = _sc_aggregate(hp0, edges, zeros_nh)
    hp1 = _tc_mid(acc0, hp0, deg8, W1, p1)
    acc1 = _sc_aggregate(hp1, edges, zeros_nh)
    hp2 = _tc_mid(acc1, hp1, deg8, W2, p2)
    acc2 = _sc_aggregate(hp2, edges, zeros_nh)
    return _tc_final(acc2, hp2, deg8, b2.reshape(1, H),
                     batch.reshape(N, 1), lw, lb.reshape(1, O))

# --- scband reference (transcript-rebuilt; emitter-appended) ---
"""Pipeline reference for scband-gcn-28595892256902 (READ-ONLY COPY).

The authoritative reference and input builder live on the scoring server;
editing this copy changes nothing except your own understanding.
"""

import jax, jax.numpy as jnp
import numpy as np

N = 10000
E = 320000
D = 128
H = 128
O = 64
G = 128


def setup_inputs(seed: int = 0) -> dict:
    key = jax.random.key(seed)
    ks = jax.random.split(key, 24)
    inp = {}
    inp["x"] = jax.random.normal(ks[0], (N, D), dtype=jnp.float32)
    inp["edge_index"] = jax.random.randint(ks[1], (2, E), 0, N, dtype=jnp.int32)
    inp["batch"] = jnp.sort(jax.random.randint(ks[2], (N,), 0, G, dtype=jnp.int32))
    # GCNConv weights (PyG: lin then propagate, bias added after aggregation)
    inp["W0"] = jax.random.normal(ks[3], (D, H), dtype=jnp.float32) * (1.0 / np.sqrt(D))
    inp["b0"] = jnp.zeros((H,), dtype=jnp.float32)
    inp["W1"] = jax.random.normal(ks[4], (H, H), dtype=jnp.float32) * (1.0 / np.sqrt(H))
    inp["b1"] = jnp.zeros((H,), dtype=jnp.float32)
    inp["W2"] = jax.random.normal(ks[5], (H, H), dtype=jnp.float32) * (1.0 / np.sqrt(H))
    inp["b2"] = jnp.zeros((H,), dtype=jnp.float32)
    # BatchNorm params (eval mode: running stats)
    inp["g0"] = jnp.ones((H,), dtype=jnp.float32)
    inp["be0"] = jnp.zeros((H,), dtype=jnp.float32)
    inp["rm0"] = jnp.zeros((H,), dtype=jnp.float32)
    inp["rv0"] = jnp.ones((H,), dtype=jnp.float32)
    inp["g1"] = jnp.ones((H,), dtype=jnp.float32)
    inp["be1"] = jnp.zeros((H,), dtype=jnp.float32)
    inp["rm1"] = jnp.zeros((H,), dtype=jnp.float32)
    inp["rv1"] = jnp.ones((H,), dtype=jnp.float32)
    # final linear
    inp["lw"] = jax.random.normal(ks[6], (H, O), dtype=jnp.float32) * (1.0 / np.sqrt(H))
    inp["lb"] = jnp.zeros((O,), dtype=jnp.float32)
    return inp


def _gcn_conv(x, edge_index, W, b):
    # PyG GCNConv: x' = D^{-1/2} (A + I) D^{-1/2} (x W) + b
    n = x.shape[0]
    src = edge_index[0]
    dst = edge_index[1]
    loop = jnp.arange(n, dtype=src.dtype)
    src2 = jnp.concatenate([src, loop])
    dst2 = jnp.concatenate([dst, loop])
    h = x @ W
    deg = jnp.zeros((n,), dtype=x.dtype).at[dst2].add(1.0)
    dinv = deg ** -0.5
    coef = dinv[src2] * dinv[dst2]
    msg = h[src2] * coef[:, None]
    out = jnp.zeros_like(h).at[dst2].add(msg)
    return out + b


def _bn(x, g, be, rm, rv):
    # BatchNorm1d in eval mode
    return (x - rm) / jnp.sqrt(rv + 1e-5) * g + be


def reference(x, edge_index, batch, W0, b0, W1, b1, W2, b2, g0, be0, rm0, rv0, g1, be1, rm1, rv1, lw, lb):
    h = _gcn_conv(x, edge_index, W0, b0)
    h = _bn(h, g0, be0, rm0, rv0)
    h = jax.nn.relu(h)
    # dropout is identity in eval mode
    h = _gcn_conv(h, edge_index, W1, b1)
    h = _bn(h, g1, be1, rm1, rv1)
    h = jax.nn.relu(h)
    h = _gcn_conv(h, edge_index, W2, b2)
    # global_mean_pool over graph ids
    sums = jax.ops.segment_sum(h, batch, num_segments=G)
    cnt = jax.ops.segment_sum(jnp.ones((h.shape[0],), dtype=h.dtype), batch, num_segments=G)
    pooled = sums / jnp.maximum(cnt, 1.0)[:, None]
    return pooled @ lw + lb

if __name__ == "__main__":
    import jax
    _d = setup_inputs()
    print(jax.jit(kernel)(*tuple(_d.values())))

</pallas_src>

<mosaic_0001>
#map = affine_map<(d0, d1) -> (0, 0)>
#map1 = affine_map<(d0, d1) -> (0, 0, 0, 0)>
#map2 = affine_map<(d0, d1) -> (0, 0, 0)>
module attributes {stable_mosaic.version = 14 : i64} {
  func.func @_sc_aggregate(%arg0: i32, %arg1: i32, %arg2: memref<10000x128xf32, #tpu.memory_space<hbm>>, %arg3: memref<32x125x2x80xi32, #tpu.memory_space<hbm>>, %arg4: memref<10000x128xf32, #tpu.memory_space<hbm>>, %arg5: memref<2x10000x128xf32, #tpu.memory_space<hbm>>, %arg6: memref<5x2x80xi32, #tpu.memory_space<vmem>>, %arg7: memref<4x80x128xf32, #tpu.memory_space<vmem>>, %arg8: memref<10016x128xf32, #tpu.memory_space<vmem_shared>>, %arg9: memref<5x!tpu.dma_semaphore, #tpu.memory_space<semaphore_mem>>, %arg10: memref<4x!tpu.dma_semaphore, #tpu.memory_space<semaphore_mem>>, %arg11: memref<4x!tpu.dma_semaphore, #tpu.memory_space<semaphore_mem>>, %arg12: memref<2x!tpu.dma_semaphore, #tpu.memory_space<semaphore_mem>>) attributes {dimension_semantics = [#tpu.dimension_semantics<core_parallel>, #tpu.dimension_semantics<subcore_parallel>], iteration_bounds = array<i64: 2, 16>, scalar_prefetch = 0 : i64, scratch_operands = 7 : i64, tpu.core_type = #tpu.core_type<sc_vector_subcore>, window_params = [{transform_indices = #map}, {transform_indices = #map1}, {transform_indices = #map}, {transform_indices = #map2}]} {
    %mul3A = arith.constant 2 : i32
    %mul3A_0 = arith.muli %arg1, %mul3A : i32
    %add3A = arith.addi %mul3A_0, %arg0 : i32
    %mul3A_1 = arith.constant 624 : i32
    %mul3A_2 = arith.muli %arg1, %mul3A_1 : i32
    %mul3A_3 = arith.constant 624 : i32
    %mul3A_4 = arith.muli %arg1, %mul3A_3 : i32
    %dma_start3A = arith.constant 0 : i32
    %dma_start3A_5 = tpu.memref_slice %arg12[%dma_start3A] : memref<2x!tpu.dma_semaphore, #tpu.memory_space<semaphore_mem>> -> memref<1x!tpu.dma_semaphore, #tpu.memory_space<semaphore_mem>>
    %dma_start3A_6 = tpu.memref_squeeze %dma_start3A_5 : memref<1x!tpu.dma_semaphore, #tpu.memory_space<semaphore_mem>> -> memref<!tpu.dma_semaphore, #tpu.memory_space<semaphore_mem>>
    %dma_start3A_7 = arith.constant 0 : i32
    %dma_start3A_8 = tpu.memref_slice %arg8[%mul3A_4, %dma_start3A_7] : memref<10016x128xf32, #tpu.memory_space<vmem_shared>> -> memref<624x128xf32, #tpu.memory_space<vmem_shared>>
    %dma_start3A_9 = arith.constant 0 : i32
    %dma_start3A_10 = tpu.memref_slice %arg4[%mul3A_2, %dma_start3A_9] : memref<10000x128xf32, #tpu.memory_space<hbm>> -> memref<624x128xf32, #tpu.memory_space<hbm>>
    tpu.enqueue_dma source(%dma_start3A_10 : memref<624x128xf32, #tpu.memory_space<hbm>>) target(%dma_start3A_8 : memref<624x128xf32, #tpu.memory_space<vmem_shared>>) target_semaphore(%dma_start3A_6 : memref<!tpu.dma_semaphore, #tpu.memory_space<semaphore_mem>>)
    %eq3A = arith.constant 15 : i32
    %eq3A_11 = arith.cmpi eq, %arg1, %eq3A : i32
    %convert_element_type3A = arith.extui %eq3A_11 : i1 to i32
    %cond3A = arith.constant 0 : i32
    %cond3A_12 = arith.cmpi ne, %convert_element_type3A, %cond3A : i32
    scf.if %cond3A_12 {
      %dma_start3A_302 = arith.constant 1 : i32
      %dma_start3A_303 = tpu.memref_slice %arg12[%dma_start3A_302] : memref<2x!tpu.dma_semaphore, #tpu.memory_space<semaphore_mem>> -> memref<1x!tpu.dma_semaphore, #tpu.memory_space<semaphore_mem>>
      %dma_start3A_304 = tpu.memref_squeeze %dma_start3A_303 : memref<1x!tpu.dma_semaphore, #tpu.memory_space<semaphore_mem>> -> memref<!tpu.dma_semaphore, #tpu.memory_space<semaphore_mem>>
      %dma_start3A_305 = arith.constant 9984 : i32
      %dma_start3A_306 = arith.constant 0 : i32
      %dma_start3A_307 = tpu.memref_slice %arg8[%dma_start3A_305, %dma_start3A_306] : memref<10016x128xf32, #tpu.memory_space<vmem_shared>> -> memref<16x128xf32, #tpu.memory_space<vmem_shared>>
      %dma_start3A_308 = arith.constant 9984 : i32
      %dma_start3A_309 = arith.constant 0 : i32
      %dma_start3A_310 = tpu.memref_slice %arg4[%dma_start3A_308, %dma_start3A_309] : memref<10000x128xf32, #tpu.memory_space<hbm>> -> memref<16x128xf32, #tpu.memory_space<hbm>>
      tpu.enqueue_dma source(%dma_start3A_310 : memref<16x128xf32, #tpu.memory_space<hbm>>) target(%dma_start3A_307 : memref<16x128xf32, #tpu.memory_space<vmem_shared>>) target_semaphore(%dma_start3A_304 : memref<!tpu.dma_semaphore, #tpu.memory_space<semaphore_mem>>)
    } else {
    }
    %dma_start3A_13 = arith.constant 0 : i32
    %dma_start3A_14 = arith.constant 0 : i32
    %dma_start3A_15 = arith.constant 0 : i32
    %dma_start3A_16 = arith.constant 0 : i32
    %dma_start3A_17 = arith.constant 0 : i32
    %dma_start3A_18 = tpu.memref_slice %arg6[%dma_start3A_14, %dma_start3A_16, %dma_start3A_17] : memref<5x2x80xi32, #tpu.memory_space<vmem>> -> memref<1x2x80xi32, #tpu.memory_space<vmem>>
    %dma_start3A_19 = tpu.memref_squeeze %dma_start3A_18 : memref<1x2x80xi32, #tpu.memory_space<vmem>> -> memref<2x80xi32, #tpu.memory_space<vmem>>
    %dma_start3A_20 = arith.constant 0 : i32
    %dma_start3A_21 = arith.constant 0 : i32
    %dma_start3A_22 = tpu.memref_slice %arg3[%add3A, %dma_start3A_13, %dma_start3A_20, %dma_start3A_21] : memref<32x125x2x80xi32, #tpu.memory_space<hbm>> -> memref<1x1x2x80xi32, #tpu.memory_space<hbm>>
    %dma_start3A_23 = tpu.memref_squeeze %dma_start3A_22 : memref<1x1x2x80xi32, #tpu.memory_space<hbm>> -> memref<2x80xi32, #tpu.memory_space<hbm>>
    %dma_start3A_24 = tpu.memref_slice %arg9[%dma_start3A_15] : memref<5x!tpu.dma_semaphore, #tpu.memory_space<semaphore_mem>> -> memref<1x!tpu.dma_semaphore, #tpu.memory_space<semaphore_mem>>
    %dma_start3A_25 = tpu.memref_squeeze %dma_start3A_24 : memref<1x!tpu.dma_semaphore, #tpu.memory_space<semaphore_mem>> -> memref<!tpu.dma_semaphore, #tpu.memory_space<semaphore_mem>>
    %dma_start3A_26 = arith.constant 0 : i32
    %dma_start3A_27 = arith.constant 0 : i32
    %dma_start3A_28 = tpu.memref_slice %arg6[%dma_start3A_14, %dma_start3A_26, %dma_start3A_27] : memref<5x2x80xi32, #tpu.memory_space<vmem>> -> memref<1x2x80xi32, #tpu.memory_space<vmem>>
    %dma_start3A_29 = tpu.memref_squeeze %dma_start3A_28 : memref<1x2x80xi32, #tpu.memory_space<vmem>> -> memref<2x80xi32, #tpu.memory_space<vmem>>
    %dma_start3A_30 = arith.constant 0 : i32
    %dma_start3A_31 = arith.constant 0 : i32
    %dma_start3A_32 = tpu.memref_slice %arg3[%add3A, %dma_start3A_13, %dma_start3A_30, %dma_start3A_31] : memref<32x125x2x80xi32, #tpu.memory_space<hbm>> -> memref<1x1x2x80xi32, #tpu.memory_space<hbm>>
    %dma_start3A_33 = tpu.memref_squeeze %dma_start3A_32 : memref<1x1x2x80xi32, #tpu.memory_space<hbm>> -> memref<2x80xi32, #tpu.memory_space<hbm>>
    tpu.enqueue_dma source(%dma_start3A_33 : memref<2x80xi32, #tpu.memory_space<hbm>>) target(%dma_start3A_29 : memref<2x80xi32, #tpu.memory_space<vmem>>) target_semaphore(%dma_start3A_25 : memref<!tpu.dma_semaphore, #tpu.memory_space<semaphore_mem>>)
    %dma_start3A_34 = arith.constant 1 : i32
    %dma_start3A_35 = arith.constant 1 : i32
    %dma_start3A_36 = arith.constant 1 : i32
    %dma_start3A_37 = arith.constant 0 : i32
    %dma_start3A_38 = arith.constant 0 : i32
    %dma_start3A_39 = tpu.memref_slice %arg6[%dma_start3A_35, %dma_start3A_37, %dma_start3A_38] : memref<5x2x80xi32, #tpu.memory_space<vmem>> -> memref<1x2x80xi32, #tpu.memory_space<vmem>>
    %dma_start3A_40 = tpu.memref_squeeze %dma_start3A_39 : memref<1x2x80xi32, #tpu.memory_space<vmem>> -> memref<2x80xi32, #tpu.memory_space<vmem>>
    %dma_start3A_41 = arith.constant 0 : i32
    %dma_start3A_42 = arith.constant 0 : i32
    %dma_start3A_43 = tpu.memref_slice %arg3[%add3A, %dma_start3A_34, %dma_start3A_41, %dma_start3A_42] : memref<32x125x2x80xi32, #tpu.memory_space<hbm>> -> memref<1x1x2x80xi32, #tpu.memory_space<hbm>>
    %dma_start3A_44 = tpu.memref_squeeze %dma_start3A_43 : memref<1x1x2x80xi32, #tpu.memory_space<hbm>> -> memref<2x80xi32, #tpu.memory_space<hbm>>
    %dma_start3A_45 = tpu.memref_slice %arg9[%dma_start3A_36] : memref<5x!tpu.dma_semaphore, #tpu.memory_space<semaphore_mem>> -> memref<1x!tpu.dma_semaphore, #tpu.memory_space<semaphore_mem>>
    %dma_start3A_46 = tpu.memref_squeeze %dma_start3A_45 : memref<1x!tpu.dma_semaphore, #tpu.memory_space<semaphore_mem>> -> memref<!tpu.dma_semaphore, #tpu.memory_space<semaphore_mem>>
    %dma_start3A_47 = arith.constant 0 : i32
    %dma_start3A_48 = arith.constant 0 : i32
    %dma_start3A_49 = tpu.memref_slice %arg6[%dma_start3A_35, %dma_start3A_47, %dma_start3A_48] : memref<5x2x80xi32, #tpu.memory_space<vmem>> -> memref<1x2x80xi32, #tpu.memory_space<vmem>>
    %dma_start3A_50 = tpu.memref_squeeze %dma_start3A_49 : memref<1x2x80xi32, #tpu.memory_space<vmem>> -> memref<2x80xi32, #tpu.memory_space<vmem>>
    %dma_start3A_51 = arith.constant 0 : i32
    %dma_start3A_52 = arith.constant 0 : i32
    %dma_start3A_53 = tpu.memref_slice %arg3[%add3A, %dma_start3A_34, %dma_start3A_51, %dma_start3A_52] : memref<32x125x2x80xi32, #tpu.memory_space<hbm>> -> memref<1x1x2x80xi32, #tpu.memory_space<hbm>>
    %dma_start3A_54 = tpu.memref_squeeze %dma_start3A_53 : memref<1x1x2x80xi32, #tpu.memory_space<hbm>> -> memref<2x80xi32, #tpu.memory_space<hbm>>
    tpu.enqueue_dma source(%dma_start3A_54 : memref<2x80xi32, #tpu.memory_space<hbm>>) target(%dma_start3A_50 : memref<2x80xi32, #tpu.memory_space<vmem>>) target_semaphore(%dma_start3A_46 : memref<!tpu.dma_semaphore, #tpu.memory_space<semaphore_mem>>)
    %dma_start3A_55 = arith.constant 2 : i32
    %dma_start3A_56 = arith.constant 2 : i32
    %dma_start3A_57 = arith.constant 2 : i32
    %dma_start3A_58 = arith.constant 0 : i32
    %dma_start3A_59 = arith.constant 0 : i32
    %dma_start3A_60 = tpu.memref_slice %arg6[%dma_start3A_56, %dma_start3A_58, %dma_start3A_59] : memref<5x2x80xi32, #tpu.memory_space<vmem>> -> memref<1x2x80xi32, #tpu.memory_space<vmem>>
    %dma_start3A_61 = tpu.memref_squeeze %dma_start3A_60 : memref<1x2x80xi32, #tpu.memory_space<vmem>> -> memref<2x80xi32, #tpu.memory_space<vmem>>
    %dma_start3A_62 = arith.constant 0 : i32
    %dma_start3A_63 = arith.constant 0 : i32
    %dma_start3A_64 = tpu.memref_slice %arg3[%add3A, %dma_start3A_55, %dma_start3A_62, %dma_start3A_63] : memref<32x125x2x80xi32, #tpu.memory_space<hbm>> -> memref<1x1x2x80xi32, #tpu.memory_space<hbm>>
    %dma_start3A_65 = tpu.memref_squeeze %dma_start3A_64 : memref<1x1x2x80xi32, #tpu.memory_space<hbm>> -> memref<2x80xi32, #tpu.memory_space<hbm>>
    %dma_start3A_66 = tpu.memref_slice %arg9[%dma_start3A_57] : memref<5x!tpu.dma_semaphore, #tpu.memory_space<semaphore_mem>> -> memref<1x!tpu.dma_semaphore, #tpu.memory_space<semaphore_mem>>
    %dma_start3A_67 = tpu.memref_squeeze %dma_start3A_66 : memref<1x!tpu.dma_semaphore, #tpu.memory_space<semaphore_mem>> -> memref<!tpu.dma_semaphore, #tpu.memory_space<semaphore_mem>>
    %dma_start3A_68 = arith.constant 0 : i32
    %dma_start3A_69 = arith.constant 0 : i32
    %dma_start3A_70 = tpu.memref_slice %arg6[%dma_start3A_56, %dma_start3A_68, %dma_start3A_69] : memref<5x2x80xi32, #tpu.memory_space<vmem>> -> memref<1x2x80xi32, #tpu.memory_space<vmem>>
    %dma_start3A_71 = tpu.memref_squeeze %dma_start3A_70 : memref<1x2x80xi32, #tpu.memory_space<vmem>> -> memref<2x80xi32, #tpu.memory_space<vmem>>
    %dma_start3A_72 = arith.constant 0 : i32
    %dma_start3A_73 = arith.constant 0 : i32
    %dma_start3A_74 = tpu.memref_slice %arg3[%add3A, %dma_start3A_55, %dma_start3A_72, %dma_start3A_73] : memref<32x125x2x80xi32, #tpu.memory_space<hbm>> -> memref<1x1x2x80xi32, #tpu.memory_space<hbm>>
    %dma_start3A_75 = tpu.memref_squeeze %dma_start3A_74 : memref<1x1x2x80xi32, #tpu.memory_space<hbm>> -> memref<2x80xi32, #tpu.memory_space<hbm>>
    tpu.enqueue_dma source(%dma_start3A_75 : memref<2x80xi32, #tpu.memory_space<hbm>>) target(%dma_start3A_71 : memref<2x80xi32, #tpu.memory_space<vmem>>) target_semaphore(%dma_start3A_67 : memref<!tpu.dma_semaphore, #tpu.memory_space<semaphore_mem>>)
    %dma_wait3A = arith.constant 0 : i32
    %dma_wait3A_76 = arith.constant 0 : i32
    %dma_wait3A_77 = arith.constant 0 : i32
    %dma_wait3A_78 = arith.constant 0 : i32
    %dma_wait3A_79 = arith.constant 0 : i32
    %dma_wait3A_80 = tpu.memref_slice %arg6[%dma_wait3A_76, %dma_wait3A_78, %dma_wait3A_79] : memref<5x2x80xi32, #tpu.memory_space<vmem>> -> memref<1x2x80xi32, #tpu.memory_space<vmem>>
    %dma_wait3A_81 = tpu.memref_squeeze %dma_wait3A_80 : memref<1x2x80xi32, #tpu.memory_space<vmem>> -> memref<2x80xi32, #tpu.memory_space<vmem>>
    %dma_wait3A_82 = arith.constant 0 : i32
    %dma_wait3A_83 = arith.constant 0 : i32
    %dma_wait3A_84 = tpu.memref_slice %arg3[%add3A, %dma_wait3A, %dma_wait3A_82, %dma_wait3A_83] : memref<32x125x2x80xi32, #tpu.memory_space<hbm>> -> memref<1x1x2x80xi32, #tpu.memory_space<hbm>>
    %dma_wait3A_85 = tpu.memref_squeeze %dma_wait3A_84 : memref<1x1x2x80xi32, #tpu.memory_space<hbm>> -> memref<2x80xi32, #tpu.memory_space<hbm>>
    %dma_wait3A_86 = tpu.memref_slice %arg9[%dma_wait3A_77] : memref<5x!tpu.dma_semaphore, #tpu.memory_space<semaphore_mem>> -> memref<1x!tpu.dma_semaphore, #tpu.memory_space<semaphore_mem>>
    %dma_wait3A_87 = tpu.memref_squeeze %dma_wait3A_86 : memref<1x!tpu.dma_semaphore, #tpu.memory_space<semaphore_mem>> -> memref<!tpu.dma_semaphore, #tpu.memory_space<semaphore_mem>>
    %dma_wait3A_88 = arith.constant 0 : i32
    %dma_wait3A_89 = arith.constant 0 : i32
    %dma_wait3A_90 = tpu.memref_slice %arg6[%dma_wait3A_76, %dma_wait3A_88, %dma_wait3A_89] : memref<5x2x80xi32, #tpu.memory_space<vmem>> -> memref<1x2x80xi32, #tpu.memory_space<vmem>>
    %dma_wait3A_91 = tpu.memref_squeeze %dma_wait3A_90 : memref<1x2x80xi32, #tpu.memory_space<vmem>> -> memref<2x80xi32, #tpu.memory_space<vmem>>
    %dma_wait3A_92 = arith.constant 0 : i32
    %dma_wait3A_93 = arith.constant 0 : i32
    %dma_wait3A_94 = tpu.memref_slice %arg3[%add3A, %dma_wait3A, %dma_wait3A_92, %dma_wait3A_93] : memref<32x125x2x80xi32, #tpu.memory_space<hbm>> -> memref<1x1x2x80xi32, #tpu.memory_space<hbm>>
    %dma_wait3A_95 = tpu.memref_squeeze %dma_wait3A_94 : memref<1x1x2x80xi32, #tpu.memory_space<hbm>> -> memref<2x80xi32, #tpu.memory_space<hbm>>
    tpu.wait_dma2 semaphore(%dma_wait3A_87 : memref<!tpu.dma_semaphore, #tpu.memory_space<semaphore_mem>>) src(%dma_wait3A_95 : memref<2x80xi32, #tpu.memory_space<hbm>>) dst(%dma_wait3A_91 : memref<2x80xi32, #tpu.memory_space<vmem>>)
    %dma_wait3A_96 = arith.constant 1 : i32
    %dma_wait3A_97 = arith.constant 1 : i32
    %dma_wait3A_98 = arith.constant 1 : i32
    %dma_wait3A_99 = arith.constant 0 : i32
    %dma_wait3A_100 = arith.constant 0 : i32
    %dma_wait3A_101 = tpu.memref_slice %arg6[%dma_wait3A_97, %dma_wait3A_99, %dma_wait3A_100] : memref<5x2x80xi32, #tpu.memory_space<vmem>> -> memref<1x2x80xi32, #tpu.memory_space<vmem>>
    %dma_wait3A_102 = tpu.memref_squeeze %dma_wait3A_101 : memref<1x2x80xi32, #tpu.memory_space<vmem>> -> memref<2x80xi32, #tpu.memory_space<vmem>>
    %dma_wait3A_103 = arith.constant 0 : i32
    %dma_wait3A_104 = arith.constant 0 : i32
    %dma_wait3A_105 = tpu.memref_slice %arg3[%add3A, %dma_wait3A_96, %dma_wait3A_103, %dma_wait3A_104] : memref<32x125x2x80xi32, #tpu.memory_space<hbm>> -> memref<1x1x2x80xi32, #tpu.memory_space<hbm>>
    %dma_wait3A_106 = tpu.memref_squeeze %dma_wait3A_105 : memref<1x1x2x80xi32, #tpu.memory_space<hbm>> -> memref<2x80xi32, #tpu.memory_space<hbm>>
    %dma_wait3A_107 = tpu.memref_slice %arg9[%dma_wait3A_98] : memref<5x!tpu.dma_semaphore, #tpu.memory_space<semaphore_mem>> -> memref<1x!tpu.dma_semaphore, #tpu.memory_space<semaphore_mem>>
    %dma_wait3A_108 = tpu.memref_squeeze %dma_wait3A_107 : memref<1x!tpu.dma_semaphore, #tpu.memory_space<semaphore_mem>> -> memref<!tpu.dma_semaphore, #tpu.memory_space<semaphore_mem>>
    %dma_wait3A_109 = arith.constant 0 : i32
    %dma_wait3A_110 = arith.constant 0 : i32
    %dma_wait3A_111 = tpu.memref_slice %arg6[%dma_wait3A_97, %dma_wait3A_109, %dma_wait3A_110] : memref<5x2x80xi32, #tpu.memory_space<vmem>> -> memref<1x2x80xi32, #tpu.memory_space<vmem>>
    %dma_wait3A_112 = tpu.memref_squeeze %dma_wait3A_111 : memref<1x2x80xi32, #tpu.memory_space<vmem>> -> memref<2x80xi32, #tpu.memory_space<vmem>>
    %dma_wait3A_113 = arith.constant 0 : i32
    %dma_wait3A_114 = arith.constant 0 : i32
    %dma_wait3A_115 = tpu.memref_slice %arg3[%add3A, %dma_wait3A_96, %dma_wait3A_113, %dma_wait3A_114] : memref<32x125x2x80xi32, #tpu.memory_space<hbm>> -> memref<1x1x2x80xi32, #tpu.memory_space<hbm>>
    %dma_wait3A_116 = tpu.memref_squeeze %dma_wait3A_115 : memref<1x1x2x80xi32, #tpu.memory_space<hbm>> -> memref<2x80xi32, #tpu.memory_space<hbm>>
    tpu.wait_dma2 semaphore(%dma_wait3A_108 : memref<!tpu.dma_semaphore, #tpu.memory_space<semaphore_mem>>) src(%dma_wait3A_116 : memref<2x80xi32, #tpu.memory_space<hbm>>) dst(%dma_wait3A_112 : memref<2x80xi32, #tpu.memory_space<vmem>>)
    %dma_wait3A_117 = arith.constant 2 : i32
    %dma_wait3A_118 = arith.constant 2 : i32
    %dma_wait3A_119 = arith.constant 2 : i32
    %dma_wait3A_120 = arith.constant 0 : i32
    %dma_wait3A_121 = arith.constant 0 : i32
    %dma_wait3A_122 = tpu.memref_slice %arg6[%dma_wait3A_118, %dma_wait3A_120, %dma_wait3A_121] : memref<5x2x80xi32, #tpu.memory_space<vmem>> -> memref<1x2x80xi32, #tpu.memory_space<vmem>>
    %dma_wait3A_123 = tpu.memref_squeeze %dma_wait3A_122 : memref<1x2x80xi32, #tpu.memory_space<vmem>> -> memref<2x80xi32, #tpu.memory_space<vmem>>
    %dma_wait3A_124 = arith.constant 0 : i32
    %dma_wait3A_125 = arith.constant 0 : i32
    %dma_wait3A_126 = tpu.memref_slice %arg3[%add3A, %dma_wait3A_117, %dma_wait3A_124, %dma_wait3A_125] : memref<32x125x2x80xi32, #tpu.memory_space<hbm>> -> memref<1x1x2x80xi32, #tpu.memory_space<hbm>>
    %dma_wait3A_127 = tpu.memref_squeeze %dma_wait3A_126 : memref<1x1x2x80xi32, #tpu.memory_space<hbm>> -> memref<2x80xi32, #tpu.memory_space<hbm>>
    %dma_wait3A_128 = tpu.memref_slice %arg9[%dma_wait3A_119] : memref<5x!tpu.dma_semaphore, #tpu.memory_space<semaphore_mem>> -> memref<1x!tpu.dma_semaphore, #tpu.memory_space<semaphore_mem>>
    %dma_wait3A_129 = tpu.memref_squeeze %dma_wait3A_128 : memref<1x!tpu.dma_semaphore, #tpu.memory_space<semaphore_mem>> -> memref<!tpu.dma_semaphore, #tpu.memory_space<semaphore_mem>>
    %dma_wait3A_130 = arith.constant 0 : i32
    %dma_wait3A_131 = arith.constant 0 : i32
    %dma_wait3A_132 = tpu.memref_slice %arg6[%dma_wait3A_118, %dma_wait3A_130, %dma_wait3A_131] : memref<5x2x80xi32, #tpu.memory_space<vmem>> -> memref<1x2x80xi32, #tpu.memory_space<vmem>>
    %dma_wait3A_133 = tpu.memref_squeeze %dma_wait3A_132 : memref<1x2x80xi32, #tpu.memory_space<vmem>> -> memref<2x80xi32, #tpu.memory_space<vmem>>
    %dma_wait3A_134 = arith.constant 0 : i32
    %dma_wait3A_135 = arith.constant 0 : i32
    %dma_wait3A_136 = tpu.memref_slice %arg3[%add3A, %dma_wait3A_117, %dma_wait3A_134, %dma_wait3A_135] : memref<32x125x2x80xi32, #tpu.memory_space<hbm>> -> memref<1x1x2x80xi32, #tpu.memory_space<hbm>>
    %dma_wait3A_137 = tpu.memref_squeeze %dma_wait3A_136 : memref<1x1x2x80xi32, #tpu.memory_space<hbm>> -> memref<2x80xi32, #tpu.memory_space<hbm>>
    tpu.wait_dma2 semaphore(%dma_wait3A_129 : memref<!tpu.dma_semaphore, #tpu.memory_space<semaphore_mem>>) src(%dma_wait3A_137 : memref<2x80xi32, #tpu.memory_space<hbm>>) dst(%dma_wait3A_133 : memref<2x80xi32, #tpu.memory_space<vmem>>)
    %dma_start3A_138 = arith.constant 0 : i32
    %dma_start3A_139 = arith.constant 0 : i32
    %dma_start3A_140 = arith.constant 0 : i32
    %dma_start3A_141 = arith.constant 0 : i32
    %dma_start3A_142 = arith.constant 0 : i32
    %dma_start3A_143 = arith.constant 0 : i32
    %dma_start3A_144 = tpu.memref_slice %arg7[%dma_start3A_140, %dma_start3A_142, %dma_start3A_143] : memref<4x80x128xf32, #tpu.memory_space<vmem>> -> memref<1x80x128xf32, #tpu.memory_space<vmem>>
    %dma_start3A_145 = tpu.memref_squeeze %dma_start3A_144 : memref<1x80x128xf32, #tpu.memory_space<vmem>> -> memref<80x128xf32, #tpu.memory_space<vmem>>
    %dma_start3A_146 = arith.constant 0 : i32
    %dma_start3A_147 = tpu.memref_slice %arg6[%dma_start3A_138, %dma_start3A_139, %dma_start3A_146] : memref<5x2x80xi32, #tpu.memory_space<vmem>> -> memref<1x1x80xi32, #tpu.memory_space<vmem>>
    %dma_start3A_148 = tpu.memref_squeeze %dma_start3A_147 : memref<1x1x80xi32, #tpu.memory_space<vmem>> -> memref<80xi32, #tpu.memory_space<vmem>>
    %dma_start3A_149 = arith.constant 0 : i32
    %dma_start3A_150 = arith.constant 0 : i32
    %dma_start3A_151 = tpu.memref_slice %arg2[%dma_start3A_149, %dma_start3A_150] : memref<10000x128xf32, #tpu.memory_space<hbm>> -> memref<10000x128xf32, #tpu.memory_space<hbm>>
    %dma_start3A_152 = tpu.memref_slice %arg10[%dma_start3A_141] : memref<4x!tpu.dma_semaphore, #tpu.memory_space<semaphore_mem>> -> memref<1x!tpu.dma_semaphore, #tpu.memory_space<semaphore_mem>>
    %dma_start3A_153 = tpu.memref_squeeze %dma_start3A_152 : memref<1x!tpu.dma_semaphore, #tpu.memory_space<semaphore_mem>> -> memref<!tpu.dma_semaphore, #tpu.memory_space<semaphore_mem>>
    tpu.enqueue_indirect_dma source(%dma_start3A_151 : memref<10000x128xf32, #tpu.memory_space<hbm>>) target(%dma_start3A_145 : memref<80x128xf32, #tpu.memory_space<vmem>>) offsets(%dma_start3A_148 : memref<80xi32, #tpu.memory_space<vmem>>) semaphore(%dma_start3A_153 : memref<!tpu.dma_semaphore, #tpu.memory_space<semaphore_mem>>)
    %dma_start3A_154 = arith.constant 1 : i32
    %dma_start3A_155 = arith.constant 0 : i32
    %dma_start3A_156 = arith.constant 1 : i32
    %dma_start3A_157 = arith.constant 1 : i32
    %dma_start3A_158 = arith.constant 0 : i32
    %dma_start3A_159 = arith.constant 0 : i32
    %dma_start3A_160 = tpu.memref_slice %arg7[%dma_start3A_156, %dma_start3A_158, %dma_start3A_159] : memref<4x80x128xf32, #tpu.memory_space<vmem>> -> memref<1x80x128xf32, #tpu.memory_space<vmem>>
    %dma_start3A_161 = tpu.memref_squeeze %dma_start3A_160 : memref<1x80x128xf32, #tpu.memory_space<vmem>> -> memref<80x128xf32, #tpu.memory_space<vmem>>
    %dma_start3A_162 = arith.constant 0 : i32
    %dma_start3A_163 = tpu.memref_slice %arg6[%dma_start3A_154, %dma_start3A_155, %dma_start3A_162] : memref<5x2x80xi32, #tpu.memory_space<vmem>> -> memref<1x1x80xi32, #tpu.memory_space<vmem>>
    %dma_start3A_164 = tpu.memref_squeeze %dma_start3A_163 : memref<1x1x80xi32, #tpu.memory_space<vmem>> -> memref<80xi32, #tpu.memory_space<vmem>>
    %dma_start3A_165 = arith.constant 0 : i32
    %dma_start3A_166 = arith.constant 0 : i32
    %dma_start3A_167 = tpu.memref_slice %arg2[%dma_start3A_165, %dma_start3A_166] : memref<10000x128xf32, #tpu.memory_space<hbm>> -> memref<10000x128xf32, #tpu.memory_space<hbm>>
    %dma_start3A_168 = tpu.memref_slice %arg10[%dma_start3A_157] : memref<4x!tpu.dma_semaphore, #tpu.memory_space<semaphore_mem>> -> memref<1x!tpu.dma_semaphore, #tpu.memory_space<semaphore_mem>>
    %dma_start3A_169 = tpu.memref_squeeze %dma_start3A_168 : memref<1x!tpu.dma_semaphore, #tpu.memory_space<semaphore_mem>> -> memref<!tpu.dma_semaphore, #tpu.memory_space<semaphore_mem>>
    tpu.enqueue_indirect_dma source(%dma_start3A_167 : memref<10000x128xf32, #tpu.memory_space<hbm>>) target(%dma_start3A_161 : memref<80x128xf32, #tpu.memory_space<vmem>>) offsets(%dma_start3A_164 : memref<80xi32, #tpu.memory_space<vmem>>) semaphore(%dma_start3A_169 : memref<!tpu.dma_semaphore, #tpu.memory_space<semaphore_mem>>)
    %dma_start3A_170 = arith.constant 2 : i32
    %dma_start3A_171 = arith.constant 0 : i32
    %dma_start3A_172 = arith.constant 2 : i32
    %dma_start3A_173 = arith.constant 2 : i32
    %dma_start3A_174 = arith.constant 0 : i32
    %dma_start3A_175 = arith.constant 0 : i32
    %dma_start3A_176 = tpu.memref_slice %arg7[%dma_start3A_172, %dma_start3A_174, %dma_start3A_175] : memref<4x80x128xf32, #tpu.memory_space<vmem>> -> memref<1x80x128xf32, #tpu.memory_space<vmem>>
    %dma_start3A_177 = tpu.memref_squeeze %dma_start3A_176 : memref<1x80x128xf32, #tpu.memory_space<vmem>> -> memref<80x128xf32, #tpu.memory_space<vmem>>
    %dma_start3A_178 = arith.constant 0 : i32
    %dma_start3A_179 = tpu.memref_slice %arg6[%dma_start3A_170, %dma_start3A_171, %dma_start3A_178] : memref<5x2x80xi32, #tpu.memory_space<vmem>> -> memref<1x1x80xi32, #tpu.memory_space<vmem>>
    %dma_start3A_180 = tpu.memref_squeeze %dma_start3A_179 : memref<1x1x80xi32, #tpu.memory_space<vmem>> -> memref<80xi32, #tpu.memory_space<vmem>>
    %dma_start3A_181 = arith.constant 0 : i32
    %dma_start3A_182 = arith.constant 0 : i32
    %dma_start3A_183 = tpu.memref_slice %arg2[%dma_start3A_181, %dma_start3A_182] : memref<10000x128xf32, #tpu.memory_space<hbm>> -> memref<10000x128xf32, #tpu.memory_space<hbm>>
    %dma_start3A_184 = tpu.memref_slice %arg10[%dma_start3A_173] : memref<4x!tpu.dma_semaphore, #tpu.memory_space<semaphore_mem>> -> memref<1x!tpu.dma_semaphore, #tpu.memory_space<semaphore_mem>>
    %dma_start3A_185 = tpu.memref_squeeze %dma_start3A_184 : memref<1x!tpu.dma_semaphore, #tpu.memory_space<semaphore_mem>> -> memref<!tpu.dma_semaphore, #tpu.memory_space<semaphore_mem>>
    tpu.enqueue_indirect_dma source(%dma_start3A_183 : memref<10000x128xf32, #tpu.memory_space<hbm>>) target(%dma_start3A_177 : memref<80x128xf32, #tpu.memory_space<vmem>>) offsets(%dma_start3A_180 : memref<80xi32, #tpu.memory_space<vmem>>) semaphore(%dma_start3A_185 : memref<!tpu.dma_semaphore, #tpu.memory_space<semaphore_mem>>)
    %dma_start3A_186 = arith.constant 3 : i32
    %dma_start3A_187 = arith.constant 3 : i32
    %dma_start3A_188 = arith.constant 3 : i32
    %dma_start3A_189 = arith.constant 0 : i32
    %dma_start3A_190 = arith.constant 0 : i32
    %dma_start3A_191 = tpu.memref_slice %arg6[%dma_start3A_187, %dma_start3A_189, %dma_start3A_190] : memref<5x2x80xi32, #tpu.memory_space<vmem>> -> memref<1x2x80xi32, #tpu.memory_space<vmem>>
    %dma_start3A_192 = tpu.memref_squeeze %dma_start3A_191 : memref<1x2x80xi32, #tpu.memory_space<vmem>> -> memref<2x80xi32, #tpu.memory_space<vmem>>
    %dma_start3A_193 = arith.constant 0 : i32
    %dma_start3A_194 = arith.constant 0 : i32
    %dma_start3A_195 = tpu.memref_slice %arg3[%add3A, %dma_start3A_186, %dma_start3A_193, %dma_start3A_194] : memref<32x125x2x80xi32, #tpu.memory_space<hbm>> -> memref<1x1x2x80xi32, #tpu.memory_space<hbm>>
    %dma_start3A_196 = tpu.memref_squeeze %dma_start3A_195 : memref<1x1x2x80xi32, #tpu.memory_space<hbm>> -> memref<2x80xi32, #tpu.memory_space<hbm>>
    %dma_start3A_197 = tpu.memref_slice %arg9[%dma_start3A_188] : memref<5x!tpu.dma_semaphore, #tpu.memory_space<semaphore_mem>> -> memref<1x!tpu.dma_semaphore, #tpu.memory_space<semaphore_mem>>
    %dma_start3A_198 = tpu.memref_squeeze %dma_start3A_197 : memref<1x!tpu.dma_semaphore, #tpu.memory_space<semaphore_mem>> -> memref<!tpu.dma_semaphore, #tpu.memory_space<semaphore_mem>>
    %dma_start3A_199 = arith.constant 0 : i32
    %dma_start3A_200 = arith.constant 0 : i32
    %dma_start3A_201 = tpu.memref_slice %arg6[%dma_start3A_187, %dma_start3A_199, %dma_start3A_200] : memref<5x2x80xi32, #tpu.memory_space<vmem>> -> memref<1x2x80xi32, #tpu.memory_space<vmem>>
    %dma_start3A_202 = tpu.memref_squeeze %dma_start3A_201 : memref<1x2x80xi32, #tpu.memory_space<vmem>> -> memref<2x80xi32, #tpu.memory_space<vmem>>
    %dma_start3A_203 = arith.constant 0 : i32
    %dma_start3A_204 = arith.constant 0 : i32
    %dma_start3A_205 = tpu.memref_slice %arg3[%add3A, %dma_start3A_186, %dma_start3A_203, %dma_start3A_204] : memref<32x125x2x80xi32, #tpu.memory_space<hbm>> -> memref<1x1x2x80xi32, #tpu.memory_space<hbm>>
    %dma_start3A_206 = tpu.memref_squeeze %dma_start3A_205 : memref<1x1x2x80xi32, #tpu.memory_space<hbm>> -> memref<2x80xi32, #tpu.memory_space<hbm>>
    tpu.enqueue_dma source(%dma_start3A_206 : memref<2x80xi32, #tpu.memory_space<hbm>>) target(%dma_start3A_202 : memref<2x80xi32, #tpu.memory_space<vmem>>) target_semaphore(%dma_start3A_198 : memref<!tpu.dma_semaphore, #tpu.memory_space<semaphore_mem>>)
    %mul3A_207 = arith.constant 624 : i32
    %mul3A_208 = arith.muli %arg1, %mul3A_207 : i32
    %mul3A_209 = arith.constant 624 : i32
    %mul3A_210 = arith.muli %arg1, %mul3A_209 : i32
    %dma_wait3A_211 = arith.constant 0 : i32
    %dma_wait3A_212 = tpu.memref_slice %arg12[%dma_wait3A_211] : memref<2x!tpu.dma_semaphore, #tpu.memory_space<semaphore_mem>> -> memref<1x!tpu.dma_semaphore, #tpu.memory_space<semaphore_mem>>
    %dma_wait3A_213 = tpu.memref_squeeze %dma_wait3A_212 : memref<1x!tpu.dma_semaphore, #tpu.memory_space<semaphore_mem>> -> memref<!tpu.dma_semaphore, #tpu.memory_space<semaphore_mem>>
    %dma_wait3A_214 = arith.constant 0 : i32
    %dma_wait3A_215 = tpu.memref_slice %arg8[%mul3A_210, %dma_wait3A_214] : memref<10016x128xf32, #tpu.memory_space<vmem_shared>> -> memref<624x128xf32, #tpu.memory_space<vmem_shared>>
    %dma_wait3A_216 = arith.constant 0 : i32
    %dma_wait3A_217 = tpu.memref_slice %arg4[%mul3A_208, %dma_wait3A_216] : memref<10000x128xf32, #tpu.memory_space<hbm>> -> memref<624x128xf32, #tpu.memory_space<hbm>>
    tpu.wait_dma2 semaphore(%dma_wait3A_213 : memref<!tpu.dma_semaphore, #tpu.memory_space<semaphore_mem>>) src(%dma_wait3A_217 : memref<624x128xf32, #tpu.memory_space<hbm>>) dst(%dma_wait3A_215 : memref<624x128xf32, #tpu.memory_space<vmem_shared>>)
    %eq3A_218 = arith.constant 15 : i32
    %eq3A_219 = arith.cmpi eq, %arg1, %eq3A_218 : i32
    %convert_element_type3A_220 = arith.extui %eq3A_219 : i1 to i32
    %cond3A_221 = arith.constant 0 : i32
    %cond3A_222 = arith.cmpi ne, %convert_element_type3A_220, %cond3A_221 : i32
    scf.if %cond3A_222 {
      %dma_wait3A_302 = arith.constant 1 : i32
      %dma_wait3A_303 = tpu.memref_slice %arg12[%dma_wait3A_302] : memref<2x!tpu.dma_semaphore, #tpu.memory_space<semaphore_mem>> -> memref<1x!tpu.dma_semaphore, #tpu.memory_space<semaphore_mem>>
      %dma_wait3A_304 = tpu.memref_squeeze %dma_wait3A_303 : memref<1x!tpu.dma_semaphore, #tpu.memory_space<semaphore_mem>> -> memref<!tpu.dma_semaphore, #tpu.memory_space<semaphore_mem>>
      %dma_wait3A_305 = arith.constant 9984 : i32
      %dma_wait3A_306 = arith.constant 0 : i32
      %dma_wait3A_307 = tpu.memref_slice %arg8[%dma_wait3A_305, %dma_wait3A_306] : memref<10016x128xf32, #tpu.memory_space<vmem_shared>> -> memref<16x128xf32, #tpu.memory_space<vmem_shared>>
      %dma_wait3A_308 = arith.constant 9984 : i32
      %dma_wait3A_309 = arith.constant 0 : i32
      %dma_wait3A_310 = tpu.memref_slice %arg4[%dma_wait3A_308, %dma_wait3A_309] : memref<10000x128xf32, #tpu.memory_space<hbm>> -> memref<16x128xf32, #tpu.memory_space<hbm>>
      tpu.wait_dma2 semaphore(%dma_wait3A_304 : memref<!tpu.dma_semaphore, #tpu.memory_space<semaphore_mem>>) src(%dma_wait3A_310 : memref<16x128xf32, #tpu.memory_space<hbm>>) dst(%dma_wait3A_307 : memref<16x128xf32, #tpu.memory_space<vmem_shared>>)
    } else {
    }
    %barrier3A = arith.constant 0 : index
    tpu.barrier barrier_id(%barrier3A)
    %scan3A = arith.constant 0 : i32
    %scan3A_223 = arith.constant 0 : i32
    %scan3A_224 = arith.constant 125 : i32
    %scan3A_225 = arith.addi %scan3A_223, %scan3A_224 : i32
    %scan3A_226 = arith.constant 1 : i32
    scf.for %scan3A_302 = %scan3A_223 to %scan3A_225 step %scan3A_226  : i32 {
      %rem3A = arith.constant 4 : i32
      %rem3A_303 = arith.remsi %scan3A_302, %rem3A : i32
      %rem3A_304 = arith.constant 5 : i32
      %rem3A_305 = arith.remsi %scan3A_302, %rem3A_304 : i32
      %dma_wait3A_306 = arith.constant 0 : i32
      %dma_wait3A_307 = arith.constant 0 : i32
      %dma_wait3A_308 = arith.constant 0 : i32
      %dma_wait3A_309 = arith.constant 0 : i32
      %dma_wait3A_310 = tpu.memref_slice %arg7[%rem3A_303, %dma_wait3A_308, %dma_wait3A_309] : memref<4x80x128xf32, #tpu.memory_space<vmem>> -> memref<1x80x128xf32, #tpu.memory_space<vmem>>
      %dma_wait3A_311 = tpu.memref_squeeze %dma_wait3A_310 : memref<1x80x128xf32, #tpu.memory_space<vmem>> -> memref<80x128xf32, #tpu.memory_space<vmem>>
      %dma_wait3A_312 = arith.constant 0 : i32
      %dma_wait3A_313 = tpu.memref_slice %arg6[%dma_wait3A_306, %dma_wait3A_307, %dma_wait3A_312] : memref<5x2x80xi32, #tpu.memory_space<vmem>> -> memref<1x1x80xi32, #tpu.memory_space<vmem>>
      %dma_wait3A_314 = tpu.memref_squeeze %dma_wait3A_313 : memref<1x1x80xi32, #tpu.memory_space<vmem>> -> memref<80xi32, #tpu.memory_space<vmem>>
      %dma_wait3A_315 = arith.constant 0 : i32
      %dma_wait3A_316 = arith.constant 0 : i32
      %dma_wait3A_317 = tpu.memref_slice %arg2[%dma_wait3A_315, %dma_wait3A_316] : memref<10000x128xf32, #tpu.memory_space<hbm>> -> memref<10000x128xf32, #tpu.memory_space<hbm>>
      %dma_wait3A_318 = tpu.memref_slice %arg10[%rem3A_303] : memref<4x!tpu.dma_semaphore, #tpu.memory_space<semaphore_mem>> -> memref<1x!tpu.dma_semaphore, #tpu.memory_space<semaphore_mem>>
      %dma_wait3A_319 = tpu.memref_squeeze %dma_wait3A_318 : memref<1x!tpu.dma_semaphore, #tpu.memory_space<semaphore_mem>> -> memref<!tpu.dma_semaphore, #tpu.memory_space<semaphore_mem>>
      tpu.wait_indirect_dma semaphore(%dma_wait3A_319 : memref<!tpu.dma_semaphore, #tpu.memory_space<semaphore_mem>>) src(%dma_wait3A_317 : memref<10000x128xf32, #tpu.memory_space<hbm>>) dst(%dma_wait3A_311 : memref<80x128xf32, #tpu.memory_space<vmem>>)
      %dma_start3A_320 = arith.constant 1 : i32
      %dma_start3A_321 = arith.constant 0 : i32
      %dma_start3A_322 = arith.constant 0 : i32
      %dma_start3A_323 = tpu.memref_slice %arg7[%rem3A_303, %dma_start3A_321, %dma_start3A_322] : memref<4x80x128xf32, #tpu.memory_space<vmem>> -> memref<1x80x128xf32, #tpu.memory_space<vmem>>
      %dma_start3A_324 = tpu.memref_squeeze %dma_start3A_323 : memref<1x80x128xf32, #tpu.memory_space<vmem>> -> memref<80x128xf32, #tpu.memory_space<vmem>>
      %dma_start3A_325 = arith.constant 0 : i32
      %dma_start3A_326 = tpu.memref_slice %arg6[%rem3A_305, %dma_start3A_320, %dma_start3A_325] : memref<5x2x80xi32, #tpu.memory_space<vmem>> -> memref<1x1x80xi32, #tpu.memory_space<vmem>>
      %dma_start3A_327 = tpu.memref_squeeze %dma_start3A_326 : memref<1x1x80xi32, #tpu.memory_space<vmem>> -> memref<80xi32, #tpu.memory_space<vmem>>
      %dma_start3A_328 = arith.constant 0 : i32
      %dma_start3A_329 = arith.constant 0 : i32
      %dma_start3A_330 = tpu.memref_slice %arg8[%dma_start3A_328, %dma_start3A_329] : memref<10016x128xf32, #tpu.memory_space<vmem_shared>> -> memref<10016x128xf32, #tpu.memory_space<vmem_shared>>
      %dma_start3A_331 = tpu.memref_slice %arg11[%rem3A_303] : memref<4x!tpu.dma_semaphore, #tpu.memory_space<semaphore_mem>> -> memref<1x!tpu.dma_semaphore, #tpu.memory_space<semaphore_mem>>
      %dma_start3A_332 = tpu.memref_squeeze %dma_start3A_331 : memref<1x!tpu.dma_semaphore, #tpu.memory_space<semaphore_mem>> -> memref<!tpu.dma_semaphore, #tpu.memory_space<semaphore_mem>>
      tpu.enqueue_indirect_dma source(%dma_start3A_324 : memref<80x128xf32, #tpu.memory_space<vmem>>) target(%dma_start3A_330 : memref<10016x128xf32, #tpu.memory_space<vmem_shared>>) offsets(%dma_start3A_327 : memref<80xi32, #tpu.memory_space<vmem>>) semaphore(%dma_start3A_332 : memref<!tpu.dma_semaphore, #tpu.memory_space<semaphore_mem>>) {add = true}
      %add3A_333 = arith.constant 3 : i32
      %add3A_334 = arith.addi %scan3A_302, %add3A_333 : i32
      %lt3A = arith.constant 125 : i32
      %lt3A_335 = arith.cmpi slt, %add3A_334, %lt3A : i32
      %convert_element_type3A_336 = arith.extui %lt3A_335 : i1 to i32
      %cond3A_337 = arith.constant 0 : i32
      %cond3A_338 = arith.cmpi ne, %convert_element_type3A_336, %cond3A_337 : i32
      scf.if %cond3A_338 {
        %add3A_348 = arith.constant 3 : i32
        %add3A_349 = arith.addi %scan3A_302, %add3A_348 : i32
        %rem3A_350 = arith.constant 4 : i32
        %rem3A_351 = arith.remsi %add3A_349, %rem3A_350 : i32
        %ge3A = arith.constant 1 : i32
        %ge3A_352 = arith.cmpi sge, %scan3A_302, %ge3A : i32
        %convert_element_type3A_353 = arith.extui %ge3A_352 : i1 to i32
        %cond3A_354 = arith.constant 0 : i32
        %cond3A_355 = arith.cmpi ne, %convert_element_type3A_353, %cond3A_354 : i32
        scf.if %cond3A_355 {
          %dma_wait3A_390 = arith.constant 0 : i32
          %dma_wait3A_391 = arith.constant 1 : i32
          %dma_wait3A_392 = arith.constant 0 : i32
          %dma_wait3A_393 = arith.constant 0 : i32
          %dma_wait3A_394 = tpu.memref_slice %arg7[%rem3A_351, %dma_wait3A_392, %dma_wait3A_393] : memref<4x80x128xf32, #tpu.memory_space<vmem>> -> memref<1x80x128xf32, #tpu.memory_space<vmem>>
          %dma_wait3A_395 = tpu.memref_squeeze %dma_wait3A_394 : memref<1x80x128xf32, #tpu.memory_space<vmem>> -> memref<80x128xf32, #tpu.memory_space<vmem>>
          %dma_wait3A_396 = arith.constant 0 : i32
          %dma_wait3A_397 = tpu.memref_slice %arg6[%dma_wait3A_390, %dma_wait3A_391, %dma_wait3A_396] : memref<5x2x80xi32, #tpu.memory_space<vmem>> -> memref<1x1x80xi32, #tpu.memory_space<vmem>>
          %dma_wait3A_398 = tpu.memref_squeeze %dma_wait3A_397 : memref<1x1x80xi32, #tpu.memory_space<vmem>> -> memref<80xi32, #tpu.memory_space<vmem>>
          %dma_wait3A_399 = arith.constant 0 : i32
          %dma_wait3A_400 = arith.constant 0 : i32
          %dma_wait3A_401 = tpu.memref_slice %arg8[%dma_wait3A_399, %dma_wait3A_400] : memref<10016x128xf32, #tpu.memory_space<vmem_shared>> -> memref<10016x128xf32, #tpu.memory_space<vmem_shared>>
          %dma_wait3A_402 = tpu.memref_slice %arg11[%rem3A_351] : memref<4x!tpu.dma_semaphore, #tpu.memory_space<semaphore_mem>> -> memref<1x!tpu.dma_semaphore, #tpu.memory_space<semaphore_mem>>
          %dma_wait3A_403 = tpu.memref_squeeze %dma_wait3A_402 : memref<1x!tpu.dma_semaphore, #tpu.memory_space<semaphore_mem>> -> memref<!tpu.dma_semaphore, #tpu.memory_space<semaphore_mem>>
          tpu.wait_indirect_dma semaphore(%dma_wait3A_403 : memref<!tpu.dma_semaphore, #tpu.memory_space<semaphore_mem>>) src(%dma_wait3A_395 : memref<80x128xf32, #tpu.memory_space<vmem>>) dst(%dma_wait3A_401 : memref<10016x128xf32, #tpu.memory_space<vmem_shared>>)
        } else {
        }
        %rem3A_356 = arith.constant 5 : i32
        %rem3A_357 = arith.remsi %add3A_349, %rem3A_356 : i32
        %dma_wait3A_358 = arith.constant 0 : i32
        %dma_wait3A_359 = arith.constant 0 : i32
        %dma_wait3A_360 = arith.constant 0 : i32
        %dma_wait3A_361 = tpu.memref_slice %arg6[%rem3A_357, %dma_wait3A_359, %dma_wait3A_360] : memref<5x2x80xi32, #tpu.memory_space<vmem>> -> memref<1x2x80xi32, #tpu.memory_space<vmem>>
        %dma_wait3A_362 = tpu.memref_squeeze %dma_wait3A_361 : memref<1x2x80xi32, #tpu.memory_space<vmem>> -> memref<2x80xi32, #tpu.memory_space<vmem>>
        %dma_wait3A_363 = arith.constant 0 : i32
        %dma_wait3A_364 = arith.constant 0 : i32
        %dma_wait3A_365 = tpu.memref_slice %arg3[%add3A, %dma_wait3A_358, %dma_wait3A_363, %dma_wait3A_364] : memref<32x125x2x80xi32, #tpu.memory_space<hbm>> -> memref<1x1x2x80xi32, #tpu.memory_space<hbm>>
        %dma_wait3A_366 = tpu.memref_squeeze %dma_wait3A_365 : memref<1x1x2x80xi32, #tpu.memory_space<hbm>> -> memref<2x80xi32, #tpu.memory_space<hbm>>
        %dma_wait3A_367 = tpu.memref_slice %arg9[%rem3A_357] : memref<5x!tpu.dma_semaphore, #tpu.memory_space<semaphore_mem>> -> memref<1x!tpu.dma_semaphore, #tpu.memory_space<semaphore_mem>>
        %dma_wait3A_368 = tpu.memref_squeeze %dma_wait3A_367 : memref<1x!tpu.dma_semaphore, #tpu.memory_space<semaphore_mem>> -> memref<!tpu.dma_semaphore, #tpu.memory_space<semaphore_mem>>
        %dma_wait3A_369 = arith.constant 0 : i32
        %dma_wait3A_370 = arith.constant 0 : i32
        %dma_wait3A_371 = tpu.memref_slice %arg6[%rem3A_357, %dma_wait3A_369, %dma_wait3A_370] : memref<5x2x80xi32, #tpu.memory_space<vmem>> -> memref<1x2x80xi32, #tpu.memory_space<vmem>>
        %dma_wait3A_372 = tpu.memref_squeeze %dma_wait3A_371 : memref<1x2x80xi32, #tpu.memory_space<vmem>> -> memref<2x80xi32, #tpu.memory_space<vmem>>
        %dma_wait3A_373 = arith.constant 0 : i32
        %dma_wait3A_374 = arith.constant 0 : i32
        %dma_wait3A_375 = tpu.memref_slice %arg3[%add3A, %dma_wait3A_358, %dma_wait3A_373, %dma_wait3A_374] : memref<32x125x2x80xi32, #tpu.memory_space<hbm>> -> memref<1x1x2x80xi32, #tpu.memory_space<hbm>>
        %dma_wait3A_376 = tpu.memref_squeeze %dma_wait3A_375 : memref<1x1x2x80xi32, #tpu.memory_space<hbm>> -> memref<2x80xi32, #tpu.memory_space<hbm>>
        tpu.wait_dma2 semaphore(%dma_wait3A_368 : memref<!tpu.dma_semaphore, #tpu.memory_space<semaphore_mem>>) src(%dma_wait3A_376 : memref<2x80xi32, #tpu.memory_space<hbm>>) dst(%dma_wait3A_372 : memref<2x80xi32, #tpu.memory_space<vmem>>)
        %dma_start3A_377 = arith.constant 0 : i32
        %dma_start3A_378 = arith.constant 0 : i32
        %dma_start3A_379 = arith.constant 0 : i32
        %dma_start3A_380 = tpu.memref_slice %arg7[%rem3A_351, %dma_start3A_378, %dma_start3A_379] : memref<4x80x128xf32, #tpu.memory_space<vmem>> -> memref<1x80x128xf32, #tpu.memory_space<vmem>>
        %dma_start3A_381 = tpu.memref_squeeze %dma_start3A_380 : memref<1x80x128xf32, #tpu.memory_space<vmem>> -> memref<80x128xf32, #tpu.memory_space<vmem>>
        %dma_start3A_382 = arith.constant 0 : i32
        %dma_start3A_383 = tpu.memref_slice %arg6[%rem3A_357, %dma_start3A_377, %dma_start3A_382] : memref<5x2x80xi32, #tpu.memory_space<vmem>> -> memref<1x1x80xi32, #tpu.memory_space<vmem>>
        %dma_start3A_384 = tpu.memref_squeeze %dma_start3A_383 : memref<1x1x80xi32, #tpu.memory_space<vmem>> -> memref<80xi32, #tpu.memory_space<vmem>>
        %dma_start3A_385 = arith.constant 0 : i32
        %dma_start3A_386 = arith.constant 0 : i32
        %dma_start3A_387 = tpu.memref_slice %arg2[%dma_start3A_385, %dma_start3A_386] : memref<10000x128xf32, #tpu.memory_space<hbm>> -> memref<10000x128xf32, #tpu.memory_space<hbm>>
        %dma_start3A_388 = tpu.memref_slice %arg10[%rem3A_351] : memref<4x!tpu.dma_semaphore, #tpu.memory_space<semaphore_mem>> -> memref<1x!tpu.dma_semaphore, #tpu.memory_space<semaphore_mem>>
        %dma_start3A_389 = tpu.memref_squeeze %dma_start3A_388 : memref<1x!tpu.dma_semaphore, #tpu.memory_space<semaphore_mem>> -> memref<!tpu.dma_semaphore, #tpu.memory_space<semaphore_mem>>
        tpu.enqueue_indirect_dma source(%dma_start3A_387 : memref<10000x128xf32, #tpu.memory_space<hbm>>) target(%dma_start3A_381 : memref<80x128xf32, #tpu.memory_space<vmem>>) offsets(%dma_start3A_384 : memref<80xi32, #tpu.memory_space<vmem>>) semaphore(%dma_start3A_389 : memref<!tpu.dma_semaphore, #tpu.memory_space<semaphore_mem>>)
      } else {
      }
      %add3A_339 = arith.constant 3 : i32
      %add3A_340 = arith.addi %scan3A_302, %add3A_339 : i32
      %add3A_341 = arith.constant 1 : i32
      %add3A_342 = arith.addi %add3A_340, %add3A_341 : i32
      %lt3A_343 = arith.constant 125 : i32
      %lt3A_344 = arith.cmpi slt, %add3A_342, %lt3A_343 : i32
      %convert_element_type3A_345 = arith.extui %lt3A_344 : i1 to i32
      %cond3A_346 = arith.constant 0 : i32
      %cond3A_347 = arith.cmpi ne, %convert_element_type3A_345, %cond3A_346 : i32
      scf.if %cond3A_347 {
        %add3A_348 = arith.constant 3 : i32
        %add3A_349 = arith.addi %scan3A_302, %add3A_348 : i32
        %add3A_350 = arith.constant 1 : i32
        %add3A_351 = arith.addi %add3A_349, %add3A_350 : i32
        %rem3A_352 = arith.constant 5 : i32
        %rem3A_353 = arith.remsi %add3A_351, %rem3A_352 : i32
        %dma_start3A_354 = arith.constant 0 : i32
        %dma_start3A_355 = arith.constant 0 : i32
        %dma_start3A_356 = tpu.memref_slice %arg6[%rem3A_353, %dma_start3A_354, %dma_start3A_355] : memref<5x2x80xi32, #tpu.memory_space<vmem>> -> memref<1x2x80xi32, #tpu.memory_space<vmem>>
        %dma_start3A_357 = tpu.memref_squeeze %dma_start3A_356 : memref<1x2x80xi32, #tpu.memory_space<vmem>> -> memref<2x80xi32, #tpu.memory_space<vmem>>
        %dma_start3A_358 = arith.constant 0 : i32
        %dma_start3A_359 = arith.constant 0 : i32
        %dma_start3A_360 = tpu.memref_slice %arg3[%add3A, %add3A_351, %dma_start3A_358, %dma_start3A_359] : memref<32x125x2x80xi32, #tpu.memory_space<hbm>> -> memref<1x1x2x80xi32, #tpu.memory_space<hbm>>
        %dma_start3A_361 = tpu.memref_squeeze %dma_start3A_360 : memref<1x1x2x80xi32, #tpu.memory_space<hbm>> -> memref<2x80xi32, #tpu.memory_space<hbm>>
        %dma_start3A_362 = tpu.memref_slice %arg9[%rem3A_353] : memref<5x!tpu.dma_semaphore, #tpu.memory_space<semaphore_mem>> -> memref<1x!tpu.dma_semaphore, #tpu.memory_space<semaphore_mem>>
        %dma_start3A_363 = tpu.memref_squeeze %dma_start3A_362 : memref<1x!tpu.dma_semaphore, #tpu.memory_space<semaphore_mem>> -> memref<!tpu.dma_semaphore, #tpu.memory_space<semaphore_mem>>
        %dma_start3A_364 = arith.constant 0 : i32
        %dma_start3A_365 = arith.constant 0 : i32
        %dma_start3A_366 = tpu.memref_slice %arg6[%rem3A_353, %dma_start3A_364, %dma_start3A_365] : memref<5x2x80xi32, #tpu.memory_space<vmem>> -> memref<1x2x80xi32, #tpu.memory_space<vmem>>
        %dma_start3A_367 = tpu.memref_squeeze %dma_start3A_366 : memref<1x2x80xi32, #tpu.memory_space<vmem>> -> memref<2x80xi32, #tpu.memory_space<vmem>>
        %dma_start3A_368 = arith.constant 0 : i32
        %dma_start3A_369 = arith.constant 0 : i32
        %dma_start3A_370 = tpu.memref_slice %arg3[%add3A, %add3A_351, %dma_start3A_368, %dma_start3A_369] : memref<32x125x2x80xi32, #tpu.memory_space<hbm>> -> memref<1x1x2x80xi32, #tpu.memory_space<hbm>>
        %dma_start3A_371 = tpu.memref_squeeze %dma_start3A_370 : memref<1x1x2x80xi32, #tpu.memory_space<hbm>> -> memref<2x80xi32, #tpu.memory_space<hbm>>
        tpu.enqueue_dma source(%dma_start3A_371 : memref<2x80xi32, #tpu.memory_space<hbm>>) target(%dma_start3A_367 : memref<2x80xi32, #tpu.memory_space<vmem>>) target_semaphore(%dma_start3A_363 : memref<!tpu.dma_semaphore, #tpu.memory_space<semaphore_mem>>)
      } else {
      }
    }
    %scan3A_227 = arith.constant 125 : i32
    %dma_wait3A_228 = arith.constant 1 : i32
    %dma_wait3A_229 = arith.constant 0 : i32
    %dma_wait3A_230 = arith.constant 1 : i32
    %dma_wait3A_231 = arith.constant 1 : i32
    %dma_wait3A_232 = arith.constant 0 : i32
    %dma_wait3A_233 = arith.constant 0 : i32
    %dma_wait3A_234 = tpu.memref_slice %arg7[%dma_wait3A_228, %dma_wait3A_232, %dma_wait3A_233] : memref<4x80x128xf32, #tpu.memory_space<vmem>> -> memref<1x80x128xf32, #tpu.memory_space<vmem>>
    %dma_wait3A_235 = tpu.memref_squeeze %dma_wait3A_234 : memref<1x80x128xf32, #tpu.memory_space<vmem>> -> memref<80x128xf32, #tpu.memory_space<vmem>>
    %dma_wait3A_236 = arith.constant 0 : i32
    %dma_wait3A_237 = tpu.memref_slice %arg6[%dma_wait3A_229, %dma_wait3A_230, %dma_wait3A_236] : memref<5x2x80xi32, #tpu.memory_space<vmem>> -> memref<1x1x80xi32, #tpu.memory_space<vmem>>
    %dma_wait3A_238 = tpu.memref_squeeze %dma_wait3A_237 : memref<1x1x80xi32, #tpu.memory_space<vmem>> -> memref<80xi32, #tpu.memory_space<vmem>>
    %dma_wait3A_239 = arith.constant 0 : i32
    %dma_wait3A_240 = arith.constant 0 : i32
    %dma_wait3A_241 = tpu.memref_slice %arg8[%dma_wait3A_239, %dma_wait3A_240] : memref<10016x128xf32, #tpu.memory_space<vmem_shared>> -> memref<10016x128xf32, #tpu.memory_space<vmem_shared>>
    %dma_wait3A_242 = tpu.memref_slice %arg11[%dma_wait3A_231] : memref<4x!tpu.dma_semaphore, #tpu.memory_space<semaphore_mem>> -> memref<1x!tpu.dma_semaphore, #tpu.memory_space<semaphore_mem>>
    %dma_wait3A_243 = tpu.memref_squeeze %dma_wait3A_242 : memref<1x!tpu.dma_semaphore, #tpu.memory_space<semaphore_mem>> -> memref<!tpu.dma_semaphore, #tpu.memory_space<semaphore_mem>>
    tpu.wait_indirect_dma semaphore(%dma_wait3A_243 : memref<!tpu.dma_semaphore, #tpu.memory_space<semaphore_mem>>) src(%dma_wait3A_235 : memref<80x128xf32, #tpu.memory_space<vmem>>) dst(%dma_wait3A_241 : memref<10016x128xf32, #tpu.memory_space<vmem_shared>>)
    %dma_wait3A_244 = arith.constant 2 : i32
    %dma_wait3A_245 = arith.constant 0 : i32
    %dma_wait3A_246 = arith.constant 1 : i32
    %dma_wait3A_247 = arith.constant 2 : i32
    %dma_wait3A_248 = arith.constant 0 : i32
    %dma_wait3A_249 = arith.constant 0 : i32
    %dma_wait3A_250 = tpu.memref_slice %arg7[%dma_wait3A_244, %dma_wait3A_248, %dma_wait3A_249] : memref<4x80x128xf32, #tpu.memory_space<vmem>> -> memref<1x80x128xf32, #tpu.memory_space<vmem>>
    %dma_wait3A_251 = tpu.memref_squeeze %dma_wait3A_250 : memref<1x80x128xf32, #tpu.memory_space<vmem>> -> memref<80x128xf32, #tpu.memory_space<vmem>>
    %dma_wait3A_252 = arith.constant 0 : i32
    %dma_wait3A_253 = tpu.memref_slice %arg6[%dma_wait3A_245, %dma_wait3A_246, %dma_wait3A_252] : memref<5x2x80xi32, #tpu.memory_space<vmem>> -> memref<1x1x80xi32, #tpu.memory_space<vmem>>
    %dma_wait3A_254 = tpu.memref_squeeze %dma_wait3A_253 : memref<1x1x80xi32, #tpu.memory_space<vmem>> -> memref<80xi32, #tpu.memory_space<vmem>>
    %dma_wait3A_255 = arith.constant 0 : i32
    %dma_wait3A_256 = arith.constant 0 : i32
    %dma_wait3A_257 = tpu.memref_slice %arg8[%dma_wait3A_255, %dma_wait3A_256] : memref<10016x128xf32, #tpu.memory_space<vmem_shared>> -> memref<10016x128xf32, #tpu.memory_space<vmem_shared>>
    %dma_wait3A_258 = tpu.memref_slice %arg11[%dma_wait3A_247] : memref<4x!tpu.dma_semaphore, #tpu.memory_space<semaphore_mem>> -> memref<1x!tpu.dma_semaphore, #tpu.memory_space<semaphore_mem>>
    %dma_wait3A_259 = tpu.memref_squeeze %dma_wait3A_258 : memref<1x!tpu.dma_semaphore, #tpu.memory_space<semaphore_mem>> -> memref<!tpu.dma_semaphore, #tpu.memory_space<semaphore_mem>>
    tpu.wait_indirect_dma semaphore(%dma_wait3A_259 : memref<!tpu.dma_semaphore, #tpu.memory_space<semaphore_mem>>) src(%dma_wait3A_251 : memref<80x128xf32, #tpu.memory_space<vmem>>) dst(%dma_wait3A_257 : memref<10016x128xf32, #tpu.memory_space<vmem_shared>>)
    %dma_wait3A_260 = arith.constant 3 : i32
    %dma_wait3A_261 = arith.constant 0 : i32
    %dma_wait3A_262 = arith.constant 1 : i32
    %dma_wait3A_263 = arith.constant 3 : i32
    %dma_wait3A_264 = arith.constant 0 : i32
    %dma_wait3A_265 = arith.constant 0 : i32
    %dma_wait3A_266 = tpu.memref_slice %arg7[%dma_wait3A_260, %dma_wait3A_264, %dma_wait3A_265] : memref<4x80x128xf32, #tpu.memory_space<vmem>> -> memref<1x80x128xf32, #tpu.memory_space<vmem>>
    %dma_wait3A_267 = tpu.memref_squeeze %dma_wait3A_266 : memref<1x80x128xf32, #tpu.memory_space<vmem>> -> memref<80x128xf32, #tpu.memory_space<vmem>>
    %dma_wait3A_268 = arith.constant 0 : i32
    %dma_wait3A_269 = tpu.memref_slice %arg6[%dma_wait3A_261, %dma_wait3A_262, %dma_wait3A_268] : memref<5x2x80xi32, #tpu.memory_space<vmem>> -> memref<1x1x80xi32, #tpu.memory_space<vmem>>
    %dma_wait3A_270 = tpu.memref_squeeze %dma_wait3A_269 : memref<1x1x80xi32, #tpu.memory_space<vmem>> -> memref<80xi32, #tpu.memory_space<vmem>>
    %dma_wait3A_271 = arith.constant 0 : i32
    %dma_wait3A_272 = arith.constant 0 : i32
    %dma_wait3A_273 = tpu.memref_slice %arg8[%dma_wait3A_271, %dma_wait3A_272] : memref<10016x128xf32, #tpu.memory_space<vmem_shared>> -> memref<10016x128xf32, #tpu.memory_space<vmem_shared>>
    %dma_wait3A_274 = tpu.memref_slice %arg11[%dma_wait3A_263] : memref<4x!tpu.dma_semaphore, #tpu.memory_space<semaphore_mem>> -> memref<1x!tpu.dma_semaphore, #tpu.memory_space<semaphore_mem>>
    %dma_wait3A_275 = tpu.memref_squeeze %dma_wait3A_274 : memref<1x!tpu.dma_semaphore, #tpu.memory_space<semaphore_mem>> -> memref<!tpu.dma_semaphore, #tpu.memory_space<semaphore_mem>>
    tpu.wait_indirect_dma semaphore(%dma_wait3A_275 : memref<!tpu.dma_semaphore, #tpu.memory_space<semaphore_mem>>) src(%dma_wait3A_267 : memref<80x128xf32, #tpu.memory_space<vmem>>) dst(%dma_wait3A_273 : memref<10016x128xf32, #tpu.memory_space<vmem_shared>>)
    %dma_wait3A_276 = arith.constant 0 : i32
    %dma_wait3A_277 = arith.constant 0 : i32
    %dma_wait3A_278 = arith.constant 1 : i32
    %dma_wait3A_279 = arith.constant 0 : i32
    %dma_wait3A_280 = arith.constant 0 : i32
    %dma_wait3A_281 = arith.constant 0 : i32
    %dma_wait3A_282 = tpu.memref_slice %arg7[%dma_wait3A_276, %dma_wait3A_280, %dma_wait3A_281] : memref<4x80x128xf32, #tpu.memory_space<vmem>> -> memref<1x80x128xf32, #tpu.memory_space<vmem>>
    %dma_wait3A_283 = tpu.memref_squeeze %dma_wait3A_282 : memref<1x80x128xf32, #tpu.memory_space<vmem>> -> memref<80x128xf32, #tpu.memory_space<vmem>>
    %dma_wait3A_284 = arith.constant 0 : i32
    %dma_wait3A_285 = tpu.memref_slice %arg6[%dma_wait3A_277, %dma_wait3A_278, %dma_wait3A_284] : memref<5x2x80xi32, #tpu.memory_space<vmem>> -> memref<1x1x80xi32, #tpu.memory_space<vmem>>
    %dma_wait3A_286 = tpu.memref_squeeze %dma_wait3A_285 : memref<1x1x80xi32, #tpu.memory_space<vmem>> -> memref<80xi32, #tpu.memory_space<vmem>>
    %dma_wait3A_287 = arith.constant 0 : i32
    %dma_wait3A_288 = arith.constant 0 : i32
    %dma_wait3A_289 = tpu.memref_slice %arg8[%dma_wait3A_287, %dma_wait3A_288] : memref<10016x128xf32, #tpu.memory_space<vmem_shared>> -> memref<10016x128xf32, #tpu.memory_space<vmem_shared>>
    %dma_wait3A_290 = tpu.memref_slice %arg11[%dma_wait3A_279] : memref<4x!tpu.dma_semaphore, #tpu.memory_space<semaphore_mem>> -> memref<1x!tpu.dma_semaphore, #tpu.memory_space<semaphore_mem>>
    %dma_wait3A_291 = tpu.memref_squeeze %dma_wait3A_290 : memref<1x!tpu.dma_semaphore, #tpu.memory_space<semaphore_mem>> -> memref<!tpu.dma_semaphore, #tpu.memory_space<semaphore_mem>>
    tpu.wait_indirect_dma semaphore(%dma_wait3A_291 : memref<!tpu.dma_semaphore, #tpu.memory_space<semaphore_mem>>) src(%dma_wait3A_283 : memref<80x128xf32, #tpu.memory_space<vmem>>) dst(%dma_wait3A_289 : memref<10016x128xf32, #tpu.memory_space<vmem_shared>>)
    %barrier3A_292 = arith.constant 0 : index
    tpu.barrier barrier_id(%barrier3A_292)
    %mul3A_293 = arith.constant 624 : i32
    %mul3A_294 = arith.muli %arg1, %mul3A_293 : i32
    %mul3A_295 = arith.constant 624 : i32
    %mul3A_296 = arith.muli %arg1, %mul3A_295 : i32
    "tpu.region"() ({
      %run_scoped3A = tpu.sem_alloc : memref<!tpu.dma_semaphore, #tpu.memory_space<semaphore_mem>>
      %dma_start3A_302 = arith.constant 0 : i32
      %dma_start3A_303 = tpu.memref_slice %arg5[%arg0, %mul3A_296, %dma_start3A_302] : memref<2x10000x128xf32, #tpu.memory_space<hbm>> -> memref<1x624x128xf32, #tpu.memory_space<hbm>>
      %dma_start3A_304 = tpu.memref_squeeze %dma_start3A_303 : memref<1x624x128xf32, #tpu.memory_space<hbm>> -> memref<624x128xf32, #tpu.memory_space<hbm>>
      %dma_start3A_305 = arith.constant 0 : i32
      %dma_start3A_306 = tpu.memref_slice %arg8[%mul3A_294, %dma_start3A_305] : memref<10016x128xf32, #tpu.memory_space<vmem_shared>> -> memref<624x128xf32, #tpu.memory_space<vmem_shared>>
      tpu.enqueue_dma source(%dma_start3A_306 : memref<624x128xf32, #tpu.memory_space<vmem_shared>>) target(%dma_start3A_304 : memref<624x128xf32, #tpu.memory_space<hbm>>) target_semaphore(%run_scoped3A : memref<!tpu.dma_semaphore, #tpu.memory_space<semaphore_mem>>)
      %dma_wait3A_307 = arith.constant 0 : i32
      %dma_wait3A_308 = tpu.memref_slice %arg5[%arg0, %mul3A_296, %dma_wait3A_307] : memref<2x10000x128xf32, #tpu.memory_space<hbm>> -> memref<1x624x128xf32, #tpu.memory_space<hbm>>
      %dma_wait3A_309 = tpu.memref_squeeze %dma_wait3A_308 : memref<1x624x128xf32, #tpu.memory_space<hbm>> -> memref<624x128xf32, #tpu.memory_space<hbm>>
      %dma_wait3A_310 = arith.constant 0 : i32
      %dma_wait3A_311 = tpu.memref_slice %arg8[%mul3A_294, %dma_wait3A_310] : memref<10016x128xf32, #tpu.memory_space<vmem_shared>> -> memref<624x128xf32, #tpu.memory_space<vmem_shared>>
      tpu.wait_dma2 semaphore(%run_scoped3A : memref<!tpu.dma_semaphore, #tpu.memory_space<semaphore_mem>>) src(%dma_wait3A_311 : memref<624x128xf32, #tpu.memory_space<vmem_shared>>) dst(%dma_wait3A_309 : memref<624x128xf32, #tpu.memory_space<hbm>>)
      tpu.yield
    }) : () -> ()
    %eq3A_297 = arith.constant 15 : i32
    %eq3A_298 = arith.cmpi eq, %arg1, %eq3A_297 : i32
    %convert_element_type3A_299 = arith.extui %eq3A_298 : i1 to i32
    %cond3A_300 = arith.constant 0 : i32
    %cond3A_301 = arith.cmpi ne, %convert_element_type3A_299, %cond3A_300 : i32
    scf.if %cond3A_301 {
      "tpu.region"() ({
        %run_scoped3A = tpu.sem_alloc : memref<!tpu.dma_semaphore, #tpu.memory_space<semaphore_mem>>
        %dma_start3A_302 = arith.constant 9984 : i32
        %dma_start3A_303 = arith.constant 0 : i32
        %dma_start3A_304 = tpu.memref_slice %arg5[%arg0, %dma_start3A_302, %dma_start3A_303] : memref<2x10000x128xf32, #tpu.memory_space<hbm>> -> memref<1x16x128xf32, #tpu.memory_space<hbm>>
        %dma_start3A_305 = tpu.memref_squeeze %dma_start3A_304 : memref<1x16x128xf32, #tpu.memory_space<hbm>> -> memref<16x128xf32, #tpu.memory_space<hbm>>
        %dma_start3A_306 = arith.constant 9984 : i32
        %dma_start3A_307 = arith.constant 0 : i32
        %dma_start3A_308 = tpu.memref_slice %arg8[%dma_start3A_306, %dma_start3A_307] : memref<10016x128xf32, #tpu.memory_space<vmem_shared>> -> memref<16x128xf32, #tpu.memory_space<vmem_shared>>
        tpu.enqueue_dma source(%dma_start3A_308 : memref<16x128xf32, #tpu.memory_space<vmem_shared>>) target(%dma_start3A_305 : memref<16x128xf32, #tpu.memory_space<hbm>>) target_semaphore(%run_scoped3A : memref<!tpu.dma_semaphore, #tpu.memory_space<semaphore_mem>>)
        %dma_wait3A_309 = arith.constant 9984 : i32
        %dma_wait3A_310 = arith.constant 0 : i32
        %dma_wait3A_311 = tpu.memref_slice %arg5[%arg0, %dma_wait3A_309, %dma_wait3A_310] : memref<2x10000x128xf32, #tpu.memory_space<hbm>> -> memref<1x16x128xf32, #tpu.memory_space<hbm>>
        %dma_wait3A_312 = tpu.memref_squeeze %dma_wait3A_311 : memref<1x16x128xf32, #tpu.memory_space<hbm>> -> memref<16x128xf32, #tpu.memory_space<hbm>>
        %dma_wait3A_313 = arith.constant 9984 : i32
        %dma_wait3A_314 = arith.constant 0 : i32
        %dma_wait3A_315 = tpu.memref_slice %arg8[%dma_wait3A_313, %dma_wait3A_314] : memref<10016x128xf32, #tpu.memory_space<vmem_shared>> -> memref<16x128xf32, #tpu.memory_space<vmem_shared>>
        tpu.wait_dma2 semaphore(%run_scoped3A : memref<!tpu.dma_semaphore, #tpu.memory_space<semaphore_mem>>) src(%dma_wait3A_315 : memref<16x128xf32, #tpu.memory_space<vmem_shared>>) dst(%dma_wait3A_312 : memref<16x128xf32, #tpu.memory_space<hbm>>)
        tpu.yield
      }) : () -> ()
    } else {
    }
    return
  }
}

#map = affine_map<(d0, d1) -> (0, 0, 0)>
#map1 = affine_map<(d0, d1) -> (0)>
#map2 = affine_map<(d0, d1) -> (0, 0)>
module attributes {stable_mosaic.version = 14 : i64} {
  func.func @_sc_degree(%arg0: i32, %arg1: i32, %arg2: memref<32x125x80xi32, #tpu.memory_space<hbm>>, %arg3: memref<10000xf32, #tpu.memory_space<hbm>>, %arg4: memref<2x10000xf32, #tpu.memory_space<hbm>>, %arg5: memref<125x80xi32, #tpu.memory_space<vmem>>, %arg6: memref<80xf32, #tpu.memory_space<vmem>>, %arg7: memref<10000xf32, #tpu.memory_space<vmem_shared>>, %arg8: memref<8x!tpu.dma_semaphore, #tpu.memory_space<semaphore_mem>>) attributes {dimension_semantics = [#tpu.dimension_semantics<core_parallel>, #tpu.dimension_semantics<subcore_parallel>], iteration_bounds = array<i64: 2, 16>, scalar_prefetch = 0 : i64, scratch_operands = 4 : i64, tpu.core_type = #tpu.core_type<sc_vector_subcore>, window_params = [{transform_indices = #map}, {transform_indices = #map1}, {transform_indices = #map2}]} {
    %mul3A = arith.constant 2 : i32
    %mul3A_0 = arith.muli %arg1, %mul3A : i32
    %add3A = arith.addi %mul3A_0, %arg0 : i32
    "tpu.region"() ({
      %run_scoped3A = tpu.sem_alloc : memref<!tpu.dma_semaphore, #tpu.memory_space<semaphore_mem>>
      %dma_start3A_184 = arith.constant 0 : i32
      %dma_start3A_185 = arith.constant 0 : i32
      %dma_start3A_186 = tpu.memref_slice %arg2[%add3A, %dma_start3A_184, %dma_start3A_185] : memref<32x125x80xi32, #tpu.memory_space<hbm>> -> memref<1x125x80xi32, #tpu.memory_space<hbm>>
      %dma_start3A_187 = tpu.memref_squeeze %dma_start3A_186 : memref<1x125x80xi32, #tpu.memory_space<hbm>> -> memref<125x80xi32, #tpu.memory_space<hbm>>
      %dma_start3A_188 = arith.constant 0 : i32
      %dma_start3A_189 = arith.constant 0 : i32
      %dma_start3A_190 = tpu.memref_slice %arg2[%add3A, %dma_start3A_188, %dma_start3A_189] : memref<32x125x80xi32, #tpu.memory_space<hbm>> -> memref<1x125x80xi32, #tpu.memory_space<hbm>>
      %dma_start3A_191 = tpu.memref_squeeze %dma_start3A_190 : memref<1x125x80xi32, #tpu.memory_space<hbm>> -> memref<125x80xi32, #tpu.memory_space<hbm>>
      tpu.enqueue_dma source(%dma_start3A_191 : memref<125x80xi32, #tpu.memory_space<hbm>>) target(%arg5 : memref<125x80xi32, #tpu.memory_space<vmem>>) target_semaphore(%run_scoped3A : memref<!tpu.dma_semaphore, #tpu.memory_space<semaphore_mem>>)
      %dma_wait3A_192 = arith.constant 0 : i32
      %dma_wait3A_193 = arith.constant 0 : i32
      %dma_wait3A_194 = tpu.memref_slice %arg2[%add3A, %dma_wait3A_192, %dma_wait3A_193] : memref<32x125x80xi32, #tpu.memory_space<hbm>> -> memref<1x125x80xi32, #tpu.memory_space<hbm>>
      %dma_wait3A_195 = tpu.memref_squeeze %dma_wait3A_194 : memref<1x125x80xi32, #tpu.memory_space<hbm>> -> memref<125x80xi32, #tpu.memory_space<hbm>>
      %dma_wait3A_196 = arith.constant 0 : i32
      %dma_wait3A_197 = arith.constant 0 : i32
      %dma_wait3A_198 = tpu.memref_slice %arg2[%add3A, %dma_wait3A_196, %dma_wait3A_197] : memref<32x125x80xi32, #tpu.memory_space<hbm>> -> memref<1x125x80xi32, #tpu.memory_space<hbm>>
      %dma_wait3A_199 = tpu.memref_squeeze %dma_wait3A_198 : memref<1x125x80xi32, #tpu.memory_space<hbm>> -> memref<125x80xi32, #tpu.memory_space<hbm>>
      tpu.wait_dma2 semaphore(%run_scoped3A : memref<!tpu.dma_semaphore, #tpu.memory_space<semaphore_mem>>) src(%dma_wait3A_199 : memref<125x80xi32, #tpu.memory_space<hbm>>) dst(%arg5 : memref<125x80xi32, #tpu.memory_space<vmem>>)
      tpu.yield
    }) : () -> ()
    %broadcast_in_dim3A = arith.constant 1.000000e+00 : f32
    %broadcast_in_dim3A_1 = vector.broadcast %broadcast_in_dim3A : f32 to vector<16xf32>
    %swap3A = arith.constant 0 : index
    %swap3A_2 = tpu.vector_load %arg6[%swap3A] {strides = array<i32>} : memref<80xf32, #tpu.memory_space<vmem>>, vector<16xf32>,
    %swap3A_3 = vector.shape_cast %swap3A_2 : vector<16xf32> to vector<16xf32>
    %swap3A_4 = vector.shape_cast %broadcast_in_dim3A_1 : vector<16xf32> to vector<16xf32>
    tpu.vector_store %arg6[%swap3A], %swap3A_4 {strides = array<i32>} : memref<80xf32, #tpu.memory_space<vmem>>, vector<16xf32>,
    %broadcast_in_dim3A_5 = arith.constant 1.000000e+00 : f32
    %broadcast_in_dim3A_6 = vector.broadcast %broadcast_in_dim3A_5 : f32 to vector<16xf32>
    %swap3A_7 = arith.constant 16 : index
    %swap3A_8 = tpu.vector_load %arg6[%swap3A_7] {strides = array<i32>} : memref<80xf32, #tpu.memory_space<vmem>>, vector<16xf32>,
    %swap3A_9 = vector.shape_cast %swap3A_8 : vector<16xf32> to vector<16xf32>
    %swap3A_10 = vector.shape_cast %broadcast_in_dim3A_6 : vector<16xf32> to vector<16xf32>
    tpu.vector_store %arg6[%swap3A_7], %swap3A_10 {strides = array<i32>} : memref<80xf32, #tpu.memory_space<vmem>>, vector<16xf32>,
    %broadcast_in_dim3A_11 = arith.constant 1.000000e+00 : f32
    %broadcast_in_dim3A_12 = vector.broadcast %broadcast_in_dim3A_11 : f32 to vector<16xf32>
    %swap3A_13 = arith.constant 32 : index
    %swap3A_14 = tpu.vector_load %arg6[%swap3A_13] {strides = array<i32>} : memref<80xf32, #tpu.memory_space<vmem>>, vector<16xf32>,
    %swap3A_15 = vector.shape_cast %swap3A_14 : vector<16xf32> to vector<16xf32>
    %swap3A_16 = vector.shape_cast %broadcast_in_dim3A_12 : vector<16xf32> to vector<16xf32>
    tpu.vector_store %arg6[%swap3A_13], %swap3A_16 {strides = array<i32>} : memref<80xf32, #tpu.memory_space<vmem>>, vector<16xf32>,
    %broadcast_in_dim3A_17 = arith.constant 1.000000e+00 : f32
    %broadcast_in_dim3A_18 = vector.broadcast %broadcast_in_dim3A_17 : f32 to vector<16xf32>
    %swap3A_19 = arith.constant 48 : index
    %swap3A_20 = tpu.vector_load %arg6[%swap3A_19] {strides = array<i32>} : memref<80xf32, #tpu.memory_space<vmem>>, vector<16xf32>,
    %swap3A_21 = vector.shape_cast %swap3A_20 : vector<16xf32> to vector<16xf32>
    %swap3A_22 = vector.shape_cast %broadcast_in_dim3A_18 : vector<16xf32> to vector<16xf32>
    tpu.vector_store %arg6[%swap3A_19], %swap3A_22 {strides = array<i32>} : memref<80xf32, #tpu.memory_space<vmem>>, vector<16xf32>,
    %broadcast_in_dim3A_23 = arith.constant 1.000000e+00 : f32
    %broadcast_in_dim3A_24 = vector.broadcast %broadcast_in_dim3A_23 : f32 to vector<16xf32>
    %swap3A_25 = arith.constant 64 : index
    %swap3A_26 = tpu.vector_load %arg6[%swap3A_25] {strides = array<i32>} : memref<80xf32, #tpu.memory_space<vmem>>, vector<16xf32>,
    %swap3A_27 = vector.shape_cast %swap3A_26 : vector<16xf32> to vector<16xf32>
    %swap3A_28 = vector.shape_cast %broadcast_in_dim3A_24 : vector<16xf32> to vector<16xf32>
    tpu.vector_store %arg6[%swap3A_25], %swap3A_28 {strides = array<i32>} : memref<80xf32, #tpu.memory_space<vmem>>, vector<16xf32>,
    %eq3A = arith.constant 0 : i32
    %eq3A_29 = arith.cmpi eq, %arg1, %eq3A : i32
    %convert_element_type3A = arith.extui %eq3A_29 : i1 to i32
    %cond3A = arith.constant 0 : i32
    %cond3A_30 = arith.cmpi ne, %convert_element_type3A, %cond3A : i32
    scf.if %cond3A_30 {
      "tpu.region"() ({
        %run_scoped3A = tpu.sem_alloc : memref<!tpu.dma_semaphore, #tpu.memory_space<semaphore_mem>>
        tpu.enqueue_dma source(%arg3 : memref<10000xf32, #tpu.memory_space<hbm>>) target(%arg7 : memref<10000xf32, #tpu.memory_space<vmem_shared>>) target_semaphore(%run_scoped3A : memref<!tpu.dma_semaphore, #tpu.memory_space<semaphore_mem>>)
        tpu.wait_dma2 semaphore(%run_scoped3A : memref<!tpu.dma_semaphore, #tpu.memory_space<semaphore_mem>>) src(%arg3 : memref<10000xf32, #tpu.memory_space<hbm>>) dst(%arg7 : memref<10000xf32, #tpu.memory_space<vmem_shared>>)
        tpu.yield
      }) : () -> ()
    } else {
    }
    %barrier3A = arith.constant 0 : index
    tpu.barrier barrier_id(%barrier3A)
    %dma_start3A = arith.constant 0 : i32
    %dma_start3A_31 = arith.constant 0 : i32
    %dma_start3A_32 = arith.constant 0 : i32
    %dma_start3A_33 = tpu.memref_slice %arg5[%dma_start3A, %dma_start3A_32] : memref<125x80xi32, #tpu.memory_space<vmem>> -> memref<1x80xi32, #tpu.memory_space<vmem>>
    %dma_start3A_34 = tpu.memref_squeeze %dma_start3A_33 : memref<1x80xi32, #tpu.memory_space<vmem>> -> memref<80xi32, #tpu.memory_space<vmem>>
    %dma_start3A_35 = arith.constant 0 : i32
    %dma_start3A_36 = tpu.memref_slice %arg7[%dma_start3A_35] : memref<10000xf32, #tpu.memory_space<vmem_shared>> -> memref<10000xf32, #tpu.memory_space<vmem_shared>>
    %dma_start3A_37 = tpu.memref_slice %arg8[%dma_start3A_31] : memref<8x!tpu.dma_semaphore, #tpu.memory_space<semaphore_mem>> -> memref<1x!tpu.dma_semaphore, #tpu.memory_space<semaphore_mem>>
    %dma_start3A_38 = tpu.memref_squeeze %dma_start3A_37 : memref<1x!tpu.dma_semaphore, #tpu.memory_space<semaphore_mem>> -> memref<!tpu.dma_semaphore, #tpu.memory_space<semaphore_mem>>
    tpu.enqueue_indirect_dma source(%arg6 : memref<80xf32, #tpu.memory_space<vmem>>) target(%dma_start3A_36 : memref<10000xf32, #tpu.memory_space<vmem_shared>>) offsets(%dma_start3A_34 : memref<80xi32, #tpu.memory_space<vmem>>) semaphore(%dma_start3A_38 : memref<!tpu.dma_semaphore, #tpu.memory_space<semaphore_mem>>) {add = true}
    %dma_start3A_39 = arith.constant 1 : i32
    %dma_start3A_40 = arith.constant 1 : i32
    %dma_start3A_41 = arith.constant 0 : i32
    %dma_start3A_42 = tpu.memref_slice %arg5[%dma_start3A_39, %dma_start3A_41] : memref<125x80xi32, #tpu.memory_space<vmem>> -> memref<1x80xi32, #tpu.memory_space<vmem>>
    %dma_start3A_43 = tpu.memref_squeeze %dma_start3A_42 : memref<1x80xi32, #tpu.memory_space<vmem>> -> memref<80xi32, #tpu.memory_space<vmem>>
    %dma_start3A_44 = arith.constant 0 : i32
    %dma_start3A_45 = tpu.memref_slice %arg7[%dma_start3A_44] : memref<10000xf32, #tpu.memory_space<vmem_shared>> -> memref<10000xf32, #tpu.memory_space<vmem_shared>>
    %dma_start3A_46 = tpu.memref_slice %arg8[%dma_start3A_40] : memref<8x!tpu.dma_semaphore, #tpu.memory_space<semaphore_mem>> -> memref<1x!tpu.dma_semaphore, #tpu.memory_space<semaphore_mem>>
    %dma_start3A_47 = tpu.memref_squeeze %dma_start3A_46 : memref<1x!tpu.dma_semaphore, #tpu.memory_space<semaphore_mem>> -> memref<!tpu.dma_semaphore, #tpu.memory_space<semaphore_mem>>
    tpu.enqueue_indirect_dma source(%arg6 : memref<80xf32, #tpu.memory_space<vmem>>) target(%dma_start3A_45 : memref<10000xf32, #tpu.memory_space<vmem_shared>>) offsets(%dma_start3A_43 : memref<80xi32, #tpu.memory_space<vmem>>) semaphore(%dma_start3A_47 : memref<!tpu.dma_semaphore, #tpu.memory_space<semaphore_mem>>) {add = true}
    %dma_start3A_48 = arith.constant 2 : i32
    %dma_start3A_49 = arith.constant 2 : i32
    %dma_start3A_50 = arith.constant 0 : i32
    %dma_start3A_51 = tpu.memref_slice %arg5[%dma_start3A_48, %dma_start3A_50] : memref<125x80xi32, #tpu.memory_space<vmem>> -> memref<1x80xi32, #tpu.memory_space<vmem>>
    %dma_start3A_52 = tpu.memref_squeeze %dma_start3A_51 : memref<1x80xi32, #tpu.memory_space<vmem>> -> memref<80xi32, #tpu.memory_space<vmem>>
    %dma_start3A_53 = arith.constant 0 : i32
    %dma_start3A_54 = tpu.memref_slice %arg7[%dma_start3A_53] : memref<10000xf32, #tpu.memory_space<vmem_shared>> -> memref<10000xf32, #tpu.memory_space<vmem_shared>>
    %dma_start3A_55 = tpu.memref_slice %arg8[%dma_start3A_49] : memref<8x!tpu.dma_semaphore, #tpu.memory_space<semaphore_mem>> -> memref<1x!tpu.dma_semaphore, #tpu.memory_space<semaphore_mem>>
    %dma_start3A_56 = tpu.memref_squeeze %dma_start3A_55 : memref<1x!tpu.dma_semaphore, #tpu.memory_space<semaphore_mem>> -> memref<!tpu.dma_semaphore, #tpu.memory_space<semaphore_mem>>
    tpu.enqueue_indirect_dma source(%arg6 : memref<80xf32, #tpu.memory_space<vmem>>) target(%dma_start3A_54 : memref<10000xf32, #tpu.memory_space<vmem_shared>>) offsets(%dma_start3A_52 : memref<80xi32, #tpu.memory_space<vmem>>) semaphore(%dma_start3A_56 : memref<!tpu.dma_semaphore, #tpu.memory_space<semaphore_mem>>) {add = true}
    %dma_start3A_57 = arith.constant 3 : i32
    %dma_start3A_58 = arith.constant 3 : i32
    %dma_start3A_59 = arith.constant 0 : i32
    %dma_start3A_60 = tpu.memref_slice %arg5[%dma_start3A_57, %dma_start3A_59] : memref<125x80xi32, #tpu.memory_space<vmem>> -> memref<1x80xi32, #tpu.memory_space<vmem>>
    %dma_start3A_61 = tpu.memref_squeeze %dma_start3A_60 : memref<1x80xi32, #tpu.memory_space<vmem>> -> memref<80xi32, #tpu.memory_space<vmem>>
    %dma_start3A_62 = arith.constant 0 : i32
    %dma_start3A_63 = tpu.memref_slice %arg7[%dma_start3A_62] : memref<10000xf32, #tpu.memory_space<vmem_shared>> -> memref<10000xf32, #tpu.memory_space<vmem_shared>>
    %dma_start3A_64 = tpu.memref_slice %arg8[%dma_start3A_58] : memref<8x!tpu.dma_semaphore, #tpu.memory_space<semaphore_mem>> -> memref<1x!tpu.dma_semaphore, #tpu.memory_space<semaphore_mem>>
    %dma_start3A_65 = tpu.memref_squeeze %dma_start3A_64 : memref<1x!tpu.dma_semaphore, #tpu.memory_space<semaphore_mem>> -> memref<!tpu.dma_semaphore, #tpu.memory_space<semaphore_mem>>
    tpu.enqueue_indirect_dma source(%arg6 : memref<80xf32, #tpu.memory_space<vmem>>) target(%dma_start3A_63 : memref<10000xf32, #tpu.memory_space<vmem_shared>>) offsets(%dma_start3A_61 : memref<80xi32, #tpu.memory_space<vmem>>) semaphore(%dma_start3A_65 : memref<!tpu.dma_semaphore, #tpu.memory_space<semaphore_mem>>) {add = true}
    %dma_start3A_66 = arith.constant 4 : i32
    %dma_start3A_67 = arith.constant 4 : i32
    %dma_start3A_68 = arith.constant 0 : i32
    %dma_start3A_69 = tpu.memref_slice %arg5[%dma_start3A_66, %dma_start3A_68] : memref<125x80xi32, #tpu.memory_space<vmem>> -> memref<1x80xi32, #tpu.memory_space<vmem>>
    %dma_start3A_70 = tpu.memref_squeeze %dma_start3A_69 : memref<1x80xi32, #tpu.memory_space<vmem>> -> memref<80xi32, #tpu.memory_space<vmem>>
    %dma_start3A_71 = arith.constant 0 : i32
    %dma_start3A_72 = tpu.memref_slice %arg7[%dma_start3A_71] : memref<10000xf32, #tpu.memory_space<vmem_shared>> -> memref<10000xf32, #tpu.memory_space<vmem_shared>>
    %dma_start3A_73 = tpu.memref_slice %arg8[%dma_start3A_67] : memref<8x!tpu.dma_semaphore, #tpu.memory_space<semaphore_mem>> -> memref<1x!tpu.dma_semaphore, #tpu.memory_space<semaphore_mem>>
    %dma_start3A_74 = tpu.memref_squeeze %dma_start3A_73 : memref<1x!tpu.dma_semaphore, #tpu.memory_space<semaphore_mem>> -> memref<!tpu.dma_semaphore, #tpu.memory_space<semaphore_mem>>
    tpu.enqueue_indirect_dma source(%arg6 : memref<80xf32, #tpu.memory_space<vmem>>) target(%dma_start3A_72 : memref<10000xf32, #tpu.memory_space<vmem_shared>>) offsets(%dma_start3A_70 : memref<80xi32, #tpu.memory_space<vmem>>) semaphore(%dma_start3A_74 : memref<!tpu.dma_semaphore, #tpu.memory_space<semaphore_mem>>) {add = true}
    %dma_start3A_75 = arith.constant 5 : i32
    %dma_start3A_76 = arith.constant 5 : i32
    %dma_start3A_77 = arith.constant 0 : i32
    %dma_start3A_78 = tpu.memref_slice %arg5[%dma_start3A_75, %dma_start3A_77] : memref<125x80xi32, #tpu.memory_space<vmem>> -> memref<1x80xi32, #tpu.memory_space<vmem>>
    %dma_start3A_79 = tpu.memref_squeeze %dma_start3A_78 : memref<1x80xi32, #tpu.memory_space<vmem>> -> memref<80xi32, #tpu.memory_space<vmem>>
    %dma_start3A_80 = arith.constant 0 : i32
    %dma_start3A_81 = tpu.memref_slice %arg7[%dma_start3A_80] : memref<10000xf32, #tpu.memory_space<vmem_shared>> -> memref<10000xf32, #tpu.memory_space<vmem_shared>>
    %dma_start3A_82 = tpu.memref_slice %arg8[%dma_start3A_76] : memref<8x!tpu.dma_semaphore, #tpu.memory_space<semaphore_mem>> -> memref<1x!tpu.dma_semaphore, #tpu.memory_space<semaphore_mem>>
    %dma_start3A_83 = tpu.memref_squeeze %dma_start3A_82 : memref<1x!tpu.dma_semaphore, #tpu.memory_space<semaphore_mem>> -> memref<!tpu.dma_semaphore, #tpu.memory_space<semaphore_mem>>
    tpu.enqueue_indirect_dma source(%arg6 : memref<80xf32, #tpu.memory_space<vmem>>) target(%dma_start3A_81 : memref<10000xf32, #tpu.memory_space<vmem_shared>>) offsets(%dma_start3A_79 : memref<80xi32, #tpu.memory_space<vmem>>) semaphore(%dma_start3A_83 : memref<!tpu.dma_semaphore, #tpu.memory_space<semaphore_mem>>) {add = true}
    %dma_start3A_84 = arith.constant 6 : i32
    %dma_start3A_85 = arith.constant 6 : i32
    %dma_start3A_86 = arith.constant 0 : i32
    %dma_start3A_87 = tpu.memref_slice %arg5[%dma_start3A_84, %dma_start3A_86] : memref<125x80xi32, #tpu.memory_space<vmem>> -> memref<1x80xi32, #tpu.memory_space<vmem>>
    %dma_start3A_88 = tpu.memref_squeeze %dma_start3A_87 : memref<1x80xi32, #tpu.memory_space<vmem>> -> memref<80xi32, #tpu.memory_space<vmem>>
    %dma_start3A_89 = arith.constant 0 : i32
    %dma_start3A_90 = tpu.memref_slice %arg7[%dma_start3A_89] : memref<10000xf32, #tpu.memory_space<vmem_shared>> -> memref<10000xf32, #tpu.memory_space<vmem_shared>>
    %dma_start3A_91 = tpu.memref_slice %arg8[%dma_start3A_85] : memref<8x!tpu.dma_semaphore, #tpu.memory_space<semaphore_mem>> -> memref<1x!tpu.dma_semaphore, #tpu.memory_space<semaphore_mem>>
    %dma_start3A_92 = tpu.memref_squeeze %dma_start3A_91 : memref<1x!tpu.dma_semaphore, #tpu.memory_space<semaphore_mem>> -> memref<!tpu.dma_semaphore, #tpu.memory_space<semaphore_mem>>
    tpu.enqueue_indirect_dma source(%arg6 : memref<80xf32, #tpu.memory_space<vmem>>) target(%dma_start3A_90 : memref<10000xf32, #tpu.memory_space<vmem_shared>>) offsets(%dma_start3A_88 : memref<80xi32, #tpu.memory_space<vmem>>) semaphore(%dma_start3A_92 : memref<!tpu.dma_semaphore, #tpu.memory_space<semaphore_mem>>) {add = true}
    %dma_start3A_93 = arith.constant 7 : i32
    %dma_start3A_94 = arith.constant 7 : i32
    %dma_start3A_95 = arith.constant 0 : i32
    %dma_start3A_96 = tpu.memref_slice %arg5[%dma_start3A_93, %dma_start3A_95] : memref<125x80xi32, #tpu.memory_space<vmem>> -> memref<1x80xi32, #tpu.memory_space<vmem>>
    %dma_start3A_97 = tpu.memref_squeeze %dma_start3A_96 : memref<1x80xi32, #tpu.memory_space<vmem>> -> memref<80xi32, #tpu.memory_space<vmem>>
    %dma_start3A_98 = arith.constant 0 : i32
    %dma_start3A_99 = tpu.memref_slice %arg7[%dma_start3A_98] : memref<10000xf32, #tpu.memory_space<vmem_shared>> -> memref<10000xf32, #tpu.memory_space<vmem_shared>>
    %dma_start3A_100 = tpu.memref_slice %arg8[%dma_start3A_94] : memref<8x!tpu.dma_semaphore, #tpu.memory_space<semaphore_mem>> -> memref<1x!tpu.dma_semaphore, #tpu.memory_space<semaphore_mem>>
    %dma_start3A_101 = tpu.memref_squeeze %dma_start3A_100 : memref<1x!tpu.dma_semaphore, #tpu.memory_space<semaphore_mem>> -> memref<!tpu.dma_semaphore, #tpu.memory_space<semaphore_mem>>
    tpu.enqueue_indirect_dma source(%arg6 : memref<80xf32, #tpu.memory_space<vmem>>) target(%dma_start3A_99 : memref<10000xf32, #tpu.memory_space<vmem_shared>>) offsets(%dma_start3A_97 : memref<80xi32, #tpu.memory_space<vmem>>) semaphore(%dma_start3A_101 : memref<!tpu.dma_semaphore, #tpu.memory_space<semaphore_mem>>) {add = true}
    %scan3A = arith.constant 0 : i32
    %scan3A_102 = arith.constant 8 : i32
    %scan3A_103 = arith.constant 117 : i32
    %scan3A_104 = arith.addi %scan3A_102, %scan3A_103 : i32
    %scan3A_105 = arith.constant 1 : i32
    scf.for %scan3A_184 = %scan3A_102 to %scan3A_104 step %scan3A_105  : i32 {
      %rem3A = arith.constant 8 : i32
      %rem3A_185 = arith.remsi %scan3A_184, %rem3A : i32
      %dma_wait3A_186 = arith.constant 0 : i32
      %dma_wait3A_187 = arith.constant 0 : i32
      %dma_wait3A_188 = tpu.memref_slice %arg5[%dma_wait3A_186, %dma_wait3A_187] : memref<125x80xi32, #tpu.memory_space<vmem>> -> memref<1x80xi32, #tpu.memory_space<vmem>>
      %dma_wait3A_189 = tpu.memref_squeeze %dma_wait3A_188 : memref<1x80xi32, #tpu.memory_space<vmem>> -> memref<80xi32, #tpu.memory_space<vmem>>
      %dma_wait3A_190 = arith.constant 0 : i32
      %dma_wait3A_191 = tpu.memref_slice %arg7[%dma_wait3A_190] : memref<10000xf32, #tpu.memory_space<vmem_shared>> -> memref<10000xf32, #tpu.memory_space<vmem_shared>>
      %dma_wait3A_192 = tpu.memref_slice %arg8[%rem3A_185] : memref<8x!tpu.dma_semaphore, #tpu.memory_space<semaphore_mem>> -> memref<1x!tpu.dma_semaphore, #tpu.memory_space<semaphore_mem>>
      %dma_wait3A_193 = tpu.memref_squeeze %dma_wait3A_192 : memref<1x!tpu.dma_semaphore, #tpu.memory_space<semaphore_mem>> -> memref<!tpu.dma_semaphore, #tpu.memory_space<semaphore_mem>>
      tpu.wait_indirect_dma semaphore(%dma_wait3A_193 : memref<!tpu.dma_semaphore, #tpu.memory_space<semaphore_mem>>) src(%arg6 : memref<80xf32, #tpu.memory_space<vmem>>) dst(%dma_wait3A_191 : memref<10000xf32, #tpu.memory_space<vmem_shared>>)
      %dma_start3A_194 = arith.constant 0 : i32
      %dma_start3A_195 = tpu.memref_slice %arg5[%scan3A_184, %dma_start3A_194] : memref<125x80xi32, #tpu.memory_space<vmem>> -> memref<1x80xi32, #tpu.memory_space<vmem>>
      %dma_start3A_196 = tpu.memref_squeeze %dma_start3A_195 : memref<1x80xi32, #tpu.memory_space<vmem>> -> memref<80xi32, #tpu.memory_space<vmem>>
      %dma_start3A_197 = arith.constant 0 : i32
      %dma_start3A_198 = tpu.memref_slice %arg7[%dma_start3A_197] : memref<10000xf32, #tpu.memory_space<vmem_shared>> -> memref<10000xf32, #tpu.memory_space<vmem_shared>>
      %dma_start3A_199 = tpu.memref_slice %arg8[%rem3A_185] : memref<8x!tpu.dma_semaphore, #tpu.memory_space<semaphore_mem>> -> memref<1x!tpu.dma_semaphore, #tpu.memory_space<semaphore_mem>>
      %dma_start3A_200 = tpu.memref_squeeze %dma_start3A_199 : memref<1x!tpu.dma_semaphore, #tpu.memory_space<semaphore_mem>> -> memref<!tpu.dma_semaphore, #tpu.memory_space<semaphore_mem>>
      tpu.enqueue_indirect_dma source(%arg6 : memref<80xf32, #tpu.memory_space<vmem>>) target(%dma_start3A_198 : memref<10000xf32, #tpu.memory_space<vmem_shared>>) offsets(%dma_start3A_196 : memref<80xi32, #tpu.memory_space<vmem>>) semaphore(%dma_start3A_200 : memref<!tpu.dma_semaphore, #tpu.memory_space<semaphore_mem>>) {add = true}
    }
    %scan3A_106 = arith.constant 117 : i32
    %dma_wait3A = arith.constant 0 : i32
    %dma_wait3A_107 = arith.constant 0 : i32
    %dma_wait3A_108 = arith.constant 0 : i32
    %dma_wait3A_109 = tpu.memref_slice %arg5[%dma_wait3A, %dma_wait3A_108] : memref<125x80xi32, #tpu.memory_space<vmem>> -> memref<1x80xi32, #tpu.memory_space<vmem>>
    %dma_wait3A_110 = tpu.memref_squeeze %dma_wait3A_109 : memref<1x80xi32, #tpu.memory_space<vmem>> -> memref<80xi32, #tpu.memory_space<vmem>>
    %dma_wait3A_111 = arith.constant 0 : i32
    %dma_wait3A_112 = tpu.memref_slice %arg7[%dma_wait3A_111] : memref<10000xf32, #tpu.memory_space<vmem_shared>> -> memref<10000xf32, #tpu.memory_space<vmem_shared>>
    %dma_wait3A_113 = tpu.memref_slice %arg8[%dma_wait3A_107] : memref<8x!tpu.dma_semaphore, #tpu.memory_space<semaphore_mem>> -> memref<1x!tpu.dma_semaphore, #tpu.memory_space<semaphore_mem>>
    %dma_wait3A_114 = tpu.memref_squeeze %dma_wait3A_113 : memref<1x!tpu.dma_semaphore, #tpu.memory_space<semaphore_mem>> -> memref<!tpu.dma_semaphore, #tpu.memory_space<semaphore_mem>>
    tpu.wait_indirect_dma semaphore(%dma_wait3A_114 : memref<!tpu.dma_semaphore, #tpu.memory_space<semaphore_mem>>) src(%arg6 : memref<80xf32, #tpu.memory_space<vmem>>) dst(%dma_wait3A_112 : memref<10000xf32, #tpu.memory_space<vmem_shared>>)
    %dma_wait3A_115 = arith.constant 0 : i32
    %dma_wait3A_116 = arith.constant 1 : i32
    %dma_wait3A_117 = arith.constant 0 : i32
    %dma_wait3A_118 = tpu.memref_slice %arg5[%dma_wait3A_115, %dma_wait3A_117] : memref<125x80xi32, #tpu.memory_space<vmem>> -> memref<1x80xi32, #tpu.memory_space<vmem>>
    %dma_wait3A_119 = tpu.memref_squeeze %dma_wait3A_118 : memref<1x80xi32, #tpu.memory_space<vmem>> -> memref<80xi32, #tpu.memory_space<vmem>>
    %dma_wait3A_120 = arith.constant 0 : i32
    %dma_wait3A_121 = tpu.memref_slice %arg7[%dma_wait3A_120] : memref<10000xf32, #tpu.memory_space<vmem_shared>> -> memref<10000xf32, #tpu.memory_space<vmem_shared>>
    %dma_wait3A_122 = tpu.memref_slice %arg8[%dma_wait3A_116] : memref<8x!tpu.dma_semaphore, #tpu.memory_space<semaphore_mem>> -> memref<1x!tpu.dma_semaphore, #tpu.memory_space<semaphore_mem>>
    %dma_wait3A_123 = tpu.memref_squeeze %dma_wait3A_122 : memref<1x!tpu.dma_semaphore, #tpu.memory_space<semaphore_mem>> -> memref<!tpu.dma_semaphore, #tpu.memory_space<semaphore_mem>>
    tpu.wait_indirect_dma semaphore(%dma_wait3A_123 : memref<!tpu.dma_semaphore, #tpu.memory_space<semaphore_mem>>) src(%arg6 : memref<80xf32, #tpu.memory_space<vmem>>) dst(%dma_wait3A_121 : memref<10000xf32, #tpu.memory_space<vmem_shared>>)
    %dma_wait3A_124 = arith.constant 0 : i32
    %dma_wait3A_125 = arith.constant 2 : i32
    %dma_wait3A_126 = arith.constant 0 : i32
    %dma_wait3A_127 = tpu.memref_slice %arg5[%dma_wait3A_124, %dma_wait3A_126] : memref<125x80xi32, #tpu.memory_space<vmem>> -> memref<1x80xi32, #tpu.memory_space<vmem>>
    %dma_wait3A_128 = tpu.memref_squeeze %dma_wait3A_127 : memref<1x80xi32, #tpu.memory_space<vmem>> -> memref<80xi32, #tpu.memory_space<vmem>>
    %dma_wait3A_129 = arith.constant 0 : i32
    %dma_wait3A_130 = tpu.memref_slice %arg7[%dma_wait3A_129] : memref<10000xf32, #tpu.memory_space<vmem_shared>> -> memref<10000xf32, #tpu.memory_space<vmem_shared>>
    %dma_wait3A_131 = tpu.memref_slice %arg8[%dma_wait3A_125] : memref<8x!tpu.dma_semaphore, #tpu.memory_space<semaphore_mem>> -> memref<1x!tpu.dma_semaphore, #tpu.memory_space<semaphore_mem>>
    %dma_wait3A_132 = tpu.memref_squeeze %dma_wait3A_131 : memref<1x!tpu.dma_semaphore, #tpu.memory_space<semaphore_mem>> -> memref<!tpu.dma_semaphore, #tpu.memory_space<semaphore_mem>>
    tpu.wait_indirect_dma semaphore(%dma_wait3A_132 : memref<!tpu.dma_semaphore, #tpu.memory_space<semaphore_mem>>) src(%arg6 : memref<80xf32, #tpu.memory_space<vmem>>) dst(%dma_wait3A_130 : memref<10000xf32, #tpu.memory_space<vmem_shared>>)
    %dma_wait3A_133 = arith.constant 0 : i32
    %dma_wait3A_134 = arith.constant 3 : i32
    %dma_wait3A_135 = arith.constant 0 : i32
    %dma_wait3A_136 = tpu.memref_slice %arg5[%dma_wait3A_133, %dma_wait3A_135] : memref<125x80xi32, #tpu.memory_space<vmem>> -> memref<1x80xi32, #tpu.memory_space<vmem>>
    %dma_wait3A_137 = tpu.memref_squeeze %dma_wait3A_136 : memref<1x80xi32, #tpu.memory_space<vmem>> -> memref<80xi32, #tpu.memory_space<vmem>>
    %dma_wait3A_138 = arith.constant 0 : i32
    %dma_wait3A_139 = tpu.memref_slice %arg7[%dma_wait3A_138] : memref<10000xf32, #tpu.memory_space<vmem_shared>> -> memref<10000xf32, #tpu.memory_space<vmem_shared>>
    %dma_wait3A_140 = tpu.memref_slice %arg8[%dma_wait3A_134] : memref<8x!tpu.dma_semaphore, #tpu.memory_space<semaphore_mem>> -> memref<1x!tpu.dma_semaphore, #tpu.memory_space<semaphore_mem>>
    %dma_wait3A_141 = tpu.memref_squeeze %dma_wait3A_140 : memref<1x!tpu.dma_semaphore, #tpu.memory_space<semaphore_mem>> -> memref<!tpu.dma_semaphore, #tpu.memory_space<semaphore_mem>>
    tpu.wait_indirect_dma semaphore(%dma_wait3A_141 : memref<!tpu.dma_semaphore, #tpu.memory_space<semaphore_mem>>) src(%arg6 : memref<80xf32, #tpu.memory_space<vmem>>) dst(%dma_wait3A_139 : memref<10000xf32, #tpu.memory_space<vmem_shared>>)
    %dma_wait3A_142 = arith.constant 0 : i32
    %dma_wait3A_143 = arith.constant 4 : i32
    %dma_wait3A_144 = arith.constant 0 : i32
    %dma_wait3A_145 = tpu.memref_slice %arg5[%dma_wait3A_142, %dma_wait3A_144] : memref<125x80xi32, #tpu.memory_space<vmem>> -> memref<1x80xi32, #tpu.memory_space<vmem>>
    %dma_wait3A_146 = tpu.memref_squeeze %dma_wait3A_145 : memref<1x80xi32, #tpu.memory_space<vmem>> -> memref<80xi32, #tpu.memory_space<vmem>>
    %dma_wait3A_147 = arith.constant 0 : i32
    %dma_wait3A_148 = tpu.memref_slice %arg7[%dma_wait3A_147] : memref<10000xf32, #tpu.memory_space<vmem_shared>> -> memref<10000xf32, #tpu.memory_space<vmem_shared>>
    %dma_wait3A_149 = tpu.memref_slice %arg8[%dma_wait3A_143] : memref<8x!tpu.dma_semaphore, #tpu.memory_space<semaphore_mem>> -> memref<1x!tpu.dma_semaphore, #tpu.memory_space<semaphore_mem>>
    %dma_wait3A_150 = tpu.memref_squeeze %dma_wait3A_149 : memref<1x!tpu.dma_semaphore, #tpu.memory_space<semaphore_mem>> -> memref<!tpu.dma_semaphore, #tpu.memory_space<semaphore_mem>>
    tpu.wait_indirect_dma semaphore(%dma_wait3A_150 : memref<!tpu.dma_semaphore, #tpu.memory_space<semaphore_mem>>) src(%arg6 : memref<80xf32, #tpu.memory_space<vmem>>) dst(%dma_wait3A_148 : memref<10000xf32, #tpu.memory_space<vmem_shared>>)
    %dma_wait3A_151 = arith.constant 0 : i32
    %dma_wait3A_152 = arith.constant 5 : i32
    %dma_wait3A_153 = arith.constant 0 : i32
    %dma_wait3A_154 = tpu.memref_slice %arg5[%dma_wait3A_151, %dma_wait3A_153] : memref<125x80xi32, #tpu.memory_space<vmem>> -> memref<1x80xi32, #tpu.memory_space<vmem>>
    %dma_wait3A_155 = tpu.memref_squeeze %dma_wait3A_154 : memref<1x80xi32, #tpu.memory_space<vmem>> -> memref<80xi32, #tpu.memory_space<vmem>>
    %dma_wait3A_156 = arith.constant 0 : i32
    %dma_wait3A_157 = tpu.memref_slice %arg7[%dma_wait3A_156] : memref<10000xf32, #tpu.memory_space<vmem_shared>> -> memref<10000xf32, #tpu.memory_space<vmem_shared>>
    %dma_wait3A_158 = tpu.memref_slice %arg8[%dma_wait3A_152] : memref<8x!tpu.dma_semaphore, #tpu.memory_space<semaphore_mem>> -> memref<1x!tpu.dma_semaphore, #tpu.memory_space<semaphore_mem>>
    %dma_wait3A_159 = tpu.memref_squeeze %dma_wait3A_158 : memref<1x!tpu.dma_semaphore, #tpu.memory_space<semaphore_mem>> -> memref<!tpu.dma_semaphore, #tpu.memory_space<semaphore_mem>>
    tpu.wait_indirect_dma semaphore(%dma_wait3A_159 : memref<!tpu.dma_semaphore, #tpu.memory_space<semaphore_mem>>) src(%arg6 : memref<80xf32, #tpu.memory_space<vmem>>) dst(%dma_wait3A_157 : memref<10000xf32, #tpu.memory_space<vmem_shared>>)
    %dma_wait3A_160 = arith.constant 0 : i32
    %dma_wait3A_161 = arith.constant 6 : i32
    %dma_wait3A_162 = arith.constant 0 : i32
    %dma_wait3A_163 = tpu.memref_slice %arg5[%dma_wait3A_160, %dma_wait3A_162] : memref<125x80xi32, #tpu.memory_space<vmem>> -> memref<1x80xi32, #tpu.memory_space<vmem>>
    %dma_wait3A_164 = tpu.memref_squeeze %dma_wait3A_163 : memref<1x80xi32, #tpu.memory_space<vmem>> -> memref<80xi32, #tpu.memory_space<vmem>>
    %dma_wait3A_165 = arith.constant 0 : i32
    %dma_wait3A_166 = tpu.memref_slice %arg7[%dma_wait3A_165] : memref<10000xf32, #tpu.memory_space<vmem_shared>> -> memref<10000xf32, #tpu.memory_space<vmem_shared>>
    %dma_wait3A_167 = tpu.memref_slice %arg8[%dma_wait3A_161] : memref<8x!tpu.dma_semaphore, #tpu.memory_space<semaphore_mem>> -> memref<1x!tpu.dma_semaphore, #tpu.memory_space<semaphore_mem>>
    %dma_wait3A_168 = tpu.memref_squeeze %dma_wait3A_167 : memref<1x!tpu.dma_semaphore, #tpu.memory_space<semaphore_mem>> -> memref<!tpu.dma_semaphore, #tpu.memory_space<semaphore_mem>>
    tpu.wait_indirect_dma semaphore(%dma_wait3A_168 : memref<!tpu.dma_semaphore, #tpu.memory_space<semaphore_mem>>) src(%arg6 : memref<80xf32, #tpu.memory_space<vmem>>) dst(%dma_wait3A_166 : memref<10000xf32, #tpu.memory_space<vmem_shared>>)
    %dma_wait3A_169 = arith.constant 0 : i32
    %dma_wait3A_170 = arith.constant 7 : i32
    %dma_wait3A_171 = arith.constant 0 : i32
    %dma_wait3A_172 = tpu.memref_slice %arg5[%dma_wait3A_169, %dma_wait3A_171] : memref<125x80xi32, #tpu.memory_space<vmem>> -> memref<1x80xi32, #tpu.memory_space<vmem>>
    %dma_wait3A_173 = tpu.memref_squeeze %dma_wait3A_172 : memref<1x80xi32, #tpu.memory_space<vmem>> -> memref<80xi32, #tpu.memory_space<vmem>>
    %dma_wait3A_174 = arith.constant 0 : i32
    %dma_wait3A_175 = tpu.memref_slice %arg7[%dma_wait3A_174] : memref<10000xf32, #tpu.memory_space<vmem_shared>> -> memref<10000xf32, #tpu.memory_space<vmem_shared>>
    %dma_wait3A_176 = tpu.memref_slice %arg8[%dma_wait3A_170] : memref<8x!tpu.dma_semaphore, #tpu.memory_space<semaphore_mem>> -> memref<1x!tpu.dma_semaphore, #tpu.memory_space<semaphore_mem>>
    %dma_wait3A_177 = tpu.memref_squeeze %dma_wait3A_176 : memref<1x!tpu.dma_semaphore, #tpu.memory_space<semaphore_mem>> -> memref<!tpu.dma_semaphore, #tpu.memory_space<semaphore_mem>>
    tpu.wait_indirect_dma semaphore(%dma_wait3A_177 : memref<!tpu.dma_semaphore, #tpu.memory_space<semaphore_mem>>) src(%arg6 : memref<80xf32, #tpu.memory_space<vmem>>) dst(%dma_wait3A_175 : memref<10000xf32, #tpu.memory_space<vmem_shared>>)
    %barrier3A_178 = arith.constant 0 : index
    tpu.barrier barrier_id(%barrier3A_178)
    %eq3A_179 = arith.constant 0 : i32
    %eq3A_180 = arith.cmpi eq, %arg1, %eq3A_179 : i32
    %convert_element_type3A_181 = arith.extui %eq3A_180 : i1 to i32
    %cond3A_182 = arith.constant 0 : i32
    %cond3A_183 = arith.cmpi ne, %convert_element_type3A_181, %cond3A_182 : i32
    scf.if %cond3A_183 {
      "tpu.region"() ({
        %run_scoped3A = tpu.sem_alloc : memref<!tpu.dma_semaphore, #tpu.memory_space<semaphore_mem>>
        %dma_start3A_184 = arith.constant 0 : i32
        %dma_start3A_185 = tpu.memref_slice %arg4[%arg0, %dma_start3A_184] : memref<2x10000xf32, #tpu.memory_space<hbm>> -> memref<1x10000xf32, #tpu.memory_space<hbm>>
        %dma_start3A_186 = tpu.memref_squeeze %dma_start3A_185 : memref<1x10000xf32, #tpu.memory_space<hbm>> -> memref<10000xf32, #tpu.memory_space<hbm>>
        tpu.enqueue_dma source(%arg7 : memref<10000xf32, #tpu.memory_space<vmem_shared>>) target(%dma_start3A_186 : memref<10000xf32, #tpu.memory_space<hbm>>) target_semaphore(%run_scoped3A : memref<!tpu.dma_semaphore, #tpu.memory_space<semaphore_mem>>)
        %dma_wait3A_187 = arith.constant 0 : i32
        %dma_wait3A_188 = tpu.memref_slice %arg4[%arg0, %dma_wait3A_187] : memref<2x10000xf32, #tpu.memory_space<hbm>> -> memref<1x10000xf32, #tpu.memory_space<hbm>>
        %dma_wait3A_189 = tpu.memref_squeeze %dma_wait3A_188 : memref<1x10000xf32, #tpu.memory_space<hbm>> -> memref<10000xf32, #tpu.memory_space<hbm>>
        tpu.wait_dma2 semaphore(%run_scoped3A : memref<!tpu.dma_semaphore, #tpu.memory_space<semaphore_mem>>) src(%arg7 : memref<10000xf32, #tpu.memory_space<vmem_shared>>) dst(%dma_wait3A_189 : memref<10000xf32, #tpu.memory_space<hbm>>)
        tpu.yield
      }) : () -> ()
    } else {
    }
    return
  }
}

#map = affine_map<(d0, d1) -> (0, 0)>
#map1 = affine_map<(d0, d1) -> (0, 0, 0, 0)>
#map2 = affine_map<(d0, d1) -> (0, 0, 0)>
module attributes {stable_mosaic.version = 14 : i64} {
  func.func @_sc_aggregate(%arg0: i32, %arg1: i32, %arg2: memref<10000x128xf32, #tpu.memory_space<hbm>>, %arg3: memref<32x125x2x80xi32, #tpu.memory_space<hbm>>, %arg4: memref<10000x128xf32, #tpu.memory_space<hbm>>, %arg5: memref<2x10000x128xf32, #tpu.memory_space<hbm>>, %arg6: memref<5x2x80xi32, #tpu.memory_space<vmem>>, %arg7: memref<4x80x128xf32, #tpu.memory_space<vmem>>, %arg8: memref<10016x128xf32, #tpu.memory_space<vmem_shared>>, %arg9: memref<5x!tpu.dma_semaphore, #tpu.memory_space<semaphore_mem>>, %arg10: memref<4x!tpu.dma_semaphore, #tpu.memory_space<semaphore_mem>>, %arg11: memref<4x!tpu.dma_semaphore, #tpu.memory_space<semaphore_mem>>, %arg12: memref<2x!tpu.dma_semaphore, #tpu.memory_space<semaphore_mem>>) attributes {dimension_semantics = [#tpu.dimension_semantics<core_parallel>, #tpu.dimension_semantics<subcore_parallel>], iteration_bounds = array<i64: 2, 16>, scalar_prefetch = 0 : i64, scratch_operands = 7 : i64, tpu.core_type = #tpu.core_type<sc_vector_subcore>, window_params = [{transform_indices = #map}, {transform_indices = #map1}, {transform_indices = #map}, {transform_indices = #map2}]} {
    %mul3A = arith.constant 2 : i32
    %mul3A_0 = arith.muli %arg1, %mul3A : i32
    %add3A = arith.addi %mul3A_0, %arg0 : i32
    %mul3A_1 = arith.constant 624 : i32
    %mul3A_2 = arith.muli %arg1, %mul3A_1 : i32
    %mul3A_3 = arith.constant 624 : i32
    %mul3A_4 = arith.muli %arg1, %mul3A_3 : i32
    %dma_start3A = arith.constant 0 : i32
    %dma_start3A_5 = tpu.memref_slice %arg12[%dma_start3A] : memref<2x!tpu.dma_semaphore, #tpu.memory_space<semaphore_mem>> -> memref<1x!tpu.dma_semaphore, #tpu.memory_space<semaphore_mem>>
    %dma_start3A_6 = tpu.memref_squeeze %dma_start3A_5 : memref<1x!tpu.dma_semaphore, #tpu.memory_space<semaphore_mem>> -> memref<!tpu.dma_semaphore, #tpu.memory_space<semaphore_mem>>
    %dma_start3A_7 = arith.constant 0 : i32
    %dma_start3A_8 = tpu.memref_slice %arg8[%mul3A_4, %dma_start3A_7] : memref<10016x128xf32, #tpu.memory_space<vmem_shared>> -> memref<624x128xf32, #tpu.memory_space<vmem_shared>>
    %dma_start3A_9 = arith.constant 0 : i32
    %dma_start3A_10 = tpu.memref_slice %arg4[%mul3A_2, %dma_start3A_9] : memref<10000x128xf32, #tpu.memory_space<hbm>> -> memref<624x128xf32, #tpu.memory_space<hbm>>
    tpu.enqueue_dma source(%dma_start3A_10 : memref<624x128xf32, #tpu.memory_space<hbm>>) target(%dma_start3A_8 : memref<624x128xf32, #tpu.memory_space<vmem_shared>>) target_semaphore(%dma_start3A_6 : memref<!tpu.dma_semaphore, #tpu.memory_space<semaphore_mem>>)
    %eq3A = arith.constant 15 : i32
    %eq3A_11 = arith.cmpi eq, %arg1, %eq3A : i32
    %convert_element_type3A = arith.extui %eq3A_11 : i1 to i32
    %cond3A = arith.constant 0 : i32
    %cond3A_12 = arith.cmpi ne, %convert_element_type3A, %cond3A : i32
    scf.if %cond3A_12 {
      %dma_start3A_302 = arith.constant 1 : i32
      %dma_start3A_303 = tpu.memref_slice %arg12[%dma_start3A_302] : memref<2x!tpu.dma_semaphore, #tpu.memory_space<semaphore_mem>> -> memref<1x!tpu.dma_semaphore, #tpu.memory_space<semaphore_mem>>
      %dma_start3A_304 = tpu.memref_squeeze %dma_start3A_303 : memref<1x!tpu.dma_semaphore, #tpu.memory_space<semaphore_mem>> -> memref<!tpu.dma_semaphore, #tpu.memory_space<semaphore_mem>>
      %dma_start3A_305 = arith.constant 9984 : i32
      %dma_start3A_306 = arith.constant 0 : i32
      %dma_start3A_307 = tpu.memref_slice %arg8[%dma_start3A_305, %dma_start3A_306] : memref<10016x128xf32, #tpu.memory_space<vmem_shared>> -> memref<16x128xf32, #tpu.memory_space<vmem_shared>>
      %dma_start3A_308 = arith.constant 9984 : i32
      %dma_start3A_309 = arith.constant 0 : i32
      %dma_start3A_310 = tpu.memref_slice %arg4[%dma_start3A_308, %dma_start3A_309] : memref<10000x128xf32, #tpu.memory_space<hbm>> -> memref<16x128xf32, #tpu.memory_space<hbm>>
      tpu.enqueue_dma source(%dma_start3A_310 : memref<16x128xf32, #tpu.memory_space<hbm>>) target(%dma_start3A_307 : memref<16x128xf32, #tpu.memory_space<vmem_shared>>) target_semaphore(%dma_start3A_304 : memref<!tpu.dma_semaphore, #tpu.memory_space<semaphore_mem>>)
    } else {
    }
    %dma_start3A_13 = arith.constant 0 : i32
    %dma_start3A_14 = arith.constant 0 : i32
    %dma_start3A_15 = arith.constant 0 : i32
    %dma_start3A_16 = arith.constant 0 : i32
    %dma_start3A_17 = arith.constant 0 : i32
    %dma_start3A_18 = tpu.memref_slice %arg6[%dma_start3A_14, %dma_start3A_16, %dma_start3A_17] : memref<5x2x80xi32, #tpu.memory_space<vmem>> -> memref<1x2x80xi32, #tpu.memory_space<vmem>>
    %dma_start3A_19 = tpu.memref_squeeze %dma_start3A_18 : memref<1x2x80xi32, #tpu.memory_space<vmem>> -> memref<2x80xi32, #tpu.memory_space<vmem>>
    %dma_start3A_20 = arith.constant 0 : i32
    %dma_start3A_21 = arith.constant 0 : i32
    %dma_start3A_22 = tpu.memref_slice %arg3[%add3A, %dma_start3A_13, %dma_start3A_20, %dma_start3A_21] : memref<32x125x2x80xi32, #tpu.memory_space<hbm>> -> memref<1x1x2x80xi32, #tpu.memory_space<hbm>>
    %dma_start3A_23 = tpu.memref_squeeze %dma_start3A_22 : memref<1x1x2x80xi32, #tpu.memory_space<hbm>> -> memref<2x80xi32, #tpu.memory_space<hbm>>
    %dma_start3A_24 = tpu.memref_slice %arg9[%dma_start3A_15] : memref<5x!tpu.dma_semaphore, #tpu.memory_space<semaphore_mem>> -> memref<1x!tpu.dma_semaphore, #tpu.memory_space<semaphore_mem>>
    %dma_start3A_25 = tpu.memref_squeeze %dma_start3A_24 : memref<1x!tpu.dma_semaphore, #tpu.memory_space<semaphore_mem>> -> memref<!tpu.dma_semaphore, #tpu.memory_space<semaphore_mem>>
    %dma_start3A_26 = arith.constant 0 : i32
    %dma_start3A_27 = arith.constant 0 : i32
    %dma_start3A_28 = tpu.memref_slice %arg6[%dma_start3A_14, %dma_start3A_26, %dma_start3A_27] : memref<5x2x80xi32, #tpu.memory_space<vmem>> -> memref<1x2x80xi32, #tpu.memory_space<vmem>>
    %dma_start3A_29 = tpu.memref_squeeze %dma_start3A_28 : memref<1x2x80xi32, #tpu.memory_space<vmem>> -> memref<2x80xi32, #tpu.memory_space<vmem>>
    %dma_start3A_30 = arith.constant 0 : i32
    %dma_start3A_31 = arith.constant 0 : i32
    %dma_start3A_32 = tpu.memref_slice %arg3[%add3A, %dma_start3A_13, %dma_start3A_30, %dma_start3A_31] : memref<32x125x2x80xi32, #tpu.memory_space<hbm>> -> memref<1x1x2x80xi32, #tpu.memory_space<hbm>>
    %dma_start3A_33 = tpu.memref_squeeze %dma_start3A_32 : memref<1x1x2x80xi32, #tpu.memory_space<hbm>> -> memref<2x80xi32, #tpu.memory_space<hbm>>
    tpu.enqueue_dma source(%dma_start3A_33 : memref<2x80xi32, #tpu.memory_space<hbm>>) target(%dma_start3A_29 : memref<2x80xi32, #tpu.memory_space<vmem>>) target_semaphore(%dma_start3A_25 : memref<!tpu.dma_semaphore, #tpu.memory_space<semaphore_mem>>)
    %dma_start3A_34 = arith.constant 1 : i32
    %dma_start3A_35 = arith.constant 1 : i32
    %dma_start3A_36 = arith.constant 1 : i32
    %dma_start3A_37 = arith.constant 0 : i32
    %dma_start3A_38 = arith.constant 0 : i32
    %dma_start3A_39 = tpu.memref_slice %arg6[%dma_start3A_35, %dma_start3A_37, %dma_start3A_38] : memref<5x2x80xi32, #tpu.memory_space<vmem>> -> memref<1x2x80xi32, #tpu.memory_space<vmem>>
    %dma_start3A_40 = tpu.memref_squeeze %dma_start3A_39 : memref<1x2x80xi32, #tpu.memory_space<vmem>> -> memref<2x80xi32, #tpu.memory_space<vmem>>
    %dma_start3A_41 = arith.constant 0 : i32
    %dma_start3A_42 = arith.constant 0 : i32
    %dma_start3A_43 = tpu.memref_slice %arg3[%add3A, %dma_start3A_34, %dma_start3A_41, %dma_start3A_42] : memref<32x125x2x80xi32, #tpu.memory_space<hbm>> -> memref<1x1x2x80xi32, #tpu.memory_space<hbm>>
    %dma_start3A_44 = tpu.memref_squeeze %dma_start3A_43 : memref<1x1x2x80xi32, #tpu.memory_space<hbm>> -> memref<2x80xi32, #tpu.memory_space<hbm>>
    %dma_start3A_45 = tpu.memref_slice %arg9[%dma_start3A_36] : memref<5x!tpu.dma_semaphore, #tpu.memory_space<semaphore_mem>> -> memref<1x!tpu.dma_semaphore, #tpu.memory_space<semaphore_mem>>
    %dma_start3A_46 = tpu.memref_squeeze %dma_start3A_45 : memref<1x!tpu.dma_semaphore, #tpu.memory_space<semaphore_mem>> -> memref<!tpu.dma_semaphore, #tpu.memory_space<semaphore_mem>>
    %dma_start3A_47 = arith.constant 0 : i32
    %dma_start3A_48 = arith.constant 0 : i32
    %dma_start3A_49 = tpu.memref_slice %arg6[%dma_start3A_35, %dma_start3A_47, %dma_start3A_48] : memref<5x2x80xi32, #tpu.memory_space<vmem>> -> memref<1x2x80xi32, #tpu.memory_space<vmem>>
    %dma_start3A_50 = tpu.memref_squeeze %dma_start3A_49 : memref<1x2x80xi32, #tpu.memory_space<vmem>> -> memref<2x80xi32, #tpu.memory_space<vmem>>
    %dma_start3A_51 = arith.constant 0 : i32
    %dma_start3A_52 = arith.constant 0 : i32
    %dma_start3A_53 = tpu.memref_slice %arg3[%add3A, %dma_start3A_34, %dma_start3A_51, %dma_start3A_52] : memref<32x125x2x80xi32, #tpu.memory_space<hbm>> -> memref<1x1x2x80xi32, #tpu.memory_space<hbm>>
    %dma_start3A_54 = tpu.memref_squeeze %dma_start3A_53 : memref<1x1x2x80xi32, #tpu.memory_space<hbm>> -> memref<2x80xi32, #tpu.memory_space<hbm>>
    tpu.enqueue_dma source(%dma_start3A_54 : memref<2x80xi32, #tpu.memory_space<hbm>>) target(%dma_start3A_50 : memref<2x80xi32, #tpu.memory_space<vmem>>) target_semaphore(%dma_start3A_46 : memref<!tpu.dma_semaphore, #tpu.memory_space<semaphore_mem>>)
    %dma_start3A_55 = arith.constant 2 : i32
    %dma_start3A_56 = arith.constant 2 : i32
    %dma_start3A_57 = arith.constant 2 : i32
    %dma_start3A_58 = arith.constant 0 : i32
    %dma_start3A_59 = arith.constant 0 : i32
    %dma_start3A_60 = tpu.memref_slice %arg6[%dma_start3A_56, %dma_start3A_58, %dma_start3A_59] : memref<5x2x80xi32, #tpu.memory_space<vmem>> -> memref<1x2x80xi32, #tpu.memory_space<vmem>>
    %dma_start3A_61 = tpu.memref_squeeze %dma_start3A_60 : memref<1x2x80xi32, #tpu.memory_space<vmem>> -> memref<2x80xi32, #tpu.memory_space<vmem>>
    %dma_start3A_62 = arith.constant 0 : i32
    %dma_start3A_63 = arith.constant 0 : i32
    %dma_start3A_64 = tpu.memref_slice %arg3[%add3A, %dma_start3A_55, %dma_start3A_62, %dma_start3A_63] : memref<32x125x2x80xi32, #tpu.memory_space<hbm>> -> memref<1x1x2x80xi32, #tpu.memory_space<hbm>>
    %dma_start3A_65 = tpu.memref_squeeze %dma_start3A_64 : memref<1x1x2x80xi32, #tpu.memory_space<hbm>> -> memref<2x80xi32, #tpu.memory_space<hbm>>
    %dma_start3A_66 = tpu.memref_slice %arg9[%dma_start3A_57] : memref<5x!tpu.dma_semaphore, #tpu.memory_space<semaphore_mem>> -> memref<1x!tpu.dma_semaphore, #tpu.memory_space<semaphore_mem>>
    %dma_start3A_67 = tpu.memref_squeeze %dma_start3A_66 : memref<1x!tpu.dma_semaphore, #tpu.memory_space<semaphore_mem>> -> memref<!tpu.dma_semaphore, #tpu.memory_space<semaphore_mem>>
    %dma_start3A_68 = arith.constant 0 : i32
    %dma_start3A_69 = arith.constant 0 : i32
    %dma_start3A_70 = tpu.memref_slice %arg6[%dma_start3A_56, %dma_start3A_68, %dma_start3A_69] : memref<5x2x80xi32, #tpu.memory_space<vmem>> -> memref<1x2x80xi32, #tpu.memory_space<vmem>>
    %dma_start3A_71 = tpu.memref_squeeze %dma_start3A_70 : memref<1x2x80xi32, #tpu.memory_space<vmem>> -> memref<2x80xi32, #tpu.memory_space<vmem>>
    %dma_start3A_72 = arith.constant 0 : i32
    %dma_start3A_73 = arith.constant 0 : i32
    %dma_start3A_74 = tpu.memref_slice %arg3[%add3A, %dma_start3A_55, %dma_start3A_72, %dma_start3A_73] : memref<32x125x2x80xi32, #tpu.memory_space<hbm>> -> memref<1x1x2x80xi32, #tpu.memory_space<hbm>>
    %dma_start3A_75 = tpu.memref_squeeze %dma_start3A_74 : memref<1x1x2x80xi32, #tpu.memory_space<hbm>> -> memref<2x80xi32, #tpu.memory_space<hbm>>
    tpu.enqueue_dma source(%dma_start3A_75 : memref<2x80xi32, #tpu.memory_space<hbm>>) target(%dma_start3A_71 : memref<2x80xi32, #tpu.memory_space<vmem>>) target_semaphore(%dma_start3A_67 : memref<!tpu.dma_semaphore, #tpu.memory_space<semaphore_mem>>)
    %dma_wait3A = arith.constant 0 : i32
    %dma_wait3A_76 = arith.constant 0 : i32
    %dma_wait3A_77 = arith.constant 0 : i32
    %dma_wait3A_78 = arith.constant 0 : i32
    %dma_wait3A_79 = arith.constant 0 : i32
    %dma_wait3A_80 = tpu.memref_slice %arg6[%dma_wait3A_76, %dma_wait3A_78, %dma_wait3A_79] : memref<5x2x80xi32, #tpu.memory_space<vmem>> -> memref<1x2x80xi32, #tpu.memory_space<vmem>>
    %dma_wait3A_81 = tpu.memref_squeeze %dma_wait3A_80 : memref<1x2x80xi32, #tpu.memory_space<vmem>> -> memref<2x80xi32, #tpu.memory_space<vmem>>
    %dma_wait3A_82 = arith.constant 0 : i32
    %dma_wait3A_83 = arith.constant 0 : i32
    %dma_wait3A_84 = tpu.memref_slice %arg3[%add3A, %dma_wait3A, %dma_wait3A_82, %dma_wait3A_83] : memref<32x125x2x80xi32, #tpu.memory_space<hbm>> -> memref<1x1x2x80xi32, #tpu.memory_space<hbm>>
    %dma_wait3A_85 = tpu.memref_squeeze %dma_wait3A_84 : memref<1x1x2x80xi32, #tpu.memory_space<hbm>> -> memref<2x80xi32, #tpu.memory_space<hbm>>
    %dma_wait3A_86 = tpu.memref_slice %arg9[%dma_wait3A_77] : memref<5x!tpu.dma_semaphore, #tpu.memory_space<semaphore_mem>> -> memref<1x!tpu.dma_semaphore, #tpu.memory_space<semaphore_mem>>
    %dma_wait3A_87 = tpu.memref_squeeze %dma_wait3A_86 : memref<1x!tpu.dma_semaphore, #tpu.memory_space<semaphore_mem>> -> memref<!tpu.dma_semaphore, #tpu.memory_space<semaphore_mem>>
    %dma_wait3A_88 = arith.constant 0 : i32
    %dma_wait3A_89 = arith.constant 0 : i32
    %dma_wait3A_90 = tpu.memref_slice %arg6[%dma_wait3A_76, %dma_wait3A_88, %dma_wait3A_89] : memref<5x2x80xi32, #tpu.memory_space<vmem>> -> memref<1x2x80xi32, #tpu.memory_space<vmem>>
    %dma_wait3A_91 = tpu.memref_squeeze %dma_wait3A_90 : memref<1x2x80xi32, #tpu.memory_space<vmem>> -> memref<2x80xi32, #tpu.memory_space<vmem>>
    %dma_wait3A_92 = arith.constant 0 : i32
    %dma_wait3A_93 = arith.constant 0 : i32
    %dma_wait3A_94 = tpu.memref_slice %arg3[%add3A, %dma_wait3A, %dma_wait3A_92, %dma_wait3A_93] : memref<32x125x2x80xi32, #tpu.memory_space<hbm>> -> memref<1x1x2x80xi32, #tpu.memory_space<hbm>>
    %dma_wait3A_95 = tpu.memref_squeeze %dma_wait3A_94 : memref<1x1x2x80xi32, #tpu.memory_space<hbm>> -> memref<2x80xi32, #tpu.memory_space<hbm>>
    tpu.wait_dma2 semaphore(%dma_wait3A_87 : memref<!tpu.dma_semaphore, #tpu.memory_space<semaphore_mem>>) src(%dma_wait3A_95 : memref<2x80xi32, #tpu.memory_space<hbm>>) dst(%dma_wait3A_91 : memref<2x80xi32, #tpu.memory_space<vmem>>)
    %dma_wait3A_96 = arith.constant 1 : i32
    %dma_wait3A_97 = arith.constant 1 : i32
    %dma_wait3A_98 = arith.constant 1 : i32
    %dma_wait3A_99 = arith.constant 0 : i32
    %dma_wait3A_100 = arith.constant 0 : i32
    %dma_wait3A_101 = tpu.memref_slice %arg6[%dma_wait3A_97, %dma_wait3A_99, %dma_wait3A_100] : memref<5x2x80xi32, #tpu.memory_space<vmem>> -> memref<1x2x80xi32, #tpu.memory_space<vmem>>
    %dma_wait3A_102 = tpu.memref_squeeze %dma_wait3A_101 : memref<1x2x80xi32, #tpu.memory_space<vmem>> -> memref<2x80xi32, #tpu.memory_space<vmem>>
    %dma_wait3A_103 = arith.constant 0 : i32
    %dma_wait3A_104 = arith.constant 0 : i32
    %dma_wait3A_105 = tpu.memref_slice %arg3[%add3A, %dma_wait3A_96, %dma_wait3A_103, %dma_wait3A_104] : memref<32x125x2x80xi32, #tpu.memory_space<hbm>> -> memref<1x1x2x80xi32, #tpu.memory_space<hbm>>
    %dma_wait3A_106 = tpu.memref_squeeze %dma_wait3A_105 : memref<1x1x2x80xi32, #tpu.memory_space<hbm>> -> memref<2x80xi32, #tpu.memory_space<hbm>>
    %dma_wait3A_107 = tpu.memref_slice %arg9[%dma_wait3A_98] : memref<5x!tpu.dma_semaphore, #tpu.memory_space<semaphore_mem>> -> memref<1x!tpu.dma_semaphore, #tpu.memory_space<semaphore_mem>>
    %dma_wait3A_108 = tpu.memref_squeeze %dma_wait3A_107 : memref<1x!tpu.dma_semaphore, #tpu.memory_space<semaphore_mem>> -> memref<!tpu.dma_semaphore, #tpu.memory_space<semaphore_mem>>
    %dma_wait3A_109 = arith.constant 0 : i32
    %dma_wait3A_110 = arith.constant 0 : i32
    %dma_wait3A_111 = tpu.memref_slice %arg6[%dma_wait3A_97, %dma_wait3A_109, %dma_wait3A_110] : memref<5x2x80xi32, #tpu.memory_space<vmem>> -> memref<1x2x80xi32, #tpu.memory_space<vmem>>
    %dma_wait3A_112 = tpu.memref_squeeze %dma_wait3A_111 : memref<1x2x80xi32, #tpu.memory_space<vmem>> -> memref<2x80xi32, #tpu.memory_space<vmem>>
    %dma_wait3A_113 = arith.constant 0 : i32
    %dma_wait3A_114 = arith.constant 0 : i32
    %dma_wait3A_115 = tpu.memref_slice %arg3[%add3A, %dma_wait3A_96, %dma_wait3A_113, %dma_wait3A_114] : memref<32x125x2x80xi32, #tpu.memory_space<hbm>> -> memref<1x1x2x80xi32, #tpu.memory_space<hbm>>
    %dma_wait3A_116 = tpu.memref_squeeze %dma_wait3A_115 : memref<1x1x2x80xi32, #tpu.memory_space<hbm>> -> memref<2x80xi32, #tpu.memory_space<hbm>>
    tpu.wait_dma2 semaphore(%dma_wait3A_108 : memref<!tpu.dma_semaphore, #tpu.memory_space<semaphore_mem>>) src(%dma_wait3A_116 : memref<2x80xi32, #tpu.memory_space<hbm>>) dst(%dma_wait3A_112 : memref<2x80xi32, #tpu.memory_space<vmem>>)
    %dma_wait3A_117 = arith.constant 2 : i32
    %dma_wait3A_118 = arith.constant 2 : i32
    %dma_wait3A_119 = arith.constant 2 : i32
    %dma_wait3A_120 = arith.constant 0 : i32
    %dma_wait3A_121 = arith.constant 0 : i32
    %dma_wait3A_122 = tpu.memref_slice %arg6[%dma_wait3A_118, %dma_wait3A_120, %dma_wait3A_121] : memref<5x2x80xi32, #tpu.memory_space<vmem>> -> memref<1x2x80xi32, #tpu.memory_space<vmem>>
    %dma_wait3A_123 = tpu.memref_squeeze %dma_wait3A_122 : memref<1x2x80xi32, #tpu.memory_space<vmem>> -> memref<2x80xi32, #tpu.memory_space<vmem>>
    %dma_wait3A_124 = arith.constant 0 : i32
    %dma_wait3A_125 = arith.constant 0 : i32
    %dma_wait3A_126 = tpu.memref_slice %arg3[%add3A, %dma_wait3A_117, %dma_wait3A_124, %dma_wait3A_125] : memref<32x125x2x80xi32, #tpu.memory_space<hbm>> -> memref<1x1x2x80xi32, #tpu.memory_space<hbm>>
    %dma_wait3A_127 = tpu.memref_squeeze %dma_wait3A_126 : memref<1x1x2x80xi32, #tpu.memory_space<hbm>> -> memref<2x80xi32, #tpu.memory_space<hbm>>
    %dma_wait3A_128 = tpu.memref_slice %arg9[%dma_wait3A_119] : memref<5x!tpu.dma_semaphore, #tpu.memory_space<semaphore_mem>> -> memref<1x!tpu.dma_semaphore, #tpu.memory_space<semaphore_mem>>
    %dma_wait3A_129 = tpu.memref_squeeze %dma_wait3A_128 : memref<1x!tpu.dma_semaphore, #tpu.memory_space<semaphore_mem>> -> memref<!tpu.dma_semaphore, #tpu.memory_space<semaphore_mem>>
    %dma_wait3A_130 = arith.constant 0 : i32
    %dma_wait3A_131 = arith.constant 0 : i32
    %dma_wait3A_132 = tpu.memref_slice %arg6[%dma_wait3A_118, %dma_wait3A_130, %dma_wait3A_131] : memref<5x2x80xi32, #tpu.memory_space<vmem>> -> memref<1x2x80xi32, #tpu.memory_space<vmem>>
    %dma_wait3A_133 = tpu.memref_squeeze %dma_wait3A_132 : memref<1x2x80xi32, #tpu.memory_space<vmem>> -> memref<2x80xi32, #tpu.memory_space<vmem>>
    %dma_wait3A_134 = arith.constant 0 : i32
    %dma_wait3A_135 = arith.constant 0 : i32
    %dma_wait3A_136 = tpu.memref_slice %arg3[%add3A, %dma_wait3A_117, %dma_wait3A_134, %dma_wait3A_135] : memref<32x125x2x80xi32, #tpu.memory_space<hbm>> -> memref<1x1x2x80xi32, #tpu.memory_space<hbm>>
    %dma_wait3A_137 = tpu.memref_squeeze %dma_wait3A_136 : memref<1x1x2x80xi32, #tpu.memory_space<hbm>> -> memref<2x80xi32, #tpu.memory_space<hbm>>
    tpu.wait_dma2 semaphore(%dma_wait3A_129 : memref<!tpu.dma_semaphore, #tpu.memory_space<semaphore_mem>>) src(%dma_wait3A_137 : memref<2x80xi32, #tpu.memory_space<hbm>>) dst(%dma_wait3A_133 : memref<2x80xi32, #tpu.memory_space<vmem>>)
    %dma_start3A_138 = arith.constant 0 : i32
    %dma_start3A_139 = arith.constant 0 : i32
    %dma_start3A_140 = arith.constant 0 : i32
    %dma_start3A_141 = arith.constant 0 : i32
    %dma_start3A_142 = arith.constant 0 : i32
    %dma_start3A_143 = arith.constant 0 : i32
    %dma_start3A_144 = tpu.memref_slice %arg7[%dma_start3A_140, %dma_start3A_142, %dma_start3A_143] : memref<4x80x128xf32, #tpu.memory_space<vmem>> -> memref<1x80x128xf32, #tpu.memory_space<vmem>>
    %dma_start3A_145 = tpu.memref_squeeze %dma_start3A_144 : memref<1x80x128xf32, #tpu.memory_space<vmem>> -> memref<80x128xf32, #tpu.memory_space<vmem>>
    %dma_start3A_146 = arith.constant 0 : i32
    %dma_start3A_147 = tpu.memref_slice %arg6[%dma_start3A_138, %dma_start3A_139, %dma_start3A_146] : memref<5x2x80xi32, #tpu.memory_space<vmem>> -> memref<1x1x80xi32, #tpu.memory_space<vmem>>
    %dma_start3A_148 = tpu.memref_squeeze %dma_start3A_147 : memref<1x1x80xi32, #tpu.memory_space<vmem>> -> memref<80xi32, #tpu.memory_space<vmem>>
    %dma_start3A_149 = arith.constant 0 : i32
    %dma_start3A_150 = arith.constant 0 : i32
    %dma_start3A_151 = tpu.memref_slice %arg2[%dma_start3A_149, %dma_start3A_150] : memref<10000x128xf32, #tpu.memory_space<hbm>> -> memref<10000x128xf32, #tpu.memory_space<hbm>>
    %dma_start3A_152 = tpu.memref_slice %arg10[%dma_start3A_141] : memref<4x!tpu.dma_semaphore, #tpu.memory_space<semaphore_mem>> -> memref<1x!tpu.dma_semaphore, #tpu.memory_space<semaphore_mem>>
    %dma_start3A_153 = tpu.memref_squeeze %dma_start3A_152 : memref<1x!tpu.dma_semaphore, #tpu.memory_space<semaphore_mem>> -> memref<!tpu.dma_semaphore, #tpu.memory_space<semaphore_mem>>
    tpu.enqueue_indirect_dma source(%dma_start3A_151 : memref<10000x128xf32, #tpu.memory_space<hbm>>) target(%dma_start3A_145 : memref<80x128xf32, #tpu.memory_space<vmem>>) offsets(%dma_start3A_148 : memref<80xi32, #tpu.memory_space<vmem>>) semaphore(%dma_start3A_153 : memref<!tpu.dma_semaphore, #tpu.memory_space<semaphore_mem>>)
    %dma_start3A_154 = arith.constant 1 : i32
    %dma_start3A_155 = arith.constant 0 : i32
    %dma_start3A_156 = arith.constant 1 : i32
    %dma_start3A_157 = arith.constant 1 : i32
    %dma_start3A_158 = arith.constant 0 : i32
    %dma_start3A_159 = arith.constant 0 : i32
    %dma_start3A_160 = tpu.memref_slice %arg7[%dma_start3A_156, %dma_start3A_158, %dma_start3A_159] : memref<4x80x128xf32, #tpu.memory_space<vmem>> -> memref<1x80x128xf32, #tpu.memory_space<vmem>>
    %dma_start3A_161 = tpu.memref_squeeze %dma_start3A_160 : memref<1x80x128xf32, #tpu.memory_space<vmem>> -> memref<80x128xf32, #tpu.memory_space<vmem>>
    %dma_start3A_162 = arith.constant 0 : i32
    %dma_start3A_163 = tpu.memref_slice %arg6[%dma_start3A_154, %dma_start3A_155, %dma_start3A_162] : memref<5x2x80xi32, #tpu.memory_space<vmem>> -> memref<1x1x80xi32, #tpu.memory_space<vmem>>
    %dma_start3A_164 = tpu.memref_squeeze %dma_start3A_163 : memref<1x1x80xi32, #tpu.memory_space<vmem>> -> memref<80xi32, #tpu.memory_space<vmem>>
    %dma_start3A_165 = arith.constant 0 : i32
    %dma_start3A_166 = arith.constant 0 : i32
    %dma_start3A_167 = tpu.memref_slice %arg2[%dma_start3A_165, %dma_start3A_166] : memref<10000x128xf32, #tpu.memory_space<hbm>> -> memref<10000x128xf32, #tpu.memory_space<hbm>>
    %dma_start3A_168 = tpu.memref_slice %arg10[%dma_start3A_157] : memref<4x!tpu.dma_semaphore, #tpu.memory_space<semaphore_mem>> -> memref<1x!tpu.dma_semaphore, #tpu.memory_space<semaphore_mem>>
    %dma_start3A_169 = tpu.memref_squeeze %dma_start3A_168 : memref<1x!tpu.dma_semaphore, #tpu.memory_space<semaphore_mem>> -> memref<!tpu.dma_semaphore, #tpu.memory_space<semaphore_mem>>
    tpu.enqueue_indirect_dma source(%dma_start3A_167 : memref<10000x128xf32, #tpu.memory_space<hbm>>) target(%dma_start3A_161 : memref<80x128xf32, #tpu.memory_space<vmem>>) offsets(%dma_start3A_164 : memref<80xi32, #tpu.memory_space<vmem>>) semaphore(%dma_start3A_169 : memref<!tpu.dma_semaphore, #tpu.memory_space<semaphore_mem>>)
    %dma_start3A_170 = arith.constant 2 : i32
    %dma_start3A_171 = arith.constant 0 : i32
    %dma_start3A_172 = arith.constant 2 : i32
    %dma_start3A_173 = arith.constant 2 : i32
    %dma_start3A_174 = arith.constant 0 : i32
    %dma_start3A_175 = arith.constant 0 : i32
    %dma_start3A_176 = tpu.memref_slice %arg7[%dma_start3A_172, %dma_start3A_174, %dma_start3A_175] : memref<4x80x128xf32, #tpu.memory_space<vmem>> -> memref<1x80x128xf32, #tpu.memory_space<vmem>>
    %dma_start3A_177 = tpu.memref_squeeze %dma_start3A_176 : memref<1x80x128xf32, #tpu.memory_space<vmem>> -> memref<80x128xf32, #tpu.memory_space<vmem>>
    %dma_start3A_178 = arith.constant 0 : i32
    %dma_start3A_179 = tpu.memref_slice %arg6[%dma_start3A_170, %dma_start3A_171, %dma_start3A_178] : memref<5x2x80xi32, #tpu.memory_space<vmem>> -> memref<1x1x80xi32, #tpu.memory_space<vmem>>
    %dma_start3A_180 = tpu.memref_squeeze %dma_start3A_179 : memref<1x1x80xi32, #tpu.memory_space<vmem>> -> memref<80xi32, #tpu.memory_space<vmem>>
    %dma_start3A_181 = arith.constant 0 : i32
    %dma_start3A_182 = arith.constant 0 : i32
    %dma_start3A_183 = tpu.memref_slice %arg2[%dma_start3A_181, %dma_start3A_182] : memref<10000x128xf32, #tpu.memory_space<hbm>> -> memref<10000x128xf32, #tpu.memory_space<hbm>>
    %dma_start3A_184 = tpu.memref_slice %arg10[%dma_start3A_173] : memref<4x!tpu.dma_semaphore, #tpu.memory_space<semaphore_mem>> -> memref<1x!tpu.dma_semaphore, #tpu.memory_space<semaphore_mem>>
    %dma_start3A_185 = tpu.memref_squeeze %dma_start3A_184 : memref<1x!tpu.dma_semaphore, #tpu.memory_space<semaphore_mem>> -> memref<!tpu.dma_semaphore, #tpu.memory_space<semaphore_mem>>
    tpu.enqueue_indirect_dma source(%dma_start3A_183 : memref<10000x128xf32, #tpu.memory_space<hbm>>) target(%dma_start3A_177 : memref<80x128xf32, #tpu.memory_space<vmem>>) offsets(%dma_start3A_180 : memref<80xi32, #tpu.memory_space<vmem>>) semaphore(%dma_start3A_185 : memref<!tpu.dma_semaphore, #tpu.memory_space<semaphore_mem>>)
    %dma_start3A_186 = arith.constant 3 : i32
    %dma_start3A_187 = arith.constant 3 : i32
    %dma_start3A_188 = arith.constant 3 : i32
    %dma_start3A_189 = arith.constant 0 : i32
    %dma_start3A_190 = arith.constant 0 : i32
    %dma_start3A_191 = tpu.memref_slice %arg6[%dma_start3A_187, %dma_start3A_189, %dma_start3A_190] : memref<5x2x80xi32, #tpu.memory_space<vmem>> -> memref<1x2x80xi32, #tpu.memory_space<vmem>>
    %dma_start3A_192 = tpu.memref_squeeze %dma_start3A_191 : memref<1x2x80xi32, #tpu.memory_space<vmem>> -> memref<2x80xi32, #tpu.memory_space<vmem>>
    %dma_start3A_193 = arith.constant 0 : i32
    %dma_start3A_194 = arith.constant 0 : i32
    %dma_start3A_195 = tpu.memref_slice %arg3[%add3A, %dma_start3A_186, %dma_start3A_193, %dma_start3A_194] : memref<32x125x2x80xi32, #tpu.memory_space<hbm>> -> memref<1x1x2x80xi32, #tpu.memory_space<hbm>>
    %dma_start3A_196 = tpu.memref_squeeze %dma_start3A_195 : memref<1x1x2x80xi32, #tpu.memory_space<hbm>> -> memref<2x80xi32, #tpu.memory_space<hbm>>
    %dma_start3A_197 = tpu.memref_slice %arg9[%dma_start3A_188] : memref<5x!tpu.dma_semaphore, #tpu.memory_space<semaphore_mem>> -> memref<1x!tpu.dma_semaphore, #tpu.memory_space<semaphore_mem>>
    %dma_start3A_198 = tpu.memref_squeeze %dma_start3A_197 : memref<1x!tpu.dma_semaphore, #tpu.memory_space<semaphore_mem>> -> memref<!tpu.dma_semaphore, #tpu.memory_space<semaphore_mem>>
    %dma_start3A_199 = arith.constant 0 : i32
    %dma_start3A_200 = arith.constant 0 : i32
    %dma_start3A_201 = tpu.memref_slice %arg6[%dma_start3A_187, %dma_start3A_199, %dma_start3A_200] : memref<5x2x80xi32, #tpu.memory_space<vmem>> -> memref<1x2x80xi32, #tpu.memory_space<vmem>>
    %dma_start3A_202 = tpu.memref_squeeze %dma_start3A_201 : memref<1x2x80xi32, #tpu.memory_space<vmem>> -> memref<2x80xi32, #tpu.memory_space<vmem>>
    %dma_start3A_203 = arith.constant 0 : i32
    %dma_start3A_204 = arith.constant 0 : i32
    %dma_start3A_205 = tpu.memref_slice %arg3[%add3A, %dma_start3A_186, %dma_start3A_203, %dma_start3A_204] : memref<32x125x2x80xi32, #tpu.memory_space<hbm>> -> memref<1x1x2x80xi32, #tpu.memory_space<hbm>>
    %dma_start3A_206 = tpu.memref_squeeze %dma_start3A_205 : memref<1x1x2x80xi32, #tpu.memory_space<hbm>> -> memref<2x80xi32, #tpu.memory_space<hbm>>
    tpu.enqueue_dma source(%dma_start3A_206 : memref<2x80xi32, #tpu.memory_space<hbm>>) target(%dma_start3A_202 : memref<2x80xi32, #tpu.memory_space<vmem>>) target_semaphore(%dma_start3A_198 : memref<!tpu.dma_semaphore, #tpu.memory_space<semaphore_mem>>)
    %mul3A_207 = arith.constant 624 : i32
    %mul3A_208 = arith.muli %arg1, %mul3A_207 : i32
    %mul3A_209 = arith.constant 624 : i32
    %mul3A_210 = arith.muli %arg1, %mul3A_209 : i32
    %dma_wait3A_211 = arith.constant 0 : i32
    %dma_wait3A_212 = tpu.memref_slice %arg12[%dma_wait3A_211] : memref<2x!tpu.dma_semaphore, #tpu.memory_space<semaphore_mem>> -> memref<1x!tpu.dma_semaphore, #tpu.memory_space<semaphore_mem>>
    %dma_wait3A_213 = tpu.memref_squeeze %dma_wait3A_212 : memref<1x!tpu.dma_semaphore, #tpu.memory_space<semaphore_mem>> -> memref<!tpu.dma_semaphore, #tpu.memory_space<semaphore_mem>>
    %dma_wait3A_214 = arith.constant 0 : i32
    %dma_wait3A_215 = tpu.memref_slice %arg8[%mul3A_210, %dma_wait3A_214] : memref<10016x128xf32, #tpu.memory_space<vmem_shared>> -> memref<624x128xf32, #tpu.memory_space<vmem_shared>>
    %dma_wait3A_216 = arith.constant 0 : i32
    %dma_wait3A_217 = tpu.memref_slice %arg4[%mul3A_208, %dma_wait3A_216] : memref<10000x128xf32, #tpu.memory_space<hbm>> -> memref<624x128xf32, #tpu.memory_space<hbm>>
    tpu.wait_dma2 semaphore(%dma_wait3A_213 : memref<!tpu.dma_semaphore, #tpu.memory_space<semaphore_mem>>) src(%dma_wait3A_217 : memref<624x128xf32, #tpu.memory_space<hbm>>) dst(%dma_wait3A_215 : memref<624x128xf32, #tpu.memory_space<vmem_shared>>)
    %eq3A_218 = arith.constant 15 : i32
    %eq3A_219 = arith.cmpi eq, %arg1, %eq3A_218 : i32
    %convert_element_type3A_220 = arith.extui %eq3A_219 : i1 to i32
    %cond3A_221 = arith.constant 0 : i32
    %cond3A_222 = arith.cmpi ne, %convert_element_type3A_220, %cond3A_221 : i32
    scf.if %cond3A_222 {
      %dma_wait3A_302 = arith.constant 1 : i32
      %dma_wait3A_303 = tpu.memref_slice %arg12[%dma_wait3A_302] : memref<2x!tpu.dma_semaphore, #tpu.memory_space<semaphore_mem>> -> memref<1x!tpu.dma_semaphore, #tpu.memory_space<semaphore_mem>>
      %dma_wait3A_304 = tpu.memref_squeeze %dma_wait3A_303 : memref<1x!tpu.dma_semaphore, #tpu.memory_space<semaphore_mem>> -> memref<!tpu.dma_semaphore, #tpu.memory_space<semaphore_mem>>
      %dma_wait3A_305 = arith.constant 9984 : i32
      %dma_wait3A_306 = arith.constant 0 : i32
      %dma_wait3A_307 = tpu.memref_slice %arg8[%dma_wait3A_305, %dma_wait3A_306] : memref<10016x128xf32, #tpu.memory_space<vmem_shared>> -> memref<16x128xf32, #tpu.memory_space<vmem_shared>>
      %dma_wait3A_308 = arith.constant 9984 : i32
      %dma_wait3A_309 = arith.constant 0 : i32
      %dma_wait3A_310 = tpu.memref_slice %arg4[%dma_wait3A_308, %dma_wait3A_309] : memref<10000x128xf32, #tpu.memory_space<hbm>> -> memref<16x128xf32, #tpu.memory_space<hbm>>
      tpu.wait_dma2 semaphore(%dma_wait3A_304 : memref<!tpu.dma_semaphore, #tpu.memory_space<semaphore_mem>>) src(%dma_wait3A_310 : memref<16x128xf32, #tpu.memory_space<hbm>>) dst(%dma_wait3A_307 : memref<16x128xf32, #tpu.memory_space<vmem_shared>>)
    } else {
    }
    %barrier3A = arith.constant 0 : index
    tpu.barrier barrier_id(%barrier3A)
    %scan3A = arith.constant 0 : i32
    %scan3A_223 = arith.constant 0 : i32
    %scan3A_224 = arith.constant 125 : i32
    %scan3A_225 = arith.addi %scan3A_223, %scan3A_224 : i32
    %scan3A_226 = arith.constant 1 : i32
    scf.for %scan3A_302 = %scan3A_223 to %scan3A_225 step %scan3A_226  : i32 {
      %rem3A = arith.constant 4 : i32
      %rem3A_303 = arith.remsi %scan3A_302, %rem3A : i32
      %rem3A_304 = arith.constant 5 : i32
      %rem3A_305 = arith.remsi %scan3A_302, %rem3A_304 : i32
      %dma_wait3A_306 = arith.constant 0 : i32
      %dma_wait3A_307 = arith.constant 0 : i32
      %dma_wait3A_308 = arith.constant 0 : i32
      %dma_wait3A_309 = arith.constant 0 : i32
      %dma_wait3A_310 = tpu.memref_slice %arg7[%rem3A_303, %dma_wait3A_308, %dma_wait3A_309] : memref<4x80x128xf32, #tpu.memory_space<vmem>> -> memref<1x80x128xf32, #tpu.memory_space<vmem>>
      %dma_wait3A_311 = tpu.memref_squeeze %dma_wait3A_310 : memref<1x80x128xf32, #tpu.memory_space<vmem>> -> memref<80x128xf32, #tpu.memory_space<vmem>>
      %dma_wait3A_312 = arith.constant 0 : i32
      %dma_wait3A_313 = tpu.memref_slice %arg6[%dma_wait3A_306, %dma_wait3A_307, %dma_wait3A_312] : memref<5x2x80xi32, #tpu.memory_space<vmem>> -> memref<1x1x80xi32, #tpu.memory_space<vmem>>
      %dma_wait3A_314 = tpu.memref_squeeze %dma_wait3A_313 : memref<1x1x80xi32, #tpu.memory_space<vmem>> -> memref<80xi32, #tpu.memory_space<vmem>>
      %dma_wait3A_315 = arith.constant 0 : i32
      %dma_wait3A_316 = arith.constant 0 : i32
      %dma_wait3A_317 = tpu.memref_slice %arg2[%dma_wait3A_315, %dma_wait3A_316] : memref<10000x128xf32, #tpu.memory_space<hbm>> -> memref<10000x128xf32, #tpu.memory_space<hbm>>
      %dma_wait3A_318 = tpu.memref_slice %arg10[%rem3A_303] : memref<4x!tpu.dma_semaphore, #tpu.memory_space<semaphore_mem>> -> memref<1x!tpu.dma_semaphore, #tpu.memory_space<semaphore_mem>>
      %dma_wait3A_319 = tpu.memref_squeeze %dma_wait3A_318 : memref<1x!tpu.dma_semaphore, #tpu.memory_space<semaphore_mem>> -> memref<!tpu.dma_semaphore, #tpu.memory_space<semaphore_mem>>
      tpu.wait_indirect_dma semaphore(%dma_wait3A_319 : memref<!tpu.dma_semaphore, #tpu.memory_space<semaphore_mem>>) src(%dma_wait3A_317 : memref<10000x128xf32, #tpu.memory_space<hbm>>) dst(%dma_wait3A_311 : memref<80x128xf32, #tpu.memory_space<vmem>>)
      %dma_start3A_320 = arith.constant 1 : i32
      %dma_start3A_321 = arith.constant 0 : i32
      %dma_start3A_322 = arith.constant 0 : i32
      %dma_start3A_323 = tpu.memref_slice %arg7[%rem3A_303, %dma_start3A_321, %dma_start3A_322] : memref<4x80x128xf32, #tpu.memory_space<vmem>> -> memref<1x80x128xf32, #tpu.memory_space<vmem>>
      %dma_start3A_324 = tpu.memref_squeeze %dma_start3A_323 : memref<1x80x128xf32, #tpu.memory_space<vmem>> -> memref<80x128xf32, #tpu.memory_space<vmem>>
      %dma_start3A_325 = arith.constant 0 : i32
      %dma_start3A_326 = tpu.memref_slice %arg6[%rem3A_305, %dma_start3A_320, %dma_start3A_325] : memref<5x2x80xi32, #tpu.memory_space<vmem>> -> memref<1x1x80xi32, #tpu.memory_space<vmem>>
      %dma_start3A_327 = tpu.memref_squeeze %dma_start3A_326 : memref<1x1x80xi32, #tpu.memory_space<vmem>> -> memref<80xi32, #tpu.memory_space<vmem>>
      %dma_start3A_328 = arith.constant 0 : i32
      %dma_start3A_329 = arith.constant 0 : i32
      %dma_start3A_330 = tpu.memref_slice %arg8[%dma_start3A_328, %dma_start3A_329] : memref<10016x128xf32, #tpu.memory_space<vmem_shared>> -> memref<10016x128xf32, #tpu.memory_space<vmem_shared>>
      %dma_start3A_331 = tpu.memref_slice %arg11[%rem3A_303] : memref<4x!tpu.dma_semaphore, #tpu.memory_space<semaphore_mem>> -> memref<1x!tpu.dma_semaphore, #tpu.memory_space<semaphore_mem>>
      %dma_start3A_332 = tpu.memref_squeeze %dma_start3A_331 : memref<1x!tpu.dma_semaphore, #tpu.memory_space<semaphore_mem>> -> memref<!tpu.dma_semaphore, #tpu.memory_space<semaphore_mem>>
      tpu.enqueue_indirect_dma source(%dma_start3A_324 : memref<80x128xf32, #tpu.memory_space<vmem>>) target(%dma_start3A_330 : memref<10016x128xf32, #tpu.memory_space<vmem_shared>>) offsets(%dma_start3A_327 : memref<80xi32, #tpu.memory_space<vmem>>) semaphore(%dma_start3A_332 : memref<!tpu.dma_semaphore, #tpu.memory_space<semaphore_mem>>) {add = true}
      %add3A_333 = arith.constant 3 : i32
      %add3A_334 = arith.addi %scan3A_302, %add3A_333 : i32
      %lt3A = arith.constant 125 : i32
      %lt3A_335 = arith.cmpi slt, %add3A_334, %lt3A : i32
      %convert_element_type3A_336 = arith.extui %lt3A_335 : i1 to i32
      %cond3A_337 = arith.constant 0 : i32
      %cond3A_338 = arith.cmpi ne, %convert_element_type3A_336, %cond3A_337 : i32
      scf.if %cond3A_338 {
        %add3A_348 = arith.constant 3 : i32
        %add3A_349 = arith.addi %scan3A_302, %add3A_348 : i32
        %rem3A_350 = arith.constant 4 : i32
        %rem3A_351 = arith.remsi %add3A_349, %rem3A_350 : i32
        %ge3A = arith.constant 1 : i32
        %ge3A_352 = arith.cmpi sge, %scan3A_302, %ge3A : i32
        %convert_element_type3A_353 = arith.extui %ge3A_352 : i1 to i32
        %cond3A_354 = arith.constant 0 : i32
        %cond3A_355 = arith.cmpi ne, %convert_element_type3A_353, %cond3A_354 : i32
        scf.if %cond3A_355 {
          %dma_wait3A_390 = arith.constant 0 : i32
          %dma_wait3A_391 = arith.constant 1 : i32
          %dma_wait3A_392 = arith.constant 0 : i32
          %dma_wait3A_393 = arith.constant 0 : i32
          %dma_wait3A_394 = tpu.memref_slice %arg7[%rem3A_351, %dma_wait3A_392, %dma_wait3A_393] : memref<4x80x128xf32, #tpu.memory_space<vmem>> -> memref<1x80x128xf32, #tpu.memory_space<vmem>>
          %dma_wait3A_395 = tpu.memref_squeeze %dma_wait3A_394 : memref<1x80x128xf32, #tpu.memory_space<vmem>> -> memref<80x128xf32, #tpu.memory_space<vmem>>
          %dma_wait3A_396 = arith.constant 0 : i32
          %dma_wait3A_397 = tpu.memref_slice %arg6[%dma_wait3A_390, %dma_wait3A_391, %dma_wait3A_396] : memref<5x2x80xi32, #tpu.memory_space<vmem>> -> memref<1x1x80xi32, #tpu.memory_space<vmem>>
          %dma_wait3A_398 = tpu.memref_squeeze %dma_wait3A_397 : memref<1x1x80xi32, #tpu.memory_space<vmem>> -> memref<80xi32, #tpu.memory_space<vmem>>
          %dma_wait3A_399 = arith.constant 0 : i32
          %dma_wait3A_400 = arith.constant 0 : i32
          %dma_wait3A_401 = tpu.memref_slice %arg8[%dma_wait3A_399, %dma_wait3A_400] : memref<10016x128xf32, #tpu.memory_space<vmem_shared>> -> memref<10016x128xf32, #tpu.memory_space<vmem_shared>>
          %dma_wait3A_402 = tpu.memref_slice %arg11[%rem3A_351] : memref<4x!tpu.dma_semaphore, #tpu.memory_space<semaphore_mem>> -> memref<1x!tpu.dma_semaphore, #tpu.memory_space<semaphore_mem>>
          %dma_wait3A_403 = tpu.memref_squeeze %dma_wait3A_402 : memref<1x!tpu.dma_semaphore, #tpu.memory_space<semaphore_mem>> -> memref<!tpu.dma_semaphore, #tpu.memory_space<semaphore_mem>>
          tpu.wait_indirect_dma semaphore(%dma_wait3A_403 : memref<!tpu.dma_semaphore, #tpu.memory_space<semaphore_mem>>) src(%dma_wait3A_395 : memref<80x128xf32, #tpu.memory_space<vmem>>) dst(%dma_wait3A_401 : memref<10016x128xf32, #tpu.memory_space<vmem_shared>>)
        } else {
        }
        %rem3A_356 = arith.constant 5 : i32
        %rem3A_357 = arith.remsi %add3A_349, %rem3A_356 : i32
        %dma_wait3A_358 = arith.constant 0 : i32
        %dma_wait3A_359 = arith.constant 0 : i32
        %dma_wait3A_360 = arith.constant 0 : i32
        %dma_wait3A_361 = tpu.memref_slice %arg6[%rem3A_357, %dma_wait3A_359, %dma_wait3A_360] : memref<5x2x80xi32, #tpu.memory_space<vmem>> -> memref<1x2x80xi32, #tpu.memory_space<vmem>>
        %dma_wait3A_362 = tpu.memref_squeeze %dma_wait3A_361 : memref<1x2x80xi32, #tpu.memory_space<vmem>> -> memref<2x80xi32, #tpu.memory_space<vmem>>
        %dma_wait3A_363 = arith.constant 0 : i32
        %dma_wait3A_364 = arith.constant 0 : i32
        %dma_wait3A_365 = tpu.memref_slice %arg3[%add3A, %dma_wait3A_358, %dma_wait3A_363, %dma_wait3A_364] : memref<32x125x2x80xi32, #tpu.memory_space<hbm>> -> memref<1x1x2x80xi32, #tpu.memory_space<hbm>>
        %dma_wait3A_366 = tpu.memref_squeeze %dma_wait3A_365 : memref<1x1x2x80xi32, #tpu.memory_space<hbm>> -> memref<2x80xi32, #tpu.memory_space<hbm>>
        %dma_wait3A_367 = tpu.memref_slice %arg9[%rem3A_357] : memref<5x!tpu.dma_semaphore, #tpu.memory_space<semaphore_mem>> -> memref<1x!tpu.dma_semaphore, #tpu.memory_space<semaphore_mem>>
        %dma_wait3A_368 = tpu.memref_squeeze %dma_wait3A_367 : memref<1x!tpu.dma_semaphore, #tpu.memory_space<semaphore_mem>> -> memref<!tpu.dma_semaphore, #tpu.memory_space<semaphore_mem>>
        %dma_wait3A_369 = arith.constant 0 : i32
        %dma_wait3A_370 = arith.constant 0 : i32
        %dma_wait3A_371 = tpu.memref_slice %arg6[%rem3A_357, %dma_wait3A_369, %dma_wait3A_370] : memref<5x2x80xi32, #tpu.memory_space<vmem>> -> memref<1x2x80xi32, #tpu.memory_space<vmem>>
        %dma_wait3A_372 = tpu.memref_squeeze %dma_wait3A_371 : memref<1x2x80xi32, #tpu.memory_space<vmem>> -> memref<2x80xi32, #tpu.memory_space<vmem>>
        %dma_wait3A_373 = arith.constant 0 : i32
        %dma_wait3A_374 = arith.constant 0 : i32
        %dma_wait3A_375 = tpu.memref_slice %arg3[%add3A, %dma_wait3A_358, %dma_wait3A_373, %dma_wait3A_374] : memref<32x125x2x80xi32, #tpu.memory_space<hbm>> -> memref<1x1x2x80xi32, #tpu.memory_space<hbm>>
        %dma_wait3A_376 = tpu.memref_squeeze %dma_wait3A_375 : memref<1x1x2x80xi32, #tpu.memory_space<hbm>> -> memref<2x80xi32, #tpu.memory_space<hbm>>
        tpu.wait_dma2 semaphore(%dma_wait3A_368 : memref<!tpu.dma_semaphore, #tpu.memory_space<semaphore_mem>>) src(%dma_wait3A_376 : memref<2x80xi32, #tpu.memory_space<hbm>>) dst(%dma_wait3A_372 : memref<2x80xi32, #tpu.memory_space<vmem>>)
        %dma_start3A_377 = arith.constant 0 : i32
        %dma_start3A_378 = arith.constant 0 : i32
        %dma_start3A_379 = arith.constant 0 : i32
        %dma_start3A_380 = tpu.memref_slice %arg7[%rem3A_351, %dma_start3A_378, %dma_start3A_379] : memref<4x80x128xf32, #tpu.memory_space<vmem>> -> memref<1x80x128xf32, #tpu.memory_space<vmem>>
        %dma_start3A_381 = tpu.memref_squeeze %dma_start3A_380 : memref<1x80x128xf32, #tpu.memory_space<vmem>> -> memref<80x128xf32, #tpu.memory_space<vmem>>
        %dma_start3A_382 = arith.constant 0 : i32
        %dma_start3A_383 = tpu.memref_slice %arg6[%rem3A_357, %dma_start3A_377, %dma_start3A_382] : memref<5x2x80xi32, #tpu.memory_space<vmem>> -> memref<1x1x80xi32, #tpu.memory_space<vmem>>
        %dma_start3A_384 = tpu.memref_squeeze %dma_start3A_383 : memref<1x1x80xi32, #tpu.memory_space<vmem>> -> memref<80xi32, #tpu.memory_space<vmem>>
        %dma_start3A_385 = arith.constant 0 : i32
        %dma_start3A_386 = arith.constant 0 : i32
        %dma_start3A_387 = tpu.memref_slice %arg2[%dma_start3A_385, %dma_start3A_386] : memref<10000x128xf32, #tpu.memory_space<hbm>> -> memref<10000x128xf32, #tpu.memory_space<hbm>>
        %dma_start3A_388 = tpu.memref_slice %arg10[%rem3A_351] : memref<4x!tpu.dma_semaphore, #tpu.memory_space<semaphore_mem>> -> memref<1x!tpu.dma_semaphore, #tpu.memory_space<semaphore_mem>>
        %dma_start3A_389 = tpu.memref_squeeze %dma_start3A_388 : memref<1x!tpu.dma_semaphore, #tpu.memory_space<semaphore_mem>> -> memref<!tpu.dma_semaphore, #tpu.memory_space<semaphore_mem>>
        tpu.enqueue_indirect_dma source(%dma_start3A_387 : memref<10000x128xf32, #tpu.memory_space<hbm>>) target(%dma_start3A_381 : memref<80x128xf32, #tpu.memory_space<vmem>>) offsets(%dma_start3A_384 : memref<80xi32, #tpu.memory_space<vmem>>) semaphore(%dma_start3A_389 : memref<!tpu.dma_semaphore, #tpu.memory_space<semaphore_mem>>)
      } else {
      }
      %add3A_339 = arith.constant 3 : i32
      %add3A_340 = arith.addi %scan3A_302, %add3A_339 : i32
      %add3A_341 = arith.constant 1 : i32
      %add3A_342 = arith.addi %add3A_340, %add3A_341 : i32
      %lt3A_343 = arith.constant 125 : i32
      %lt3A_344 = arith.cmpi slt, %add3A_342, %lt3A_343 : i32
      %convert_element_type3A_345 = arith.extui %lt3A_344 : i1 to i32
      %cond3A_346 = arith.constant 0 : i32
      %cond3A_347 = arith.cmpi ne, %convert_element_type3A_345, %cond3A_346 : i32
      scf.if %cond3A_347 {
        %add3A_348 = arith.constant 3 : i32
        %add3A_349 = arith.addi %scan3A_302, %add3A_348 : i32
        %add3A_350 = arith.constant 1 : i32
        %add3A_351 = arith.addi %add3A_349, %add3A_350 : i32
        %rem3A_352 = arith.constant 5 : i32
        %rem3A_353 = arith.remsi %add3A_351, %rem3A_352 : i32
        %dma_start3A_354 = arith.constant 0 : i32
        %dma_start3A_355 = arith.constant 0 : i32
        %dma_start3A_356 = tpu.memref_slice %arg6[%rem3A_353, %dma_start3A_354, %dma_start3A_355] : memref<5x2x80xi32, #tpu.memory_space<vmem>> -> memref<1x2x80xi32, #tpu.memory_space<vmem>>
        %dma_start3A_357 = tpu.memref_squeeze %dma_start3A_356 : memref<1x2x80xi32, #tpu.memory_space<vmem>> -> memref<2x80xi32, #tpu.memory_space<vmem>>
        %dma_start3A_358 = arith.constant 0 : i32
        %dma_start3A_359 = arith.constant 0 : i32
        %dma_start3A_360 = tpu.memref_slice %arg3[%add3A, %add3A_351, %dma_start3A_358, %dma_start3A_359] : memref<32x125x2x80xi32, #tpu.memory_space<hbm>> -> memref<1x1x2x80xi32, #tpu.memory_space<hbm>>
        %dma_start3A_361 = tpu.memref_squeeze %dma_start3A_360 : memref<1x1x2x80xi32, #tpu.memory_space<hbm>> -> memref<2x80xi32, #tpu.memory_space<hbm>>
        %dma_start3A_362 = tpu.memref_slice %arg9[%rem3A_353] : memref<5x!tpu.dma_semaphore, #tpu.memory_space<semaphore_mem>> -> memref<1x!tpu.dma_semaphore, #tpu.memory_space<semaphore_mem>>
        %dma_start3A_363 = tpu.memref_squeeze %dma_start3A_362 : memref<1x!tpu.dma_semaphore, #tpu.memory_space<semaphore_mem>> -> memref<!tpu.dma_semaphore, #tpu.memory_space<semaphore_mem>>
        %dma_start3A_364 = arith.constant 0 : i32
        %dma_start3A_365 = arith.constant 0 : i32
        %dma_start3A_366 = tpu.memref_slice %arg6[%rem3A_353, %dma_start3A_364, %dma_start3A_365] : memref<5x2x80xi32, #tpu.memory_space<vmem>> -> memref<1x2x80xi32, #tpu.memory_space<vmem>>
        %dma_start3A_367 = tpu.memref_squeeze %dma_start3A_366 : memref<1x2x80xi32, #tpu.memory_space<vmem>> -> memref<2x80xi32, #tpu.memory_space<vmem>>
        %dma_start3A_368 = arith.constant 0 : i32
        %dma_start3A_369 = arith.constant 0 : i32
        %dma_start3A_370 = tpu.memref_slice %arg3[%add3A, %add3A_351, %dma_start3A_368, %dma_start3A_369] : memref<32x125x2x80xi32, #tpu.memory_space<hbm>> -> memref<1x1x2x80xi32, #tpu.memory_space<hbm>>
        %dma_start3A_371 = tpu.memref_squeeze %dma_start3A_370 : memref<1x1x2x80xi32, #tpu.memory_space<hbm>> -> memref<2x80xi32, #tpu.memory_space<hbm>>
        tpu.enqueue_dma source(%dma_start3A_371 : memref<2x80xi32, #tpu.memory_space<hbm>>) target(%dma_start3A_367 : memref<2x80xi32, #tpu.memory_space<vmem>>) target_semaphore(%dma_start3A_363 : memref<!tpu.dma_semaphore, #tpu.memory_space<semaphore_mem>>)
      } else {
      }
    }
    %scan3A_227 = arith.constant 125 : i32
    %dma_wait3A_228 = arith.constant 1 : i32
    %dma_wait3A_229 = arith.constant 0 : i32
    %dma_wait3A_230 = arith.constant 1 : i32
    %dma_wait3A_231 = arith.constant 1 : i32
    %dma_wait3A_232 = arith.constant 0 : i32
    %dma_wait3A_233 = arith.constant 0 : i32
    %dma_wait3A_234 = tpu.memref_slice %arg7[%dma_wait3A_228, %dma_wait3A_232, %dma_wait3A_233] : memref<4x80x128xf32, #tpu.memory_space<vmem>> -> memref<1x80x128xf32, #tpu.memory_space<vmem>>
    %dma_wait3A_235 = tpu.memref_squeeze %dma_wait3A_234 : memref<1x80x128xf32, #tpu.memory_space<vmem>> -> memref<80x128xf32, #tpu.memory_space<vmem>>
    %dma_wait3A_236 = arith.constant 0 : i32
    %dma_wait3A_237 = tpu.memref_slice %arg6[%dma_wait3A_229, %dma_wait3A_230, %dma_wait3A_236] : memref<5x2x80xi32, #tpu.memory_space<vmem>> -> memref<1x1x80xi32, #tpu.memory_space<vmem>>
    %dma_wait3A_238 = tpu.memref_squeeze %dma_wait3A_237 : memref<1x1x80xi32, #tpu.memory_space<vmem>> -> memref<80xi32, #tpu.memory_space<vmem>>
    %dma_wait3A_239 = arith.constant 0 : i32
    %dma_wait3A_240 = arith.constant 0 : i32
    %dma_wait3A_241 = tpu.memref_slice %arg8[%dma_wait3A_239, %dma_wait3A_240] : memref<10016x128xf32, #tpu.memory_space<vmem_shared>> -> memref<10016x128xf32, #tpu.memory_space<vmem_shared>>
    %dma_wait3A_242 = tpu.memref_slice %arg11[%dma_wait3A_231] : memref<4x!tpu.dma_semaphore, #tpu.memory_space<semaphore_mem>> -> memref<1x!tpu.dma_semaphore, #tpu.memory_space<semaphore_mem>>
    %dma_wait3A_243 = tpu.memref_squeeze %dma_wait3A_242 : memref<1x!tpu.dma_semaphore, #tpu.memory_space<semaphore_mem>> -> memref<!tpu.dma_semaphore, #tpu.memory_space<semaphore_mem>>
    tpu.wait_indirect_dma semaphore(%dma_wait3A_243 : memref<!tpu.dma_semaphore, #tpu.memory_space<semaphore_mem>>) src(%dma_wait3A_235 : memref<80x128xf32, #tpu.memory_space<vmem>>) dst(%dma_wait3A_241 : memref<10016x128xf32, #tpu.memory_space<vmem_shared>>)
    %dma_wait3A_244 = arith.constant 2 : i32
    %dma_wait3A_245 = arith.constant 0 : i32
    %dma_wait3A_246 = arith.constant 1 : i32
    %dma_wait3A_247 = arith.constant 2 : i32
    %dma_wait3A_248 = arith.constant 0 : i32
    %dma_wait3A_249 = arith.constant 0 : i32
    %dma_wait3A_250 = tpu.memref_slice %arg7[%dma_wait3A_244, %dma_wait3A_248, %dma_wait3A_249] : memref<4x80x128xf32, #tpu.memory_space<vmem>> -> memref<1x80x128xf32, #tpu.memory_space<vmem>>
    %dma_wait3A_251 = tpu.memref_squeeze %dma_wait3A_250 : memref<1x80x128xf32, #tpu.memory_space<vmem>> -> memref<80x128xf32, #tpu.memory_space<vmem>>
    %dma_wait3A_252 = arith.constant 0 : i32
    %dma_wait3A_253 = tpu.memref_slice %arg6[%dma_wait3A_245, %dma_wait3A_246, %dma_wait3A_252] : memref<5x2x80xi32, #tpu.memory_space<vmem>> -> memref<1x1x80xi32, #tpu.memory_space<vmem>>
    %dma_wait3A_254 = tpu.memref_squeeze %dma_wait3A_253 : memref<1x1x80xi32, #tpu.memory_space<vmem>> -> memref<80xi32, #tpu.memory_space<vmem>>
    %dma_wait3A_255 = arith.constant 0 : i32
    %dma_wait3A_256 = arith.constant 0 : i32
    %dma_wait3A_257 = tpu.memref_slice %arg8[%dma_wait3A_255, %dma_wait3A_256] : memref<10016x128xf32, #tpu.memory_space<vmem_shared>> -> memref<10016x128xf32, #tpu.memory_space<vmem_shared>>
    %dma_wait3A_258 = tpu.memref_slice %arg11[%dma_wait3A_247] : memref<4x!tpu.dma_semaphore, #tpu.memory_space<semaphore_mem>> -> memref<1x!tpu.dma_semaphore, #tpu.memory_space<semaphore_mem>>
    %dma_wait3A_259 = tpu.memref_squeeze %dma_wait3A_258 : memref<1x!tpu.dma_semaphore, #tpu.memory_space<semaphore_mem>> -> memref<!tpu.dma_semaphore, #tpu.memory_space<semaphore_mem>>
    tpu.wait_indirect_dma semaphore(%dma_wait3A_259 : memref<!tpu.dma_semaphore, #tpu.memory_space<semaphore_mem>>) src(%dma_wait3A_251 : memref<80x128xf32, #tpu.memory_space<vmem>>) dst(%dma_wait3A_257 : memref<10016x128xf32, #tpu.memory_space<vmem_shared>>)
    %dma_wait3A_260 = arith.constant 3 : i32
    %dma_wait3A_261 = arith.constant 0 : i32
    %dma_wait3A_262 = arith.constant 1 : i32
    %dma_wait3A_263 = arith.constant 3 : i32
    %dma_wait3A_264 = arith.constant 0 : i32
    %dma_wait3A_265 = arith.constant 0 : i32
    %dma_wait3A_266 = tpu.memref_slice %arg7[%dma_wait3A_260, %dma_wait3A_264, %dma_wait3A_265] : memref<4x80x128xf32, #tpu.memory_space<vmem>> -> memref<1x80x128xf32, #tpu.memory_space<vmem>>
    %dma_wait3A_267 = tpu.memref_squeeze %dma_wait3A_266 : memref<1x80x128xf32, #tpu.memory_space<vmem>> -> memref<80x128xf32, #tpu.memory_space<vmem>>
    %dma_wait3A_268 = arith.constant 0 : i32
    %dma_wait3A_269 = tpu.memref_slice %arg6[%dma_wait3A_261, %dma_wait3A_262, %dma_wait3A_268] : memref<5x2x80xi32, #tpu.memory_space<vmem>> -> memref<1x1x80xi32, #tpu.memory_space<vmem>>
    %dma_wait3A_270 = tpu.memref_squeeze %dma_wait3A_269 : memref<1x1x80xi32, #tpu.memory_space<vmem>> -> memref<80xi32, #tpu.memory_space<vmem>>
    %dma_wait3A_271 = arith.constant 0 : i32
    %dma_wait3A_272 = arith.constant 0 : i32
    %dma_wait3A_273 = tpu.memref_slice %arg8[%dma_wait3A_271, %dma_wait3A_272] : memref<10016x128xf32, #tpu.memory_space<vmem_shared>> -> memref<10016x128xf32, #tpu.memory_space<vmem_shared>>
    %dma_wait3A_274 = tpu.memref_slice %arg11[%dma_wait3A_263] : memref<4x!tpu.dma_semaphore, #tpu.memory_space<semaphore_mem>> -> memref<1x!tpu.dma_semaphore, #tpu.memory_space<semaphore_mem>>
    %dma_wait3A_275 = tpu.memref_squeeze %dma_wait3A_274 : memref<1x!tpu.dma_semaphore, #tpu.memory_space<semaphore_mem>> -> memref<!tpu.dma_semaphore, #tpu.memory_space<semaphore_mem>>
    tpu.wait_indirect_dma semaphore(%dma_wait3A_275 : memref<!tpu.dma_semaphore, #tpu.memory_space<semaphore_mem>>) src(%dma_wait3A_267 : memref<80x128xf32, #tpu.memory_space<vmem>>) dst(%dma_wait3A_273 : memref<10016x128xf32, #tpu.memory_space<vmem_shared>>)
    %dma_wait3A_276 = arith.constant 0 : i32
    %dma_wait3A_277 = arith.constant 0 : i32
    %dma_wait3A_278 = arith.constant 1 : i32
    %dma_wait3A_279 = arith.constant 0 : i32
    %dma_wait3A_280 = arith.constant 0 : i32
    %dma_wait3A_281 = arith.constant 0 : i32
    %dma_wait3A_282 = tpu.memref_slice %arg7[%dma_wait3A_276, %dma_wait3A_280, %dma_wait3A_281] : memref<4x80x128xf32, #tpu.memory_space<vmem>> -> memref<1x80x128xf32, #tpu.memory_space<vmem>>
    %dma_wait3A_283 = tpu.memref_squeeze %dma_wait3A_282 : memref<1x80x128xf32, #tpu.memory_space<vmem>> -> memref<80x128xf32, #tpu.memory_space<vmem>>
    %dma_wait3A_284 = arith.constant 0 : i32
    %dma_wait3A_285 = tpu.memref_slice %arg6[%dma_wait3A_277, %dma_wait3A_278, %dma_wait3A_284] : memref<5x2x80xi32, #tpu.memory_space<vmem>> -> memref<1x1x80xi32, #tpu.memory_space<vmem>>
    %dma_wait3A_286 = tpu.memref_squeeze %dma_wait3A_285 : memref<1x1x80xi32, #tpu.memory_space<vmem>> -> memref<80xi32, #tpu.memory_space<vmem>>
    %dma_wait3A_287 = arith.constant 0 : i32
    %dma_wait3A_288 = arith.constant 0 : i32
    %dma_wait3A_289 = tpu.memref_slice %arg8[%dma_wait3A_287, %dma_wait3A_288] : memref<10016x128xf32, #tpu.memory_space<vmem_shared>> -> memref<10016x128xf32, #tpu.memory_space<vmem_shared>>
    %dma_wait3A_290 = tpu.memref_slice %arg11[%dma_wait3A_279] : memref<4x!tpu.dma_semaphore, #tpu.memory_space<semaphore_mem>> -> memref<1x!tpu.dma_semaphore, #tpu.memory_space<semaphore_mem>>
    %dma_wait3A_291 = tpu.memref_squeeze %dma_wait3A_290 : memref<1x!tpu.dma_semaphore, #tpu.memory_space<semaphore_mem>> -> memref<!tpu.dma_semaphore, #tpu.memory_space<semaphore_mem>>
    tpu.wait_indirect_dma semaphore(%dma_wait3A_291 : memref<!tpu.dma_semaphore, #tpu.memory_space<semaphore_mem>>) src(%dma_wait3A_283 : memref<80x128xf32, #tpu.memory_space<vmem>>) dst(%dma_wait3A_289 : memref<10016x128xf32, #tpu.memory_space<vmem_shared>>)
    %barrier3A_292 = arith.constant 0 : index
    tpu.barrier barrier_id(%barrier3A_292)
    %mul3A_293 = arith.constant 624 : i32
    %mul3A_294 = arith.muli %arg1, %mul3A_293 : i32
    %mul3A_295 = arith.constant 624 : i32
    %mul3A_296 = arith.muli %arg1, %mul3A_295 : i32
    "tpu.region"() ({
      %run_scoped3A = tpu.sem_alloc : memref<!tpu.dma_semaphore, #tpu.memory_space<semaphore_mem>>
      %dma_start3A_302 = arith.constant 0 : i32
      %dma_start3A_303 = tpu.memref_slice %arg5[%arg0, %mul3A_296, %dma_start3A_302] : memref<2x10000x128xf32, #tpu.memory_space<hbm>> -> memref<1x624x128xf32, #tpu.memory_space<hbm>>
      %dma_start3A_304 = tpu.memref_squeeze %dma_start3A_303 : memref<1x624x128xf32, #tpu.memory_space<hbm>> -> memref<624x128xf32, #tpu.memory_space<hbm>>
      %dma_start3A_305 = arith.constant 0 : i32
      %dma_start3A_306 = tpu.memref_slice %arg8[%mul3A_294, %dma_start3A_305] : memref<10016x128xf32, #tpu.memory_space<vmem_shared>> -> memref<624x128xf32, #tpu.memory_space<vmem_shared>>
      tpu.enqueue_dma source(%dma_start3A_306 : memref<624x128xf32, #tpu.memory_space<vmem_shared>>) target(%dma_start3A_304 : memref<624x128xf32, #tpu.memory_space<hbm>>) target_semaphore(%run_scoped3A : memref<!tpu.dma_semaphore, #tpu.memory_space<semaphore_mem>>)
      %dma_wait3A_307 = arith.constant 0 : i32
      %dma_wait3A_308 = tpu.memref_slice %arg5[%arg0, %mul3A_296, %dma_wait3A_307] : memref<2x10000x128xf32, #tpu.memory_space<hbm>> -> memref<1x624x128xf32, #tpu.memory_space<hbm>>
      %dma_wait3A_309 = tpu.memref_squeeze %dma_wait3A_308 : memref<1x624x128xf32, #tpu.memory_space<hbm>> -> memref<624x128xf32, #tpu.memory_space<hbm>>
      %dma_wait3A_310 = arith.constant 0 : i32
      %dma_wait3A_311 = tpu.memref_slice %arg8[%mul3A_294, %dma_wait3A_310] : memref<10016x128xf32, #tpu.memory_space<vmem_shared>> -> memref<624x128xf32, #tpu.memory_space<vmem_shared>>
      tpu.wait_dma2 semaphore(%run_scoped3A : memref<!tpu.dma_semaphore, #tpu.memory_space<semaphore_mem>>) src(%dma_wait3A_311 : memref<624x128xf32, #tpu.memory_space<vmem_shared>>) dst(%dma_wait3A_309 : memref<624x128xf32, #tpu.memory_space<hbm>>)
      tpu.yield
    }) : () -> ()
    %eq3A_297 = arith.constant 15 : i32
    %eq3A_298 = arith.cmpi eq, %arg1, %eq3A_297 : i32
    %convert_element_type3A_299 = arith.extui %eq3A_298 : i1 to i32
    %cond3A_300 = arith.constant 0 : i32
    %cond3A_301 = arith.cmpi ne, %convert_element_type3A_299, %cond3A_300 : i32
    scf.if %cond3A_301 {
      "tpu.region"() ({
        %run_scoped3A = tpu.sem_alloc : memref<!tpu.dma_semaphore, #tpu.memory_space<semaphore_mem>>
        %dma_start3A_302 = arith.constant 9984 : i32
        %dma_start3A_303 = arith.constant 0 : i32
        %dma_start3A_304 = tpu.memref_slice %arg5[%arg0, %dma_start3A_302, %dma_start3A_303] : memref<2x10000x128xf32, #tpu.memory_space<hbm>> -> memref<1x16x128xf32, #tpu.memory_space<hbm>>
        %dma_start3A_305 = tpu.memref_squeeze %dma_start3A_304 : memref<1x16x128xf32, #tpu.memory_space<hbm>> -> memref<16x128xf32, #tpu.memory_space<hbm>>
        %dma_start3A_306 = arith.constant 9984 : i32
        %dma_start3A_307 = arith.constant 0 : i32
        %dma_start3A_308 = tpu.memref_slice %arg8[%dma_start3A_306, %dma_start3A_307] : memref<10016x128xf32, #tpu.memory_space<vmem_shared>> -> memref<16x128xf32, #tpu.memory_space<vmem_shared>>
        tpu.enqueue_dma source(%dma_start3A_308 : memref<16x128xf32, #tpu.memory_space<vmem_shared>>) target(%dma_start3A_305 : memref<16x128xf32, #tpu.memory_space<hbm>>) target_semaphore(%run_scoped3A : memref<!tpu.dma_semaphore, #tpu.memory_space<semaphore_mem>>)
        %dma_wait3A_309 = arith.constant 9984 : i32
        %dma_wait3A_310 = arith.constant 0 : i32
        %dma_wait3A_311 = tpu.memref_slice %arg5[%arg0, %dma_wait3A_309, %dma_wait3A_310] : memref<2x10000x128xf32, #tpu.memory_space<hbm>> -> memref<1x16x128xf32, #tpu.memory_space<hbm>>
        %dma_wait3A_312 = tpu.memref_squeeze %dma_wait3A_311 : memref<1x16x128xf32, #tpu.memory_space<hbm>> -> memref<16x128xf32, #tpu.memory_space<hbm>>
        %dma_wait3A_313 = arith.constant 9984 : i32
        %dma_wait3A_314 = arith.constant 0 : i32
        %dma_wait3A_315 = tpu.memref_slice %arg8[%dma_wait3A_313, %dma_wait3A_314] : memref<10016x128xf32, #tpu.memory_space<vmem_shared>> -> memref<16x128xf32, #tpu.memory_space<vmem_shared>>
        tpu.wait_dma2 semaphore(%run_scoped3A : memref<!tpu.dma_semaphore, #tpu.memory_space<semaphore_mem>>) src(%dma_wait3A_315 : memref<16x128xf32, #tpu.memory_space<vmem_shared>>) dst(%dma_wait3A_312 : memref<16x128xf32, #tpu.memory_space<hbm>>)
        tpu.yield
      }) : () -> ()
    } else {
    }
    return
  }
}

#map = affine_map<(d0, d1) -> (0, 0)>
#map1 = affine_map<(d0, d1) -> (0, 0, 0, 0)>
#map2 = affine_map<(d0, d1) -> (0, 0, 0)>
module attributes {stable_mosaic.version = 14 : i64} {
  func.func @_sc_aggregate(%arg0: i32, %arg1: i32, %arg2: memref<10000x128xf32, #tpu.memory_space<hbm>>, %arg3: memref<32x125x2x80xi32, #tpu.memory_space<hbm>>, %arg4: memref<10000x128xf32, #tpu.memory_space<hbm>>, %arg5: memref<2x10000x128xf32, #tpu.memory_space<hbm>>, %arg6: memref<5x2x80xi32, #tpu.memory_space<vmem>>, %arg7: memref<4x80x128xf32, #tpu.memory_space<vmem>>, %arg8: memref<10016x128xf32, #tpu.memory_space<vmem_shared>>, %arg9: memref<5x!tpu.dma_semaphore, #tpu.memory_space<semaphore_mem>>, %arg10: memref<4x!tpu.dma_semaphore, #tpu.memory_space<semaphore_mem>>, %arg11: memref<4x!tpu.dma_semaphore, #tpu.memory_space<semaphore_mem>>, %arg12: memref<2x!tpu.dma_semaphore, #tpu.memory_space<semaphore_mem>>) attributes {dimension_semantics = [#tpu.dimension_semantics<core_parallel>, #tpu.dimension_semantics<subcore_parallel>], iteration_bounds = array<i64: 2, 16>, scalar_prefetch = 0 : i64, scratch_operands = 7 : i64, tpu.core_type = #tpu.core_type<sc_vector_subcore>, window_params = [{transform_indices = #map}, {transform_indices = #map1}, {transform_indices = #map}, {transform_indices = #map2}]} {
    %mul3A = arith.constant 2 : i32
    %mul3A_0 = arith.muli %arg1, %mul3A : i32
    %add3A = arith.addi %mul3A_0, %arg0 : i32
    %mul3A_1 = arith.constant 624 : i32
    %mul3A_2 = arith.muli %arg1, %mul3A_1 : i32
    %mul3A_3 = arith.constant 624 : i32
    %mul3A_4 = arith.muli %arg1, %mul3A_3 : i32
    %dma_start3A = arith.constant 0 : i32
    %dma_start3A_5 = tpu.memref_slice %arg12[%dma_start3A] : memref<2x!tpu.dma_semaphore, #tpu.memory_space<semaphore_mem>> -> memref<1x!tpu.dma_semaphore, #tpu.memory_space<semaphore_mem>>
    %dma_start3A_6 = tpu.memref_squeeze %dma_start3A_5 : memref<1x!tpu.dma_semaphore, #tpu.memory_space<semaphore_mem>> -> memref<!tpu.dma_semaphore, #tpu.memory_space<semaphore_mem>>
    %dma_start3A_7 = arith.constant 0 : i32
    %dma_start3A_8 = tpu.memref_slice %arg8[%mul3A_4, %dma_start3A_7] : memref<10016x128xf32, #tpu.memory_space<vmem_shared>> -> memref<624x128xf32, #tpu.memory_space<vmem_shared>>
    %dma_start3A_9 = arith.constant 0 : i32
    %dma_start3A_10 = tpu.memref_slice %arg4[%mul3A_2, %dma_start3A_9] : memref<10000x128xf32, #tpu.memory_space<hbm>> -> memref<624x128xf32, #tpu.memory_space<hbm>>
    tpu.enqueue_dma source(%dma_start3A_10 : memref<624x128xf32, #tpu.memory_space<hbm>>) target(%dma_start3A_8 : memref<624x128xf32, #tpu.memory_space<vmem_shared>>) target_semaphore(%dma_start3A_6 : memref<!tpu.dma_semaphore, #tpu.memory_space<semaphore_mem>>)
    %eq3A = arith.constant 15 : i32
    %eq3A_11 = arith.cmpi eq, %arg1, %eq3A : i32
    %convert_element_type3A = arith.extui %eq3A_11 : i1 to i32
    %cond3A = arith.constant 0 : i32
    %cond3A_12 = arith.cmpi ne, %convert_element_type3A, %cond3A : i32
    scf.if %cond3A_12 {
      %dma_start3A_302 = arith.constant 1 : i32
      %dma_start3A_303 = tpu.memref_slice %arg12[%dma_start3A_302] : memref<2x!tpu.dma_semaphore, #tpu.memory_space<semaphore_mem>> -> memref<1x!tpu.dma_semaphore, #tpu.memory_space<semaphore_mem>>
      %dma_start3A_304 = tpu.memref_squeeze %dma_start3A_303 : memref<1x!tpu.dma_semaphore, #tpu.memory_space<semaphore_mem>> -> memref<!tpu.dma_semaphore, #tpu.memory_space<semaphore_mem>>
      %dma_start3A_305 = arith.constant 9984 : i32
      %dma_start3A_306 = arith.constant 0 : i32
      %dma_start3A_307 = tpu.memref_slice %arg8[%dma_start3A_305, %dma_start3A_306] : memref<10016x128xf32, #tpu.memory_space<vmem_shared>> -> memref<16x128xf32, #tpu.memory_space<vmem_shared>>
      %dma_start3A_308 = arith.constant 9984 : i32
      %dma_start3A_309 = arith.constant 0 : i32
      %dma_start3A_310 = tpu.memref_slice %arg4[%dma_start3A_308, %dma_start3A_309] : memref<10000x128xf32, #tpu.memory_space<hbm>> -> memref<16x128xf32, #tpu.memory_space<hbm>>
      tpu.enqueue_dma source(%dma_start3A_310 : memref<16x128xf32, #tpu.memory_space<hbm>>) target(%dma_start3A_307 : memref<16x128xf32, #tpu.memory_space<vmem_shared>>) target_semaphore(%dma_start3A_304 : memref<!tpu.dma_semaphore, #tpu.memory_space<semaphore_mem>>)
    } else {
    }
    %dma_start3A_13 = arith.constant 0 : i32
    %dma_start3A_14 = arith.constant 0 : i32
    %dma_start3A_15 = arith.constant 0 : i32
    %dma_start3A_16 = arith.constant 0 : i32
    %dma_start3A_17 = arith.constant 0 : i32
    %dma_start3A_18 = tpu.memref_slice %arg6[%dma_start3A_14, %dma_start3A_16, %dma_start3A_17] : memref<5x2x80xi32, #tpu.memory_space<vmem>> -> memref<1x2x80xi32, #tpu.memory_space<vmem>>
    %dma_start3A_19 = tpu.memref_squeeze %dma_start3A_18 : memref<1x2x80xi32, #tpu.memory_space<vmem>> -> memref<2x80xi32, #tpu.memory_space<vmem>>
    %dma_start3A_20 = arith.constant 0 : i32
    %dma_start3A_21 = arith.constant 0 : i32
    %dma_start3A_22 = tpu.memref_slice %arg3[%add3A, %dma_start3A_13, %dma_start3A_20, %dma_start3A_21] : memref<32x125x2x80xi32, #tpu.memory_space<hbm>> -> memref<1x1x2x80xi32, #tpu.memory_space<hbm>>
    %dma_start3A_23 = tpu.memref_squeeze %dma_start3A_22 : memref<1x1x2x80xi32, #tpu.memory_space<hbm>> -> memref<2x80xi32, #tpu.memory_space<hbm>>
    %dma_start3A_24 = tpu.memref_slice %arg9[%dma_start3A_15] : memref<5x!tpu.dma_semaphore, #tpu.memory_space<semaphore_mem>> -> memref<1x!tpu.dma_semaphore, #tpu.memory_space<semaphore_mem>>
    %dma_start3A_25 = tpu.memref_squeeze %dma_start3A_24 : memref<1x!tpu.dma_semaphore, #tpu.memory_space<semaphore_mem>> -> memref<!tpu.dma_semaphore, #tpu.memory_space<semaphore_mem>>
    %dma_start3A_26 = arith.constant 0 : i32
    %dma_start3A_27 = arith.constant 0 : i32
    %dma_start3A_28 = tpu.memref_slice %arg6[%dma_start3A_14, %dma_start3A_26, %dma_start3A_27] : memref<5x2x80xi32, #tpu.memory_space<vmem>> -> memref<1x2x80xi32, #tpu.memory_space<vmem>>
    %dma_start3A_29 = tpu.memref_squeeze %dma_start3A_28 : memref<1x2x80xi32, #tpu.memory_space<vmem>> -> memref<2x80xi32, #tpu.memory_space<vmem>>
    %dma_start3A_30 = arith.constant 0 : i32
    %dma_start3A_31 = arith.constant 0 : i32
    %dma_start3A_32 = tpu.memref_slice %arg3[%add3A, %dma_start3A_13, %dma_start3A_30, %dma_start3A_31] : memref<32x125x2x80xi32, #tpu.memory_space<hbm>> -> memref<1x1x2x80xi32, #tpu.memory_space<hbm>>
    %dma_start3A_33 = tpu.memref_squeeze %dma_start3A_32 : memref<1x1x2x80xi32, #tpu.memory_space<hbm>> -> memref<2x80xi32, #tpu.memory_space<hbm>>
    tpu.enqueue_dma source(%dma_start3A_33 : memref<2x80xi32, #tpu.memory_space<hbm>>) target(%dma_start3A_29 : memref<2x80xi32, #tpu.memory_space<vmem>>) target_semaphore(%dma_start3A_25 : memref<!tpu.dma_semaphore, #tpu.memory_space<semaphore_mem>>)
    %dma_start3A_34 = arith.constant 1 : i32
    %dma_start3A_35 = arith.constant 1 : i32
    %dma_start3A_36 = arith.constant 1 : i32
    %dma_start3A_37 = arith.constant 0 : i32
    %dma_start3A_38 = arith.constant 0 : i32
    %dma_start3A_39 = tpu.memref_slice %arg6[%dma_start3A_35, %dma_start3A_37, %dma_start3A_38] : memref<5x2x80xi32, #tpu.memory_space<vmem>> -> memref<1x2x80xi32, #tpu.memory_space<vmem>>
    %dma_start3A_40 = tpu.memref_squeeze %dma_start3A_39 : memref<1x2x80xi32, #tpu.memory_space<vmem>> -> memref<2x80xi32, #tpu.memory_space<vmem>>
    %dma_start3A_41 = arith.constant 0 : i32
    %dma_start3A_42 = arith.constant 0 : i32
    %dma_start3A_43 = tpu.memref_slice %arg3[%add3A, %dma_start3A_34, %dma_start3A_41, %dma_start3A_42] : memref<32x125x2x80xi32, #tpu.memory_space<hbm>> -> memref<1x1x2x80xi32, #tpu.memory_space<hbm>>
    %dma_start3A_44 = tpu.memref_squeeze %dma_start3A_43 : memref<1x1x2x80xi32, #tpu.memory_space<hbm>> -> memref<2x80xi32, #tpu.memory_space<hbm>>
    %dma_start3A_45 = tpu.memref_slice %arg9[%dma_start3A_36] : memref<5x!tpu.dma_semaphore, #tpu.memory_space<semaphore_mem>> -> memref<1x!tpu.dma_semaphore, #tpu.memory_space<semaphore_mem>>
    %dma_start3A_46 = tpu.memref_squeeze %dma_start3A_45 : memref<1x!tpu.dma_semaphore, #tpu.memory_space<semaphore_mem>> -> memref<!tpu.dma_semaphore, #tpu.memory_space<semaphore_mem>>
    %dma_start3A_47 = arith.constant 0 : i32
    %dma_start3A_48 = arith.constant 0 : i32
    %dma_start3A_49 = tpu.memref_slice %arg6[%dma_start3A_35, %dma_start3A_47, %dma_start3A_48] : memref<5x2x80xi32, #tpu.memory_space<vmem>> -> memref<1x2x80xi32, #tpu.memory_space<vmem>>
    %dma_start3A_50 = tpu.memref_squeeze %dma_start3A_49 : memref<1x2x80xi32, #tpu.memory_space<vmem>> -> memref<2x80xi32, #tpu.memory_space<vmem>>
    %dma_start3A_51 = arith.constant 0 : i32
    %dma_start3A_52 = arith.constant 0 : i32
    %dma_start3A_53 = tpu.memref_slice %arg3[%add3A, %dma_start3A_34, %dma_start3A_51, %dma_start3A_52] : memref<32x125x2x80xi32, #tpu.memory_space<hbm>> -> memref<1x1x2x80xi32, #tpu.memory_space<hbm>>
    %dma_start3A_54 = tpu.memref_squeeze %dma_start3A_53 : memref<1x1x2x80xi32, #tpu.memory_space<hbm>> -> memref<2x80xi32, #tpu.memory_space<hbm>>
    tpu.enqueue_dma source(%dma_start3A_54 : memref<2x80xi32, #tpu.memory_space<hbm>>) target(%dma_start3A_50 : memref<2x80xi32, #tpu.memory_space<vmem>>) target_semaphore(%dma_start3A_46 : memref<!tpu.dma_semaphore, #tpu.memory_space<semaphore_mem>>)
    %dma_start3A_55 = arith.constant 2 : i32
    %dma_start3A_56 = arith.constant 2 : i32
    %dma_start3A_57 = arith.constant 2 : i32
    %dma_start3A_58 = arith.constant 0 : i32
    %dma_start3A_59 = arith.constant 0 : i32
    %dma_start3A_60 = tpu.memref_slice %arg6[%dma_start3A_56, %dma_start3A_58, %dma_start3A_59] : memref<5x2x80xi32, #tpu.memory_space<vmem>> -> memref<1x2x80xi32, #tpu.memory_space<vmem>>
    %dma_start3A_61 = tpu.memref_squeeze %dma_start3A_60 : memref<1x2x80xi32, #tpu.memory_space<vmem>> -> memref<2x80xi32, #tpu.memory_space<vmem>>
    %dma_start3A_62 = arith.constant 0 : i32
    %dma_start3A_63 = arith.constant 0 : i32
    %dma_start3A_64 = tpu.memref_slice %arg3[%add3A, %dma_start3A_55, %dma_start3A_62, %dma_start3A_63] : memref<32x125x2x80xi32, #tpu.memory_space<hbm>> -> memref<1x1x2x80xi32, #tpu.memory_space<hbm>>
    %dma_start3A_65 = tpu.memref_squeeze %dma_start3A_64 : memref<1x1x2x80xi32, #tpu.memory_space<hbm>> -> memref<2x80xi32, #tpu.memory_space<hbm>>
    %dma_start3A_66 = tpu.memref_slice %arg9[%dma_start3A_57] : memref<5x!tpu.dma_semaphore, #tpu.memory_space<semaphore_mem>> -> memref<1x!tpu.dma_semaphore, #tpu.memory_space<semaphore_mem>>
    %dma_start3A_67 = tpu.memref_squeeze %dma_start3A_66 : memref<1x!tpu.dma_semaphore, #tpu.memory_space<semaphore_mem>> -> memref<!tpu.dma_semaphore, #tpu.memory_space<semaphore_mem>>
    %dma_start3A_68 = arith.constant 0 : i32
    %dma_start3A_69 = arith.constant 0 : i32
    %dma_start3A_70 = tpu.memref_slice %arg6[%dma_start3A_56, %dma_start3A_68, %dma_start3A_69] : memref<5x2x80xi32, #tpu.memory_space<vmem>> -> memref<1x2x80xi32, #tpu.memory_space<vmem>>
    %dma_start3A_71 = tpu.memref_squeeze %dma_start3A_70 : memref<1x2x80xi32, #tpu.memory_space<vmem>> -> memref<2x80xi32, #tpu.memory_space<vmem>>
    %dma_start3A_72 = arith.constant 0 : i32
    %dma_start3A_73 = arith.constant 0 : i32
    %dma_start3A_74 = tpu.memref_slice %arg3[%add3A, %dma_start3A_55, %dma_start3A_72, %dma_start3A_73] : memref<32x125x2x80xi32, #tpu.memory_space<hbm>> -> memref<1x1x2x80xi32, #tpu.memory_space<hbm>>
    %dma_start3A_75 = tpu.memref_squeeze %dma_start3A_74 : memref<1x1x2x80xi32, #tpu.memory_space<hbm>> -> memref<2x80xi32, #tpu.memory_space<hbm>>
    tpu.enqueue_dma source(%dma_start3A_75 : memref<2x80xi32, #tpu.memory_space<hbm>>) target(%dma_start3A_71 : memref<2x80xi32, #tpu.memory_space<vmem>>) target_semaphore(%dma_start3A_67 : memref<!tpu.dma_semaphore, #tpu.memory_space<semaphore_mem>>)
    %dma_wait3A = arith.constant 0 : i32
    %dma_wait3A_76 = arith.constant 0 : i32
    %dma_wait3A_77 = arith.constant 0 : i32
    %dma_wait3A_78 = arith.constant 0 : i32
    %dma_wait3A_79 = arith.constant 0 : i32
    %dma_wait3A_80 = tpu.memref_slice %arg6[%dma_wait3A_76, %dma_wait3A_78, %dma_wait3A_79] : memref<5x2x80xi32, #tpu.memory_space<vmem>> -> memref<1x2x80xi32, #tpu.memory_space<vmem>>
    %dma_wait3A_81 = tpu.memref_squeeze %dma_wait3A_80 : memref<1x2x80xi32, #tpu.memory_space<vmem>> -> memref<2x80xi32, #tpu.memory_space<vmem>>
    %dma_wait3A_82 = arith.constant 0 : i32
    %dma_wait3A_83 = arith.constant 0 : i32
    %dma_wait3A_84 = tpu.memref_slice %arg3[%add3A, %dma_wait3A, %dma_wait3A_82, %dma_wait3A_83] : memref<32x125x2x80xi32, #tpu.memory_space<hbm>> -> memref<1x1x2x80xi32, #tpu.memory_space<hbm>>
    %dma_wait3A_85 = tpu.memref_squeeze %dma_wait3A_84 : memref<1x1x2x80xi32, #tpu.memory_space<hbm>> -> memref<2x80xi32, #tpu.memory_space<hbm>>
    %dma_wait3A_86 = tpu.memref_slice %arg9[%dma_wait3A_77] : memref<5x!tpu.dma_semaphore, #tpu.memory_space<semaphore_mem>> -> memref<1x!tpu.dma_semaphore, #tpu.memory_space<semaphore_mem>>
    %dma_wait3A_87 = tpu.memref_squeeze %dma_wait3A_86 : memref<1x!tpu.dma_semaphore, #tpu.memory_space<semaphore_mem>> -> memref<!tpu.dma_semaphore, #tpu.memory_space<semaphore_mem>>
    %dma_wait3A_88 = arith.constant 0 : i32
    %dma_wait3A_89 = arith.constant 0 : i32
    %dma_wait3A_90 = tpu.memref_slice %arg6[%dma_wait3A_76, %dma_wait3A_88, %dma_wait3A_89] : memref<5x2x80xi32, #tpu.memory_space<vmem>> -> memref<1x2x80xi32, #tpu.memory_space<vmem>>
    %dma_wait3A_91 = tpu.memref_squeeze %dma_wait3A_90 : memref<1x2x80xi32, #tpu.memory_space<vmem>> -> memref<2x80xi32, #tpu.memory_space<vmem>>
    %dma_wait3A_92 = arith.constant 0 : i32
    %dma_wait3A_93 = arith.constant 0 : i32
    %dma_wait3A_94 = tpu.memref_slice %arg3[%add3A, %dma_wait3A, %dma_wait3A_92, %dma_wait3A_93] : memref<32x125x2x80xi32, #tpu.memory_space<hbm>> -> memref<1x1x2x80xi32, #tpu.memory_space<hbm>>
    %dma_wait3A_95 = tpu.memref_squeeze %dma_wait3A_94 : memref<1x1x2x80xi32, #tpu.memory_space<hbm>> -> memref<2x80xi32, #tpu.memory_space<hbm>>
    tpu.wait_dma2 semaphore(%dma_wait3A_87 : memref<!tpu.dma_semaphore, #tpu.memory_space<semaphore_mem>>) src(%dma_wait3A_95 : memref<2x80xi32, #tpu.memory_space<hbm>>) dst(%dma_wait3A_91 : memref<2x80xi32, #tpu.memory_space<vmem>>)
    %dma_wait3A_96 = arith.constant 1 : i32
    %dma_wait3A_97 = arith.constant 1 : i32
    %dma_wait3A_98 = arith.constant 1 : i32
    %dma_wait3A_99 = arith.constant 0 : i32
    %dma_wait3A_100 = arith.constant 0 : i32
    %dma_wait3A_101 = tpu.memref_slice %arg6[%dma_wait3A_97, %dma_wait3A_99, %dma_wait3A_100] : memref<5x2x80xi32, #tpu.memory_space<vmem>> -> memref<1x2x80xi32, #tpu.memory_space<vmem>>
    %dma_wait3A_102 = tpu.memref_squeeze %dma_wait3A_101 : memref<1x2x80xi32, #tpu.memory_space<vmem>> -> memref<2x80xi32, #tpu.memory_space<vmem>>
    %dma_wait3A_103 = arith.constant 0 : i32
    %dma_wait3A_104 = arith.constant 0 : i32
    %dma_wait3A_105 = tpu.memref_slice %arg3[%add3A, %dma_wait3A_96, %dma_wait3A_103, %dma_wait3A_104] : memref<32x125x2x80xi32, #tpu.memory_space<hbm>> -> memref<1x1x2x80xi32, #tpu.memory_space<hbm>>
    %dma_wait3A_106 = tpu.memref_squeeze %dma_wait3A_105 : memref<1x1x2x80xi32, #tpu.memory_space<hbm>> -> memref<2x80xi32, #tpu.memory_space<hbm>>
    %dma_wait3A_107 = tpu.memref_slice %arg9[%dma_wait3A_98] : memref<5x!tpu.dma_semaphore, #tpu.memory_space<semaphore_mem>> -> memref<1x!tpu.dma_semaphore, #tpu.memory_space<semaphore_mem>>
    %dma_wait3A_108 = tpu.memref_squeeze %dma_wait3A_107 : memref<1x!tpu.dma_semaphore, #tpu.memory_space<semaphore_mem>> -> memref<!tpu.dma_semaphore, #tpu.memory_space<semaphore_mem>>
    %dma_wait3A_109 = arith.constant 0 : i32
    %dma_wait3A_110 = arith.constant 0 : i32
    %dma_wait3A_111 = tpu.memref_slice %arg6[%dma_wait3A_97, %dma_wait3A_109, %dma_wait3A_110] : memref<5x2x80xi32, #tpu.memory_space<vmem>> -> memref<1x2x80xi32, #tpu.memory_space<vmem>>
    %dma_wait3A_112 = tpu.memref_squeeze %dma_wait3A_111 : memref<1x2x80xi32, #tpu.memory_space<vmem>> -> memref<2x80xi32, #tpu.memory_space<vmem>>
    %dma_wait3A_113 = arith.constant 0 : i32
    %dma_wait3A_114 = arith.constant 0 : i32
    %dma_wait3A_115 = tpu.memref_slice %arg3[%add3A, %dma_wait3A_96, %dma_wait3A_113, %dma_wait3A_114] : memref<32x125x2x80xi32, #tpu.memory_space<hbm>> -> memref<1x1x2x80xi32, #tpu.memory_space<hbm>>
    %dma_wait3A_116 = tpu.memref_squeeze %dma_wait3A_115 : memref<1x1x2x80xi32, #tpu.memory_space<hbm>> -> memref<2x80xi32, #tpu.memory_space<hbm>>
    tpu.wait_dma2 semaphore(%dma_wait3A_108 : memref<!tpu.dma_semaphore, #tpu.memory_space<semaphore_mem>>) src(%dma_wait3A_116 : memref<2x80xi32, #tpu.memory_space<hbm>>) dst(%dma_wait3A_112 : memref<2x80xi32, #tpu.memory_space<vmem>>)
    %dma_wait3A_117 = arith.constant 2 : i32
    %dma_wait3A_118 = arith.constant 2 : i32
    %dma_wait3A_119 = arith.constant 2 : i32
    %dma_wait3A_120 = arith.constant 0 : i32
    %dma_wait3A_121 = arith.constant 0 : i32
    %dma_wait3A_122 = tpu.memref_slice %arg6[%dma_wait3A_118, %dma_wait3A_120, %dma_wait3A_121] : memref<5x2x80xi32, #tpu.memory_space<vmem>> -> memref<1x2x80xi32, #tpu.memory_space<vmem>>
    %dma_wait3A_123 = tpu.memref_squeeze %dma_wait3A_122 : memref<1x2x80xi32, #tpu.memory_space<vmem>> -> memref<2x80xi32, #tpu.memory_space<vmem>>
    %dma_wait3A_124 = arith.constant 0 : i32
    %dma_wait3A_125 = arith.constant 0 : i32
    %dma_wait3A_126 = tpu.memref_slice %arg3[%add3A, %dma_wait3A_117, %dma_wait3A_124, %dma_wait3A_125] : memref<32x125x2x80xi32, #tpu.memory_space<hbm>> -> memref<1x1x2x80xi32, #tpu.memory_space<hbm>>
    %dma_wait3A_127 = tpu.memref_squeeze %dma_wait3A_126 : memref<1x1x2x80xi32, #tpu.memory_space<hbm>> -> memref<2x80xi32, #tpu.memory_space<hbm>>
    %dma_wait3A_128 = tpu.memref_slice %arg9[%dma_wait3A_119] : memref<5x!tpu.dma_semaphore, #tpu.memory_space<semaphore_mem>> -> memref<1x!tpu.dma_semaphore, #tpu.memory_space<semaphore_mem>>
    %dma_wait3A_129 = tpu.memref_squeeze %dma_wait3A_128 : memref<1x!tpu.dma_semaphore, #tpu.memory_space<semaphore_mem>> -> memref<!tpu.dma_semaphore, #tpu.memory_space<semaphore_mem>>
    %dma_wait3A_130 = arith.constant 0 : i32
    %dma_wait3A_131 = arith.constant 0 : i32
    %dma_wait3A_132 = tpu.memref_slice %arg6[%dma_wait3A_118, %dma_wait3A_130, %dma_wait3A_131] : memref<5x2x80xi32, #tpu.memory_space<vmem>> -> memref<1x2x80xi32, #tpu.memory_space<vmem>>
    %dma_wait3A_133 = tpu.memref_squeeze %dma_wait3A_132 : memref<1x2x80xi32, #tpu.memory_space<vmem>> -> memref<2x80xi32, #tpu.memory_space<vmem>>
    %dma_wait3A_134 = arith.constant 0 : i32
    %dma_wait3A_135 = arith.constant 0 : i32
    %dma_wait3A_136 = tpu.memref_slice %arg3[%add3A, %dma_wait3A_117, %dma_wait3A_134, %dma_wait3A_135] : memref<32x125x2x80xi32, #tpu.memory_space<hbm>> -> memref<1x1x2x80xi32, #tpu.memory_space<hbm>>
    %dma_wait3A_137 = tpu.memref_squeeze %dma_wait3A_136 : memref<1x1x2x80xi32, #tpu.memory_space<hbm>> -> memref<2x80xi32, #tpu.memory_space<hbm>>
    tpu.wait_dma2 semaphore(%dma_wait3A_129 : memref<!tpu.dma_semaphore, #tpu.memory_space<semaphore_mem>>) src(%dma_wait3A_137 : memref<2x80xi32, #tpu.memory_space<hbm>>) dst(%dma_wait3A_133 : memref<2x80xi32, #tpu.memory_space<vmem>>)
    %dma_start3A_138 = arith.constant 0 : i32
    %dma_start3A_139 = arith.constant 0 : i32
    %dma_start3A_140 = arith.constant 0 : i32
    %dma_start3A_141 = arith.constant 0 : i32
    %dma_start3A_142 = arith.constant 0 : i32
    %dma_start3A_143 = arith.constant 0 : i32
    %dma_start3A_144 = tpu.memref_slice %arg7[%dma_start3A_140, %dma_start3A_142, %dma_start3A_143] : memref<4x80x128xf32, #tpu.memory_space<vmem>> -> memref<1x80x128xf32, #tpu.memory_space<vmem>>
    %dma_start3A_145 = tpu.memref_squeeze %dma_start3A_144 : memref<1x80x128xf32, #tpu.memory_space<vmem>> -> memref<80x128xf32, #tpu.memory_space<vmem>>
    %dma_start3A_146 = arith.constant 0 : i32
    %dma_start3A_147 = tpu.memref_slice %arg6[%dma_start3A_138, %dma_start3A_139, %dma_start3A_146] : memref<5x2x80xi32, #tpu.memory_space<vmem>> -> memref<1x1x80xi32, #tpu.memory_space<vmem>>
    %dma_start3A_148 = tpu.memref_squeeze %dma_start3A_147 : memref<1x1x80xi32, #tpu.memory_space<vmem>> -> memref<80xi32, #tpu.memory_space<vmem>>
    %dma_start3A_149 = arith.constant 0 : i32
    %dma_start3A_150 = arith.constant 0 : i32
    %dma_start3A_151 = tpu.memref_slice %arg2[%dma_start3A_149, %dma_start3A_150] : memref<10000x128xf32, #tpu.memory_space<hbm>> -> memref<10000x128xf32, #tpu.memory_space<hbm>>
    %dma_start3A_152 = tpu.memref_slice %arg10[%dma_start3A_141] : memref<4x!tpu.dma_semaphore, #tpu.memory_space<semaphore_mem>> -> memref<1x!tpu.dma_semaphore, #tpu.memory_space<semaphore_mem>>
    %dma_start3A_153 = tpu.memref_squeeze %dma_start3A_152 : memref<1x!tpu.dma_semaphore, #tpu.memory_space<semaphore_mem>> -> memref<!tpu.dma_semaphore, #tpu.memory_space<semaphore_mem>>
    tpu.enqueue_indirect_dma source(%dma_start3A_151 : memref<10000x128xf32, #tpu.memory_space<hbm>>) target(%dma_start3A_145 : memref<80x128xf32, #tpu.memory_space<vmem>>) offsets(%dma_start3A_148 : memref<80xi32, #tpu.memory_space<vmem>>) semaphore(%dma_start3A_153 : memref<!tpu.dma_semaphore, #tpu.memory_space<semaphore_mem>>)
    %dma_start3A_154 = arith.constant 1 : i32
    %dma_start3A_155 = arith.constant 0 : i32
    %dma_start3A_156 = arith.constant 1 : i32
    %dma_start3A_157 = arith.constant 1 : i32
    %dma_start3A_158 = arith.constant 0 : i32
    %dma_start3A_159 = arith.constant 0 : i32
    %dma_start3A_160 = tpu.memref_slice %arg7[%dma_start3A_156, %dma_start3A_158, %dma_start3A_159] : memref<4x80x128xf32, #tpu.memory_space<vmem>> -> memref<1x80x128xf32, #tpu.memory_space<vmem>>
    %dma_start3A_161 = tpu.memref_squeeze %dma_start3A_160 : memref<1x80x128xf32, #tpu.memory_space<vmem>> -> memref<80x128xf32, #tpu.memory_space<vmem>>
    %dma_start3A_162 = arith.constant 0 : i32
    %dma_start3A_163 = tpu.memref_slice %arg6[%dma_start3A_154, %dma_start3A_155, %dma_start3A_162] : memref<5x2x80xi32, #tpu.memory_space<vmem>> -> memref<1x1x80xi32, #tpu.memory_space<vmem>>
    %dma_start3A_164 = tpu.memref_squeeze %dma_start3A_163 : memref<1x1x80xi32, #tpu.memory_space<vmem>> -> memref<80xi32, #tpu.memory_space<vmem>>
    %dma_start3A_165 = arith.constant 0 : i32
    %dma_start3A_166 = arith.constant 0 : i32
    %dma_start3A_167 = tpu.memref_slice %arg2[%dma_start3A_165, %dma_start3A_166] : memref<10000x128xf32, #tpu.memory_space<hbm>> -> memref<10000x128xf32, #tpu.memory_space<hbm>>
    %dma_start3A_168 = tpu.memref_slice %arg10[%dma_start3A_157] : memref<4x!tpu.dma_semaphore, #tpu.memory_space<semaphore_mem>> -> memref<1x!tpu.dma_semaphore, #tpu.memory_space<semaphore_mem>>
    %dma_start3A_169 = tpu.memref_squeeze %dma_start3A_168 : memref<1x!tpu.dma_semaphore, #tpu.memory_space<semaphore_mem>> -> memref<!tpu.dma_semaphore, #tpu.memory_space<semaphore_mem>>
    tpu.enqueue_indirect_dma source(%dma_start3A_167 : memref<10000x128xf32, #tpu.memory_space<hbm>>) target(%dma_start3A_161 : memref<80x128xf32, #tpu.memory_space<vmem>>) offsets(%dma_start3A_164 : memref<80xi32, #tpu.memory_space<vmem>>) semaphore(%dma_start3A_169 : memref<!tpu.dma_semaphore, #tpu.memory_space<semaphore_mem>>)
    %dma_start3A_170 = arith.constant 2 : i32
    %dma_start3A_171 = arith.constant 0 : i32
    %dma_start3A_172 = arith.constant 2 : i32
    %dma_start3A_173 = arith.constant 2 : i32
    %dma_start3A_174 = arith.constant 0 : i32
    %dma_start3A_175 = arith.constant 0 : i32
    %dma_start3A_176 = tpu.memref_slice %arg7[%dma_start3A_172, %dma_start3A_174, %dma_start3A_175] : memref<4x80x128xf32, #tpu.memory_space<vmem>> -> memref<1x80x128xf32, #tpu.memory_space<vmem>>
    %dma_start3A_177 = tpu.memref_squeeze %dma_start3A_176 : memref<1x80x128xf32, #tpu.memory_space<vmem>> -> memref<80x128xf32, #tpu.memory_space<vmem>>
    %dma_start3A_178 = arith.constant 0 : i32
    %dma_start3A_179 = tpu.memref_slice %arg6[%dma_start3A_170, %dma_start3A_171, %dma_start3A_178] : memref<5x2x80xi32, #tpu.memory_space<vmem>> -> memref<1x1x80xi32, #tpu.memory_space<vmem>>
    %dma_start3A_180 = tpu.memref_squeeze %dma_start3A_179 : memref<1x1x80xi32, #tpu.memory_space<vmem>> -> memref<80xi32, #tpu.memory_space<vmem>>
    %dma_start3A_181 = arith.constant 0 : i32
    %dma_start3A_182 = arith.constant 0 : i32
    %dma_start3A_183 = tpu.memref_slice %arg2[%dma_start3A_181, %dma_start3A_182] : memref<10000x128xf32, #tpu.memory_space<hbm>> -> memref<10000x128xf32, #tpu.memory_space<hbm>>
    %dma_start3A_184 = tpu.memref_slice %arg10[%dma_start3A_173] : memref<4x!tpu.dma_semaphore, #tpu.memory_space<semaphore_mem>> -> memref<1x!tpu.dma_semaphore, #tpu.memory_space<semaphore_mem>>
    %dma_start3A_185 = tpu.memref_squeeze %dma_start3A_184 : memref<1x!tpu.dma_semaphore, #tpu.memory_space<semaphore_mem>> -> memref<!tpu.dma_semaphore, #tpu.memory_space<semaphore_mem>>
    tpu.enqueue_indirect_dma source(%dma_start3A_183 : memref<10000x128xf32, #tpu.memory_space<hbm>>) target(%dma_start3A_177 : memref<80x128xf32, #tpu.memory_space<vmem>>) offsets(%dma_start3A_180 : memref<80xi32, #tpu.memory_space<vmem>>) semaphore(%dma_start3A_185 : memref<!tpu.dma_semaphore, #tpu.memory_space<semaphore_mem>>)
    %dma_start3A_186 = arith.constant 3 : i32
    %dma_start3A_187 = arith.constant 3 : i32
    %dma_start3A_188 = arith.constant 3 : i32
    %dma_start3A_189 = arith.constant 0 : i32
    %dma_start3A_190 = arith.constant 0 : i32
    %dma_start3A_191 = tpu.memref_slice %arg6[%dma_start3A_187, %dma_start3A_189, %dma_start3A_190] : memref<5x2x80xi32, #tpu.memory_space<vmem>> -> memref<1x2x80xi32, #tpu.memory_space<vmem>>
    %dma_start3A_192 = tpu.memref_squeeze %dma_start3A_191 : memref<1x2x80xi32, #tpu.memory_space<vmem>> -> memref<2x80xi32, #tpu.memory_space<vmem>>
    %dma_start3A_193 = arith.constant 0 : i32
    %dma_start3A_194 = arith.constant 0 : i32
    %dma_start3A_195 = tpu.memref_slice %arg3[%add3A, %dma_start3A_186, %dma_start3A_193, %dma_start3A_194] : memref<32x125x2x80xi32, #tpu.memory_space<hbm>> -> memref<1x1x2x80xi32, #tpu.memory_space<hbm>>
    %dma_start3A_196 = tpu.memref_squeeze %dma_start3A_195 : memref<1x1x2x80xi32, #tpu.memory_space<hbm>> -> memref<2x80xi32, #tpu.memory_space<hbm>>
    %dma_start3A_197 = tpu.memref_slice %arg9[%dma_start3A_188] : memref<5x!tpu.dma_semaphore, #tpu.memory_space<semaphore_mem>> -> memref<1x!tpu.dma_semaphore, #tpu.memory_space<semaphore_mem>>
    %dma_start3A_198 = tpu.memref_squeeze %dma_start3A_197 : memref<1x!tpu.dma_semaphore, #tpu.memory_space<semaphore_mem>> -> memref<!tpu.dma_semaphore, #tpu.memory_space<semaphore_mem>>
    %dma_start3A_199 = arith.constant 0 : i32
    %dma_start3A_200 = arith.constant 0 : i32
    %dma_start3A_201 = tpu.memref_slice %arg6[%dma_start3A_187, %dma_start3A_199, %dma_start3A_200] : memref<5x2x80xi32, #tpu.memory_space<vmem>> -> memref<1x2x80xi32, #tpu.memory_space<vmem>>
    %dma_start3A_202 = tpu.memref_squeeze %dma_start3A_201 : memref<1x2x80xi32, #tpu.memory_space<vmem>> -> memref<2x80xi32, #tpu.memory_space<vmem>>
    %dma_start3A_203 = arith.constant 0 : i32
    %dma_start3A_204 = arith.constant 0 : i32
    %dma_start3A_205 = tpu.memref_slice %arg3[%add3A, %dma_start3A_186, %dma_start3A_203, %dma_start3A_204] : memref<32x125x2x80xi32, #tpu.memory_space<hbm>> -> memref<1x1x2x80xi32, #tpu.memory_space<hbm>>
    %dma_start3A_206 = tpu.memref_squeeze %dma_start3A_205 : memref<1x1x2x80xi32, #tpu.memory_space<hbm>> -> memref<2x80xi32, #tpu.memory_space<hbm>>
    tpu.enqueue_dma source(%dma_start3A_206 : memref<2x80xi32, #tpu.memory_space<hbm>>) target(%dma_start3A_202 : memref<2x80xi32, #tpu.memory_space<vmem>>) target_semaphore(%dma_start3A_198 : memref<!tpu.dma_semaphore, #tpu.memory_space<semaphore_mem>>)
    %mul3A_207 = arith.constant 624 : i32
    %mul3A_208 = arith.muli %arg1, %mul3A_207 : i32
    %mul3A_209 = arith.constant 624 : i32
    %mul3A_210 = arith.muli %arg1, %mul3A_209 : i32
    %dma_wait3A_211 = arith.constant 0 : i32
    %dma_wait3A_212 = tpu.memref_slice %arg12[%dma_wait3A_211] : memref<2x!tpu.dma_semaphore, #tpu.memory_space<semaphore_mem>> -> memref<1x!tpu.dma_semaphore, #tpu.memory_space<semaphore_mem>>
    %dma_wait3A_213 = tpu.memref_squeeze %dma_wait3A_212 : memref<1x!tpu.dma_semaphore, #tpu.memory_space<semaphore_mem>> -> memref<!tpu.dma_semaphore, #tpu.memory_space<semaphore_mem>>
    %dma_wait3A_214 = arith.constant 0 : i32
    %dma_wait3A_215 = tpu.memref_slice %arg8[%mul3A_210, %dma_wait3A_214] : memref<10016x128xf32, #tpu.memory_space<vmem_shared>> -> memref<624x128xf32, #tpu.memory_space<vmem_shared>>
    %dma_wait3A_216 = arith.constant 0 : i32
    %dma_wait3A_217 = tpu.memref_slice %arg4[%mul3A_208, %dma_wait3A_216] : memref<10000x128xf32, #tpu.memory_space<hbm>> -> memref<624x128xf32, #tpu.memory_space<hbm>>
    tpu.wait_dma2 semaphore(%dma_wait3A_213 : memref<!tpu.dma_semaphore, #tpu.memory_space<semaphore_mem>>) src(%dma_wait3A_217 : memref<624x128xf32, #tpu.memory_space<hbm>>) dst(%dma_wait3A_215 : memref<624x128xf32, #tpu.memory_space<vmem_shared>>)
    %eq3A_218 = arith.constant 15 : i32
    %eq3A_219 = arith.cmpi eq, %arg1, %eq3A_218 : i32
    %convert_element_type3A_220 = arith.extui %eq3A_219 : i1 to i32
    %cond3A_221 = arith.constant 0 : i32
    %cond3A_222 = arith.cmpi ne, %convert_element_type3A_220, %cond3A_221 : i32
    scf.if %cond3A_222 {
      %dma_wait3A_302 = arith.constant 1 : i32
      %dma_wait3A_303 = tpu.memref_slice %arg12[%dma_wait3A_302] : memref<2x!tpu.dma_semaphore, #tpu.memory_space<semaphore_mem>> -> memref<1x!tpu.dma_semaphore, #tpu.memory_space<semaphore_mem>>
      %dma_wait3A_304 = tpu.memref_squeeze %dma_wait3A_303 : memref<1x!tpu.dma_semaphore, #tpu.memory_space<semaphore_mem>> -> memref<!tpu.dma_semaphore, #tpu.memory_space<semaphore_mem>>
      %dma_wait3A_305 = arith.constant 9984 : i32
      %dma_wait3A_306 = arith.constant 0 : i32
      %dma_wait3A_307 = tpu.memref_slice %arg8[%dma_wait3A_305, %dma_wait3A_306] : memref<10016x128xf32, #tpu.memory_space<vmem_shared>> -> memref<16x128xf32, #tpu.memory_space<vmem_shared>>
      %dma_wait3A_308 = arith.constant 9984 : i32
      %dma_wait3A_309 = arith.constant 0 : i32
      %dma_wait3A_310 = tpu.memref_slice %arg4[%dma_wait3A_308, %dma_wait3A_309] : memref<10000x128xf32, #tpu.memory_space<hbm>> -> memref<16x128xf32, #tpu.memory_space<hbm>>
      tpu.wait_dma2 semaphore(%dma_wait3A_304 : memref<!tpu.dma_semaphore, #tpu.memory_space<semaphore_mem>>) src(%dma_wait3A_310 : memref<16x128xf32, #tpu.memory_space<hbm>>) dst(%dma_wait3A_307 : memref<16x128xf32, #tpu.memory_space<vmem_shared>>)
    } else {
    }
    %barrier3A = arith.constant 0 : index
    tpu.barrier barrier_id(%barrier3A)
    %scan3A = arith.constant 0 : i32
    %scan3A_223 = arith.constant 0 : i32
    %scan3A_224 = arith.constant 125 : i32
    %scan3A_225 = arith.addi %scan3A_223, %scan3A_224 : i32
    %scan3A_226 = arith.constant 1 : i32
    scf.for %scan3A_302 = %scan3A_223 to %scan3A_225 step %scan3A_226  : i32 {
      %rem3A = arith.constant 4 : i32
      %rem3A_303 = arith.remsi %scan3A_302, %rem3A : i32
      %rem3A_304 = arith.constant 5 : i32
      %rem3A_305 = arith.remsi %scan3A_302, %rem3A_304 : i32
      %dma_wait3A_306 = arith.constant 0 : i32
      %dma_wait3A_307 = arith.constant 0 : i32
      %dma_wait3A_308 = arith.constant 0 : i32
      %dma_wait3A_309 = arith.constant 0 : i32
      %dma_wait3A_310 = tpu.memref_slice %arg7[%rem3A_303, %dma_wait3A_308, %dma_wait3A_309] : memref<4x80x128xf32, #tpu.memory_space<vmem>> -> memref<1x80x128xf32, #tpu.memory_space<vmem>>
      %dma_wait3A_311 = tpu.memref_squeeze %dma_wait3A_310 : memref<1x80x128xf32, #tpu.memory_space<vmem>> -> memref<80x128xf32, #tpu.memory_space<vmem>>
      %dma_wait3A_312 = arith.constant 0 : i32
      %dma_wait3A_313 = tpu.memref_slice %arg6[%dma_wait3A_306, %dma_wait3A_307, %dma_wait3A_312] : memref<5x2x80xi32, #tpu.memory_space<vmem>> -> memref<1x1x80xi32, #tpu.memory_space<vmem>>
      %dma_wait3A_314 = tpu.memref_squeeze %dma_wait3A_313 : memref<1x1x80xi32, #tpu.memory_space<vmem>> -> memref<80xi32, #tpu.memory_space<vmem>>
      %dma_wait3A_315 = arith.constant 0 : i32
      %dma_wait3A_316 = arith.constant 0 : i32
      %dma_wait3A_317 = tpu.memref_slice %arg2[%dma_wait3A_315, %dma_wait3A_316] : memref<10000x128xf32, #tpu.memory_space<hbm>> -> memref<10000x128xf32, #tpu.memory_space<hbm>>
      %dma_wait3A_318 = tpu.memref_slice %arg10[%rem3A_303] : memref<4x!tpu.dma_semaphore, #tpu.memory_space<semaphore_mem>> -> memref<1x!tpu.dma_semaphore, #tpu.memory_space<semaphore_mem>>
      %dma_wait3A_319 = tpu.memref_squeeze %dma_wait3A_318 : memref<1x!tpu.dma_semaphore, #tpu.memory_space<semaphore_mem>> -> memref<!tpu.dma_semaphore, #tpu.memory_space<semaphore_mem>>
      tpu.wait_indirect_dma semaphore(%dma_wait3A_319 : memref<!tpu.dma_semaphore, #tpu.memory_space<semaphore_mem>>) src(%dma_wait3A_317 : memref<10000x128xf32, #tpu.memory_space<hbm>>) dst(%dma_wait3A_311 : memref<80x128xf32, #tpu.memory_space<vmem>>)
      %dma_start3A_320 = arith.constant 1 : i32
      %dma_start3A_321 = arith.constant 0 : i32
      %dma_start3A_322 = arith.constant 0 : i32
      %dma_start3A_323 = tpu.memref_slice %arg7[%rem3A_303, %dma_start3A_321, %dma_start3A_322] : memref<4x80x128xf32, #tpu.memory_space<vmem>> -> memref<1x80x128xf32, #tpu.memory_space<vmem>>
      %dma_start3A_324 = tpu.memref_squeeze %dma_start3A_323 : memref<1x80x128xf32, #tpu.memory_space<vmem>> -> memref<80x128xf32, #tpu.memory_space<vmem>>
      %dma_start3A_325 = arith.constant 0 : i32
      %dma_start3A_326 = tpu.memref_slice %arg6[%rem3A_305, %dma_start3A_320, %dma_start3A_325] : memref<5x2x80xi32, #tpu.memory_space<vmem>> -> memref<1x1x80xi32, #tpu.memory_space<vmem>>
      %dma_start3A_327 = tpu.memref_squeeze %dma_start3A_326 : memref<1x1x80xi32, #tpu.memory_space<vmem>> -> memref<80xi32, #tpu.memory_space<vmem>>
      %dma_start3A_328 = arith.constant 0 : i32
      %dma_start3A_329 = arith.constant 0 : i32
      %dma_start3A_330 = tpu.memref_slice %arg8[%dma_start3A_328, %dma_start3A_329] : memref<10016x128xf32, #tpu.memory_space<vmem_shared>> -> memref<10016x128xf32, #tpu.memory_space<vmem_shared>>
      %dma_start3A_331 = tpu.memref_slice %arg11[%rem3A_303] : memref<4x!tpu.dma_semaphore, #tpu.memory_space<semaphore_mem>> -> memref<1x!tpu.dma_semaphore, #tpu.memory_space<semaphore_mem>>
      %dma_start3A_332 = tpu.memref_squeeze %dma_start3A_331 : memref<1x!tpu.dma_semaphore, #tpu.memory_space<semaphore_mem>> -> memref<!tpu.dma_semaphore, #tpu.memory_space<semaphore_mem>>
      tpu.enqueue_indirect_dma source(%dma_start3A_324 : memref<80x128xf32, #tpu.memory_space<vmem>>) target(%dma_start3A_330 : memref<10016x128xf32, #tpu.memory_space<vmem_shared>>) offsets(%dma_start3A_327 : memref<80xi32, #tpu.memory_space<vmem>>) semaphore(%dma_start3A_332 : memref<!tpu.dma_semaphore, #tpu.memory_space<semaphore_mem>>) {add = true}
      %add3A_333 = arith.constant 3 : i32
      %add3A_334 = arith.addi %scan3A_302, %add3A_333 : i32
      %lt3A = arith.constant 125 : i32
      %lt3A_335 = arith.cmpi slt, %add3A_334, %lt3A : i32
      %convert_element_type3A_336 = arith.extui %lt3A_335 : i1 to i32
      %cond3A_337 = arith.constant 0 : i32
      %cond3A_338 = arith.cmpi ne, %convert_element_type3A_336, %cond3A_337 : i32
      scf.if %cond3A_338 {
        %add3A_348 = arith.constant 3 : i32
        %add3A_349 = arith.addi %scan3A_302, %add3A_348 : i32
        %rem3A_350 = arith.constant 4 : i32
        %rem3A_351 = arith.remsi %add3A_349, %rem3A_350 : i32
        %ge3A = arith.constant 1 : i32
        %ge3A_352 = arith.cmpi sge, %scan3A_302, %ge3A : i32
        %convert_element_type3A_353 = arith.extui %ge3A_352 : i1 to i32
        %cond3A_354 = arith.constant 0 : i32
        %cond3A_355 = arith.cmpi ne, %convert_element_type3A_353, %cond3A_354 : i32
        scf.if %cond3A_355 {
          %dma_wait3A_390 = arith.constant 0 : i32
          %dma_wait3A_391 = arith.constant 1 : i32
          %dma_wait3A_392 = arith.constant 0 : i32
          %dma_wait3A_393 = arith.constant 0 : i32
          %dma_wait3A_394 = tpu.memref_slice %arg7[%rem3A_351, %dma_wait3A_392, %dma_wait3A_393] : memref<4x80x128xf32, #tpu.memory_space<vmem>> -> memref<1x80x128xf32, #tpu.memory_space<vmem>>
          %dma_wait3A_395 = tpu.memref_squeeze %dma_wait3A_394 : memref<1x80x128xf32, #tpu.memory_space<vmem>> -> memref<80x128xf32, #tpu.memory_space<vmem>>
          %dma_wait3A_396 = arith.constant 0 : i32
          %dma_wait3A_397 = tpu.memref_slice %arg6[%dma_wait3A_390, %dma_wait3A_391, %dma_wait3A_396] : memref<5x2x80xi32, #tpu.memory_space<vmem>> -> memref<1x1x80xi32, #tpu.memory_space<vmem>>
          %dma_wait3A_398 = tpu.memref_squeeze %dma_wait3A_397 : memref<1x1x80xi32, #tpu.memory_space<vmem>> -> memref<80xi32, #tpu.memory_space<vmem>>
          %dma_wait3A_399 = arith.constant 0 : i32
          %dma_wait3A_400 = arith.constant 0 : i32
          %dma_wait3A_401 = tpu.memref_slice %arg8[%dma_wait3A_399, %dma_wait3A_400] : memref<10016x128xf32, #tpu.memory_space<vmem_shared>> -> memref<10016x128xf32, #tpu.memory_space<vmem_shared>>
          %dma_wait3A_402 = tpu.memref_slice %arg11[%rem3A_351] : memref<4x!tpu.dma_semaphore, #tpu.memory_space<semaphore_mem>> -> memref<1x!tpu.dma_semaphore, #tpu.memory_space<semaphore_mem>>
          %dma_wait3A_403 = tpu.memref_squeeze %dma_wait3A_402 : memref<1x!tpu.dma_semaphore, #tpu.memory_space<semaphore_mem>> -> memref<!tpu.dma_semaphore, #tpu.memory_space<semaphore_mem>>
          tpu.wait_indirect_dma semaphore(%dma_wait3A_403 : memref<!tpu.dma_semaphore, #tpu.memory_space<semaphore_mem>>) src(%dma_wait3A_395 : memref<80x128xf32, #tpu.memory_space<vmem>>) dst(%dma_wait3A_401 : memref<10016x128xf32, #tpu.memory_space<vmem_shared>>)
        } else {
        }
        %rem3A_356 = arith.constant 5 : i32
        %rem3A_357 = arith.remsi %add3A_349, %rem3A_356 : i32
        %dma_wait3A_358 = arith.constant 0 : i32
        %dma_wait3A_359 = arith.constant 0 : i32
        %dma_wait3A_360 = arith.constant 0 : i32
        %dma_wait3A_361 = tpu.memref_slice %arg6[%rem3A_357, %dma_wait3A_359, %dma_wait3A_360] : memref<5x2x80xi32, #tpu.memory_space<vmem>> -> memref<1x2x80xi32, #tpu.memory_space<vmem>>
        %dma_wait3A_362 = tpu.memref_squeeze %dma_wait3A_361 : memref<1x2x80xi32, #tpu.memory_space<vmem>> -> memref<2x80xi32, #tpu.memory_space<vmem>>
        %dma_wait3A_363 = arith.constant 0 : i32
        %dma_wait3A_364 = arith.constant 0 : i32
        %dma_wait3A_365 = tpu.memref_slice %arg3[%add3A, %dma_wait3A_358, %dma_wait3A_363, %dma_wait3A_364] : memref<32x125x2x80xi32, #tpu.memory_space<hbm>> -> memref<1x1x2x80xi32, #tpu.memory_space<hbm>>
        %dma_wait3A_366 = tpu.memref_squeeze %dma_wait3A_365 : memref<1x1x2x80xi32, #tpu.memory_space<hbm>> -> memref<2x80xi32, #tpu.memory_space<hbm>>
        %dma_wait3A_367 = tpu.memref_slice %arg9[%rem3A_357] : memref<5x!tpu.dma_semaphore, #tpu.memory_space<semaphore_mem>> -> memref<1x!tpu.dma_semaphore, #tpu.memory_space<semaphore_mem>>
        %dma_wait3A_368 = tpu.memref_squeeze %dma_wait3A_367 : memref<1x!tpu.dma_semaphore, #tpu.memory_space<semaphore_mem>> -> memref<!tpu.dma_semaphore, #tpu.memory_space<semaphore_mem>>
        %dma_wait3A_369 = arith.constant 0 : i32
        %dma_wait3A_370 = arith.constant 0 : i32
        %dma_wait3A_371 = tpu.memref_slice %arg6[%rem3A_357, %dma_wait3A_369, %dma_wait3A_370] : memref<5x2x80xi32, #tpu.memory_space<vmem>> -> memref<1x2x80xi32, #tpu.memory_space<vmem>>
        %dma_wait3A_372 = tpu.memref_squeeze %dma_wait3A_371 : memref<1x2x80xi32, #tpu.memory_space<vmem>> -> memref<2x80xi32, #tpu.memory_space<vmem>>
        %dma_wait3A_373 = arith.constant 0 : i32
        %dma_wait3A_374 = arith.constant 0 : i32
        %dma_wait3A_375 = tpu.memref_slice %arg3[%add3A, %dma_wait3A_358, %dma_wait3A_373, %dma_wait3A_374] : memref<32x125x2x80xi32, #tpu.memory_space<hbm>> -> memref<1x1x2x80xi32, #tpu.memory_space<hbm>>
        %dma_wait3A_376 = tpu.memref_squeeze %dma_wait3A_375 : memref<1x1x2x80xi32, #tpu.memory_space<hbm>> -> memref<2x80xi32, #tpu.memory_space<hbm>>
        tpu.wait_dma2 semaphore(%dma_wait3A_368 : memref<!tpu.dma_semaphore, #tpu.memory_space<semaphore_mem>>) src(%dma_wait3A_376 : memref<2x80xi32, #tpu.memory_space<hbm>>) dst(%dma_wait3A_372 : memref<2x80xi32, #tpu.memory_space<vmem>>)
        %dma_start3A_377 = arith.constant 0 : i32
        %dma_start3A_378 = arith.constant 0 : i32
        %dma_start3A_379 = arith.constant 0 : i32
        %dma_start3A_380 = tpu.memref_slice %arg7[%rem3A_351, %dma_start3A_378, %dma_start3A_379] : memref<4x80x128xf32, #tpu.memory_space<vmem>> -> memref<1x80x128xf32, #tpu.memory_space<vmem>>
        %dma_start3A_381 = tpu.memref_squeeze %dma_start3A_380 : memref<1x80x128xf32, #tpu.memory_space<vmem>> -> memref<80x128xf32, #tpu.memory_space<vmem>>
        %dma_start3A_382 = arith.constant 0 : i32
        %dma_start3A_383 = tpu.memref_slice %arg6[%rem3A_357, %dma_start3A_377, %dma_start3A_382] : memref<5x2x80xi32, #tpu.memory_space<vmem>> -> memref<1x1x80xi32, #tpu.memory_space<vmem>>
        %dma_start3A_384 = tpu.memref_squeeze %dma_start3A_383 : memref<1x1x80xi32, #tpu.memory_space<vmem>> -> memref<80xi32, #tpu.memory_space<vmem>>
        %dma_start3A_385 = arith.constant 0 : i32
        %dma_start3A_386 = arith.constant 0 : i32
        %dma_start3A_387 = tpu.memref_slice %arg2[%dma_start3A_385, %dma_start3A_386] : memref<10000x128xf32, #tpu.memory_space<hbm>> -> memref<10000x128xf32, #tpu.memory_space<hbm>>
        %dma_start3A_388 = tpu.memref_slice %arg10[%rem3A_351] : memref<4x!tpu.dma_semaphore, #tpu.memory_space<semaphore_mem>> -> memref<1x!tpu.dma_semaphore, #tpu.memory_space<semaphore_mem>>
        %dma_start3A_389 = tpu.memref_squeeze %dma_start3A_388 : memref<1x!tpu.dma_semaphore, #tpu.memory_space<semaphore_mem>> -> memref<!tpu.dma_semaphore, #tpu.memory_space<semaphore_mem>>
        tpu.enqueue_indirect_dma source(%dma_start3A_387 : memref<10000x128xf32, #tpu.memory_space<hbm>>) target(%dma_start3A_381 : memref<80x128xf32, #tpu.memory_space<vmem>>) offsets(%dma_start3A_384 : memref<80xi32, #tpu.memory_space<vmem>>) semaphore(%dma_start3A_389 : memref<!tpu.dma_semaphore, #tpu.memory_space<semaphore_mem>>)
      } else {
      }
      %add3A_339 = arith.constant 3 : i32
      %add3A_340 = arith.addi %scan3A_302, %add3A_339 : i32
      %add3A_341 = arith.constant 1 : i32
      %add3A_342 = arith.addi %add3A_340, %add3A_341 : i32
      %lt3A_343 = arith.constant 125 : i32
      %lt3A_344 = arith.cmpi slt, %add3A_342, %lt3A_343 : i32
      %convert_element_type3A_345 = arith.extui %lt3A_344 : i1 to i32
      %cond3A_346 = arith.constant 0 : i32
      %cond3A_347 = arith.cmpi ne, %convert_element_type3A_345, %cond3A_346 : i32
      scf.if %cond3A_347 {
        %add3A_348 = arith.constant 3 : i32
        %add3A_349 = arith.addi %scan3A_302, %add3A_348 : i32
        %add3A_350 = arith.constant 1 : i32
        %add3A_351 = arith.addi %add3A_349, %add3A_350 : i32
        %rem3A_352 = arith.constant 5 : i32
        %rem3A_353 = arith.remsi %add3A_351, %rem3A_352 : i32
        %dma_start3A_354 = arith.constant 0 : i32
        %dma_start3A_355 = arith.constant 0 : i32
        %dma_start3A_356 = tpu.memref_slice %arg6[%rem3A_353, %dma_start3A_354, %dma_start3A_355] : memref<5x2x80xi32, #tpu.memory_space<vmem>> -> memref<1x2x80xi32, #tpu.memory_space<vmem>>
        %dma_start3A_357 = tpu.memref_squeeze %dma_start3A_356 : memref<1x2x80xi32, #tpu.memory_space<vmem>> -> memref<2x80xi32, #tpu.memory_space<vmem>>
        %dma_start3A_358 = arith.constant 0 : i32
        %dma_start3A_359 = arith.constant 0 : i32
        %dma_start3A_360 = tpu.memref_slice %arg3[%add3A, %add3A_351, %dma_start3A_358, %dma_start3A_359] : memref<32x125x2x80xi32, #tpu.memory_space<hbm>> -> memref<1x1x2x80xi32, #tpu.memory_space<hbm>>
        %dma_start3A_361 = tpu.memref_squeeze %dma_start3A_360 : memref<1x1x2x80xi32, #tpu.memory_space<hbm>> -> memref<2x80xi32, #tpu.memory_space<hbm>>
        %dma_start3A_362 = tpu.memref_slice %arg9[%rem3A_353] : memref<5x!tpu.dma_semaphore, #tpu.memory_space<semaphore_mem>> -> memref<1x!tpu.dma_semaphore, #tpu.memory_space<semaphore_mem>>
        %dma_start3A_363 = tpu.memref_squeeze %dma_start3A_362 : memref<1x!tpu.dma_semaphore, #tpu.memory_space<semaphore_mem>> -> memref<!tpu.dma_semaphore, #tpu.memory_space<semaphore_mem>>
        %dma_start3A_364 = arith.constant 0 : i32
        %dma_start3A_365 = arith.constant 0 : i32
        %dma_start3A_366 = tpu.memref_slice %arg6[%rem3A_353, %dma_start3A_364, %dma_start3A_365] : memref<5x2x80xi32, #tpu.memory_space<vmem>> -> memref<1x2x80xi32, #tpu.memory_space<vmem>>
        %dma_start3A_367 = tpu.memref_squeeze %dma_start3A_366 : memref<1x2x80xi32, #tpu.memory_space<vmem>> -> memref<2x80xi32, #tpu.memory_space<vmem>>
        %dma_start3A_368 = arith.constant 0 : i32
        %dma_start3A_369 = arith.constant 0 : i32
        %dma_start3A_370 = tpu.memref_slice %arg3[%add3A, %add3A_351, %dma_start3A_368, %dma_start3A_369] : memref<32x125x2x80xi32, #tpu.memory_space<hbm>> -> memref<1x1x2x80xi32, #tpu.memory_space<hbm>>
        %dma_start3A_371 = tpu.memref_squeeze %dma_start3A_370 : memref<1x1x2x80xi32, #tpu.memory_space<hbm>> -> memref<2x80xi32, #tpu.memory_space<hbm>>
        tpu.enqueue_dma source(%dma_start3A_371 : memref<2x80xi32, #tpu.memory_space<hbm>>) target(%dma_start3A_367 : memref<2x80xi32, #tpu.memory_space<vmem>>) target_semaphore(%dma_start3A_363 : memref<!tpu.dma_semaphore, #tpu.memory_space<semaphore_mem>>)
      } else {
      }
    }
    %scan3A_227 = arith.constant 125 : i32
    %dma_wait3A_228 = arith.constant 1 : i32
    %dma_wait3A_229 = arith.constant 0 : i32
    %dma_wait3A_230 = arith.constant 1 : i32
    %dma_wait3A_231 = arith.constant 1 : i32
    %dma_wait3A_232 = arith.constant 0 : i32
    %dma_wait3A_233 = arith.constant 0 : i32
    %dma_wait3A_234 = tpu.memref_slice %arg7[%dma_wait3A_228, %dma_wait3A_232, %dma_wait3A_233] : memref<4x80x128xf32, #tpu.memory_space<vmem>> -> memref<1x80x128xf32, #tpu.memory_space<vmem>>
    %dma_wait3A_235 = tpu.memref_squeeze %dma_wait3A_234 : memref<1x80x128xf32, #tpu.memory_space<vmem>> -> memref<80x128xf32, #tpu.memory_space<vmem>>
    %dma_wait3A_236 = arith.constant 0 : i32
    %dma_wait3A_237 = tpu.memref_slice %arg6[%dma_wait3A_229, %dma_wait3A_230, %dma_wait3A_236] : memref<5x2x80xi32, #tpu.memory_space<vmem>> -> memref<1x1x80xi32, #tpu.memory_space<vmem>>
    %dma_wait3A_238 = tpu.memref_squeeze %dma_wait3A_237 : memref<1x1x80xi32, #tpu.memory_space<vmem>> -> memref<80xi32, #tpu.memory_space<vmem>>
    %dma_wait3A_239 = arith.constant 0 : i32
    %dma_wait3A_240 = arith.constant 0 : i32
    %dma_wait3A_241 = tpu.memref_slice %arg8[%dma_wait3A_239, %dma_wait3A_240] : memref<10016x128xf32, #tpu.memory_space<vmem_shared>> -> memref<10016x128xf32, #tpu.memory_space<vmem_shared>>
    %dma_wait3A_242 = tpu.memref_slice %arg11[%dma_wait3A_231] : memref<4x!tpu.dma_semaphore, #tpu.memory_space<semaphore_mem>> -> memref<1x!tpu.dma_semaphore, #tpu.memory_space<semaphore_mem>>
    %dma_wait3A_243 = tpu.memref_squeeze %dma_wait3A_242 : memref<1x!tpu.dma_semaphore, #tpu.memory_space<semaphore_mem>> -> memref<!tpu.dma_semaphore, #tpu.memory_space<semaphore_mem>>
    tpu.wait_indirect_dma semaphore(%dma_wait3A_243 : memref<!tpu.dma_semaphore, #tpu.memory_space<semaphore_mem>>) src(%dma_wait3A_235 : memref<80x128xf32, #tpu.memory_space<vmem>>) dst(%dma_wait3A_241 : memref<10016x128xf32, #tpu.memory_space<vmem_shared>>)
    %dma_wait3A_244 = arith.constant 2 : i32
    %dma_wait3A_245 = arith.constant 0 : i32
    %dma_wait3A_246 = arith.constant 1 : i32
    %dma_wait3A_247 = arith.constant 2 : i32
    %dma_wait3A_248 = arith.constant 0 : i32
    %dma_wait3A_249 = arith.constant 0 : i32
    %dma_wait3A_250 = tpu.memref_slice %arg7[%dma_wait3A_244, %dma_wait3A_248, %dma_wait3A_249] : memref<4x80x128xf32, #tpu.memory_space<vmem>> -> memref<1x80x128xf32, #tpu.memory_space<vmem>>
    %dma_wait3A_251 = tpu.memref_squeeze %dma_wait3A_250 : memref<1x80x128xf32, #tpu.memory_space<vmem>> -> memref<80x128xf32, #tpu.memory_space<vmem>>
    %dma_wait3A_252 = arith.constant 0 : i32
    %dma_wait3A_253 = tpu.memref_slice %arg6[%dma_wait3A_245, %dma_wait3A_246, %dma_wait3A_252] : memref<5x2x80xi32, #tpu.memory_space<vmem>> -> memref<1x1x80xi32, #tpu.memory_space<vmem>>
    %dma_wait3A_254 = tpu.memref_squeeze %dma_wait3A_253 : memref<1x1x80xi32, #tpu.memory_space<vmem>> -> memref<80xi32, #tpu.memory_space<vmem>>
    %dma_wait3A_255 = arith.constant 0 : i32
    %dma_wait3A_256 = arith.constant 0 : i32
    %dma_wait3A_257 = tpu.memref_slice %arg8[%dma_wait3A_255, %dma_wait3A_256] : memref<10016x128xf32, #tpu.memory_space<vmem_shared>> -> memref<10016x128xf32, #tpu.memory_space<vmem_shared>>
    %dma_wait3A_258 = tpu.memref_slice %arg11[%dma_wait3A_247] : memref<4x!tpu.dma_semaphore, #tpu.memory_space<semaphore_mem>> -> memref<1x!tpu.dma_semaphore, #tpu.memory_space<semaphore_mem>>
    %dma_wait3A_259 = tpu.memref_squeeze %dma_wait3A_258 : memref<1x!tpu.dma_semaphore, #tpu.memory_space<semaphore_mem>> -> memref<!tpu.dma_semaphore, #tpu.memory_space<semaphore_mem>>
    tpu.wait_indirect_dma semaphore(%dma_wait3A_259 : memref<!tpu.dma_semaphore, #tpu.memory_space<semaphore_mem>>) src(%dma_wait3A_251 : memref<80x128xf32, #tpu.memory_space<vmem>>) dst(%dma_wait3A_257 : memref<10016x128xf32, #tpu.memory_space<vmem_shared>>)
    %dma_wait3A_260 = arith.constant 3 : i32
    %dma_wait3A_261 = arith.constant 0 : i32
    %dma_wait3A_262 = arith.constant 1 : i32
    %dma_wait3A_263 = arith.constant 3 : i32
    %dma_wait3A_264 = arith.constant 0 : i32
    %dma_wait3A_265 = arith.constant 0 : i32
    %dma_wait3A_266 = tpu.memref_slice %arg7[%dma_wait3A_260, %dma_wait3A_264, %dma_wait3A_265] : memref<4x80x128xf32, #tpu.memory_space<vmem>> -> memref<1x80x128xf32, #tpu.memory_space<vmem>>
    %dma_wait3A_267 = tpu.memref_squeeze %dma_wait3A_266 : memref<1x80x128xf32, #tpu.memory_space<vmem>> -> memref<80x128xf32, #tpu.memory_space<vmem>>
    %dma_wait3A_268 = arith.constant 0 : i32
    %dma_wait3A_269 = tpu.memref_slice %arg6[%dma_wait3A_261, %dma_wait3A_262, %dma_wait3A_268] : memref<5x2x80xi32, #tpu.memory_space<vmem>> -> memref<1x1x80xi32, #tpu.memory_space<vmem>>
    %dma_wait3A_270 = tpu.memref_squeeze %dma_wait3A_269 : memref<1x1x80xi32, #tpu.memory_space<vmem>> -> memref<80xi32, #tpu.memory_space<vmem>>
    %dma_wait3A_271 = arith.constant 0 : i32
    %dma_wait3A_272 = arith.constant 0 : i32
    %dma_wait3A_273 = tpu.memref_slice %arg8[%dma_wait3A_271, %dma_wait3A_272] : memref<10016x128xf32, #tpu.memory_space<vmem_shared>> -> memref<10016x128xf32, #tpu.memory_space<vmem_shared>>
    %dma_wait3A_274 = tpu.memref_slice %arg11[%dma_wait3A_263] : memref<4x!tpu.dma_semaphore, #tpu.memory_space<semaphore_mem>> -> memref<1x!tpu.dma_semaphore, #tpu.memory_space<semaphore_mem>>
    %dma_wait3A_275 = tpu.memref_squeeze %dma_wait3A_274 : memref<1x!tpu.dma_semaphore, #tpu.memory_space<semaphore_mem>> -> memref<!tpu.dma_semaphore, #tpu.memory_space<semaphore_mem>>
    tpu.wait_indirect_dma semaphore(%dma_wait3A_275 : memref<!tpu.dma_semaphore, #tpu.memory_space<semaphore_mem>>) src(%dma_wait3A_267 : memref<80x128xf32, #tpu.memory_space<vmem>>) dst(%dma_wait3A_273 : memref<10016x128xf32, #tpu.memory_space<vmem_shared>>)
    %dma_wait3A_276 = arith.constant 0 : i32
    %dma_wait3A_277 = arith.constant 0 : i32
    %dma_wait3A_278 = arith.constant 1 : i32
    %dma_wait3A_279 = arith.constant 0 : i32
    %dma_wait3A_280 = arith.constant 0 : i32
    %dma_wait3A_281 = arith.constant 0 : i32
    %dma_wait3A_282 = tpu.memref_slice %arg7[%dma_wait3A_276, %dma_wait3A_280, %dma_wait3A_281] : memref<4x80x128xf32, #tpu.memory_space<vmem>> -> memref<1x80x128xf32, #tpu.memory_space<vmem>>
    %dma_wait3A_283 = tpu.memref_squeeze %dma_wait3A_282 : memref<1x80x128xf32, #tpu.memory_space<vmem>> -> memref<80x128xf32, #tpu.memory_space<vmem>>
    %dma_wait3A_284 = arith.constant 0 : i32
    %dma_wait3A_285 = tpu.memref_slice %arg6[%dma_wait3A_277, %dma_wait3A_278, %dma_wait3A_284] : memref<5x2x80xi32, #tpu.memory_space<vmem>> -> memref<1x1x80xi32, #tpu.memory_space<vmem>>
    %dma_wait3A_286 = tpu.memref_squeeze %dma_wait3A_285 : memref<1x1x80xi32, #tpu.memory_space<vmem>> -> memref<80xi32, #tpu.memory_space<vmem>>
    %dma_wait3A_287 = arith.constant 0 : i32
    %dma_wait3A_288 = arith.constant 0 : i32
    %dma_wait3A_289 = tpu.memref_slice %arg8[%dma_wait3A_287, %dma_wait3A_288] : memref<10016x128xf32, #tpu.memory_space<vmem_shared>> -> memref<10016x128xf32, #tpu.memory_space<vmem_shared>>
    %dma_wait3A_290 = tpu.memref_slice %arg11[%dma_wait3A_279] : memref<4x!tpu.dma_semaphore, #tpu.memory_space<semaphore_mem>> -> memref<1x!tpu.dma_semaphore, #tpu.memory_space<semaphore_mem>>
    %dma_wait3A_291 = tpu.memref_squeeze %dma_wait3A_290 : memref<1x!tpu.dma_semaphore, #tpu.memory_space<semaphore_mem>> -> memref<!tpu.dma_semaphore, #tpu.memory_space<semaphore_mem>>
    tpu.wait_indirect_dma semaphore(%dma_wait3A_291 : memref<!tpu.dma_semaphore, #tpu.memory_space<semaphore_mem>>) src(%dma_wait3A_283 : memref<80x128xf32, #tpu.memory_space<vmem>>) dst(%dma_wait3A_289 : memref<10016x128xf32, #tpu.memory_space<vmem_shared>>)
    %barrier3A_292 = arith.constant 0 : index
    tpu.barrier barrier_id(%barrier3A_292)
    %mul3A_293 = arith.constant 624 : i32
    %mul3A_294 = arith.muli %arg1, %mul3A_293 : i32
    %mul3A_295 = arith.constant 624 : i32
    %mul3A_296 = arith.muli %arg1, %mul3A_295 : i32
    "tpu.region"() ({
      %run_scoped3A = tpu.sem_alloc : memref<!tpu.dma_semaphore, #tpu.memory_space<semaphore_mem>>
      %dma_start3A_302 = arith.constant 0 : i32
      %dma_start3A_303 = tpu.memref_slice %arg5[%arg0, %mul3A_296, %dma_start3A_302] : memref<2x10000x128xf32, #tpu.memory_space<hbm>> -> memref<1x624x128xf32, #tpu.memory_space<hbm>>
      %dma_start3A_304 = tpu.memref_squeeze %dma_start3A_303 : memref<1x624x128xf32, #tpu.memory_space<hbm>> -> memref<624x128xf32, #tpu.memory_space<hbm>>
      %dma_start3A_305 = arith.constant 0 : i32
      %dma_start3A_306 = tpu.memref_slice %arg8[%mul3A_294, %dma_start3A_305] : memref<10016x128xf32, #tpu.memory_space<vmem_shared>> -> memref<624x128xf32, #tpu.memory_space<vmem_shared>>
      tpu.enqueue_dma source(%dma_start3A_306 : memref<624x128xf32, #tpu.memory_space<vmem_shared>>) target(%dma_start3A_304 : memref<624x128xf32, #tpu.memory_space<hbm>>) target_semaphore(%run_scoped3A : memref<!tpu.dma_semaphore, #tpu.memory_space<semaphore_mem>>)
      %dma_wait3A_307 = arith.constant 0 : i32
      %dma_wait3A_308 = tpu.memref_slice %arg5[%arg0, %mul3A_296, %dma_wait3A_307] : memref<2x10000x128xf32, #tpu.memory_space<hbm>> -> memref<1x624x128xf32, #tpu.memory_space<hbm>>
      %dma_wait3A_309 = tpu.memref_squeeze %dma_wait3A_308 : memref<1x624x128xf32, #tpu.memory_space<hbm>> -> memref<624x128xf32, #tpu.memory_space<hbm>>
      %dma_wait3A_310 = arith.constant 0 : i32
      %dma_wait3A_311 = tpu.memref_slice %arg8[%mul3A_294, %dma_wait3A_310] : memref<10016x128xf32, #tpu.memory_space<vmem_shared>> -> memref<624x128xf32, #tpu.memory_space<vmem_shared>>
      tpu.wait_dma2 semaphore(%run_scoped3A : memref<!tpu.dma_semaphore, #tpu.memory_space<semaphore_mem>>) src(%dma_wait3A_311 : memref<624x128xf32, #tpu.memory_space<vmem_shared>>) dst(%dma_wait3A_309 : memref<624x128xf32, #tpu.memory_space<hbm>>)
      tpu.yield
    }) : () -> ()
    %eq3A_297 = arith.constant 15 : i32
    %eq3A_298 = arith.cmpi eq, %arg1, %eq3A_297 : i32
    %convert_element_type3A_299 = arith.extui %eq3A_298 : i1 to i32
    %cond3A_300 = arith.constant 0 : i32
    %cond3A_301 = arith.cmpi ne, %convert_element_type3A_299, %cond3A_300 : i32
    scf.if %cond3A_301 {
      "tpu.region"() ({
        %run_scoped3A = tpu.sem_alloc : memref<!tpu.dma_semaphore, #tpu.memory_space<semaphore_mem>>
        %dma_start3A_302 = arith.constant 9984 : i32
        %dma_start3A_303 = arith.constant 0 : i32
        %dma_start3A_304 = tpu.memref_slice %arg5[%arg0, %dma_start3A_302, %dma_start3A_303] : memref<2x10000x128xf32, #tpu.memory_space<hbm>> -> memref<1x16x128xf32, #tpu.memory_space<hbm>>
        %dma_start3A_305 = tpu.memref_squeeze %dma_start3A_304 : memref<1x16x128xf32, #tpu.memory_space<hbm>> -> memref<16x128xf32, #tpu.memory_space<hbm>>
        %dma_start3A_306 = arith.constant 9984 : i32
        %dma_start3A_307 = arith.constant 0 : i32
        %dma_start3A_308 = tpu.memref_slice %arg8[%dma_start3A_306, %dma_start3A_307] : memref<10016x128xf32, #tpu.memory_space<vmem_shared>> -> memref<16x128xf32, #tpu.memory_space<vmem_shared>>
        tpu.enqueue_dma source(%dma_start3A_308 : memref<16x128xf32, #tpu.memory_space<vmem_shared>>) target(%dma_start3A_305 : memref<16x128xf32, #tpu.memory_space<hbm>>) target_semaphore(%run_scoped3A : memref<!tpu.dma_semaphore, #tpu.memory_space<semaphore_mem>>)
        %dma_wait3A_309 = arith.constant 9984 : i32
        %dma_wait3A_310 = arith.constant 0 : i32
        %dma_wait3A_311 = tpu.memref_slice %arg5[%arg0, %dma_wait3A_309, %dma_wait3A_310] : memref<2x10000x128xf32, #tpu.memory_space<hbm>> -> memref<1x16x128xf32, #tpu.memory_space<hbm>>
        %dma_wait3A_312 = tpu.memref_squeeze %dma_wait3A_311 : memref<1x16x128xf32, #tpu.memory_space<hbm>> -> memref<16x128xf32, #tpu.memory_space<hbm>>
        %dma_wait3A_313 = arith.constant 9984 : i32
        %dma_wait3A_314 = arith.constant 0 : i32
        %dma_wait3A_315 = tpu.memref_slice %arg8[%dma_wait3A_313, %dma_wait3A_314] : memref<10016x128xf32, #tpu.memory_space<vmem_shared>> -> memref<16x128xf32, #tpu.memory_space<vmem_shared>>
        tpu.wait_dma2 semaphore(%run_scoped3A : memref<!tpu.dma_semaphore, #tpu.memory_space<semaphore_mem>>) src(%dma_wait3A_315 : memref<16x128xf32, #tpu.memory_space<vmem_shared>>) dst(%dma_wait3A_312 : memref<16x128xf32, #tpu.memory_space<hbm>>)
        tpu.yield
      }) : () -> ()
    } else {
    }
    return
  }
}

module attributes {stable_mosaic.version = 14 : i64} {
  func.func @_tc_first_body(%arg0: i32, %arg1: memref<2000x128xf32, #tpu.memory_space<vmem>>, %arg2: memref<128x128xf32, #tpu.memory_space<vmem>>, %arg3: memref<2000x8xf32, #tpu.memory_space<vmem>>, %arg4: memref<2000x128xf32, #tpu.memory_space<vmem>>) attributes {dimension_semantics = [#tpu.dimension_semantics<arbitrary>], iteration_bounds = array<i64: 5>, scalar_prefetch = 0 : i64, scratch_operands = 0 : i64, tpu.core_type = #tpu.core_type<tc>, window_params = [{transform_indices = @transform_0, window_bounds = array<i64: 2000, 128>}, {pipeline_mode = #tpu.pipeline_mode<synchronous>, transform_indices = @transform_1, window_bounds = array<i64: 128, 128>}, {transform_indices = @transform_2, window_bounds = array<i64: 2000, 8>}, {transform_indices = @transform_3, window_bounds = array<i64: 2000, 128>}]} {
    %get3A = arith.constant 0 : index
    %get3A_0 = arith.constant 0 : index
    %get3A_1 = vector.load %arg3[%get3A, %get3A_0] : memref<2000x8xf32, #tpu.memory_space<vmem>>, vector<2000x8xf32>
    %reduce_sum3A = arith.constant dense<0.000000e+00> : vector<2000xf32>
    %reduce_sum3A_2 = vector.multi_reduction <add>, %get3A_1, %reduce_sum3A [1] : vector<2000x8xf32> to vector<2000xf32>
    %broadcast_in_dim3A = vector.shape_cast %reduce_sum3A_2 : vector<2000xf32> to vector<2000x1xf32>
    %add3A = arith.constant 1.000000e+00 : f32
    %add3A_3 = vector.broadcast %add3A : f32 to vector<2000x1xf32>
    %add3A_4 = arith.addf %broadcast_in_dim3A, %add3A_3 : vector<2000x1xf32>
    %rsqrt3A = math.rsqrt %add3A_4 : vector<2000x1xf32>
    %get3A_5 = arith.constant 0 : index
    %get3A_6 = arith.constant 0 : index
    %get3A_7 = vector.load %arg1[%get3A_5, %get3A_6] : memref<2000x128xf32, #tpu.memory_space<vmem>>, vector<2000x128xf32>
    %get3A_8 = arith.constant 0 : index
    %get3A_9 = arith.constant 0 : index
    %get3A_10 = vector.load %arg2[%get3A_8, %get3A_9] : memref<128x128xf32, #tpu.memory_space<vmem>>, vector<128x128xf32>
    %dot_general3A = arith.constant dense<0.000000e+00> : vector<2000x128xf32>
    %dot_general3A_11 = tpu.matmul %get3A_7, %get3A_10, %dot_general3A {dimension_numbers = #tpu.dot_dimension_numbers<[1], [0], [0], [1], [0, 0, 1, 1], [], []>, transpose_lhs_hint = false} : vector<2000x128xf32>, vector<128x128xf32>, vector<2000x128xf32> -> vector<2000x128xf32>
    %mul3A = vector.broadcast %rsqrt3A : vector<2000x1xf32> to vector<2000x128xf32>
    %mul3A_12 = arith.mulf %dot_general3A_11, %mul3A : vector<2000x128xf32>
    %swap3A = arith.constant 0 : index
    %swap3A_13 = arith.constant 0 : index
    %swap3A_14 = vector.load %arg4[%swap3A, %swap3A_13] : memref<2000x128xf32, #tpu.memory_space<vmem>>, vector<2000x128xf32>
    tpu.vector_store %arg4[%swap3A, %swap3A_13], %mul3A_12 {strides = array<i32>} : memref<2000x128xf32, #tpu.memory_space<vmem>>, vector<2000x128xf32>,
    return
  }
  func.func @transform_0(%arg0: i32) -> (i32, i32) {
    %c0_i32 = arith.constant 0 : i32
    %c0_i32_0 = arith.constant 0 : i32
    return %arg0, %c0_i32 : i32, i32
  }
  func.func @transform_1(%arg0: i32) -> (i32, i32) {
    %c0_i32 = arith.constant 0 : i32
    %c0_i32_0 = arith.constant 0 : i32
    %c0_i32_1 = arith.constant 0 : i32
    return %c0_i32, %c0_i32_0 : i32, i32
  }
  func.func @transform_2(%arg0: i32) -> (i32, i32) {
    %c0_i32 = arith.constant 0 : i32
    %c0_i32_0 = arith.constant 0 : i32
    return %arg0, %c0_i32 : i32, i32
  }
  func.func @transform_3(%arg0: i32) -> (i32, i32) {
    %c0_i32 = arith.constant 0 : i32
    %c0_i32_0 = arith.constant 0 : i32
    return %arg0, %c0_i32 : i32, i32
  }
}

module attributes {stable_mosaic.version = 14 : i64} {
  func.func @_tc_mid_body(%arg0: i32, %arg1: memref<2x2000x128xf32, #tpu.memory_space<vmem>>, %arg2: memref<2000x128xf32, #tpu.memory_space<vmem>>, %arg3: memref<2000x8xf32, #tpu.memory_space<vmem>>, %arg4: memref<128x128xf32, #tpu.memory_space<vmem>>, %arg5: memref<8x128xf32, #tpu.memory_space<vmem>>, %arg6: memref<2000x128xf32, #tpu.memory_space<vmem>>) attributes {dimension_semantics = [#tpu.dimension_semantics<arbitrary>], iteration_bounds = array<i64: 5>, scalar_prefetch = 0 : i64, scratch_operands = 0 : i64, tpu.core_type = #tpu.core_type<tc>, window_params = [{transform_indices = @transform_0, window_bounds = array<i64: 2, 2000, 128>}, {transform_indices = @transform_1, window_bounds = array<i64: 2000, 128>}, {transform_indices = @transform_2, window_bounds = array<i64: 2000, 8>}, {pipeline_mode = #tpu.pipeline_mode<synchronous>, transform_indices = @transform_3, window_bounds = array<i64: 128, 128>}, {pipeline_mode = #tpu.pipeline_mode<synchronous>, transform_indices = @transform_4, window_bounds = array<i64: 8, 128>}, {transform_indices = @transform_5, window_bounds = array<i64: 2000, 128>}]} {
    %get3A = arith.constant 0 : index
    %get3A_0 = arith.constant 0 : index
    %get3A_1 = vector.load %arg3[%get3A, %get3A_0] : memref<2000x8xf32, #tpu.memory_space<vmem>>, vector<2000x8xf32>
    %reduce_sum3A = arith.constant dense<0.000000e+00> : vector<2000xf32>
    %reduce_sum3A_2 = vector.multi_reduction <add>, %get3A_1, %reduce_sum3A [1] : vector<2000x8xf32> to vector<2000xf32>
    %broadcast_in_dim3A = vector.shape_cast %reduce_sum3A_2 : vector<2000xf32> to vector<2000x1xf32>
    %add3A = arith.constant 1.000000e+00 : f32
    %add3A_3 = vector.broadcast %add3A : f32 to vector<2000x1xf32>
    %add3A_4 = arith.addf %broadcast_in_dim3A, %add3A_3 : vector<2000x1xf32>
    %rsqrt3A = math.rsqrt %add3A_4 : vector<2000x1xf32>
    %get3A_5 = arith.constant 0 : index
    %get3A_6 = arith.constant 0 : index
    %get3A_7 = vector.load %arg5[%get3A_5, %get3A_6] : memref<8x128xf32, #tpu.memory_space<vmem>>, vector<8x128xf32>
    %slice3A = vector.extract_strided_slice %get3A_7 {offsets = [0, 0], sizes = [1, 128], strides = [1, 1]} : vector<8x128xf32> to vector<1x128xf32>
    %slice3A_8 = vector.extract_strided_slice %get3A_7 {offsets = [1, 0], sizes = [1, 128], strides = [1, 1]} : vector<8x128xf32> to vector<1x128xf32>
    %slice3A_9 = vector.extract_strided_slice %get3A_7 {offsets = [2, 0], sizes = [1, 128], strides = [1, 1]} : vector<8x128xf32> to vector<1x128xf32>
    %slice3A_10 = vector.extract_strided_slice %get3A_7 {offsets = [3, 0], sizes = [1, 128], strides = [1, 1]} : vector<8x128xf32> to vector<1x128xf32>
    %slice3A_11 = vector.extract_strided_slice %get3A_7 {offsets = [4, 0], sizes = [1, 128], strides = [1, 1]} : vector<8x128xf32> to vector<1x128xf32>
    %get3A_12 = arith.constant 0 : index
    %get3A_13 = arith.constant 0 : index
    %get3A_14 = arith.constant 0 : index
    %get3A_15 = vector.load %arg1[%get3A_12, %get3A_13, %get3A_14] : memref<2x2000x128xf32, #tpu.memory_space<vmem>>, vector<1x2000x128xf32>
    %get3A_16 = vector.shape_cast %get3A_15 : vector<1x2000x128xf32> to vector<2000x128xf32>
    %get3A_17 = arith.constant 1 : index
    %get3A_18 = arith.constant 0 : index
    %get3A_19 = arith.constant 0 : index
    %get3A_20 = vector.load %arg1[%get3A_17, %get3A_18, %get3A_19] : memref<2x2000x128xf32, #tpu.memory_space<vmem>>, vector<1x2000x128xf32>
    %get3A_21 = vector.shape_cast %get3A_20 : vector<1x2000x128xf32> to vector<2000x128xf32>
    %add3A_22 = arith.addf %get3A_16, %get3A_21 : vector<2000x128xf32>
    %get3A_23 = arith.constant 0 : index
    %get3A_24 = arith.constant 0 : index
    %get3A_25 = vector.load %arg2[%get3A_23, %get3A_24] : memref<2000x128xf32, #tpu.memory_space<vmem>>, vector<2000x128xf32>
    %add3A_26 = arith.addf %add3A_22, %get3A_25 : vector<2000x128xf32>
    %mul3A = vector.broadcast %rsqrt3A : vector<2000x1xf32> to vector<2000x128xf32>
    %mul3A_27 = arith.mulf %add3A_26, %mul3A : vector<2000x128xf32>
    %add3A_28 = vector.broadcast %slice3A : vector<1x128xf32> to vector<2000x128xf32>
    %add3A_29 = arith.addf %mul3A_27, %add3A_28 : vector<2000x128xf32>
    %sub3A = vector.broadcast %slice3A_10 : vector<1x128xf32> to vector<2000x128xf32>
    %sub3A_30 = arith.subf %add3A_29, %sub3A : vector<2000x128xf32>
    %add3A_31 = arith.constant 9.99999974E-6 : f32
    %add3A_32 = vector.broadcast %add3A_31 : f32 to vector<1x128xf32>
    %add3A_33 = arith.addf %slice3A_11, %add3A_32 : vector<1x128xf32>
    %rsqrt3A_34 = math.rsqrt %add3A_33 : vector<1x128xf32>
    %mul3A_35 = arith.mulf %slice3A_8, %rsqrt3A_34 : vector<1x128xf32>
    %mul3A_36 = vector.broadcast %mul3A_35 : vector<1x128xf32> to vector<2000x128xf32>
    %mul3A_37 = arith.mulf %sub3A_30, %mul3A_36 : vector<2000x128xf32>
    %add3A_38 = vector.broadcast %slice3A_9 : vector<1x128xf32> to vector<2000x128xf32>
    %add3A_39 = arith.addf %mul3A_37, %add3A_38 : vector<2000x128xf32>
    %max3A = arith.constant 0.000000e+00 : f32
    %max3A_40 = vector.broadcast %max3A : f32 to vector<2000x128xf32>
    %max3A_41 = arith.maximumf %add3A_39, %max3A_40 : vector<2000x128xf32>
    %get3A_42 = arith.constant 0 : index
    %get3A_43 = arith.constant 0 : index
    %get3A_44 = vector.load %arg4[%get3A_42, %get3A_43] : memref<128x128xf32, #tpu.memory_space<vmem>>, vector<128x128xf32>
    %dot_general3A = arith.constant dense<0.000000e+00> : vector<2000x128xf32>
    %dot_general3A_45 = tpu.matmul %max3A_41, %get3A_44, %dot_general3A {dimension_numbers = #tpu.dot_dimension_numbers<[1], [0], [0], [1], [0, 0, 1, 1], [], []>, transpose_lhs_hint = false} : vector<2000x128xf32>, vector<128x128xf32>, vector<2000x128xf32> -> vector<2000x128xf32>
    %mul3A_46 = vector.broadcast %rsqrt3A : vector<2000x1xf32> to vector<2000x128xf32>
    %mul3A_47 = arith.mulf %dot_general3A_45, %mul3A_46 : vector<2000x128xf32>
    %swap3A = arith.constant 0 : index
    %swap3A_48 = arith.constant 0 : index
    %swap3A_49 = vector.load %arg6[%swap3A, %swap3A_48] : memref<2000x128xf32, #tpu.memory_space<vmem>>, vector<2000x128xf32>
    tpu.vector_store %arg6[%swap3A, %swap3A_48], %mul3A_47 {strides = array<i32>} : memref<2000x128xf32, #tpu.memory_space<vmem>>, vector<2000x128xf32>,
    return
  }
  func.func @transform_0(%arg0: i32) -> (i32, i32, i32) {
    %c0_i32 = arith.constant 0 : i32
    %c0_i32_0 = arith.constant 0 : i32
    %c0_i32_1 = arith.constant 0 : i32
    return %c0_i32, %arg0, %c0_i32_0 : i32, i32, i32
  }
  func.func @transform_1(%arg0: i32) -> (i32, i32) {
    %c0_i32 = arith.constant 0 : i32
    %c0_i32_0 = arith.constant 0 : i32
    return %arg0, %c0_i32 : i32, i32
  }
  func.func @transform_2(%arg0: i32) -> (i32, i32) {
    %c0_i32 = arith.constant 0 : i32
    %c0_i32_0 = arith.constant 0 : i32
    return %arg0, %c0_i32 : i32, i32
  }
  func.func @transform_3(%arg0: i32) -> (i32, i32) {
    %c0_i32 = arith.constant 0 : i32
    %c0_i32_0 = arith.constant 0 : i32
    %c0_i32_1 = arith.constant 0 : i32
    return %c0_i32, %c0_i32_0 : i32, i32
  }
  func.func @transform_4(%arg0: i32) -> (i32, i32) {
    %c0_i32 = arith.constant 0 : i32
    %c0_i32_0 = arith.constant 0 : i32
    %c0_i32_1 = arith.constant 0 : i32
    return %c0_i32, %c0_i32_0 : i32, i32
  }
  func.func @transform_5(%arg0: i32) -> (i32, i32) {
    %c0_i32 = arith.constant 0 : i32
    %c0_i32_0 = arith.constant 0 : i32
    return %arg0, %c0_i32 : i32, i32
  }
}

module attributes {stable_mosaic.version = 14 : i64} {
  func.func @_tc_final_body(%arg0: i32, %arg1: memref<2x2000x128xf32, #tpu.memory_space<vmem>>, %arg2: memref<2000x128xf32, #tpu.memory_space<vmem>>, %arg3: memref<2000x8xf32, #tpu.memory_space<vmem>>, %arg4: memref<1x128xf32, #tpu.memory_space<vmem>>, %arg5: memref<2000x1xi32, #tpu.memory_space<vmem>>, %arg6: memref<128x64xf32, #tpu.memory_space<vmem>>, %arg7: memref<1x64xf32, #tpu.memory_space<vmem>>, %arg8: memref<128x64xf32, #tpu.memory_space<vmem>>, %arg9: memref<128x128xf32, #tpu.memory_space<vmem>>, %arg10: memref<128x128xf32, #tpu.memory_space<vmem>>) attributes {dimension_semantics = [#tpu.dimension_semantics<arbitrary>], iteration_bounds = array<i64: 5>, scalar_prefetch = 0 : i64, scratch_operands = 2 : i64, tpu.core_type = #tpu.core_type<tc>, window_params = [{transform_indices = @transform_0, window_bounds = array<i64: 2, 2000, 128>}, {transform_indices = @transform_1, window_bounds = array<i64: 2000, 128>}, {transform_indices = @transform_2, window_bounds = array<i64: 2000, 8>}, {pipeline_mode = #tpu.pipeline_mode<synchronous>, transform_indices = @transform_3, window_bounds = array<i64: 1, 128>}, {transform_indices = @transform_4, window_bounds = array<i64: 2000, 1>}, {pipeline_mode = #tpu.pipeline_mode<synchronous>, transform_indices = @transform_5, window_bounds = array<i64: 128, 64>}, {pipeline_mode = #tpu.pipeline_mode<synchronous>, transform_indices = @transform_6, window_bounds = array<i64: 1, 64>}, {pipeline_mode = #tpu.pipeline_mode<synchronous>, transform_indices = @transform_7, window_bounds = array<i64: 128, 64>}]} {
    %eq3A = arith.constant 0 : i32
    %eq3A_0 = arith.cmpi eq, %arg0, %eq3A : i32
    %convert_element_type3A = arith.extui %eq3A_0 : i1 to i32
    %cond3A = arith.constant 0 : i32
    %cond3A_1 = arith.cmpi ne, %convert_element_type3A, %cond3A : i32
    scf.if %cond3A_1 {
      %broadcast_in_dim3A_58 = arith.constant 0.000000e+00 : f32
      %broadcast_in_dim3A_59 = vector.broadcast %broadcast_in_dim3A_58 : f32 to vector<128x128xf32>
      %swap3A_60 = arith.constant 0 : index
      %swap3A_61 = arith.constant 0 : index
      %swap3A_62 = vector.load %arg9[%swap3A_60, %swap3A_61] : memref<128x128xf32, #tpu.memory_space<vmem>>, vector<128x128xf32>
      tpu.vector_store %arg9[%swap3A_60, %swap3A_61], %broadcast_in_dim3A_59 {strides = array<i32>} : memref<128x128xf32, #tpu.memory_space<vmem>>, vector<128x128xf32>,
      %broadcast_in_dim3A_63 = arith.constant 0.000000e+00 : f32
      %broadcast_in_dim3A_64 = vector.broadcast %broadcast_in_dim3A_63 : f32 to vector<128x128xf32>
      %swap3A_65 = arith.constant 0 : index
      %swap3A_66 = arith.constant 0 : index
      %swap3A_67 = vector.load %arg10[%swap3A_65, %swap3A_66] : memref<128x128xf32, #tpu.memory_space<vmem>>, vector<128x128xf32>
      tpu.vector_store %arg10[%swap3A_65, %swap3A_66], %broadcast_in_dim3A_64 {strides = array<i32>} : memref<128x128xf32, #tpu.memory_space<vmem>>, vector<128x128xf32>,
    } else {
    }
    %get3A = arith.constant 0 : index
    %get3A_2 = arith.constant 0 : index
    %get3A_3 = vector.load %arg3[%get3A, %get3A_2] : memref<2000x8xf32, #tpu.memory_space<vmem>>, vector<2000x8xf32>
    %reduce_sum3A = arith.constant dense<0.000000e+00> : vector<2000xf32>
    %reduce_sum3A_4 = vector.multi_reduction <add>, %get3A_3, %reduce_sum3A [1] : vector<2000x8xf32> to vector<2000xf32>
    %broadcast_in_dim3A = vector.shape_cast %reduce_sum3A_4 : vector<2000xf32> to vector<2000x1xf32>
    %add3A = arith.constant 1.000000e+00 : f32
    %add3A_5 = vector.broadcast %add3A : f32 to vector<2000x1xf32>
    %add3A_6 = arith.addf %broadcast_in_dim3A, %add3A_5 : vector<2000x1xf32>
    %rsqrt3A = math.rsqrt %add3A_6 : vector<2000x1xf32>
    %get3A_7 = arith.constant 0 : index
    %get3A_8 = arith.constant 0 : index
    %get3A_9 = arith.constant 0 : index
    %get3A_10 = vector.load %arg1[%get3A_7, %get3A_8, %get3A_9] : memref<2x2000x128xf32, #tpu.memory_space<vmem>>, vector<1x2000x128xf32>
    %get3A_11 = vector.shape_cast %get3A_10 : vector<1x2000x128xf32> to vector<2000x128xf32>
    %get3A_12 = arith.constant 1 : index
    %get3A_13 = arith.constant 0 : index
    %get3A_14 = arith.constant 0 : index
    %get3A_15 = vector.load %arg1[%get3A_12, %get3A_13, %get3A_14] : memref<2x2000x128xf32, #tpu.memory_space<vmem>>, vector<1x2000x128xf32>
    %get3A_16 = vector.shape_cast %get3A_15 : vector<1x2000x128xf32> to vector<2000x128xf32>
    %add3A_17 = arith.addf %get3A_11, %get3A_16 : vector<2000x128xf32>
    %get3A_18 = arith.constant 0 : index
    %get3A_19 = arith.constant 0 : index
    %get3A_20 = vector.load %arg2[%get3A_18, %get3A_19] : memref<2000x128xf32, #tpu.memory_space<vmem>>, vector<2000x128xf32>
    %add3A_21 = arith.addf %add3A_17, %get3A_20 : vector<2000x128xf32>
    %mul3A = vector.broadcast %rsqrt3A : vector<2000x1xf32> to vector<2000x128xf32>
    %mul3A_22 = arith.mulf %add3A_21, %mul3A : vector<2000x128xf32>
    %get3A_23 = arith.constant 0 : index
    %get3A_24 = arith.constant 0 : index
    %get3A_25 = vector.load %arg4[%get3A_23, %get3A_24] : memref<1x128xf32, #tpu.memory_space<vmem>>, vector<1x128xf32>
    %add3A_26 = vector.broadcast %get3A_25 : vector<1x128xf32> to vector<2000x128xf32>
    %add3A_27 = arith.addf %mul3A_22, %add3A_26 : vector<2000x128xf32>
    %get3A_28 = arith.constant 0 : index
    %get3A_29 = arith.constant 0 : index
    %get3A_30 = vector.load %arg5[%get3A_28, %get3A_29] : memref<2000x1xi32, #tpu.memory_space<vmem>>, vector<2000x1xi32>
    %iota3A = tpu.iota {dimensions = array<i32: 1>} : vector<2000x128xi32>
    %eq3A_31 = vector.broadcast %get3A_30 : vector<2000x1xi32> to vector<2000x128xi32>
    %eq3A_32 = arith.cmpi eq, %eq3A_31, %iota3A : vector<2000x128xi32>
    %convert_element_type3A_33 = arith.extui %eq3A_32 : vector<2000x128xi1> to vector<2000x128xi32>
    %convert_element_type3A_34 = arith.sitofp %convert_element_type3A_33 : vector<2000x128xi32> to vector<2000x128xf32>
    %get3A_35 = arith.constant 0 : index
    %get3A_36 = arith.constant 0 : index
    %get3A_37 = vector.load %arg9[%get3A_35, %get3A_36] : memref<128x128xf32, #tpu.memory_space<vmem>>, vector<128x128xf32>
    %dot_general3A = arith.constant dense<0.000000e+00> : vector<128x128xf32>
    %dot_general3A_38 = tpu.matmul %convert_element_type3A_34, %add3A_27, %dot_general3A {dimension_numbers = #tpu.dot_dimension_numbers<[0], [0], [1], [1], [0, 1, 1, 1], [], []>, transpose_lhs_hint = false} : vector<2000x128xf32>, vector<2000x128xf32>, vector<128x128xf32> -> vector<128x128xf32>
    %add3A_39 = arith.addf %get3A_37, %dot_general3A_38 : vector<128x128xf32>
    %swap3A = arith.constant 0 : index
    %swap3A_40 = arith.constant 0 : index
    %swap3A_41 = vector.load %arg9[%swap3A, %swap3A_40] : memref<128x128xf32, #tpu.memory_space<vmem>>, vector<128x128xf32>
    tpu.vector_store %arg9[%swap3A, %swap3A_40], %add3A_39 {strides = array<i32>} : memref<128x128xf32, #tpu.memory_space<vmem>>, vector<128x128xf32>,
    %get3A_42 = arith.constant 0 : index
    %get3A_43 = arith.constant 0 : index
    %get3A_44 = vector.load %arg10[%get3A_42, %get3A_43] : memref<128x128xf32, #tpu.memory_space<vmem>>, vector<128x128xf32>
    %broadcast_in_dim3A_45 = arith.constant 1.000000e+00 : f32
    %broadcast_in_dim3A_46 = vector.broadcast %broadcast_in_dim3A_45 : f32 to vector<2000x128xf32>
    %dot_general3A_47 = arith.constant dense<0.000000e+00> : vector<128x128xf32>
    %dot_general3A_48 = tpu.matmul %convert_element_type3A_34, %broadcast_in_dim3A_46, %dot_general3A_47 {dimension_numbers = #tpu.dot_dimension_numbers<[0], [0], [1], [1], [0, 1, 1, 1], [], []>, transpose_lhs_hint = false} : vector<2000x128xf32>, vector<2000x128xf32>, vector<128x128xf32> -> vector<128x128xf32>
    %add3A_49 = arith.addf %get3A_44, %dot_general3A_48 : vector<128x128xf32>
    %swap3A_50 = arith.constant 0 : index
    %swap3A_51 = arith.constant 0 : index
    %swap3A_52 = vector.load %arg10[%swap3A_50, %swap3A_51] : memref<128x128xf32, #tpu.memory_space<vmem>>, vector<128x128xf32>
    tpu.vector_store %arg10[%swap3A_50, %swap3A_51], %add3A_49 {strides = array<i32>} : memref<128x128xf32, #tpu.memory_space<vmem>>, vector<128x128xf32>,
    %eq3A_53 = arith.constant 4 : i32
    %eq3A_54 = arith.cmpi eq, %arg0, %eq3A_53 : i32
    %convert_element_type3A_55 = arith.extui %eq3A_54 : i1 to i32
    %cond3A_56 = arith.constant 0 : i32
    %cond3A_57 = arith.cmpi ne, %convert_element_type3A_55, %cond3A_56 : i32
    scf.if %cond3A_57 {
      %get3A_58 = arith.constant 0 : index
      %get3A_59 = arith.constant 0 : index
      %get3A_60 = vector.load %arg9[%get3A_58, %get3A_59] : memref<128x128xf32, #tpu.memory_space<vmem>>, vector<128x128xf32>
      %get3A_61 = arith.constant 0 : index
      %get3A_62 = arith.constant 0 : index
      %get3A_63 = vector.load %arg10[%get3A_61, %get3A_62] : memref<128x128xf32, #tpu.memory_space<vmem>>, vector<128x128xf32>
      %max3A = arith.constant 1.000000e+00 : f32
      %max3A_64 = vector.broadcast %max3A : f32 to vector<128x128xf32>
      %max3A_65 = arith.maximumf %get3A_63, %max3A_64 : vector<128x128xf32>
      %div3A = arith.divf %get3A_60, %max3A_65 : vector<128x128xf32>
      %get3A_66 = arith.constant 0 : index
      %get3A_67 = arith.constant 0 : index
      %get3A_68 = vector.load %arg6[%get3A_66, %get3A_67] : memref<128x64xf32, #tpu.memory_space<vmem>>, vector<128x64xf32>
      %dot_general3A_69 = arith.constant dense<0.000000e+00> : vector<128x64xf32>
      %dot_general3A_70 = tpu.matmul %div3A, %get3A_68, %dot_general3A_69 {dimension_numbers = #tpu.dot_dimension_numbers<[1], [0], [0], [1], [0, 0, 1, 1], [], []>, transpose_lhs_hint = false} : vector<128x128xf32>, vector<128x64xf32>, vector<128x64xf32> -> vector<128x64xf32>
      %get3A_71 = arith.constant 0 : index
      %get3A_72 = arith.constant 0 : index
      %get3A_73 = vector.load %arg7[%get3A_71, %get3A_72] : memref<1x64xf32, #tpu.memory_space<vmem>>, vector<1x64xf32>
      %add3A_74 = vector.broadcast %get3A_73 : vector<1x64xf32> to vector<128x64xf32>
      %add3A_75 = arith.addf %dot_general3A_70, %add3A_74 : vector<128x64xf32>
      %swap3A_76 = arith.constant 0 : index
      %swap3A_77 = arith.constant 0 : index
      %swap3A_78 = vector.load %arg8[%swap3A_76, %swap3A_77] : memref<128x64xf32, #tpu.memory_space<vmem>>, vector<128x64xf32>
      tpu.vector_store %arg8[%swap3A_76, %swap3A_77], %add3A_75 {strides = array<i32>} : memref<128x64xf32, #tpu.memory_space<vmem>>, vector<128x64xf32>,
    } else {
    }
    return
  }
  func.func @transform_0(%arg0: i32) -> (i32, i32, i32) {
    %c0_i32 = arith.constant 0 : i32
    %c0_i32_0 = arith.constant 0 : i32
    %c0_i32_1 = arith.constant 0 : i32
    return %c0_i32, %arg0, %c0_i32_0 : i32, i32, i32
  }
  func.func @transform_1(%arg0: i32) -> (i32, i32) {
    %c0_i32 = arith.constant 0 : i32
    %c0_i32_0 = arith.constant 0 : i32
    return %arg0, %c0_i32 : i32, i32
  }
  func.func @transform_2(%arg0: i32) -> (i32, i32) {
    %c0_i32 = arith.constant 0 : i32
    %c0_i32_0 = arith.constant 0 : i32
    return %arg0, %c0_i32 : i32, i32
  }
  func.func @transform_3(%arg0: i32) -> (i32, i32) {
    %c0_i32 = arith.constant 0 : i32
    %c0_i32_0 = arith.constant 0 : i32
    %c0_i32_1 = arith.constant 0 : i32
    return %c0_i32, %c0_i32_0 : i32, i32
  }
  func.func @transform_4(%arg0: i32) -> (i32, i32) {
    %c0_i32 = arith.constant 0 : i32
    %c0_i32_0 = arith.constant 0 : i32
    return %arg0, %c0_i32 : i32, i32
  }
  func.func @transform_5(%arg0: i32) -> (i32, i32) {
    %c0_i32 = arith.constant 0 : i32
    %c0_i32_0 = arith.constant 0 : i32
    %c0_i32_1 = arith.constant 0 : i32
    return %c0_i32, %c0_i32_0 : i32, i32
  }
  func.func @transform_6(%arg0: i32) -> (i32, i32) {
    %c0_i32 = arith.constant 0 : i32
    %c0_i32_0 = arith.constant 0 : i32
    %c0_i32_1 = arith.constant 0 : i32
    return %c0_i32, %c0_i32_0 : i32, i32
  }
  func.func @transform_7(%arg0: i32) -> (i32, i32) {
    %c0_i32 = arith.constant 0 : i32
    %c0_i32_0 = arith.constant 0 : i32
    %c0_i32_1 = arith.constant 0 : i32
    return %c0_i32, %c0_i32_0 : i32, i32
  }
}

</mosaic_0001>

<sc_bundles>
// kernel: kernel.10.cloned.1.call-start
scs
__scs_entry_jumppad:
0x0: {  	(pc) =	sbr.rel $0x88, $3  }
0x1: {  	(tag) =	ssettag $0x0;
	lr =	simm.s32 $0x1  }
0x2: {  	[smem:$0x3F8E] =	sst lr;
	_ =	strace $0xD0000000  }
0x3: {  	_ = 	snop  }
0x4: {  	_ = 	snop  }
0x5: {  	_ = 	snop  }
0x6: {  	_ = 	snop  }
0x7: {  	_ = 	snop  }
__scs_overlays_trampoline_lowered:
0x8: {  	[smem:$0x3F9D] =	sst s0  }
0x9: {  	[smem:$0x3F9E] =	sst s1  }
0xa: {  	[smem:$0x3F9F] =	sst s2  }
0xb: {  	[smem:$0x3FA0] =	sst s3  }
0xc: {  	[smem:$0x3FA1] =	sst s4  }
0xd: {  	[smem:$0x3FA2] =	sst s5  }
0xe: {  	[smem:$0x3FA3] =	sst s6  }
0xf: {  	[smem:$0x3FA4] =	sst s7  }
0x10: {  	[smem:$0x3FA5] =	sst s8  }
0x11: {  	[smem:$0x3FA6] =	sst s9;
	s0 =	simm.s32 @!p0 $0x0  }
0x12: {  	s1 =	sld [smem:$0x3F8C];
	s0 =	simm.s32 @p0 $0x1  }
0x13: {  	[smem:$0x3FA7] =	sst s0;
	s0 =	simm.s32 @!p1 $0x0  }
0x14: {  	s2 =	sld [smem:$0x3F8B];
	s0 =	simm.s32 @p1 $0x1  }
0x15: {  	[smem:$0x3FA8] =	sst s0;
	s0 =	simm.s32 @!p2 $0x0  }
0x16: {  	s3 =	sld [smem:$0x3FDB];
	s0 =	simm.s32 @p2 $0x1  }
0x17: {  	s4 =	simm.s32 $0x1BF5;
	[smem:$0x3FAA] =	sst s0  }
0x18: {  	s0 =	sld [smem:$0x3F8D];
	_ =	swait.ge [sflag:s4], $0x0  }
0x19: {  	s7 =	sld [smem:$0x3F8E]  }
0x1a: {  	s8 =	sadd.s32 $0xFFFFE003, lr  }
0x1b: {  	s9 =	sadd.s32 $0xFFFFFEF7, lr;
	s5 =	simm.s32 $0xFFFFFFFF;
	p2 =	slt.u32 s8, $0xFFFFF086  }
0x1c: {  	p1 =	slt.u32 s9, $0xF7A;
	s5 =	simm.s32 @!p2 $0x0  }
0x1d: {  	s5 =	simm.s32 @p1 $0x1;
	p0 =	seq.s32 s7, s2  }
0x1e: {  	s7 =	smul.u32 @!p0 $0xF7A, s2;
	p2 =	seq.s32 @!p0 s5, $0x0  }
0x1f: {  	s9 =	smul.u32 $0xF7A, s1;
	s8 =	simm.s32 @!p0 $0x1BF5;
	p2 =	por !p2, p0  }
0x20: {  	[sflag:s8] =	ssyncset.s32 @!p0 $0xFFFFF086;
	s6 =	sadd.s32 @!p0 s3, s7;
	s7 =	simm.s32 @!p0 $0x108  }
0x21: {  	s3 =	sadd.s32 s3, s9;
	s6 =	sadd.s32 @!p0 $0x88, s6;
	s7 =	simm.s32 @p2 $0x1082  }
0x22: {  	[simem:s7], [sflag:s8] =	dma.local @!p0 [hbm:s6], $0xF7A  }
0x23: {  	s9 =	sor.u32 $0xD0000000, s2;
	s6 =	simm.s32 $0x108;
	_ =	swait.ge @!p0 [sflag:s8], $0x0  }
0x24: {  	s3 =	sadd.s32 $0x88, s3;
	s6 =	simm.s32 @!p1 $0x1082;
	[sflag:s4] =	ssyncset.s32 $0xFFFFF086  }
0x25: {  	[simem:s6], [sflag:s4] =	dma.local [hbm:s3], $0xF7A  }
0x26: {  	[smem:$0x3F8E] =	sst s1;
	(tag) =	ssettag s2;
	_ =	strace s9  }
0x27: {  	s1 =	sld [smem:$0x3F9E]  }
0x28: {  	s2 =	sld [smem:$0x3F9F]  }
0x29: {  	s4 =	sld [smem:$0x3FA1]  }
0x2a: {  	p0 =	seq.s32 s5, $0x0;
	s5 =	sld [smem:$0x3FA2]  }
0x2b: {  	s6 =	sld [smem:$0x3FA3]  }
0x2c: {  	s7 =	sld [smem:$0x3FA4]  }
0x2d: {  	s3 =	simm.s32 $0x108;
	s8 =	sld [smem:$0x3FA5]  }
0x2e: {  	s3 =	simm.s32 @!p0 $0x1082;
	s9 =	sld [smem:$0x3FA6]  }
0x2f: {  	lr =	sadd.s32 s0, s3;
	s0 =	sld [smem:$0x3F9D]  }
0x30: {  	s3 =	sld [smem:$0x3FA0]  }
0x31: {  	[smem:$0x3FA9] =	sst s10  }
0x32: {  	s10 =	sld [smem:$0x3FA7];
	_ =	sdelay $0x3  }
0x33: {  	p0 =	seq.s32 s10, $0x1;
	s10 =	sld [smem:$0x3FA9];
	_ =	sdelay $0x3  }
0x34: {  	[smem:$0x3FA9] =	sst s10  }
0x35: {  	s10 =	sld [smem:$0x3FA8];
	_ =	sdelay $0x3  }
0x36: {  	p1 =	seq.s32 s10, $0x1;
	s10 =	sld [smem:$0x3FA9];
	_ =	sdelay $0x3  }
0x37: {  	[smem:$0x3FA9] =	sst s10  }
0x38: {  	s10 =	sld [smem:$0x3FAA]  }
0x39: {  	_ = 	snop;
	(pc) =	sbr.ind lr, $3  }
0x3a: {  	_ = 	snop  }
0x3b: {  	_ = 	snop  }
0x3c: {  	p2 =	seq.s32 s10, $0x1;
	s10 =	sld [smem:$0x3FA9]  }
0x3d: {  	_ =	shalt  }
0x3e: {  	_ =	shalt  }
0x3f: {  	_ =	shalt  }
0x40: {  	_ =	shalt  }
0x41: {  	_ =	shalt  }
0x42: {  	_ =	shalt  }
0x43: {  	_ =	shalt  }
0x44: {  	_ =	shalt  }
0x45: {  	_ =	shalt  }
0x46: {  	_ =	shalt  }
0x47: {  	_ =	shalt  }
0x48: {  	_ =	shalt  }
0x49: {  	_ =	shalt  }
0x4a: {  	_ =	shalt  }
0x4b: {  	_ =	shalt  }
0x4c: {  	_ =	shalt  }
0x4d: {  	_ =	shalt  }
0x4e: {  	_ =	shalt  }
0x4f: {  	_ =	shalt  }
0x50: {  	_ =	shalt  }
0x51: {  	_ =	shalt  }
0x52: {  	_ =	shalt  }
0x53: {  	_ =	shalt  }
0x54: {  	_ =	shalt  }
0x55: {  	_ =	shalt  }
0x56: {  	_ =	shalt  }
0x57: {  	_ =	shalt  }
0x58: {  	_ =	shalt  }
0x59: {  	_ =	shalt  }
0x5a: {  	_ =	shalt  }
0x5b: {  	_ =	shalt  }
0x5c: {  	_ =	shalt  }
0x5d: {  	_ =	shalt  }
0x5e: {  	_ =	shalt  }
0x5f: {  	_ =	shalt  }
0x60: {  	_ =	shalt  }
0x61: {  	_ =	shalt  }
0x62: {  	_ =	shalt  }
0x63: {  	_ =	shalt  }
0x64: {  	_ =	shalt  }
0x65: {  	_ =	shalt  }
0x66: {  	_ =	shalt  }
0x67: {  	_ =	shalt  }
0x68: {  	_ =	shalt  }
0x69: {  	_ =	shalt  }
0x6a: {  	_ =	shalt  }
0x6b: {  	_ =	shalt  }
0x6c: {  	_ =	shalt  }
0x6d: {  	_ =	shalt  }
0x6e: {  	_ =	shalt  }
0x6f: {  	_ =	shalt  }
0x70: {  	_ =	shalt  }
0x71: {  	_ =	shalt  }
0x72: {  	_ =	shalt  }
0x73: {  	_ =	shalt  }
0x74: {  	_ =	shalt  }
0x75: {  	_ =	shalt  }
0x76: {  	_ =	shalt  }
0x77: {  	_ =	shalt  }
0x78: {  	_ =	shalt  }
0x79: {  	_ =	shalt  }
0x7a: {  	_ =	shalt  }
0x7b: {  	_ =	shalt  }
0x7c: {  	_ =	shalt  }
0x7d: {  	_ =	shalt  }
0x7e: {  	_ =	shalt  }
0x7f: {  	_ =	shalt  }
0x80: {  	_ =	shalt  }
0x81: {  	_ =	shalt  }
0x82: {  	_ =	shalt  }
0x83: {  	_ =	shalt  }
0x84: {  	_ =	shalt  }
0x85: {  	_ =	shalt  }
0x86: {  	_ =	shalt  }
0x87: {  	_ =	shalt  }
.Lfunc_end0:
.L_simem_size_0:
called_computation_lowered:
.L_overlay_start_0:
0x88: {  	s2 =	sld [smem:$0x3FD9]  }
0x89: {  	s3 =	sld [smem:$0x3FFE];
	_ =	sdelay $0x1  }
0x8a: {  	s1 =	srdreg.scid  }
0x8b: {  	s0 =	sand.u32 $0x1, s1  }
0x8c: {  	s16 =	sshll.u32 s0, $0xA;
	s2 =	sadd.s32 s3, s2  }
0x8d: {  	s2 =	sadd.s32 s2, s16  }
0x8e: {  	[smem:$0x3FB5] =	sst s2  }
0x8f: {  	_ = 	snop  }
0x90: {  	(tm) =	ssettm $0x1  }
0x91: {  	s17 =	sld [smem:$0x3FFB];
	_ =	sdelay $0x3  }
0x92: {  	_ =	strace s17  }
0x93: {  	s2 =	sld [smem:$0x3FFC];
	_ =	sdelay $0x3  }
0x94: {  	_ =	strace s2  }
0x95: {  	s2 =	sld [smem:$0x3FFD];
	_ =	sdelay $0x3  }
0x96: {  	_ =	strace s2  }
0x97: {  	_ =	strace $0x8FFFFFFF  }
0x98: {  	s18 =	sld [smem:$0x3FDB];
	_ =	sdelay $0x1  }
0x99: {  	s19 =	simm.s32 $_scs_section_size  }
0x9a: {  	s4 =	simm.s32 $_size__tile_overlayer_lowered;
	s5 =	simm.s32 $_tile_overlayer_lowered  }
0x9b: {  	s22 =	simm.s32 $0x1BFF;
	s21 =	sshll.u32 s5, $0x1;
	s2 =	sadd.s32 s19, s18  }
0x9c: {  	s6 =	simm.s32 $0x0;
	s20 =	sshll.u32 s4, $0x1;
	s4 =	sadd.s32 s21, s2  }
0x9d: {  	[timem:s6], [sflag:s22] =	dma.local [hbm:s4], s20  }
0x9e: {  	_ =	swait.ge [sflag:s22], s20  }
0x9f: {  	s3 =	ssub.s32 $0x0, s20;
	[sflag:s22] =	ssyncset.done $0x0  }
0xa0: {  	[sflag:s22] =	ssyncadd.s32 s3;
	_ =	sdelay $0x1  }
0xa1: {  	s23 =	simm.s32 $0x1B8B  }
0xa2: {  	_ =	swait.ge [sflag:s23], $0x1  }
0xa3: {  	[sflag:s23] =	ssyncset.done $0x0  }
0xa4: {  	s25 =	simm.s32 $0x1B8E;
	s24 =	sld [smem:$0x3FFE];
	[sflag:s23] =	ssyncadd.s32 $0xFFFFFFFF  }
0xa5: {  	s26 =	simm.s32 $execute0_lowered;
	[smem:$0x3FD2] =	sst s25  }
0xa6: {  	s4 =	sshll.u32 s26, $0x1;
	_ =	strace $0x80000046;
	[dreg:$0x1] =	wrdreg $0xFFFFFFFF  }
0xa7: {  	s28 =	simm.s32 $_size_execute0_lowered;
	s2 =	sadd.s32 s2, s4;
	[dreg:$0x0] =	wrdreg $0x0  }
0xa8: {  	s4 =	sshll.u32 s28, $0x1;
	[dreg:$0x2] =	wrdreg s2  }
0xa9: {  	[dreg:$0x3] =	wrdreg s4  }
0xaa: {  	[dreg:$0x4] =	wrdreg $0xC0  }
0xab: {  	_ =	task [dreg:s6], $0x5FFFF  }
0xac: {  	[dreg:$0x1] =	wrdreg $0xFFFFFFFF  }
0xad: {  	[dreg:$0x0] =	wrdreg $0x60  }
0xae: {  	[dreg:$0x2] =	wrdreg s24  }
0xaf: {  	[dreg:$0x3] =	wrdreg $0x40800  }
0xb0: {  	[dreg:$0x4] =	wrdreg $0x9  }
0xb1: {  	_ =	task.clear_ibuf [dreg:s6], $0x5FFFF;
	_ =	strace $0x90000046  }
0xb2: {  	s29 =	simm.s32 $0x9;
	_ =	strace $0x80000048  }
0xb3: {  	_ =	swait.ge [sflag:s29], $0x1  }
0xb4: {  	[sflag:s29] =	ssyncadd.s32 $0xFFFFFFFF  }
0xb5: {  	_ =	strace $0x90000048  }
0xb6: {  	_ =	sfence  }
0xb7: {  	s30 =	sld [smem:$0x0];
	_ =	sdelay $0x2  }
0xb8: {  	s31 =	sshll.u32 s1, $0xD;
	s1 =	sshrl.u32 s1, $0x2  }
0xb9: {  	s3 =	sand.u32 $0x4000, s31;
	s1 =	sadd.s32 s1, s30  }
0xba: {  	s0 =	sor.u32 s3, s0;
	s1 =	sshll.u32 s1, $0x11  }
0xbb: {  	s0 =	sor.u32 s1, s0  }
0xbc: {  	s0 =	sadd.s32 $0x8F2B, s0  }
0xbd: {  	[sflag:s0] =	ssyncadd.remote.s32 $0x1  }
0xbe: {  	_ =	sfence.sel $0xFFFF  }
0xbf: {  	[dreg:$0x0] =	wrdreg $0xFFFFFFFF;
	(pc) =	sbr.abs _section_cstart, $3  }
0xc0: {  	[dreg:$0x1] =	wrdreg $0xFFFFFFFF  }
0xc1: {  	_ =	task.clear_ibuf [dreg:s6], $0x2FFFF;
	_ =	strace $0x9FFFFFFF  }
0xc2: {  	(tm) =	ssettm $0x7FFFFFFF  }
0xc3: {  	_ =	shalt  }
tec
execute0_lowered:
.L_overlay_start_1:
0x0: {  	(tag) =	ssettag $0x1  }
0x1: {  	s4 =	rddreg [dreg:$0x0]  }
0x2: {  	s1 =	rddreg [dreg:$0x1]  }
0x3: {  	s3 =	srdreg.scid;
	s0 =	rddreg [dreg:$0x2]  }
0x4: {  	s2 =	simm.s32 $0x0;
	s7 =	stileid.u32;
	s11 =	simm.s32 $0x80  }
0x5: {  	s12 =	simm.s32 $0x100;
	s13 =	simm.s32 $0x180;
	s14 =	simm.s32 $0x200  }
0x6: {  	s15 =	simm.s32 $0x280;
	s16 =	simm.s32 $0x300;
	s17 =	simm.s32 $0x380  }
0x7: {  	s18 =	simm.s32 $0x1;
	s19 =	simm.s32 $0x2;
	s20 =	simm.s32 $0x3  }
0x8: {  	s21 =	simm.s32 $0x4;
	s22 =	simm.s32 $0x5;
	s23 =	simm.s32 $0x6  }
0x9: {  	s24 =	simm.s32 $0x7;
	s25 =	simm.s32 $0x8;
	s26 =	simm.s32 $0x0  }
0xa: {  	s5 =	sand.u32 $0x1, s3;
	[smem:$0x7FF] =	sst s2;
	s10 =	sshll.u32 s7, $0xC  }
0xb: {  	p0 =	sne.s32 s7, $0x0;
	s7 =	simm.s32 $0x9;
	s3 =	sshll.u32 s5, $0xB  }
0xc: {  	_ =	strace $0x80000047;
	s8 =	ssub.s32 $0x2, s5;
	s5 =	sshll.u32 s5, $0x4  }
0xd: {  	s6 =	sadd.s32 s3, s4;
	s3 =	sadd.s32 $0x13E00, s4;
	s9 =	sshrl.u32 s8, $0x1  }
0xe: {  	s5 =	sadd.s32 s5, s4;
	s8 =	ssub.s32 s8, s9;
	s31 =	sadd.s32 s10, s6  }
0xf: {  	s5 =	sadd.s32 $0x14400, s5;
	s9 =	simm.s32 $0x50;
	s10 =	simm.s32 $0x4000  }
0x10: {  	v0 =	vimm.f32 $1.000000000e+00;
	s4 =	sadd.s32 $0x3E00, s31;
	s6 =	smax.u32 s8, $0x1;
	s8 =	sshrl.u32 @!p0 s1, $0x3  }
.LBB2_1:
0x11: {  	[tilespmem:s2], [sflag:$0x9] =	stream.linear.gather [hbm4b:s4+s2], $0x3E80, $0x38;
	[tilespmem:$0x42F8] =	vst v63  }
0x12: {  	_ =	swait.ge [sflag:s7], $0x3E80  }
0x13: {  	[sflag:s7] =	ssyncset.done $0x0  }
0x14: {  	[sflag:s7] =	ssyncadd.s32 $0xFFFFC180  }
0x15: {  	[tilespmem:$0x4000] =	vst v0  }
0x16: {  	[tilespmem:$0x4010] =	vst v0  }
0x17: {  	[tilespmem:$0x4020] =	vst v0  }
0x18: {  	[tilespmem:$0x4030] =	vst v0  }
0x19: {  	s28 =	simm.s32 @!p0 $0x1C09;
	[tilespmem:$0x4040] =	vst v0  }
0x1a: {  	[spmem:s8], [sflag:s28] =	dma.local @!p0 [hbm:s3], $0x4F0  }
0x1b: {  	s28 =	simm.s32 @!p0 $0x9  }
0x1c: {  	_ =	swait.ge @!p0 [sflag:s28], $0x4F0  }
0x1d: {  	[sflag:s28] =	ssyncset.done @!p0 $0x0  }
0x1e: {  	[sflag:s28] =	ssyncadd.s32 @!p0 $0xFFFFFB10  }
0x1f: {  	[bflag:$0x0] =	sbarrier.arrive $0xFFFF  }
0x20: {  	[spmem:s1] =	stream.indirect.scatter.add.f32 [tilespmem:s10], [sflag:$0x1], $0x1, s2, s9, $0xb8;
	[tilespmem:$0x42F8] =	vst v63  }
0x21: {  	_ = 	snop  }
0x22: {  	[spmem:s1] =	stream.indirect.scatter.add.f32 [tilespmem:s10], [sflag:$0x2], $0x1, s11, s9, $0xb8;
	[tilespmem:$0x42F8] =	vst v63  }
0x23: {  	_ = 	snop  }
0x24: {  	[spmem:s1] =	stream.indirect.scatter.add.f32 [tilespmem:s10], [sflag:$0x3], $0x1, s12, s9, $0xb8;
	[tilespmem:$0x42F8] =	vst v63  }
0x25: {  	_ = 	snop  }
0x26: {  	[spmem:s1] =	stream.indirect.scatter.add.f32 [tilespmem:s10], [sflag:$0x4], $0x1, s13, s9, $0xb8;
	[tilespmem:$0x42F8] =	vst v63  }
0x27: {  	_ = 	snop  }
0x28: {  	[spmem:s1] =	stream.indirect.scatter.add.f32 [tilespmem:s10], [sflag:$0x5], $0x1, s14, s9, $0xb8;
	[tilespmem:$0x42F8] =	vst v63  }
0x29: {  	_ = 	snop  }
0x2a: {  	[spmem:s1] =	stream.indirect.scatter.add.f32 [tilespmem:s10], [sflag:$0x6], $0x1, s15, s9, $0xb8;
	[tilespmem:$0x42F8] =	vst v63  }
0x2b: {  	s28 =	sand.u32 $0x7, s25  }
0x2c: {  	[spmem:s1] =	stream.indirect.scatter.add.f32 [tilespmem:s10], [sflag:$0x7], $0x1, s16, s9, $0xb8;
	[tilespmem:$0x42F8] =	vst v63  }
0x2d: {  	s29 =	sadd.s32 $0x1, s28  }
0x2e: {  	[spmem:s1] =	stream.indirect.scatter.add.f32 [tilespmem:s10], [sflag:$0x8], $0x1, s17, s9, $0xb8;
	[tilespmem:$0x42F8] =	vst v63  }
0x2f: {  	_ =	swait.ge [sflag:s29], $0x50  }
0x30: {  	s30 =	simm.s32 $0x9;
	[sflag:s29] =	ssyncset.done $0x0  }
0x31: {  	s30 =	sand.u32 $0x7, s30;
	s28 =	simm.s32 $0x400;
	[sflag:s29] =	ssyncadd.s32 $0xFFFFFFB0  }
0x32: {  	[spmem:s1] =	stream.indirect.scatter.add.f32 [tilespmem:s10], [sflag:s29], $0x1, s28, s9, $0xb8;
	[tilespmem:$0x42F8] =	vst v63  }
0x33: {  	s29 =	sadd.s32 $0x1, s30  }
0x34: {  	s30 =	simm.s32 $0xA;
	_ =	swait.ge [sflag:s29], $0x50  }
.LBB2_2:
0x35: {  	s31 =	sand.u32 $0x7, s30  }
0x36: {  	[sflag:s29] =	ssyncset.done $0x0;
	s28 =	sadd.s32 $0x80, s28;
	p1 =	sne.s32 s30, $0x7C  }
.Ltmp0:
0x37: {  	s31 =	sadd.s32 $0x1, s31;
	[sflag:s29] =	ssyncadd.s32 $0xFFFFFFB0;
	(pc) =	sbr.rel @p1 .LBB2_2-.Ltmp0, $3  }
0x38: {  	[spmem:s1] =	stream.indirect.scatter.add.f32 [tilespmem:s10], [sflag:s29], $0x1, s28, s9, $0xb8;
	[tilespmem:$0x42F8] =	vst v63  }
0x39: {  	s29 =	smov.u32 s31;
	_ =	swait.ge [sflag:s31], $0x50;
	_ =	sdelay $0x1  }
0x3a: {  	s30 =	sadd.s32 $0x1, s30  }
0x3b: {  	[sflag:s29] =	ssyncset.done $0x0  }
0x3c: {  	s28 =	sadd.s32 $0x80, s28;
	[sflag:s29] =	ssyncadd.s32 $0xFFFFFFB0  }
0x3d: {  	[spmem:s1] =	stream.indirect.scatter.add.f32 [tilespmem:s10], [sflag:s29], $0x1, s28, s9, $0xb8;
	[tilespmem:$0x42F8] =	vst v63  }
0x3e: {  	_ =	swait.ge [sflag:s18], $0x50  }
0x3f: {  	[sflag:s18] =	ssyncset.done $0x0  }
0x40: {  	[sflag:s18] =	ssyncadd.s32 $0xFFFFFFB0  }
0x41: {  	_ =	swait.ge [sflag:s19], $0x50  }
0x42: {  	[sflag:s19] =	ssyncset.done $0x0  }
0x43: {  	[sflag:s19] =	ssyncadd.s32 $0xFFFFFFB0  }
0x44: {  	_ =	swait.ge [sflag:s20], $0x50  }
0x45: {  	[sflag:s20] =	ssyncset.done $0x0  }
0x46: {  	[sflag:s20] =	ssyncadd.s32 $0xFFFFFFB0  }
0x47: {  	_ =	swait.ge [sflag:s21], $0x50  }
0x48: {  	[sflag:s21] =	ssyncset.done $0x0  }
0x49: {  	[sflag:s21] =	ssyncadd.s32 $0xFFFFFFB0  }
0x4a: {  	_ =	swait.ge [sflag:s22], $0x50  }
0x4b: {  	[sflag:s22] =	ssyncset.done $0x0  }
0x4c: {  	[sflag:s22] =	ssyncadd.s32 $0xFFFFFFB0  }
0x4d: {  	_ =	swait.ge [sflag:s23], $0x50  }
0x4e: {  	[sflag:s23] =	ssyncset.done $0x0  }
0x4f: {  	[sflag:s23] =	ssyncadd.s32 $0xFFFFFFB0  }
0x50: {  	_ =	swait.ge [sflag:s24], $0x50  }
0x51: {  	[sflag:s24] =	ssyncset.done $0x0  }
0x52: {  	[sflag:s24] =	ssyncadd.s32 $0xFFFFFFB0  }
0x53: {  	_ =	swait.ge [sflag:s25], $0x50  }
0x54: {  	s30 =	simm.s32 @!p0 $0x10;
	s26 =	sadd.s32 $0x1, s26;
	[sflag:s25] =	ssyncset.done $0x0  }
0x55: {  	s31 =	simm.s32 @!p0 $0x1C09;
	p1 =	sne.s32 s26, s6;
	[sflag:s25] =	ssyncadd.s32 $0xFFFFFFB0  }
0x56: {  	s28 =	simm.s32 @!p0 $0x1;
	s29 =	simm.s32 @!p0 $0x20;
	[bflag:$0x0] =	sbarrier.arrive $0xFFFF  }
0x57: {  	[hbm:s5@s29], [sflag:s31] =	dma.strided @!p0 [spmem:s8@s30], $0x4F0, s28, $0x10   }
.Ltmp1:
0x58: {  	_ = 	snop;
	(pc) =	sbr.rel @p1 .LBB2_1-.Ltmp1, $4  }
0x59: {  	s28 =	simm.s32 @!p0 $0x9  }
0x5a: {  	_ =	swait.ge @!p0 [sflag:s28], $0x4F0  }
0x5b: {  	[sflag:s28] =	ssyncset.done @!p0 $0x0  }
0x5c: {  	[sflag:s28] =	ssyncadd.s32 @!p0 $0xFFFFFB10  }
0x5d: {  	_ =	sfence.sel $0x180000  }
0x5e: {  	[bflag:$0x0] =	sbarrier.arrive $0xFFFF  }
0x5f: {  	_ =	strace $0x90000047  }
0x60: {  	s0 =	sadd.s32 @!p0 $0x100000, s0;
	[bflag:$0x2] =	sbarrier.arrive $0xFFFF  }
0x61: {  	[sflag:s0] =	ssyncadd.tile.s32 @!p0 $0x1;
	_ =	shalt  }
.Lfunc_end2:
_tile_overlayer_lowered:
.L_overlay_start_2:
0x62: {  	(tag) =	ssettag $0x2  }
0x63: {  	s0 =	rddreg [dreg:$0x0];
	s2 =	stileid.u32  }
0x64: {  	s1 =	rddreg [dreg:$0x1];
	p0 =	sne.s32 s2, $0x0  }
0x65: {  	s3 =	rddreg [dreg:$0x2];
	[bflag:$0x3] =	sbarrier.arrive $0xFFFF;
	s2 =	simm.s32 @!p0 $0x1C09  }
0x66: {  	[timem:s3], [sflag:s2] =	dma.local @!p0 [hbm:s0], s1  }
0x67: {  	s0 =	simm.s32 @!p0 $0x9  }
0x68: {  	_ =	swait.ge @!p0 [sflag:s0], s1  }
0x69: {  	s1 =	ssub.s32 @!p0 $0x0, s1;
	[sflag:s0] =	ssyncset.done @!p0 $0x0  }
0x6a: {  	[sflag:s0] =	ssyncadd.s32 @!p0 s1  }
0x6b: {  	[bflag:$0x3] =	sbarrier.arrive $0xFFFF  }
0x6c: {  	_ =	shalt  }

// kernel: kernel.13.cloned.1.call-start
scs
__scs_entry_jumppad:
0x0: {  	(pc) =	sbr.rel $0x88, $3  }
0x1: {  	(tag) =	ssettag $0x0;
	lr =	simm.s32 $0x1  }
0x2: {  	[smem:$0x3F8E] =	sst lr;
	_ =	strace $0xD0000000  }
0x3: {  	_ = 	snop  }
0x4: {  	_ = 	snop  }
0x5: {  	_ = 	snop  }
0x6: {  	_ = 	snop  }
0x7: {  	_ = 	snop  }
__scs_overlays_trampoline_lowered:
0x8: {  	[smem:$0x3F9D] =	sst s0  }
0x9: {  	[smem:$0x3F9E] =	sst s1  }
0xa: {  	[smem:$0x3F9F] =	sst s2  }
0xb: {  	[smem:$0x3FA0] =	sst s3  }
0xc: {  	[smem:$0x3FA1] =	sst s4  }
0xd: {  	[smem:$0x3FA2] =	sst s5  }
0xe: {  	[smem:$0x3FA3] =	sst s6  }
0xf: {  	[smem:$0x3FA4] =	sst s7  }
0x10: {  	[smem:$0x3FA5] =	sst s8  }
0x11: {  	[smem:$0x3FA6] =	sst s9;
	s0 =	simm.s32 @!p0 $0x0  }
0x12: {  	s1 =	sld [smem:$0x3F8C];
	s0 =	simm.s32 @p0 $0x1  }
0x13: {  	[smem:$0x3FA7] =	sst s0;
	s0 =	simm.s32 @!p1 $0x0  }
0x14: {  	s2 =	sld [smem:$0x3F8B];
	s0 =	simm.s32 @p1 $0x1  }
0x15: {  	[smem:$0x3FA8] =	sst s0;
	s0 =	simm.s32 @!p2 $0x0  }
0x16: {  	s3 =	sld [smem:$0x3FDB];
	s0 =	simm.s32 @p2 $0x1  }
0x17: {  	s4 =	simm.s32 $0x1BF5;
	[smem:$0x3FAA] =	sst s0  }
0x18: {  	s0 =	sld [smem:$0x3F8D];
	_ =	swait.ge [sflag:s4], $0x0  }
0x19: {  	s7 =	sld [smem:$0x3F8E]  }
0x1a: {  	s8 =	sadd.s32 $0xFFFFE003, lr  }
0x1b: {  	s9 =	sadd.s32 $0xFFFFFEF7, lr;
	s5 =	simm.s32 $0xFFFFFFFF;
	p2 =	slt.u32 s8, $0xFFFFF086  }
0x1c: {  	p1 =	slt.u32 s9, $0xF7A;
	s5 =	simm.s32 @!p2 $0x0  }
0x1d: {  	s5 =	simm.s32 @p1 $0x1;
	p0 =	seq.s32 s7, s2  }
0x1e: {  	s7 =	smul.u32 @!p0 $0xF7A, s2;
	p2 =	seq.s32 @!p0 s5, $0x0  }
0x1f: {  	s9 =	smul.u32 $0xF7A, s1;
	s8 =	simm.s32 @!p0 $0x1BF5;
	p2 =	por !p2, p0  }
0x20: {  	[sflag:s8] =	ssyncset.s32 @!p0 $0xFFFFF086;
	s6 =	sadd.s32 @!p0 s3, s7;
	s7 =	simm.s32 @!p0 $0x108  }
0x21: {  	s3 =	sadd.s32 s3, s9;
	s6 =	sadd.s32 @!p0 $0x88, s6;
	s7 =	simm.s32 @p2 $0x1082  }
0x22: {  	[simem:s7], [sflag:s8] =	dma.local @!p0 [hbm:s6], $0xF7A  }
0x23: {  	s9 =	sor.u32 $0xD0000000, s2;
	s6 =	simm.s32 $0x108;
	_ =	swait.ge @!p0 [sflag:s8], $0x0  }
0x24: {  	s3 =	sadd.s32 $0x88, s3;
	s6 =	simm.s32 @!p1 $0x1082;
	[sflag:s4] =	ssyncset.s32 $0xFFFFF086  }
0x25: {  	[simem:s6], [sflag:s4] =	dma.local [hbm:s3], $0xF7A  }
0x26: {  	[smem:$0x3F8E] =	sst s1;
	(tag) =	ssettag s2;
	_ =	strace s9  }
0x27: {  	s1 =	sld [smem:$0x3F9E]  }
0x28: {  	s2 =	sld [smem:$0x3F9F]  }
0x29: {  	s4 =	sld [smem:$0x3FA1]  }
0x2a: {  	p0 =	seq.s32 s5, $0x0;
	s5 =	sld [smem:$0x3FA2]  }
0x2b: {  	s6 =	sld [smem:$0x3FA3]  }
0x2c: {  	s7 =	sld [smem:$0x3FA4]  }
0x2d: {  	s3 =	simm.s32 $0x108;
	s8 =	sld [smem:$0x3FA5]  }
0x2e: {  	s3 =	simm.s32 @!p0 $0x1082;
	s9 =	sld [smem:$0x3FA6]  }
0x2f: {  	lr =	sadd.s32 s0, s3;
	s0 =	sld [smem:$0x3F9D]  }
0x30: {  	s3 =	sld [smem:$0x3FA0]  }
0x31: {  	[smem:$0x3FA9] =	sst s10  }
0x32: {  	s10 =	sld [smem:$0x3FA7];
	_ =	sdelay $0x3  }
0x33: {  	p0 =	seq.s32 s10, $0x1;
	s10 =	sld [smem:$0x3FA9];
	_ =	sdelay $0x3  }
0x34: {  	[smem:$0x3FA9] =	sst s10  }
0x35: {  	s10 =	sld [smem:$0x3FA8];
	_ =	sdelay $0x3  }
0x36: {  	p1 =	seq.s32 s10, $0x1;
	s10 =	sld [smem:$0x3FA9];
	_ =	sdelay $0x3  }
0x37: {  	[smem:$0x3FA9] =	sst s10  }
0x38: {  	s10 =	sld [smem:$0x3FAA]  }
0x39: {  	_ = 	snop;
	(pc) =	sbr.ind lr, $3  }
0x3a: {  	_ = 	snop  }
0x3b: {  	_ = 	snop  }
0x3c: {  	p2 =	seq.s32 s10, $0x1;
	s10 =	sld [smem:$0x3FA9]  }
0x3d: {  	_ =	shalt  }
0x3e: {  	_ =	shalt  }
0x3f: {  	_ =	shalt  }
0x40: {  	_ =	shalt  }
0x41: {  	_ =	shalt  }
0x42: {  	_ =	shalt  }
0x43: {  	_ =	shalt  }
0x44: {  	_ =	shalt  }
0x45: {  	_ =	shalt  }
0x46: {  	_ =	shalt  }
0x47: {  	_ =	shalt  }
0x48: {  	_ =	shalt  }
0x49: {  	_ =	shalt  }
0x4a: {  	_ =	shalt  }
0x4b: {  	_ =	shalt  }
0x4c: {  	_ =	shalt  }
0x4d: {  	_ =	shalt  }
0x4e: {  	_ =	shalt  }
0x4f: {  	_ =	shalt  }
0x50: {  	_ =	shalt  }
0x51: {  	_ =	shalt  }
0x52: {  	_ =	shalt  }
0x53: {  	_ =	shalt  }
0x54: {  	_ =	shalt  }
0x55: {  	_ =	shalt  }
0x56: {  	_ =	shalt  }
0x57: {  	_ =	shalt  }
0x58: {  	_ =	shalt  }
0x59: {  	_ =	shalt  }
0x5a: {  	_ =	shalt  }
0x5b: {  	_ =	shalt  }
0x5c: {  	_ =	shalt  }
0x5d: {  	_ =	shalt  }
0x5e: {  	_ =	shalt  }
0x5f: {  	_ =	shalt  }
0x60: {  	_ =	shalt  }
0x61: {  	_ =	shalt  }
0x62: {  	_ =	shalt  }
0x63: {  	_ =	shalt  }
0x64: {  	_ =	shalt  }
0x65: {  	_ =	shalt  }
0x66: {  	_ =	shalt  }
0x67: {  	_ =	shalt  }
0x68: {  	_ =	shalt  }
0x69: {  	_ =	shalt  }
0x6a: {  	_ =	shalt  }
0x6b: {  	_ =	shalt  }
0x6c: {  	_ =	shalt  }
0x6d: {  	_ =	shalt  }
0x6e: {  	_ =	shalt  }
0x6f: {  	_ =	shalt  }
0x70: {  	_ =	shalt  }
0x71: {  	_ =	shalt  }
0x72: {  	_ =	shalt  }
0x73: {  	_ =	shalt  }
0x74: {  	_ =	shalt  }
0x75: {  	_ =	shalt  }
0x76: {  	_ =	shalt  }
0x77: {  	_ =	shalt  }
0x78: {  	_ =	shalt  }
0x79: {  	_ =	shalt  }
0x7a: {  	_ =	shalt  }
0x7b: {  	_ =	shalt  }
0x7c: {  	_ =	shalt  }
0x7d: {  	_ =	shalt  }
0x7e: {  	_ =	shalt  }
0x7f: {  	_ =	shalt  }
0x80: {  	_ =	shalt  }
0x81: {  	_ =	shalt  }
0x82: {  	_ =	shalt  }
0x83: {  	_ =	shalt  }
0x84: {  	_ =	shalt  }
0x85: {  	_ =	shalt  }
0x86: {  	_ =	shalt  }
0x87: {  	_ =	shalt  }
.Lfunc_end0:
.L_simem_size_0:
called_computation.1_lowered:
.L_overlay_start_0:
0x88: {  	s2 =	sld [smem:$0x3FD9]  }
0x89: {  	s3 =	sld [smem:$0x3FFE];
	_ =	sdelay $0x1  }
0x8a: {  	s1 =	srdreg.scid  }
0x8b: {  	s0 =	sand.u32 $0x1, s1  }
0x8c: {  	s16 =	sshll.u32 s0, $0xA;
	s2 =	sadd.s32 s3, s2  }
0x8d: {  	s2 =	sadd.s32 s2, s16  }
0x8e: {  	[smem:$0x3FB5] =	sst s2  }
0x8f: {  	_ = 	snop  }
0x90: {  	(tm) =	ssettm $0x1  }
0x91: {  	s17 =	sld [smem:$0x3FFB];
	_ =	sdelay $0x3  }
0x92: {  	_ =	strace s17  }
0x93: {  	s2 =	sld [smem:$0x3FFC];
	_ =	sdelay $0x3  }
0x94: {  	_ =	strace s2  }
0x95: {  	s2 =	sld [smem:$0x3FFD];
	_ =	sdelay $0x3  }
0x96: {  	_ =	strace s2  }
0x97: {  	_ =	strace $0x8FFFFFFF  }
0x98: {  	s18 =	sld [smem:$0x3FDB];
	_ =	sdelay $0x1  }
0x99: {  	s19 =	simm.s32 $_scs_section_size  }
0x9a: {  	s4 =	simm.s32 $_size__tile_overlayer_lowered;
	s5 =	simm.s32 $_tile_overlayer_lowered  }
0x9b: {  	s22 =	simm.s32 $0x1BFF;
	s21 =	sshll.u32 s5, $0x1;
	s2 =	sadd.s32 s19, s18  }
0x9c: {  	s6 =	simm.s32 $0x0;
	s20 =	sshll.u32 s4, $0x1;
	s4 =	sadd.s32 s21, s2  }
0x9d: {  	[timem:s6], [sflag:s22] =	dma.local [hbm:s4], s20  }
0x9e: {  	_ =	swait.ge [sflag:s22], s20  }
0x9f: {  	s3 =	ssub.s32 $0x0, s20;
	[sflag:s22] =	ssyncset.done $0x0  }
0xa0: {  	[sflag:s22] =	ssyncadd.s32 s3;
	_ =	sdelay $0x1  }
0xa1: {  	s23 =	simm.s32 $0x1B8B  }
0xa2: {  	_ =	swait.ge [sflag:s23], $0x1  }
0xa3: {  	[sflag:s23] =	ssyncset.done $0x0  }
0xa4: {  	s25 =	simm.s32 $0x1B8E;
	s24 =	sld [smem:$0x3FFE];
	[sflag:s23] =	ssyncadd.s32 $0xFFFFFFFF  }
0xa5: {  	s26 =	simm.s32 $execute0_lowered;
	[smem:$0x3FD2] =	sst s25  }
0xa6: {  	s4 =	sshll.u32 s26, $0x1;
	_ =	strace $0x80000049;
	[dreg:$0x1] =	wrdreg $0xFFFFFFFF  }
0xa7: {  	s28 =	simm.s32 $_size_execute0_lowered;
	s2 =	sadd.s32 s2, s4;
	[dreg:$0x0] =	wrdreg $0x0  }
0xa8: {  	s4 =	sshll.u32 s28, $0x1;
	[dreg:$0x2] =	wrdreg s2  }
0xa9: {  	[dreg:$0x3] =	wrdreg s4  }
0xaa: {  	[dreg:$0x4] =	wrdreg $0xC0  }
0xab: {  	_ =	task [dreg:s6], $0x5FFFF  }
0xac: {  	[dreg:$0x1] =	wrdreg $0xFFFFFFFF  }
0xad: {  	[dreg:$0x0] =	wrdreg $0x60  }
0xae: {  	[dreg:$0x2] =	wrdreg s24  }
0xaf: {  	[dreg:$0x3] =	wrdreg $0xA5000  }
0xb0: {  	[dreg:$0x4] =	wrdreg $0x9  }
0xb1: {  	_ =	task.clear_ibuf [dreg:s6], $0x5FFFF;
	_ =	strace $0x90000049  }
0xb2: {  	s29 =	simm.s32 $0x9;
	_ =	strace $0x8000004B  }
0xb3: {  	_ =	swait.ge [sflag:s29], $0x1  }
0xb4: {  	[sflag:s29] =	ssyncadd.s32 $0xFFFFFFFF  }
0xb5: {  	_ =	strace $0x9000004B  }
0xb6: {  	_ =	sfence  }
0xb7: {  	s30 =	sld [smem:$0x0];
	_ =	sdelay $0x2  }
0xb8: {  	s31 =	sshll.u32 s1, $0xD;
	s1 =	sshrl.u32 s1, $0x2  }
0xb9: {  	s3 =	sand.u32 $0x4000, s31;
	s1 =	sadd.s32 s1, s30  }
0xba: {  	s0 =	sor.u32 s3, s0;
	s1 =	sshll.u32 s1, $0x11  }
0xbb: {  	s0 =	sor.u32 s1, s0  }
0xbc: {  	s0 =	sadd.s32 $0x8F2B, s0  }
0xbd: {  	[sflag:s0] =	ssyncadd.remote.s32 $0x1  }
0xbe: {  	_ =	sfence.sel $0xFFFF  }
0xbf: {  	[dreg:$0x0] =	wrdreg $0xFFFFFFFF;
	(pc) =	sbr.abs _section_cstart, $3  }
0xc0: {  	[dreg:$0x1] =	wrdreg $0xFFFFFFFF  }
0xc1: {  	_ =	task.clear_ibuf [dreg:s6], $0x2FFFF;
	_ =	strace $0x9FFFFFFF  }
0xc2: {  	(tm) =	ssettm $0x7FFFFFFF  }
0xc3: {  	_ =	shalt  }
tec
execute0_lowered:
.L_overlay_start_1:
0x0: {  	(tag) =	ssettag $0x1  }
0x1: {  	s0 =	rddreg [dreg:$0x0]  }
0x2: {  	s2 =	rddreg [dreg:$0x1];
	s3 =	simm.s32 $0x0;
	s14 =	stileid.u32  }
0x3: {  	s6 =	srdreg.scid;
	s30 =	simm.s32 $0xE;
	s31 =	simm.s32 $0xB  }
0x4: {  	s28 =	simm.s32 $0x0;
	[smem:$0x7FF] =	sst s3;
	s1 =	smul.u32 $0x13800, s14  }
0x5: {  	s4 =	sadd.s32 $0x34200, s0;
	s7 =	sadd.s32 $0x14E00, s0;
	s6 =	sand.u32 $0x1, s6  }
0x6: {  	s9 =	sshll.u32 s14, $0x1;
	s10 =	smul.u32 $0x4E000, s14;
	s11 =	sadd.s32 $0x82600, s0  }
0x7: {  	s16 =	sshll.u32 s14, $0x6;
	s13 =	sadd.s32 $0x138000, s2;
	s20 =	smul.u32 $0xFA00, s14  }
0x8: {  	p0 =	sne.s32 s14, $0xF;
	_ =	strace $0x8000004A;
	s8 =	ssub.s32 $0x2, s6  }
0x9: {  	s9 =	sor.u32 s6, s9;
	[dreg:$0x4] =	wrdreg s16;
	s18 =	smul.u32 $0x138800, s6  }
0xa: {  	s22 =	smul.u32 $0x7D00, s6;
	s5 =	sshrl.u32 s1, $0x3;
	s12 =	sshrl.u32 s8, $0x1  }
0xb: {  	s15 =	sshrl.u32 s10, $0x2;
	s9 =	smul.u32 $0x7D00, s9;
	s5 =	sadd.s32 s5, s0  }
0xc: {  	s12 =	ssub.s32 s8, s12;
	s10 =	sadd.s32 s15, s2;
	s0 =	sadd.s32 $0x82400, s0  }
0xd: {  	s1 =	sadd.s32 s1, s18;
	s25 =	sshrl.u32 s18, $0x3;
	s18 =	sshrl.u32 @!p0 s13, $0x3  }
0xe: {  	s5 =	sadd.s32 $0x5B400, s5;
	s17 =	sshrl.u32 s9, $0x3;
	[dreg:$0x7] =	wrdreg s0  }
0xf: {  	s1 =	sshrl.u32 s1, $0x3;
	s29 =	smax.u32 s12, $0x1;
	[dreg:$0x3] =	wrdreg s5  }
0x10: {  	s0 =	sadd.s32 s22, s20;
	s5 =	sor.u32 $0x1C0E, s16;
	[dreg:$0xd] =	wrdreg s29  }
0x11: {  	s26 =	sadd.s32 s11, s25;
	s19 =	sadd.s32 s7, s17;
	[dreg:$0x5] =	wrdreg s5  }
0x12: {  	s25 =	simm.s32 $0xA;
	s1 =	sadd.s32 s11, s1;
	[dreg:$0x6] =	wrdreg s19  }
0x13: {  	s0 =	sadd.s32 $0x400, s0;
	s21 =	sadd.s32 $0x20, s19;
	[dreg:$0xb] =	wrdreg s1  }
0x14: {  	s17 =	sshrl.u32 s10, $0x3;
	s23 =	sadd.s32 $0x40, s19;
	[dreg:$0x8] =	wrdreg s21  }
0x15: {  	s24 =	sadd.s32 $0x60, s19;
	s1 =	sadd.s32 $0x27000, s26;
	[dreg:$0x9] =	wrdreg s23  }
0x16: {  	s0 =	sshrl.u32 s0, $0x3;
	s26 =	simm.s32 $0x10;
	[dreg:$0xa] =	wrdreg s24  }
0x17: {  	[dreg:$0xc] =	wrdreg s1;
	s9 =	sadd.s32 s0, s7;
	s23 =	simm.s32 $0x3  }
0x18: {  	s24 =	simm.s32 $0x50;
	s0 =	simm.s32 $0xC;
	s1 =	simm.s32 $0xD  }
.LBB2_1:
0x19: {  	s5 =	rddreg [dreg:$0x3]  }
0x1a: {  	s6 =	rddreg [dreg:$0x5]  }
0x1b: {  	[spmem:s17], [sflag:s6] =	dma.local [hbm:s5], $0x2700  }
0x1c: {  	s5 =	simm.s32 @!p0 $0x1FCF;
	s6 =	rddreg [dreg:$0x7]  }
0x1d: {  	[spmem:s18], [sflag:s5] =	dma.local @!p0 [hbm:s6], $0x100  }
0x1e: {  	s5 =	rddreg [dreg:$0x6]  }
0x1f: {  	[tilespmem:s3], [sflag:$0x1] =	stream.linear.gather [hbm4b:s5+s3], $0x100, $0x38;
	[tilespmem:$0x1DE00] =	vst v63  }
0x20: {  	s11 =	simm.s32 $0x100;
	s10 =	rddreg [dreg:$0x8]  }
0x21: {  	[tilespmem:s11], [sflag:$0x2] =	stream.linear.gather [hbm4b:s10+s3], $0x100, $0x38;
	[tilespmem:$0x1DE00] =	vst v63  }
0x22: {  	s7 =	simm.s32 $0x200;
	s13 =	simm.s32 $0x1;
	s12 =	rddreg [dreg:$0x9]  }
0x23: {  	[tilespmem:s7], [sflag:$0x3] =	stream.linear.gather [hbm4b:s12+s3], $0x100, $0x38;
	[tilespmem:$0x1DE00] =	vst v63  }
0x24: {  	_ =	swait.ge [sflag:s13], $0x100  }
0x25: {  	[sflag:s13] =	ssyncset.done $0x0  }
0x26: {  	s14 =	simm.s32 $0x2;
	[sflag:s13] =	ssyncadd.s32 $0xFFFFFF00  }
0x27: {  	_ =	swait.ge [sflag:s14], $0x100  }
0x28: {  	[sflag:s14] =	ssyncset.done $0x0  }
0x29: {  	[sflag:s14] =	ssyncadd.s32 $0xFFFFFF00  }
0x2a: {  	_ =	swait.ge [sflag:s23], $0x100  }
0x2b: {  	[sflag:s23] =	ssyncset.done $0x0  }
0x2c: {  	s15 =	simm.s32 $0x500;
	[sflag:s23] =	ssyncadd.s32 $0xFFFFFF00  }
0x2d: {  	[tilespmem:s15], [sflag:$0x6] =	stream.indirect.gather [hbm4b:s4+s24], $0x80, s3, s24, $0xb8;
	[tilespmem:$0x1DE00] =	vst v63  }
0x2e: {  	s16 =	simm.s32 $0x2D00  }
0x2f: {  	[tilespmem:s16], [sflag:$0x7] =	stream.indirect.gather [hbm4b:s4+s24], $0x80, s11, s24, $0xb8;
	[tilespmem:$0x1DE00] =	vst v63  }
0x30: {  	s19 =	simm.s32 $0x5500  }
0x31: {  	[tilespmem:s19], [sflag:$0x8] =	stream.indirect.gather [hbm4b:s4+s24], $0x80, s7, s24, $0xb8;
	[tilespmem:$0x1DE00] =	vst v63  }
0x32: {  	s21 =	simm.s32 $0x300;
	p1 =	por $0x0, $0x0;
	s20 =	rddreg [dreg:$0xa]  }
0x33: {  	[tilespmem:s21], [sflag:$0x4] =	stream.linear.gather [hbm4b:s20+s3], $0x100, $0x38;
	[tilespmem:$0x1DE00] =	vst v63  }
0x34: {  	s22 =	simm.s32 $0x0;
	p2 =	por @!p1 $0x0, $0x0;
	_ =	swait.ge [sflag:s30], $0x2700  }
0x35: {  	p2 =	por p2, p1;
	s6 =	simm.s32 $0x4;
	[sflag:s30] =	ssyncset.done $0x0  }
0x36: {  	s6 =	smul.u32 @!p2 $0xCD, s6;
	s5 =	simm.s32 @!p0 $0xF;
	[sflag:s30] =	ssyncadd.s32 $0xFFFFD900  }
0x37: {  	s10 =	sand.u32 $0x3, s22;
	_ =	swait.ge @!p0 [sflag:s5], $0x100  }
0x38: {  	s6 =	sshrl.u32 @!p2 s6, $0xA;
	s13 =	smul.u32 $0xA000, s10;
	[sflag:s5] =	ssyncset.done @!p0 $0x0  }
0x39: {  	s6 =	sand.u32 @!p2 $0x3F, s6;
	[sflag:s5] =	ssyncadd.s32 @!p0 $0xFFFFFF00;
	s5 =	smul.u32 $0xCD, s22  }
0x3a: {  	s29 =	simm.s32 $0x5;
	p3 =	por @!p1 $0x1, $0x1;
	s6 =	smul.u32 @!p2 $0x5, s6  }
0x3b: {  	p3 =	por p3, p1;
	s13 =	sshrl.u32 s13, $0x2;
	s5 =	sshrl.u32 s5, $0xA  }
0x3c: {  	s6 =	ssub.s32 @!p2 $0x4, s6;
	s13 =	sor.u32 $0x500, s13;
	s14 =	sand.u32 $0x3F, s5  }
0x3d: {  	s11 =	sadd.s32 $0x6, s10;
	s7 =	simm.s32 $0x3;
	s14 =	smul.u32 $0x5, s14  }
0x3e: {  	s10 =	sadd.s32 $0xA, s10;
	s12 =	smul.u32 @!p1 $0xCD, s7;
	s7 =	sand.u32 @!p1 $0x3, s7  }
0x3f: {  	s16 =	smul.u32 @!p1 $0xA000, s7;
	[bflag:$0x0] =	sbarrier.arrive $0xFFFF;
	s14 =	ssub.s32 $0x0, s14  }
0x40: {  	_ =	swait.ge [sflag:s11], $0x2800;
	s5 =	sshrl.u32 @!p1 s12, $0xA;
	s14 =	sand.u32 $0xFF, s14  }
0x41: {  	[sflag:s11] =	ssyncset.done $0x0;
	s12 =	sand.u32 @!p1 $0x3F, s5;
	s14 =	sshll.u32 s14, $0x8  }
0x42: {  	[sflag:s11] =	ssyncadd.s32 $0xFFFFD800;
	s12 =	smul.u32 @!p1 $0x5, s12;
	s14 =	sor.u32 $0x80, s14  }
0x43: {  	[spmem:s2] =	stream.indirect.scatter.add.f32 [tilespmem:s13], [sflag:s10], $0x80, s14, s24, $0xb8;
	[tilespmem:$0x1DE00] =	vst v63  }
0x44: {  	s5 =	simm.s32 @!p1 $0x50;
	s11 =	sadd.s32 @!p3 $0xA, s7;
	s10 =	ssub.s32 @!p1 $0x3, s12  }
0x45: {  	s13 =	sand.u32 @!p2 $0xFF, s6;
	s6 =	sadd.s32 @!p1 $0x6, s7;
	_ =	swait.ge @!p3 [sflag:s11], $0x2800  }
0x46: {  	s7 =	sadd.s32 $0x20, s9;
	s14 =	sand.u32 @!p1 $0xFF, s10;
	[sflag:s11] =	ssyncset.done @!p3 $0x0  }
0x47: {  	s10 =	simm.s32 @!p2 $0x0;
	s12 =	sadd.s32 @!p1 $0x1, s14;
	[sflag:s11] =	ssyncadd.s32 @!p3 $0xFFFFD800  }
0x48: {  	s14 =	sshll.u32 @!p1 s14, $0x8;
	s11 =	sshrl.u32 @!p1 s16, $0x2;
	_ =	swait.ge @!p1 [sflag:s12], $0x100  }
0x49: {  	s16 =	smov.u32 s9;
	s11 =	sor.u32 @!p1 $0x500, s11;
	[sflag:s12] =	ssyncset.done @!p1 $0x0  }
0x4a: {  	[sflag:s12] =	ssyncadd.s32 @!p1 $0xFFFFFF00;
	s12 =	sshll.u32 @!p2 s13, $0x8;
	s13 =	sadd.s32 @!p2 $0x1, s13  }
.LBB2_2:
0x4b: {  	[tilespmem:s11], [sflag:s6] =	stream.indirect.gather @!p1 [hbm4b:s4+s5], $0x80, s14, s5, $0xb8;
	[tilespmem:$0x1DE00] =	vst v63  }
0x4c: {  	s6 =	smov.u32 s29;
	s29 =	sadd.s32 $0x1, s29  }
0x4d: {  	[tilespmem:s12], [sflag:s13] =	stream.linear.gather @!p2 [hbm4b:s16+s10], $0x100, $0x38;
	[tilespmem:$0x1DE00] =	vst v63  }
0x4e: {  	p3 =	sne.s32 s29, $0x81;
	s16 =	smov.u32 s7  }
0x4f: {  	s11 =	sadd.s32 $0xFFFFFFFC, s6;
	s12 =	sadd.s32 $0xFFFFFFFF, s6  }
0x50: {  	s10 =	sand.u32 $0x3, s11;
	s5 =	smul.u32 $0xCD, s11;
	p1 =	sgt.u32 s11, $0x79  }
0x51: {  	s13 =	sadd.s32 $0x6, s10;
	s14 =	sand.u32 @!p1 $0x3, s12;
	s15 =	smul.u32 @!p1 $0xCD, s12  }
0x52: {  	s19 =	smul.u32 $0xA000, s10;
	p2 =	seq.s32 @!p1 s6, $0x7D;
	s5 =	sshrl.u32 s5, $0xA  }
0x53: {  	p4 =	seq.s32 @!p1 s6, $0x4;
	s20 =	sand.u32 $0x3F, s5;
	s5 =	sshrl.u32 @!p1 s15, $0xA  }
0x54: {  	p2 =	por p2, p1;
	s15 =	sand.u32 @!p1 $0x3F, s5;
	s5 =	simm.s32 @!p1 $0x50  }
0x55: {  	s8 =	sadd.s32 $0xA, s10;
	s19 =	sshrl.u32 s19, $0x2;
	s20 =	smul.u32 $0x5, s20  }
0x56: {  	p4 =	por p4, p1;
	s21 =	smul.u32 @!p1 $0xA000, s14;
	s10 =	simm.s32 @!p2 $0x0  }
0x57: {  	s11 =	ssub.s32 s11, s20;
	s20 =	smul.u32 @!p2 $0xCD, s6;
	_ =	swait.ge [sflag:s13], $0x2800  }
0x58: {  	s22 =	sadd.s32 @!p4 $0xA, s14;
	s11 =	sand.u32 $0xFF, s11;
	[sflag:s13] =	ssyncset.done $0x0  }
0x59: {  	s19 =	sor.u32 $0x500, s19;
	s11 =	sshll.u32 s11, $0x8;
	[sflag:s13] =	ssyncadd.s32 $0xFFFFD800  }
0x5a: {  	s11 =	sor.u32 $0x80, s11;
	s13 =	smul.u32 @!p1 $0x5, s15;
	s15 =	sshrl.u32 @!p2 s20, $0xA  }
0x5b: {  	[spmem:s2] =	stream.indirect.scatter.add.f32 [tilespmem:s19], [sflag:s8], $0x80, s11, s24, $0xb8;
	[tilespmem:$0x1DE00] =	vst v63  }
0x5c: {  	s8 =	ssub.s32 @!p1 s12, s13  }
0x5d: {  	s11 =	sand.u32 @!p2 $0x3F, s15;
	_ =	swait.ge @!p4 [sflag:s22], $0x2800;
	s8 =	sand.u32 @!p1 $0xFF, s8  }
0x5e: {  	s12 =	smul.u32 @!p2 $0x5, s11;
	s11 =	sshrl.u32 @!p1 s21, $0x2;
	[sflag:s22] =	ssyncset.done @!p4 $0x0  }
.Ltmp0:
0x5f: {  	s13 =	sadd.s32 @!p1 $0x1, s8;
	[sflag:s22] =	ssyncadd.s32 @!p4 $0xFFFFD800;
	(pc) =	sbr.rel @p3 .LBB2_2-.Ltmp0, $4  }
0x60: {  	s11 =	sor.u32 @!p1 $0x500, s11;
	s12 =	ssub.s32 @!p2 s6, s12;
	_ =	swait.ge @!p1 [sflag:s13], $0x100  }
0x61: {  	s6 =	sadd.s32 @!p1 $0x6, s14;
	s14 =	sand.u32 @!p2 $0xFF, s12;
	[sflag:s13] =	ssyncset.done @!p1 $0x0  }
0x62: {  	s12 =	sshll.u32 @!p2 s14, $0x8;
	[sflag:s13] =	ssyncadd.s32 @!p1 $0xFFFFFF00;
	s13 =	sadd.s32 @!p2 $0x1, s14  }
0x63: {  	s7 =	sadd.s32 $0x20, s7;
	s14 =	sshll.u32 @!p1 s8, $0x8  }
0x64: {  	[tilespmem:s11], [sflag:s6] =	stream.indirect.gather @!p1 [hbm4b:s4+s5], $0x80, s14, s5, $0xb8;
	[tilespmem:$0x1DE00] =	vst v63  }
0x65: {  	_ = 	snop  }
0x66: {  	[tilespmem:s12], [sflag:s13] =	stream.linear.gather @!p2 [hbm4b:s16+s10], $0x100, $0x38;
	[tilespmem:$0x1DE00] =	vst v63  }
0x67: {  	_ =	swait.ge [sflag:s31], $0x2800  }
0x68: {  	[sflag:s31] =	ssyncset.done $0x0  }
0x69: {  	[sflag:s31] =	ssyncadd.s32 $0xFFFFD800  }
0x6a: {  	_ =	swait.ge [sflag:s0], $0x2800  }
0x6b: {  	[sflag:s0] =	ssyncset.done $0x0  }
0x6c: {  	[sflag:s0] =	ssyncadd.s32 $0xFFFFD800  }
0x6d: {  	_ =	swait.ge [sflag:s1], $0x2800  }
0x6e: {  	[sflag:s1] =	ssyncset.done $0x0  }
0x6f: {  	[sflag:s1] =	ssyncadd.s32 $0xFFFFD800  }
0x70: {  	_ =	swait.ge [sflag:s25], $0x2800  }
0x71: {  	[sflag:s25] =	ssyncset.done $0x0  }
0x72: {  	[sflag:s25] =	ssyncadd.s32 $0xFFFFD800  }
0x73: {  	[bflag:$0x0] =	sbarrier.arrive $0xFFFF  }
0x74: {  	s21 =	rddreg [dreg:$0x4]  }
0x75: {  	s22 =	rddreg [dreg:$0xb];
	s5 =	sor.u32 $0x1C10, s21  }
0x76: {  	[hbm:s22], [sflag:s5] =	dma.local [spmem:s17], $0x2700  }
0x77: {  	_ =	swait.ge [sflag:s26], $0x2700  }
0x78: {  	[sflag:s26] =	ssyncset.done $0x0  }
0x79: {  	s6 =	rddreg [dreg:$0xc];
	[sflag:s26] =	ssyncadd.s32 $0xFFFFD900  }
0x7a: {  	[hbm:s6], [sflag:s5] =	dma.local @!p0 [spmem:s18], $0x100  }
0x7b: {  	s5 =	simm.s32 @!p0 $0x10  }
0x7c: {  	_ =	swait.ge @!p0 [sflag:s5], $0x100  }
0x7d: {  	s28 =	sadd.s32 $0x1, s28;
	s29 =	rddreg [dreg:$0xd]  }
0x7e: {  	p1 =	sne.s32 s28, s29  }
.Ltmp1:
0x7f: {  	_ = 	snop;
	(pc) =	sbr.rel @p1 .LBB2_1-.Ltmp1, $3  }
0x80: {  	_ =	sdelay $0x1  }
0x81: {  	[sflag:s5] =	ssyncset.done @!p0 $0x0  }
0x82: {  	[sflag:s5] =	ssyncadd.s32 @!p0 $0xFFFFFF00  }
0x83: {  	_ =	sfence.sel $0x180000  }
0x84: {  	[bflag:$0x0] =	sbarrier.arrive $0xFFFF  }
0x85: {  	_ =	strace $0x9000004A  }
0x86: {  	s0 =	stileid.u32;
	[bflag:$0x2] =	sbarrier.arrive $0xFFFF  }
0x87: {  	p0 =	sne.s32 s0, $0x0;
	s0 =	rddreg [dreg:$0x2]  }
0x88: {  	s0 =	sadd.s32 @!p0 $0x100000, s0  }
0x89: {  	[sflag:s0] =	ssyncadd.tile.s32 @!p0 $0x1;
	_ =	shalt  }
.Lfunc_end2:
_tile_overlayer_lowered:
.L_overlay_start_2:
0x8a: {  	(tag) =	ssettag $0x2  }
0x8b: {  	s0 =	rddreg [dreg:$0x0];
	s2 =	stileid.u32  }
0x8c: {  	s1 =	rddreg [dreg:$0x1];
	p0 =	sne.s32 s2, $0x0  }
0x8d: {  	s3 =	rddreg [dreg:$0x2];
	[bflag:$0x3] =	sbarrier.arrive $0xFFFF;
	s2 =	simm.s32 @!p0 $0x1C10  }
0x8e: {  	[timem:s3], [sflag:s2] =	dma.local @!p0 [hbm:s0], s1  }
0x8f: {  	s0 =	simm.s32 @!p0 $0x10  }
0x90: {  	_ =	swait.ge @!p0 [sflag:s0], s1  }
0x91: {  	s1 =	ssub.s32 @!p0 $0x0, s1;
	[sflag:s0] =	ssyncset.done @!p0 $0x0  }
0x92: {  	[sflag:s0] =	ssyncadd.s32 @!p0 s1  }
0x93: {  	[bflag:$0x3] =	sbarrier.arrive $0xFFFF  }
0x94: {  	_ =	shalt  }

// kernel: kernel.16.cloned.1.call-start
scs
__scs_entry_jumppad:
0x0: {  	(pc) =	sbr.rel $0x88, $3  }
0x1: {  	(tag) =	ssettag $0x0;
	lr =	simm.s32 $0x1  }
0x2: {  	[smem:$0x3F8E] =	sst lr;
	_ =	strace $0xD0000000  }
0x3: {  	_ = 	snop  }
0x4: {  	_ = 	snop  }
0x5: {  	_ = 	snop  }
0x6: {  	_ = 	snop  }
0x7: {  	_ = 	snop  }
__scs_overlays_trampoline_lowered:
0x8: {  	[smem:$0x3F9D] =	sst s0  }
0x9: {  	[smem:$0x3F9E] =	sst s1  }
0xa: {  	[smem:$0x3F9F] =	sst s2  }
0xb: {  	[smem:$0x3FA0] =	sst s3  }
0xc: {  	[smem:$0x3FA1] =	sst s4  }
0xd: {  	[smem:$0x3FA2] =	sst s5  }
0xe: {  	[smem:$0x3FA3] =	sst s6  }
0xf: {  	[smem:$0x3FA4] =	sst s7  }
0x10: {  	[smem:$0x3FA5] =	sst s8  }
0x11: {  	[smem:$0x3FA6] =	sst s9;
	s0 =	simm.s32 @!p0 $0x0  }
0x12: {  	s1 =	sld [smem:$0x3F8C];
	s0 =	simm.s32 @p0 $0x1  }
0x13: {  	[smem:$0x3FA7] =	sst s0;
	s0 =	simm.s32 @!p1 $0x0  }
0x14: {  	s2 =	sld [smem:$0x3F8B];
	s0 =	simm.s32 @p1 $0x1  }
0x15: {  	[smem:$0x3FA8] =	sst s0;
	s0 =	simm.s32 @!p2 $0x0  }
0x16: {  	s3 =	sld [smem:$0x3FDB];
	s0 =	simm.s32 @p2 $0x1  }
0x17: {  	s4 =	simm.s32 $0x1BF5;
	[smem:$0x3FAA] =	sst s0  }
0x18: {  	s0 =	sld [smem:$0x3F8D];
	_ =	swait.ge [sflag:s4], $0x0  }
0x19: {  	s7 =	sld [smem:$0x3F8E]  }
0x1a: {  	s8 =	sadd.s32 $0xFFFFE003, lr  }
0x1b: {  	s9 =	sadd.s32 $0xFFFFFEF7, lr;
	s5 =	simm.s32 $0xFFFFFFFF;
	p2 =	slt.u32 s8, $0xFFFFF086  }
0x1c: {  	p1 =	slt.u32 s9, $0xF7A;
	s5 =	simm.s32 @!p2 $0x0  }
0x1d: {  	s5 =	simm.s32 @p1 $0x1;
	p0 =	seq.s32 s7, s2  }
0x1e: {  	s7 =	smul.u32 @!p0 $0xF7A, s2;
	p2 =	seq.s32 @!p0 s5, $0x0  }
0x1f: {  	s9 =	smul.u32 $0xF7A, s1;
	s8 =	simm.s32 @!p0 $0x1BF5;
	p2 =	por !p2, p0  }
0x20: {  	[sflag:s8] =	ssyncset.s32 @!p0 $0xFFFFF086;
	s6 =	sadd.s32 @!p0 s3, s7;
	s7 =	simm.s32 @!p0 $0x108  }
0x21: {  	s3 =	sadd.s32 s3, s9;
	s6 =	sadd.s32 @!p0 $0x88, s6;
	s7 =	simm.s32 @p2 $0x1082  }
0x22: {  	[simem:s7], [sflag:s8] =	dma.local @!p0 [hbm:s6], $0xF7A  }
0x23: {  	s9 =	sor.u32 $0xD0000000, s2;
	s6 =	simm.s32 $0x108;
	_ =	swait.ge @!p0 [sflag:s8], $0x0  }
0x24: {  	s3 =	sadd.s32 $0x88, s3;
	s6 =	simm.s32 @!p1 $0x1082;
	[sflag:s4] =	ssyncset.s32 $0xFFFFF086  }
0x25: {  	[simem:s6], [sflag:s4] =	dma.local [hbm:s3], $0xF7A  }
0x26: {  	[smem:$0x3F8E] =	sst s1;
	(tag) =	ssettag s2;
	_ =	strace s9  }
0x27: {  	s1 =	sld [smem:$0x3F9E]  }
0x28: {  	s2 =	sld [smem:$0x3F9F]  }
0x29: {  	s4 =	sld [smem:$0x3FA1]  }
0x2a: {  	p0 =	seq.s32 s5, $0x0;
	s5 =	sld [smem:$0x3FA2]  }
0x2b: {  	s6 =	sld [smem:$0x3FA3]  }
0x2c: {  	s7 =	sld [smem:$0x3FA4]  }
0x2d: {  	s3 =	simm.s32 $0x108;
	s8 =	sld [smem:$0x3FA5]  }
0x2e: {  	s3 =	simm.s32 @!p0 $0x1082;
	s9 =	sld [smem:$0x3FA6]  }
0x2f: {  	lr =	sadd.s32 s0, s3;
	s0 =	sld [smem:$0x3F9D]  }
0x30: {  	s3 =	sld [smem:$0x3FA0]  }
0x31: {  	[smem:$0x3FA9] =	sst s10  }
0x32: {  	s10 =	sld [smem:$0x3FA7];
	_ =	sdelay $0x3  }
0x33: {  	p0 =	seq.s32 s10, $0x1;
	s10 =	sld [smem:$0x3FA9];
	_ =	sdelay $0x3  }
0x34: {  	[smem:$0x3FA9] =	sst s10  }
0x35: {  	s10 =	sld [smem:$0x3FA8];
	_ =	sdelay $0x3  }
0x36: {  	p1 =	seq.s32 s10, $0x1;
	s10 =	sld [smem:$0x3FA9];
	_ =	sdelay $0x3  }
0x37: {  	[smem:$0x3FA9] =	sst s10  }
0x38: {  	s10 =	sld [smem:$0x3FAA]  }
0x39: {  	_ = 	snop;
	(pc) =	sbr.ind lr, $3  }
0x3a: {  	_ = 	snop  }
0x3b: {  	_ = 	snop  }
0x3c: {  	p2 =	seq.s32 s10, $0x1;
	s10 =	sld [smem:$0x3FA9]  }
0x3d: {  	_ =	shalt  }
0x3e: {  	_ =	shalt  }
0x3f: {  	_ =	shalt  }
0x40: {  	_ =	shalt  }
0x41: {  	_ =	shalt  }
0x42: {  	_ =	shalt  }
0x43: {  	_ =	shalt  }
0x44: {  	_ =	shalt  }
0x45: {  	_ =	shalt  }
0x46: {  	_ =	shalt  }
0x47: {  	_ =	shalt  }
0x48: {  	_ =	shalt  }
0x49: {  	_ =	shalt  }
0x4a: {  	_ =	shalt  }
0x4b: {  	_ =	shalt  }
0x4c: {  	_ =	shalt  }
0x4d: {  	_ =	shalt  }
0x4e: {  	_ =	shalt  }
0x4f: {  	_ =	shalt  }
0x50: {  	_ =	shalt  }
0x51: {  	_ =	shalt  }
0x52: {  	_ =	shalt  }
0x53: {  	_ =	shalt  }
0x54: {  	_ =	shalt  }
0x55: {  	_ =	shalt  }
0x56: {  	_ =	shalt  }
0x57: {  	_ =	shalt  }
0x58: {  	_ =	shalt  }
0x59: {  	_ =	shalt  }
0x5a: {  	_ =	shalt  }
0x5b: {  	_ =	shalt  }
0x5c: {  	_ =	shalt  }
0x5d: {  	_ =	shalt  }
0x5e: {  	_ =	shalt  }
0x5f: {  	_ =	shalt  }
0x60: {  	_ =	shalt  }
0x61: {  	_ =	shalt  }
0x62: {  	_ =	shalt  }
0x63: {  	_ =	shalt  }
0x64: {  	_ =	shalt  }
0x65: {  	_ =	shalt  }
0x66: {  	_ =	shalt  }
0x67: {  	_ =	shalt  }
0x68: {  	_ =	shalt  }
0x69: {  	_ =	shalt  }
0x6a: {  	_ =	shalt  }
0x6b: {  	_ =	shalt  }
0x6c: {  	_ =	shalt  }
0x6d: {  	_ =	shalt  }
0x6e: {  	_ =	shalt  }
0x6f: {  	_ =	shalt  }
0x70: {  	_ =	shalt  }
0x71: {  	_ =	shalt  }
0x72: {  	_ =	shalt  }
0x73: {  	_ =	shalt  }
0x74: {  	_ =	shalt  }
0x75: {  	_ =	shalt  }
0x76: {  	_ =	shalt  }
0x77: {  	_ =	shalt  }
0x78: {  	_ =	shalt  }
0x79: {  	_ =	shalt  }
0x7a: {  	_ =	shalt  }
0x7b: {  	_ =	shalt  }
0x7c: {  	_ =	shalt  }
0x7d: {  	_ =	shalt  }
0x7e: {  	_ =	shalt  }
0x7f: {  	_ =	shalt  }
0x80: {  	_ =	shalt  }
0x81: {  	_ =	shalt  }
0x82: {  	_ =	shalt  }
0x83: {  	_ =	shalt  }
0x84: {  	_ =	shalt  }
0x85: {  	_ =	shalt  }
0x86: {  	_ =	shalt  }
0x87: {  	_ =	shalt  }
.Lfunc_end0:
.L_simem_size_0:
called_computation.2_lowered:
.L_overlay_start_0:
0x88: {  	s2 =	sld [smem:$0x3FD9]  }
0x89: {  	s3 =	sld [smem:$0x3FFE];
	_ =	sdelay $0x1  }
0x8a: {  	s1 =	srdreg.scid  }
0x8b: {  	s0 =	sand.u32 $0x1, s1  }
0x8c: {  	s16 =	sshll.u32 s0, $0xA;
	s2 =	sadd.s32 s3, s2  }
0x8d: {  	s2 =	sadd.s32 s2, s16  }
0x8e: {  	[smem:$0x3FB5] =	sst s2  }
0x8f: {  	_ = 	snop  }
0x90: {  	(tm) =	ssettm $0x1  }
0x91: {  	s17 =	sld [smem:$0x3FFB];
	_ =	sdelay $0x3  }
0x92: {  	_ =	strace s17  }
0x93: {  	s2 =	sld [smem:$0x3FFC];
	_ =	sdelay $0x3  }
0x94: {  	_ =	strace s2  }
0x95: {  	s2 =	sld [smem:$0x3FFD];
	_ =	sdelay $0x3  }
0x96: {  	_ =	strace s2  }
0x97: {  	_ =	strace $0x8FFFFFFF  }
0x98: {  	s18 =	sld [smem:$0x3FDB];
	_ =	sdelay $0x1  }
0x99: {  	s19 =	simm.s32 $_scs_section_size  }
0x9a: {  	s4 =	simm.s32 $_size__tile_overlayer_lowered;
	s5 =	simm.s32 $_tile_overlayer_lowered  }
0x9b: {  	s22 =	simm.s32 $0x1BFF;
	s21 =	sshll.u32 s5, $0x1;
	s2 =	sadd.s32 s19, s18  }
0x9c: {  	s6 =	simm.s32 $0x0;
	s20 =	sshll.u32 s4, $0x1;
	s4 =	sadd.s32 s21, s2  }
0x9d: {  	[timem:s6], [sflag:s22] =	dma.local [hbm:s4], s20  }
0x9e: {  	_ =	swait.ge [sflag:s22], s20  }
0x9f: {  	s3 =	ssub.s32 $0x0, s20;
	[sflag:s22] =	ssyncset.done $0x0  }
0xa0: {  	[sflag:s22] =	ssyncadd.s32 s3;
	_ =	sdelay $0x1  }
0xa1: {  	s23 =	simm.s32 $0x1B8B  }
0xa2: {  	_ =	swait.ge [sflag:s23], $0x1  }
0xa3: {  	[sflag:s23] =	ssyncset.done $0x0  }
0xa4: {  	s25 =	simm.s32 $0x1B8E;
	s24 =	sld [smem:$0x3FFE];
	[sflag:s23] =	ssyncadd.s32 $0xFFFFFFFF  }
0xa5: {  	s26 =	simm.s32 $execute0_lowered;
	[smem:$0x3FD2] =	sst s25  }
0xa6: {  	s4 =	sshll.u32 s26, $0x1;
	_ =	strace $0x8000004C;
	[dreg:$0x1] =	wrdreg $0xFFFFFFFF  }
0xa7: {  	s28 =	simm.s32 $_size_execute0_lowered;
	s2 =	sadd.s32 s2, s4;
	[dreg:$0x0] =	wrdreg $0x0  }
0xa8: {  	s4 =	sshll.u32 s28, $0x1;
	[dreg:$0x2] =	wrdreg s2  }
0xa9: {  	[dreg:$0x3] =	wrdreg s4  }
0xaa: {  	[dreg:$0x4] =	wrdreg $0xC0  }
0xab: {  	_ =	task [dreg:s6], $0x5FFFF  }
0xac: {  	[dreg:$0x1] =	wrdreg $0xFFFFFFFF  }
0xad: {  	[dreg:$0x0] =	wrdreg $0x60  }
0xae: {  	[dreg:$0x2] =	wrdreg s24  }
0xaf: {  	[dreg:$0x3] =	wrdreg $0xA5000  }
0xb0: {  	[dreg:$0x4] =	wrdreg $0x9  }
0xb1: {  	_ =	task.clear_ibuf [dreg:s6], $0x5FFFF;
	_ =	strace $0x9000004C  }
0xb2: {  	s29 =	simm.s32 $0x9;
	_ =	strace $0x8000004E  }
0xb3: {  	_ =	swait.ge [sflag:s29], $0x1  }
0xb4: {  	[sflag:s29] =	ssyncadd.s32 $0xFFFFFFFF  }
0xb5: {  	_ =	strace $0x9000004E  }
0xb6: {  	_ =	sfence  }
0xb7: {  	s30 =	sld [smem:$0x0];
	_ =	sdelay $0x2  }
0xb8: {  	s31 =	sshll.u32 s1, $0xD;
	s1 =	sshrl.u32 s1, $0x2  }
0xb9: {  	s3 =	sand.u32 $0x4000, s31;
	s1 =	sadd.s32 s1, s30  }
0xba: {  	s0 =	sor.u32 s3, s0;
	s1 =	sshll.u32 s1, $0x11  }
0xbb: {  	s0 =	sor.u32 s1, s0  }
0xbc: {  	s0 =	sadd.s32 $0x8F2B, s0  }
0xbd: {  	[sflag:s0] =	ssyncadd.remote.s32 $0x1  }
0xbe: {  	_ =	sfence.sel $0xFFFF  }
0xbf: {  	[dreg:$0x0] =	wrdreg $0xFFFFFFFF;
	(pc) =	sbr.abs _section_cstart, $3  }
0xc0: {  	[dreg:$0x1] =	wrdreg $0xFFFFFFFF  }
0xc1: {  	_ =	task.clear_ibuf [dreg:s6], $0x2FFFF;
	_ =	strace $0x9FFFFFFF  }
0xc2: {  	(tm) =	ssettm $0x7FFFFFFF  }
0xc3: {  	_ =	shalt  }
tec
execute0_lowered:
.L_overlay_start_1:
0x0: {  	(tag) =	ssettag $0x1  }
0x1: {  	s0 =	rddreg [dreg:$0x0]  }
0x2: {  	s2 =	rddreg [dreg:$0x1];
	s3 =	simm.s32 $0x0;
	s14 =	stileid.u32  }
0x3: {  	s6 =	srdreg.scid;
	s30 =	simm.s32 $0xE;
	s31 =	simm.s32 $0xB  }
0x4: {  	s28 =	simm.s32 $0x0;
	[smem:$0x7FF] =	sst s3;
	s1 =	smul.u32 $0x13800, s14  }
0x5: {  	s4 =	sadd.s32 $0x34200, s0;
	s7 =	sadd.s32 $0x14E00, s0;
	s6 =	sand.u32 $0x1, s6  }
0x6: {  	s9 =	sshll.u32 s14, $0x1;
	s10 =	smul.u32 $0x4E000, s14;
	s11 =	sadd.s32 $0x82600, s0  }
0x7: {  	s16 =	sshll.u32 s14, $0x6;
	s13 =	sadd.s32 $0x138000, s2;
	s20 =	smul.u32 $0xFA00, s14  }
0x8: {  	p0 =	sne.s32 s14, $0xF;
	_ =	strace $0x8000004D;
	s8 =	ssub.s32 $0x2, s6  }
0x9: {  	s9 =	sor.u32 s6, s9;
	[dreg:$0x4] =	wrdreg s16;
	s18 =	smul.u32 $0x138800, s6  }
0xa: {  	s22 =	smul.u32 $0x7D00, s6;
	s5 =	sshrl.u32 s1, $0x3;
	s12 =	sshrl.u32 s8, $0x1  }
0xb: {  	s15 =	sshrl.u32 s10, $0x2;
	s9 =	smul.u32 $0x7D00, s9;
	s5 =	sadd.s32 s5, s0  }
0xc: {  	s12 =	ssub.s32 s8, s12;
	s10 =	sadd.s32 s15, s2;
	s0 =	sadd.s32 $0x82400, s0  }
0xd: {  	s1 =	sadd.s32 s1, s18;
	s25 =	sshrl.u32 s18, $0x3;
	s18 =	sshrl.u32 @!p0 s13, $0x3  }
0xe: {  	s5 =	sadd.s32 $0x5B400, s5;
	s17 =	sshrl.u32 s9, $0x3;
	[dreg:$0x7] =	wrdreg s0  }
0xf: {  	s1 =	sshrl.u32 s1, $0x3;
	s29 =	smax.u32 s12, $0x1;
	[dreg:$0x3] =	wrdreg s5  }
0x10: {  	s0 =	sadd.s32 s22, s20;
	s5 =	sor.u32 $0x1C0E, s16;
	[dreg:$0xd] =	wrdreg s29  }
0x11: {  	s26 =	sadd.s32 s11, s25;
	s19 =	sadd.s32 s7, s17;
	[dreg:$0x5] =	wrdreg s5  }
0x12: {  	s25 =	simm.s32 $0xA;
	s1 =	sadd.s32 s11, s1;
	[dreg:$0x6] =	wrdreg s19  }
0x13: {  	s0 =	sadd.s32 $0x400, s0;
	s21 =	sadd.s32 $0x20, s19;
	[dreg:$0xb] =	wrdreg s1  }
0x14: {  	s17 =	sshrl.u32 s10, $0x3;
	s23 =	sadd.s32 $0x40, s19;
	[dreg:$0x8] =	wrdreg s21  }
0x15: {  	s24 =	sadd.s32 $0x60, s19;
	s1 =	sadd.s32 $0x27000, s26;
	[dreg:$0x9] =	wrdreg s23  }
0x16: {  	s0 =	sshrl.u32 s0, $0x3;
	s26 =	simm.s32 $0x10;
	[dreg:$0xa] =	wrdreg s24  }
0x17: {  	[dreg:$0xc] =	wrdreg s1;
	s9 =	sadd.s32 s0, s7;
	s23 =	simm.s32 $0x3  }
0x18: {  	s24 =	simm.s32 $0x50;
	s0 =	simm.s32 $0xC;
	s1 =	simm.s32 $0xD  }
.LBB2_1:
0x19: {  	s5 =	rddreg [dreg:$0x3]  }
0x1a: {  	s6 =	rddreg [dreg:$0x5]  }
0x1b: {  	[spmem:s17], [sflag:s6] =	dma.local [hbm:s5], $0x2700  }
0x1c: {  	s5 =	simm.s32 @!p0 $0x1FCF;
	s6 =	rddreg [dreg:$0x7]  }
0x1d: {  	[spmem:s18], [sflag:s5] =	dma.local @!p0 [hbm:s6], $0x100  }
0x1e: {  	s5 =	rddreg [dreg:$0x6]  }
0x1f: {  	[tilespmem:s3], [sflag:$0x1] =	stream.linear.gather [hbm4b:s5+s3], $0x100, $0x38;
	[tilespmem:$0x1DE00] =	vst v63  }
0x20: {  	s11 =	simm.s32 $0x100;
	s10 =	rddreg [dreg:$0x8]  }
0x21: {  	[tilespmem:s11], [sflag:$0x2] =	stream.linear.gather [hbm4b:s10+s3], $0x100, $0x38;
	[tilespmem:$0x1DE00] =	vst v63  }
0x22: {  	s7 =	simm.s32 $0x200;
	s13 =	simm.s32 $0x1;
	s12 =	rddreg [dreg:$0x9]  }
0x23: {  	[tilespmem:s7], [sflag:$0x3] =	stream.linear.gather [hbm4b:s12+s3], $0x100, $0x38;
	[tilespmem:$0x1DE00] =	vst v63  }
0x24: {  	_ =	swait.ge [sflag:s13], $0x100  }
0x25: {  	[sflag:s13] =	ssyncset.done $0x0  }
0x26: {  	s14 =	simm.s32 $0x2;
	[sflag:s13] =	ssyncadd.s32 $0xFFFFFF00  }
0x27: {  	_ =	swait.ge [sflag:s14], $0x100  }
0x28: {  	[sflag:s14] =	ssyncset.done $0x0  }
0x29: {  	[sflag:s14] =	ssyncadd.s32 $0xFFFFFF00  }
0x2a: {  	_ =	swait.ge [sflag:s23], $0x100  }
0x2b: {  	[sflag:s23] =	ssyncset.done $0x0  }
0x2c: {  	s15 =	simm.s32 $0x500;
	[sflag:s23] =	ssyncadd.s32 $0xFFFFFF00  }
0x2d: {  	[tilespmem:s15], [sflag:$0x6] =	stream.indirect.gather [hbm4b:s4+s24], $0x80, s3, s24, $0xb8;
	[tilespmem:$0x1DE00] =	vst v63  }
0x2e: {  	s16 =	simm.s32 $0x2D00  }
0x2f: {  	[tilespmem:s16], [sflag:$0x7] =	stream.indirect.gather [hbm4b:s4+s24], $0x80, s11, s24, $0xb8;
	[tilespmem:$0x1DE00] =	vst v63  }
0x30: {  	s19 =	simm.s32 $0x5500  }
0x31: {  	[tilespmem:s19], [sflag:$0x8] =	stream.indirect.gather [hbm4b:s4+s24], $0x80, s7, s24, $0xb8;
	[tilespmem:$0x1DE00] =	vst v63  }
0x32: {  	s21 =	simm.s32 $0x300;
	p1 =	por $0x0, $0x0;
	s20 =	rddreg [dreg:$0xa]  }
0x33: {  	[tilespmem:s21], [sflag:$0x4] =	stream.linear.gather [hbm4b:s20+s3], $0x100, $0x38;
	[tilespmem:$0x1DE00] =	vst v63  }
0x34: {  	s22 =	simm.s32 $0x0;
	p2 =	por @!p1 $0x0, $0x0;
	_ =	swait.ge [sflag:s30], $0x2700  }
0x35: {  	p2 =	por p2, p1;
	s6 =	simm.s32 $0x4;
	[sflag:s30] =	ssyncset.done $0x0  }
0x36: {  	s6 =	smul.u32 @!p2 $0xCD, s6;
	s5 =	simm.s32 @!p0 $0xF;
	[sflag:s30] =	ssyncadd.s32 $0xFFFFD900  }
0x37: {  	s10 =	sand.u32 $0x3, s22;
	_ =	swait.ge @!p0 [sflag:s5], $0x100  }
0x38: {  	s6 =	sshrl.u32 @!p2 s6, $0xA;
	s13 =	smul.u32 $0xA000, s10;
	[sflag:s5] =	ssyncset.done @!p0 $0x0  }
0x39: {  	s6 =	sand.u32 @!p2 $0x3F, s6;
	[sflag:s5] =	ssyncadd.s32 @!p0 $0xFFFFFF00;
	s5 =	smul.u32 $0xCD, s22  }
0x3a: {  	s29 =	simm.s32 $0x5;
	p3 =	por @!p1 $0x1, $0x1;
	s6 =	smul.u32 @!p2 $0x5, s6  }
0x3b: {  	p3 =	por p3, p1;
	s13 =	sshrl.u32 s13, $0x2;
	s5 =	sshrl.u32 s5, $0xA  }
0x3c: {  	s6 =	ssub.s32 @!p2 $0x4, s6;
	s13 =	sor.u32 $0x500, s13;
	s14 =	sand.u32 $0x3F, s5  }
0x3d: {  	s11 =	sadd.s32 $0x6, s10;
	s7 =	simm.s32 $0x3;
	s14 =	smul.u32 $0x5, s14  }
0x3e: {  	s10 =	sadd.s32 $0xA, s10;
	s12 =	smul.u32 @!p1 $0xCD, s7;
	s7 =	sand.u32 @!p1 $0x3, s7  }
0x3f: {  	s16 =	smul.u32 @!p1 $0xA000, s7;
	[bflag:$0x0] =	sbarrier.arrive $0xFFFF;
	s14 =	ssub.s32 $0x0, s14  }
0x40: {  	_ =	swait.ge [sflag:s11], $0x2800;
	s5 =	sshrl.u32 @!p1 s12, $0xA;
	s14 =	sand.u32 $0xFF, s14  }
0x41: {  	[sflag:s11] =	ssyncset.done $0x0;
	s12 =	sand.u32 @!p1 $0x3F, s5;
	s14 =	sshll.u32 s14, $0x8  }
0x42: {  	[sflag:s11] =	ssyncadd.s32 $0xFFFFD800;
	s12 =	smul.u32 @!p1 $0x5, s12;
	s14 =	sor.u32 $0x80, s14  }
0x43: {  	[spmem:s2] =	stream.indirect.scatter.add.f32 [tilespmem:s13], [sflag:s10], $0x80, s14, s24, $0xb8;
	[tilespmem:$0x1DE00] =	vst v63  }
0x44: {  	s5 =	simm.s32 @!p1 $0x50;
	s11 =	sadd.s32 @!p3 $0xA, s7;
	s10 =	ssub.s32 @!p1 $0x3, s12  }
0x45: {  	s13 =	sand.u32 @!p2 $0xFF, s6;
	s6 =	sadd.s32 @!p1 $0x6, s7;
	_ =	swait.ge @!p3 [sflag:s11], $0x2800  }
0x46: {  	s7 =	sadd.s32 $0x20, s9;
	s14 =	sand.u32 @!p1 $0xFF, s10;
	[sflag:s11] =	ssyncset.done @!p3 $0x0  }
0x47: {  	s10 =	simm.s32 @!p2 $0x0;
	s12 =	sadd.s32 @!p1 $0x1, s14;
	[sflag:s11] =	ssyncadd.s32 @!p3 $0xFFFFD800  }
0x48: {  	s14 =	sshll.u32 @!p1 s14, $0x8;
	s11 =	sshrl.u32 @!p1 s16, $0x2;
	_ =	swait.ge @!p1 [sflag:s12], $0x100  }
0x49: {  	s16 =	smov.u32 s9;
	s11 =	sor.u32 @!p1 $0x500, s11;
	[sflag:s12] =	ssyncset.done @!p1 $0x0  }
0x4a: {  	[sflag:s12] =	ssyncadd.s32 @!p1 $0xFFFFFF00;
	s12 =	sshll.u32 @!p2 s13, $0x8;
	s13 =	sadd.s32 @!p2 $0x1, s13  }
.LBB2_2:
0x4b: {  	[tilespmem:s11], [sflag:s6] =	stream.indirect.gather @!p1 [hbm4b:s4+s5], $0x80, s14, s5, $0xb8;
	[tilespmem:$0x1DE00] =	vst v63  }
0x4c: {  	s6 =	smov.u32 s29;
	s29 =	sadd.s32 $0x1, s29  }
0x4d: {  	[tilespmem:s12], [sflag:s13] =	stream.linear.gather @!p2 [hbm4b:s16+s10], $0x100, $0x38;
	[tilespmem:$0x1DE00] =	vst v63  }
0x4e: {  	p3 =	sne.s32 s29, $0x81;
	s16 =	smov.u32 s7  }
0x4f: {  	s11 =	sadd.s32 $0xFFFFFFFC, s6;
	s12 =	sadd.s32 $0xFFFFFFFF, s6  }
0x50: {  	s10 =	sand.u32 $0x3, s11;
	s5 =	smul.u32 $0xCD, s11;
	p1 =	sgt.u32 s11, $0x79  }
0x51: {  	s13 =	sadd.s32 $0x6, s10;
	s14 =	sand.u32 @!p1 $0x3, s12;
	s15 =	smul.u32 @!p1 $0xCD, s12  }
0x52: {  	s19 =	smul.u32 $0xA000, s10;
	p2 =	seq.s32 @!p1 s6, $0x7D;
	s5 =	sshrl.u32 s5, $0xA  }
0x53: {  	p4 =	seq.s32 @!p1 s6, $0x4;
	s20 =	sand.u32 $0x3F, s5;
	s5 =	sshrl.u32 @!p1 s15, $0xA  }
0x54: {  	p2 =	por p2, p1;
	s15 =	sand.u32 @!p1 $0x3F, s5;
	s5 =	simm.s32 @!p1 $0x50  }
0x55: {  	s8 =	sadd.s32 $0xA, s10;
	s19 =	sshrl.u32 s19, $0x2;
	s20 =	smul.u32 $0x5, s20  }
0x56: {  	p4 =	por p4, p1;
	s21 =	smul.u32 @!p1 $0xA000, s14;
	s10 =	simm.s32 @!p2 $0x0  }
0x57: {  	s11 =	ssub.s32 s11, s20;
	s20 =	smul.u32 @!p2 $0xCD, s6;
	_ =	swait.ge [sflag:s13], $0x2800  }
0x58: {  	s22 =	sadd.s32 @!p4 $0xA, s14;
	s11 =	sand.u32 $0xFF, s11;
	[sflag:s13] =	ssyncset.done $0x0  }
0x59: {  	s19 =	sor.u32 $0x500, s19;
	s11 =	sshll.u32 s11, $0x8;
	[sflag:s13] =	ssyncadd.s32 $0xFFFFD800  }
0x5a: {  	s11 =	sor.u32 $0x80, s11;
	s13 =	smul.u32 @!p1 $0x5, s15;
	s15 =	sshrl.u32 @!p2 s20, $0xA  }
0x5b: {  	[spmem:s2] =	stream.indirect.scatter.add.f32 [tilespmem:s19], [sflag:s8], $0x80, s11, s24, $0xb8;
	[tilespmem:$0x1DE00] =	vst v63  }
0x5c: {  	s8 =	ssub.s32 @!p1 s12, s13  }
0x5d: {  	s11 =	sand.u32 @!p2 $0x3F, s15;
	_ =	swait.ge @!p4 [sflag:s22], $0x2800;
	s8 =	sand.u32 @!p1 $0xFF, s8  }
0x5e: {  	s12 =	smul.u32 @!p2 $0x5, s11;
	s11 =	sshrl.u32 @!p1 s21, $0x2;
	[sflag:s22] =	ssyncset.done @!p4 $0x0  }
.Ltmp0:
0x5f: {  	s13 =	sadd.s32 @!p1 $0x1, s8;
	[sflag:s22] =	ssyncadd.s32 @!p4 $0xFFFFD800;
	(pc) =	sbr.rel @p3 .LBB2_2-.Ltmp0, $4  }
0x60: {  	s11 =	sor.u32 @!p1 $0x500, s11;
	s12 =	ssub.s32 @!p2 s6, s12;
	_ =	swait.ge @!p1 [sflag:s13], $0x100  }
0x61: {  	s6 =	sadd.s32 @!p1 $0x6, s14;
	s14 =	sand.u32 @!p2 $0xFF, s12;
	[sflag:s13] =	ssyncset.done @!p1 $0x0  }
0x62: {  	s12 =	sshll.u32 @!p2 s14, $0x8;
	[sflag:s13] =	ssyncadd.s32 @!p1 $0xFFFFFF00;
	s13 =	sadd.s32 @!p2 $0x1, s14  }
0x63: {  	s7 =	sadd.s32 $0x20, s7;
	s14 =	sshll.u32 @!p1 s8, $0x8  }
0x64: {  	[tilespmem:s11], [sflag:s6] =	stream.indirect.gather @!p1 [hbm4b:s4+s5], $0x80, s14, s5, $0xb8;
	[tilespmem:$0x1DE00] =	vst v63  }
0x65: {  	_ = 	snop  }
0x66: {  	[tilespmem:s12], [sflag:s13] =	stream.linear.gather @!p2 [hbm4b:s16+s10], $0x100, $0x38;
	[tilespmem:$0x1DE00] =	vst v63  }
0x67: {  	_ =	swait.ge [sflag:s31], $0x2800  }
0x68: {  	[sflag:s31] =	ssyncset.done $0x0  }
0x69: {  	[sflag:s31] =	ssyncadd.s32 $0xFFFFD800  }
0x6a: {  	_ =	swait.ge [sflag:s0], $0x2800  }
0x6b: {  	[sflag:s0] =	ssyncset.done $0x0  }
0x6c: {  	[sflag:s0] =	ssyncadd.s32 $0xFFFFD800  }
0x6d: {  	_ =	swait.ge [sflag:s1], $0x2800  }
0x6e: {  	[sflag:s1] =	ssyncset.done $0x0  }
0x6f: {  	[sflag:s1] =	ssyncadd.s32 $0xFFFFD800  }
0x70: {  	_ =	swait.ge [sflag:s25], $0x2800  }
0x71: {  	[sflag:s25] =	ssyncset.done $0x0  }
0x72: {  	[sflag:s25] =	ssyncadd.s32 $0xFFFFD800  }
0x73: {  	[bflag:$0x0] =	sbarrier.arrive $0xFFFF  }
0x74: {  	s21 =	rddreg [dreg:$0x4]  }
0x75: {  	s22 =	rddreg [dreg:$0xb];
	s5 =	sor.u32 $0x1C10, s21  }
0x76: {  	[hbm:s22], [sflag:s5] =	dma.local [spmem:s17], $0x2700  }
0x77: {  	_ =	swait.ge [sflag:s26], $0x2700  }
0x78: {  	[sflag:s26] =	ssyncset.done $0x0  }
0x79: {  	s6 =	rddreg [dreg:$0xc];
	[sflag:s26] =	ssyncadd.s32 $0xFFFFD900  }
0x7a: {  	[hbm:s6], [sflag:s5] =	dma.local @!p0 [spmem:s18], $0x100  }
0x7b: {  	s5 =	simm.s32 @!p0 $0x10  }
0x7c: {  	_ =	swait.ge @!p0 [sflag:s5], $0x100  }
0x7d: {  	s28 =	sadd.s32 $0x1, s28;
	s29 =	rddreg [dreg:$0xd]  }
0x7e: {  	p1 =	sne.s32 s28, s29  }
.Ltmp1:
0x7f: {  	_ = 	snop;
	(pc) =	sbr.rel @p1 .LBB2_1-.Ltmp1, $3  }
0x80: {  	_ =	sdelay $0x1  }
0x81: {  	[sflag:s5] =	ssyncset.done @!p0 $0x0  }
0x82: {  	[sflag:s5] =	ssyncadd.s32 @!p0 $0xFFFFFF00  }
0x83: {  	_ =	sfence.sel $0x180000  }
0x84: {  	[bflag:$0x0] =	sbarrier.arrive $0xFFFF  }
0x85: {  	_ =	strace $0x9000004D  }
0x86: {  	s0 =	stileid.u32;
	[bflag:$0x2] =	sbarrier.arrive $0xFFFF  }
0x87: {  	p0 =	sne.s32 s0, $0x0;
	s0 =	rddreg [dreg:$0x2]  }
0x88: {  	s0 =	sadd.s32 @!p0 $0x100000, s0  }
0x89: {  	[sflag:s0] =	ssyncadd.tile.s32 @!p0 $0x1;
	_ =	shalt  }
.Lfunc_end2:
_tile_overlayer_lowered:
.L_overlay_start_2:
0x8a: {  	(tag) =	ssettag $0x2  }
0x8b: {  	s0 =	rddreg [dreg:$0x0];
	s2 =	stileid.u32  }
0x8c: {  	s1 =	rddreg [dreg:$0x1];
	p0 =	sne.s32 s2, $0x0  }
0x8d: {  	s3 =	rddreg [dreg:$0x2];
	[bflag:$0x3] =	sbarrier.arrive $0xFFFF;
	s2 =	simm.s32 @!p0 $0x1C10  }
0x8e: {  	[timem:s3], [sflag:s2] =	dma.local @!p0 [hbm:s0], s1  }
0x8f: {  	s0 =	simm.s32 @!p0 $0x10  }
0x90: {  	_ =	swait.ge @!p0 [sflag:s0], s1  }
0x91: {  	s1 =	ssub.s32 @!p0 $0x0, s1;
	[sflag:s0] =	ssyncset.done @!p0 $0x0  }
0x92: {  	[sflag:s0] =	ssyncadd.s32 @!p0 s1  }
0x93: {  	[bflag:$0x3] =	sbarrier.arrive $0xFFFF  }
0x94: {  	_ =	shalt  }

// kernel: kernel.19.cloned.1.call-start
scs
__scs_entry_jumppad:
0x0: {  	(pc) =	sbr.rel $0x88, $3  }
0x1: {  	(tag) =	ssettag $0x0;
	lr =	simm.s32 $0x1  }
0x2: {  	[smem:$0x3F8E] =	sst lr;
	_ =	strace $0xD0000000  }
0x3: {  	_ = 	snop  }
0x4: {  	_ = 	snop  }
0x5: {  	_ = 	snop  }
0x6: {  	_ = 	snop  }
0x7: {  	_ = 	snop  }
__scs_overlays_trampoline_lowered:
0x8: {  	[smem:$0x3F9D] =	sst s0  }
0x9: {  	[smem:$0x3F9E] =	sst s1  }
0xa: {  	[smem:$0x3F9F] =	sst s2  }
0xb: {  	[smem:$0x3FA0] =	sst s3  }
0xc: {  	[smem:$0x3FA1] =	sst s4  }
0xd: {  	[smem:$0x3FA2] =	sst s5  }
0xe: {  	[smem:$0x3FA3] =	sst s6  }
0xf: {  	[smem:$0x3FA4] =	sst s7  }
0x10: {  	[smem:$0x3FA5] =	sst s8  }
0x11: {  	[smem:$0x3FA6] =	sst s9;
	s0 =	simm.s32 @!p0 $0x0  }
0x12: {  	s1 =	sld [smem:$0x3F8C];
	s0 =	simm.s32 @p0 $0x1  }
0x13: {  	[smem:$0x3FA7] =	sst s0;
	s0 =	simm.s32 @!p1 $0x0  }
0x14: {  	s2 =	sld [smem:$0x3F8B];
	s0 =	simm.s32 @p1 $0x1  }
0x15: {  	[smem:$0x3FA8] =	sst s0;
	s0 =	simm.s32 @!p2 $0x0  }
0x16: {  	s3 =	sld [smem:$0x3FDB];
	s0 =	simm.s32 @p2 $0x1  }
0x17: {  	s4 =	simm.s32 $0x1BF5;
	[smem:$0x3FAA] =	sst s0  }
0x18: {  	s0 =	sld [smem:$0x3F8D];
	_ =	swait.ge [sflag:s4], $0x0  }
0x19: {  	s7 =	sld [smem:$0x3F8E]  }
0x1a: {  	s8 =	sadd.s32 $0xFFFFE003, lr  }
0x1b: {  	s9 =	sadd.s32 $0xFFFFFEF7, lr;
	s5 =	simm.s32 $0xFFFFFFFF;
	p2 =	slt.u32 s8, $0xFFFFF086  }
0x1c: {  	p1 =	slt.u32 s9, $0xF7A;
	s5 =	simm.s32 @!p2 $0x0  }
0x1d: {  	s5 =	simm.s32 @p1 $0x1;
	p0 =	seq.s32 s7, s2  }
0x1e: {  	s7 =	smul.u32 @!p0 $0xF7A, s2;
	p2 =	seq.s32 @!p0 s5, $0x0  }
0x1f: {  	s9 =	smul.u32 $0xF7A, s1;
	s8 =	simm.s32 @!p0 $0x1BF5;
	p2 =	por !p2, p0  }
0x20: {  	[sflag:s8] =	ssyncset.s32 @!p0 $0xFFFFF086;
	s6 =	sadd.s32 @!p0 s3, s7;
	s7 =	simm.s32 @!p0 $0x108  }
0x21: {  	s3 =	sadd.s32 s3, s9;
	s6 =	sadd.s32 @!p0 $0x88, s6;
	s7 =	simm.s32 @p2 $0x1082  }
0x22: {  	[simem:s7], [sflag:s8] =	dma.local @!p0 [hbm:s6], $0xF7A  }
0x23: {  	s9 =	sor.u32 $0xD0000000, s2;
	s6 =	simm.s32 $0x108;
	_ =	swait.ge @!p0 [sflag:s8], $0x0  }
0x24: {  	s3 =	sadd.s32 $0x88, s3;
	s6 =	simm.s32 @!p1 $0x1082;
	[sflag:s4] =	ssyncset.s32 $0xFFFFF086  }
0x25: {  	[simem:s6], [sflag:s4] =	dma.local [hbm:s3], $0xF7A  }
0x26: {  	[smem:$0x3F8E] =	sst s1;
	(tag) =	ssettag s2;
	_ =	strace s9  }
0x27: {  	s1 =	sld [smem:$0x3F9E]  }
0x28: {  	s2 =	sld [smem:$0x3F9F]  }
0x29: {  	s4 =	sld [smem:$0x3FA1]  }
0x2a: {  	p0 =	seq.s32 s5, $0x0;
	s5 =	sld [smem:$0x3FA2]  }
0x2b: {  	s6 =	sld [smem:$0x3FA3]  }
0x2c: {  	s7 =	sld [smem:$0x3FA4]  }
0x2d: {  	s3 =	simm.s32 $0x108;
	s8 =	sld [smem:$0x3FA5]  }
0x2e: {  	s3 =	simm.s32 @!p0 $0x1082;
	s9 =	sld [smem:$0x3FA6]  }
0x2f: {  	lr =	sadd.s32 s0, s3;
	s0 =	sld [smem:$0x3F9D]  }
0x30: {  	s3 =	sld [smem:$0x3FA0]  }
0x31: {  	[smem:$0x3FA9] =	sst s10  }
0x32: {  	s10 =	sld [smem:$0x3FA7];
	_ =	sdelay $0x3  }
0x33: {  	p0 =	seq.s32 s10, $0x1;
	s10 =	sld [smem:$0x3FA9];
	_ =	sdelay $0x3  }
0x34: {  	[smem:$0x3FA9] =	sst s10  }
0x35: {  	s10 =	sld [smem:$0x3FA8];
	_ =	sdelay $0x3  }
0x36: {  	p1 =	seq.s32 s10, $0x1;
	s10 =	sld [smem:$0x3FA9];
	_ =	sdelay $0x3  }
0x37: {  	[smem:$0x3FA9] =	sst s10  }
0x38: {  	s10 =	sld [smem:$0x3FAA]  }
0x39: {  	_ = 	snop;
	(pc) =	sbr.ind lr, $3  }
0x3a: {  	_ = 	snop  }
0x3b: {  	_ = 	snop  }
0x3c: {  	p2 =	seq.s32 s10, $0x1;
	s10 =	sld [smem:$0x3FA9]  }
0x3d: {  	_ =	shalt  }
0x3e: {  	_ =	shalt  }
0x3f: {  	_ =	shalt  }
0x40: {  	_ =	shalt  }
0x41: {  	_ =	shalt  }
0x42: {  	_ =	shalt  }
0x43: {  	_ =	shalt  }
0x44: {  	_ =	shalt  }
0x45: {  	_ =	shalt  }
0x46: {  	_ =	shalt  }
0x47: {  	_ =	shalt  }
0x48: {  	_ =	shalt  }
0x49: {  	_ =	shalt  }
0x4a: {  	_ =	shalt  }
0x4b: {  	_ =	shalt  }
0x4c: {  	_ =	shalt  }
0x4d: {  	_ =	shalt  }
0x4e: {  	_ =	shalt  }
0x4f: {  	_ =	shalt  }
0x50: {  	_ =	shalt  }
0x51: {  	_ =	shalt  }
0x52: {  	_ =	shalt  }
0x53: {  	_ =	shalt  }
0x54: {  	_ =	shalt  }
0x55: {  	_ =	shalt  }
0x56: {  	_ =	shalt  }
0x57: {  	_ =	shalt  }
0x58: {  	_ =	shalt  }
0x59: {  	_ =	shalt  }
0x5a: {  	_ =	shalt  }
0x5b: {  	_ =	shalt  }
0x5c: {  	_ =	shalt  }
0x5d: {  	_ =	shalt  }
0x5e: {  	_ =	shalt  }
0x5f: {  	_ =	shalt  }
0x60: {  	_ =	shalt  }
0x61: {  	_ =	shalt  }
0x62: {  	_ =	shalt  }
0x63: {  	_ =	shalt  }
0x64: {  	_ =	shalt  }
0x65: {  	_ =	shalt  }
0x66: {  	_ =	shalt  }
0x67: {  	_ =	shalt  }
0x68: {  	_ =	shalt  }
0x69: {  	_ =	shalt  }
0x6a: {  	_ =	shalt  }
0x6b: {  	_ =	shalt  }
0x6c: {  	_ =	shalt  }
0x6d: {  	_ =	shalt  }
0x6e: {  	_ =	shalt  }
0x6f: {  	_ =	shalt  }
0x70: {  	_ =	shalt  }
0x71: {  	_ =	shalt  }
0x72: {  	_ =	shalt  }
0x73: {  	_ =	shalt  }
0x74: {  	_ =	shalt  }
0x75: {  	_ =	shalt  }
0x76: {  	_ =	shalt  }
0x77: {  	_ =	shalt  }
0x78: {  	_ =	shalt  }
0x79: {  	_ =	shalt  }
0x7a: {  	_ =	shalt  }
0x7b: {  	_ =	shalt  }
0x7c: {  	_ =	shalt  }
0x7d: {  	_ =	shalt  }
0x7e: {  	_ =	shalt  }
0x7f: {  	_ =	shalt  }
0x80: {  	_ =	shalt  }
0x81: {  	_ =	shalt  }
0x82: {  	_ =	shalt  }
0x83: {  	_ =	shalt  }
0x84: {  	_ =	shalt  }
0x85: {  	_ =	shalt  }
0x86: {  	_ =	shalt  }
0x87: {  	_ =	shalt  }
.Lfunc_end0:
.L_simem_size_0:
called_computation.3_lowered:
.L_overlay_start_0:
0x88: {  	s2 =	sld [smem:$0x3FD9]  }
0x89: {  	s3 =	sld [smem:$0x3FFE];
	_ =	sdelay $0x1  }
0x8a: {  	s1 =	srdreg.scid  }
0x8b: {  	s0 =	sand.u32 $0x1, s1  }
0x8c: {  	s16 =	sshll.u32 s0, $0xA;
	s2 =	sadd.s32 s3, s2  }
0x8d: {  	s2 =	sadd.s32 s2, s16  }
0x8e: {  	[smem:$0x3FB5] =	sst s2  }
0x8f: {  	_ = 	snop  }
0x90: {  	(tm) =	ssettm $0x1  }
0x91: {  	s17 =	sld [smem:$0x3FFB];
	_ =	sdelay $0x3  }
0x92: {  	_ =	strace s17  }
0x93: {  	s2 =	sld [smem:$0x3FFC];
	_ =	sdelay $0x3  }
0x94: {  	_ =	strace s2  }
0x95: {  	s2 =	sld [smem:$0x3FFD];
	_ =	sdelay $0x3  }
0x96: {  	_ =	strace s2  }
0x97: {  	_ =	strace $0x8FFFFFFF  }
0x98: {  	s18 =	sld [smem:$0x3FDB];
	_ =	sdelay $0x1  }
0x99: {  	s19 =	simm.s32 $_scs_section_size  }
0x9a: {  	s4 =	simm.s32 $_size__tile_overlayer_lowered;
	s5 =	simm.s32 $_tile_overlayer_lowered  }
0x9b: {  	s22 =	simm.s32 $0x1BFF;
	s21 =	sshll.u32 s5, $0x1;
	s2 =	sadd.s32 s19, s18  }
0x9c: {  	s6 =	simm.s32 $0x0;
	s20 =	sshll.u32 s4, $0x1;
	s4 =	sadd.s32 s21, s2  }
0x9d: {  	[timem:s6], [sflag:s22] =	dma.local [hbm:s4], s20  }
0x9e: {  	_ =	swait.ge [sflag:s22], s20  }
0x9f: {  	s3 =	ssub.s32 $0x0, s20;
	[sflag:s22] =	ssyncset.done $0x0  }
0xa0: {  	[sflag:s22] =	ssyncadd.s32 s3;
	_ =	sdelay $0x1  }
0xa1: {  	s23 =	simm.s32 $0x1B8B  }
0xa2: {  	_ =	swait.ge [sflag:s23], $0x1  }
0xa3: {  	[sflag:s23] =	ssyncset.done $0x0  }
0xa4: {  	s25 =	simm.s32 $0x1B8E;
	s24 =	sld [smem:$0x3FFE];
	[sflag:s23] =	ssyncadd.s32 $0xFFFFFFFF  }
0xa5: {  	s26 =	simm.s32 $execute0_lowered;
	[smem:$0x3FD2] =	sst s25  }
0xa6: {  	s4 =	sshll.u32 s26, $0x1;
	_ =	strace $0x8000004F;
	[dreg:$0x1] =	wrdreg $0xFFFFFFFF  }
0xa7: {  	s28 =	simm.s32 $_size_execute0_lowered;
	s2 =	sadd.s32 s2, s4;
	[dreg:$0x0] =	wrdreg $0x0  }
0xa8: {  	s4 =	sshll.u32 s28, $0x1;
	[dreg:$0x2] =	wrdreg s2  }
0xa9: {  	[dreg:$0x3] =	wrdreg s4  }
0xaa: {  	[dreg:$0x4] =	wrdreg $0xC0  }
0xab: {  	_ =	task [dreg:s6], $0x5FFFF  }
0xac: {  	[dreg:$0x1] =	wrdreg $0xFFFFFFFF  }
0xad: {  	[dreg:$0x0] =	wrdreg $0x60  }
0xae: {  	[dreg:$0x2] =	wrdreg s24  }
0xaf: {  	[dreg:$0x3] =	wrdreg $0xA5000  }
0xb0: {  	[dreg:$0x4] =	wrdreg $0x9  }
0xb1: {  	_ =	task.clear_ibuf [dreg:s6], $0x5FFFF;
	_ =	strace $0x9000004F  }
0xb2: {  	s29 =	simm.s32 $0x9;
	_ =	strace $0x80000051  }
0xb3: {  	_ =	swait.ge [sflag:s29], $0x1  }
0xb4: {  	[sflag:s29] =	ssyncadd.s32 $0xFFFFFFFF  }
0xb5: {  	_ =	strace $0x90000051  }
0xb6: {  	_ =	sfence  }
0xb7: {  	s30 =	sld [smem:$0x0];
	_ =	sdelay $0x2  }
0xb8: {  	s31 =	sshll.u32 s1, $0xD;
	s1 =	sshrl.u32 s1, $0x2  }
0xb9: {  	s3 =	sand.u32 $0x4000, s31;
	s1 =	sadd.s32 s1, s30  }
0xba: {  	s0 =	sor.u32 s3, s0;
	s1 =	sshll.u32 s1, $0x11  }
0xbb: {  	s0 =	sor.u32 s1, s0  }
0xbc: {  	s0 =	sadd.s32 $0x8F2B, s0  }
0xbd: {  	[sflag:s0] =	ssyncadd.remote.s32 $0x1  }
0xbe: {  	_ =	sfence.sel $0xFFFF  }
0xbf: {  	[dreg:$0x0] =	wrdreg $0xFFFFFFFF;
	(pc) =	sbr.abs _section_cstart, $3  }
0xc0: {  	[dreg:$0x1] =	wrdreg $0xFFFFFFFF  }
0xc1: {  	_ =	task.clear_ibuf [dreg:s6], $0x2FFFF;
	_ =	strace $0x9FFFFFFF  }
0xc2: {  	(tm) =	ssettm $0x7FFFFFFF  }
0xc3: {  	_ =	shalt  }
tec
execute0_lowered:
.L_overlay_start_1:
0x0: {  	(tag) =	ssettag $0x1  }
0x1: {  	s0 =	rddreg [dreg:$0x0]  }
0x2: {  	s2 =	rddreg [dreg:$0x1];
	s3 =	simm.s32 $0x0;
	s14 =	stileid.u32  }
0x3: {  	s6 =	srdreg.scid;
	s30 =	simm.s32 $0xE;
	s31 =	simm.s32 $0xB  }
0x4: {  	s28 =	simm.s32 $0x0;
	[smem:$0x7FF] =	sst s3;
	s1 =	smul.u32 $0x13800, s14  }
0x5: {  	s4 =	sadd.s32 $0x34200, s0;
	s7 =	sadd.s32 $0x14E00, s0;
	s6 =	sand.u32 $0x1, s6  }
0x6: {  	s9 =	sshll.u32 s14, $0x1;
	s10 =	smul.u32 $0x4E000, s14;
	s11 =	sadd.s32 $0x82600, s0  }
0x7: {  	s16 =	sshll.u32 s14, $0x6;
	s13 =	sadd.s32 $0x138000, s2;
	s20 =	smul.u32 $0xFA00, s14  }
0x8: {  	p0 =	sne.s32 s14, $0xF;
	_ =	strace $0x80000050;
	s8 =	ssub.s32 $0x2, s6  }
0x9: {  	s9 =	sor.u32 s6, s9;
	[dreg:$0x4] =	wrdreg s16;
	s18 =	smul.u32 $0x138800, s6  }
0xa: {  	s22 =	smul.u32 $0x7D00, s6;
	s5 =	sshrl.u32 s1, $0x3;
	s12 =	sshrl.u32 s8, $0x1  }
0xb: {  	s15 =	sshrl.u32 s10, $0x2;
	s9 =	smul.u32 $0x7D00, s9;
	s5 =	sadd.s32 s5, s0  }
0xc: {  	s12 =	ssub.s32 s8, s12;
	s10 =	sadd.s32 s15, s2;
	s0 =	sadd.s32 $0x82400, s0  }
0xd: {  	s1 =	sadd.s32 s1, s18;
	s25 =	sshrl.u32 s18, $0x3;
	s18 =	sshrl.u32 @!p0 s13, $0x3  }
0xe: {  	s5 =	sadd.s32 $0x5B400, s5;
	s17 =	sshrl.u32 s9, $0x3;
	[dreg:$0x7] =	wrdreg s0  }
0xf: {  	s1 =	sshrl.u32 s1, $0x3;
	s29 =	smax.u32 s12, $0x1;
	[dreg:$0x3] =	wrdreg s5  }
0x10: {  	s0 =	sadd.s32 s22, s20;
	s5 =	sor.u32 $0x1C0E, s16;
	[dreg:$0xd] =	wrdreg s29  }
0x11: {  	s26 =	sadd.s32 s11, s25;
	s19 =	sadd.s32 s7, s17;
	[dreg:$0x5] =	wrdreg s5  }
0x12: {  	s25 =	simm.s32 $0xA;
	s1 =	sadd.s32 s11, s1;
	[dreg:$0x6] =	wrdreg s19  }
0x13: {  	s0 =	sadd.s32 $0x400, s0;
	s21 =	sadd.s32 $0x20, s19;
	[dreg:$0xb] =	wrdreg s1  }
0x14: {  	s17 =	sshrl.u32 s10, $0x3;
	s23 =	sadd.s32 $0x40, s19;
	[dreg:$0x8] =	wrdreg s21  }
0x15: {  	s24 =	sadd.s32 $0x60, s19;
	s1 =	sadd.s32 $0x27000, s26;
	[dreg:$0x9] =	wrdreg s23  }
0x16: {  	s0 =	sshrl.u32 s0, $0x3;
	s26 =	simm.s32 $0x10;
	[dreg:$0xa] =	wrdreg s24  }
0x17: {  	[dreg:$0xc] =	wrdreg s1;
	s9 =	sadd.s32 s0, s7;
	s23 =	simm.s32 $0x3  }
0x18: {  	s24 =	simm.s32 $0x50;
	s0 =	simm.s32 $0xC;
	s1 =	simm.s32 $0xD  }
.LBB2_1:
0x19: {  	s5 =	rddreg [dreg:$0x3]  }
0x1a: {  	s6 =	rddreg [dreg:$0x5]  }
0x1b: {  	[spmem:s17], [sflag:s6] =	dma.local [hbm:s5], $0x2700  }
0x1c: {  	s5 =	simm.s32 @!p0 $0x1FCF;
	s6 =	rddreg [dreg:$0x7]  }
0x1d: {  	[spmem:s18], [sflag:s5] =	dma.local @!p0 [hbm:s6], $0x100  }
0x1e: {  	s5 =	rddreg [dreg:$0x6]  }
0x1f: {  	[tilespmem:s3], [sflag:$0x1] =	stream.linear.gather [hbm4b:s5+s3], $0x100, $0x38;
	[tilespmem:$0x1DE00] =	vst v63  }
0x20: {  	s11 =	simm.s32 $0x100;
	s10 =	rddreg [dreg:$0x8]  }
0x21: {  	[tilespmem:s11], [sflag:$0x2] =	stream.linear.gather [hbm4b:s10+s3], $0x100, $0x38;
	[tilespmem:$0x1DE00] =	vst v63  }
0x22: {  	s7 =	simm.s32 $0x200;
	s13 =	simm.s32 $0x1;
	s12 =	rddreg [dreg:$0x9]  }
0x23: {  	[tilespmem:s7], [sflag:$0x3] =	stream.linear.gather [hbm4b:s12+s3], $0x100, $0x38;
	[tilespmem:$0x1DE00] =	vst v63  }
0x24: {  	_ =	swait.ge [sflag:s13], $0x100  }
0x25: {  	[sflag:s13] =	ssyncset.done $0x0  }
0x26: {  	s14 =	simm.s32 $0x2;
	[sflag:s13] =	ssyncadd.s32 $0xFFFFFF00  }
0x27: {  	_ =	swait.ge [sflag:s14], $0x100  }
0x28: {  	[sflag:s14] =	ssyncset.done $0x0  }
0x29: {  	[sflag:s14] =	ssyncadd.s32 $0xFFFFFF00  }
0x2a: {  	_ =	swait.ge [sflag:s23], $0x100  }
0x2b: {  	[sflag:s23] =	ssyncset.done $0x0  }
0x2c: {  	s15 =	simm.s32 $0x500;
	[sflag:s23] =	ssyncadd.s32 $0xFFFFFF00  }
0x2d: {  	[tilespmem:s15], [sflag:$0x6] =	stream.indirect.gather [hbm4b:s4+s24], $0x80, s3, s24, $0xb8;
	[tilespmem:$0x1DE00] =	vst v63  }
0x2e: {  	s16 =	simm.s32 $0x2D00  }
0x2f: {  	[tilespmem:s16], [sflag:$0x7] =	stream.indirect.gather [hbm4b:s4+s24], $0x80, s11, s24, $0xb8;
	[tilespmem:$0x1DE00] =	vst v63  }
0x30: {  	s19 =	simm.s32 $0x5500  }
0x31: {  	[tilespmem:s19], [sflag:$0x8] =	stream.indirect.gather [hbm4b:s4+s24], $0x80, s7, s24, $0xb8;
	[tilespmem:$0x1DE00] =	vst v63  }
0x32: {  	s21 =	simm.s32 $0x300;
	p1 =	por $0x0, $0x0;
	s20 =	rddreg [dreg:$0xa]  }
0x33: {  	[tilespmem:s21], [sflag:$0x4] =	stream.linear.gather [hbm4b:s20+s3], $0x100, $0x38;
	[tilespmem:$0x1DE00] =	vst v63  }
0x34: {  	s22 =	simm.s32 $0x0;
	p2 =	por @!p1 $0x0, $0x0;
	_ =	swait.ge [sflag:s30], $0x2700  }
0x35: {  	p2 =	por p2, p1;
	s6 =	simm.s32 $0x4;
	[sflag:s30] =	ssyncset.done $0x0  }
0x36: {  	s6 =	smul.u32 @!p2 $0xCD, s6;
	s5 =	simm.s32 @!p0 $0xF;
	[sflag:s30] =	ssyncadd.s32 $0xFFFFD900  }
0x37: {  	s10 =	sand.u32 $0x3, s22;
	_ =	swait.ge @!p0 [sflag:s5], $0x100  }
0x38: {  	s6 =	sshrl.u32 @!p2 s6, $0xA;
	s13 =	smul.u32 $0xA000, s10;
	[sflag:s5] =	ssyncset.done @!p0 $0x0  }
0x39: {  	s6 =	sand.u32 @!p2 $0x3F, s6;
	[sflag:s5] =	ssyncadd.s32 @!p0 $0xFFFFFF00;
	s5 =	smul.u32 $0xCD, s22  }
0x3a: {  	s29 =	simm.s32 $0x5;
	p3 =	por @!p1 $0x1, $0x1;
	s6 =	smul.u32 @!p2 $0x5, s6  }
0x3b: {  	p3 =	por p3, p1;
	s13 =	sshrl.u32 s13, $0x2;
	s5 =	sshrl.u32 s5, $0xA  }
0x3c: {  	s6 =	ssub.s32 @!p2 $0x4, s6;
	s13 =	sor.u32 $0x500, s13;
	s14 =	sand.u32 $0x3F, s5  }
0x3d: {  	s11 =	sadd.s32 $0x6, s10;
	s7 =	simm.s32 $0x3;
	s14 =	smul.u32 $0x5, s14  }
0x3e: {  	s10 =	sadd.s32 $0xA, s10;
	s12 =	smul.u32 @!p1 $0xCD, s7;
	s7 =	sand.u32 @!p1 $0x3, s7  }
0x3f: {  	s16 =	smul.u32 @!p1 $0xA000, s7;
	[bflag:$0x0] =	sbarrier.arrive $0xFFFF;
	s14 =	ssub.s32 $0x0, s14  }
0x40: {  	_ =	swait.ge [sflag:s11], $0x2800;
	s5 =	sshrl.u32 @!p1 s12, $0xA;
	s14 =	sand.u32 $0xFF, s14  }
0x41: {  	[sflag:s11] =	ssyncset.done $0x0;
	s12 =	sand.u32 @!p1 $0x3F, s5;
	s14 =	sshll.u32 s14, $0x8  }
0x42: {  	[sflag:s11] =	ssyncadd.s32 $0xFFFFD800;
	s12 =	smul.u32 @!p1 $0x5, s12;
	s14 =	sor.u32 $0x80, s14  }
0x43: {  	[spmem:s2] =	stream.indirect.scatter.add.f32 [tilespmem:s13], [sflag:s10], $0x80, s14, s24, $0xb8;
	[tilespmem:$0x1DE00] =	vst v63  }
0x44: {  	s5 =	simm.s32 @!p1 $0x50;
	s11 =	sadd.s32 @!p3 $0xA, s7;
	s10 =	ssub.s32 @!p1 $0x3, s12  }
0x45: {  	s13 =	sand.u32 @!p2 $0xFF, s6;
	s6 =	sadd.s32 @!p1 $0x6, s7;
	_ =	swait.ge @!p3 [sflag:s11], $0x2800  }
0x46: {  	s7 =	sadd.s32 $0x20, s9;
	s14 =	sand.u32 @!p1 $0xFF, s10;
	[sflag:s11] =	ssyncset.done @!p3 $0x0  }
0x47: {  	s10 =	simm.s32 @!p2 $0x0;
	s12 =	sadd.s32 @!p1 $0x1, s14;
	[sflag:s11] =	ssyncadd.s32 @!p3 $0xFFFFD800  }
0x48: {  	s14 =	sshll.u32 @!p1 s14, $0x8;
	s11 =	sshrl.u32 @!p1 s16, $0x2;
	_ =	swait.ge @!p1 [sflag:s12], $0x100  }
0x49: {  	s16 =	smov.u32 s9;
	s11 =	sor.u32 @!p1 $0x500, s11;
	[sflag:s12] =	ssyncset.done @!p1 $0x0  }
0x4a: {  	[sflag:s12] =	ssyncadd.s32 @!p1 $0xFFFFFF00;
	s12 =	sshll.u32 @!p2 s13, $0x8;
	s13 =	sadd.s32 @!p2 $0x1, s13  }
.LBB2_2:
0x4b: {  	[tilespmem:s11], [sflag:s6] =	stream.indirect.gather @!p1 [hbm4b:s4+s5], $0x80, s14, s5, $0xb8;
	[tilespmem:$0x1DE00] =	vst v63  }
0x4c: {  	s6 =	smov.u32 s29;
	s29 =	sadd.s32 $0x1, s29  }
0x4d: {  	[tilespmem:s12], [sflag:s13] =	stream.linear.gather @!p2 [hbm4b:s16+s10], $0x100, $0x38;
	[tilespmem:$0x1DE00] =	vst v63  }
0x4e: {  	p3 =	sne.s32 s29, $0x81;
	s16 =	smov.u32 s7  }
0x4f: {  	s11 =	sadd.s32 $0xFFFFFFFC, s6;
	s12 =	sadd.s32 $0xFFFFFFFF, s6  }
0x50: {  	s10 =	sand.u32 $0x3, s11;
	s5 =	smul.u32 $0xCD, s11;
	p1 =	sgt.u32 s11, $0x79  }
0x51: {  	s13 =	sadd.s32 $0x6, s10;
	s14 =	sand.u32 @!p1 $0x3, s12;
	s15 =	smul.u32 @!p1 $0xCD, s12  }
0x52: {  	s19 =	smul.u32 $0xA000, s10;
	p2 =	seq.s32 @!p1 s6, $0x7D;
	s5 =	sshrl.u32 s5, $0xA  }
0x53: {  	p4 =	seq.s32 @!p1 s6, $0x4;
	s20 =	sand.u32 $0x3F, s5;
	s5 =	sshrl.u32 @!p1 s15, $0xA  }
0x54: {  	p2 =	por p2, p1;
	s15 =	sand.u32 @!p1 $0x3F, s5;
	s5 =	simm.s32 @!p1 $0x50  }
0x55: {  	s8 =	sadd.s32 $0xA, s10;
	s19 =	sshrl.u32 s19, $0x2;
	s20 =	smul.u32 $0x5, s20  }
0x56: {  	p4 =	por p4, p1;
	s21 =	smul.u32 @!p1 $0xA000, s14;
	s10 =	simm.s32 @!p2 $0x0  }
0x57: {  	s11 =	ssub.s32 s11, s20;
	s20 =	smul.u32 @!p2 $0xCD, s6;
	_ =	swait.ge [sflag:s13], $0x2800  }
0x58: {  	s22 =	sadd.s32 @!p4 $0xA, s14;
	s11 =	sand.u32 $0xFF, s11;
	[sflag:s13] =	ssyncset.done $0x0  }
0x59: {  	s19 =	sor.u32 $0x500, s19;
	s11 =	sshll.u32 s11, $0x8;
	[sflag:s13] =	ssyncadd.s32 $0xFFFFD800  }
0x5a: {  	s11 =	sor.u32 $0x80, s11;
	s13 =	smul.u32 @!p1 $0x5, s15;
	s15 =	sshrl.u32 @!p2 s20, $0xA  }
0x5b: {  	[spmem:s2] =	stream.indirect.scatter.add.f32 [tilespmem:s19], [sflag:s8], $0x80, s11, s24, $0xb8;
	[tilespmem:$0x1DE00] =	vst v63  }
0x5c: {  	s8 =	ssub.s32 @!p1 s12, s13  }
0x5d: {  	s11 =	sand.u32 @!p2 $0x3F, s15;
	_ =	swait.ge @!p4 [sflag:s22], $0x2800;
	s8 =	sand.u32 @!p1 $0xFF, s8  }
0x5e: {  	s12 =	smul.u32 @!p2 $0x5, s11;
	s11 =	sshrl.u32 @!p1 s21, $0x2;
	[sflag:s22] =	ssyncset.done @!p4 $0x0  }
.Ltmp0:
0x5f: {  	s13 =	sadd.s32 @!p1 $0x1, s8;
	[sflag:s22] =	ssyncadd.s32 @!p4 $0xFFFFD800;
	(pc) =	sbr.rel @p3 .LBB2_2-.Ltmp0, $4  }
0x60: {  	s11 =	sor.u32 @!p1 $0x500, s11;
	s12 =	ssub.s32 @!p2 s6, s12;
	_ =	swait.ge @!p1 [sflag:s13], $0x100  }
0x61: {  	s6 =	sadd.s32 @!p1 $0x6, s14;
	s14 =	sand.u32 @!p2 $0xFF, s12;
	[sflag:s13] =	ssyncset.done @!p1 $0x0  }
0x62: {  	s12 =	sshll.u32 @!p2 s14, $0x8;
	[sflag:s13] =	ssyncadd.s32 @!p1 $0xFFFFFF00;
	s13 =	sadd.s32 @!p2 $0x1, s14  }
0x63: {  	s7 =	sadd.s32 $0x20, s7;
	s14 =	sshll.u32 @!p1 s8, $0x8  }
0x64: {  	[tilespmem:s11], [sflag:s6] =	stream.indirect.gather @!p1 [hbm4b:s4+s5], $0x80, s14, s5, $0xb8;
	[tilespmem:$0x1DE00] =	vst v63  }
0x65: {  	_ = 	snop  }
0x66: {  	[tilespmem:s12], [sflag:s13] =	stream.linear.gather @!p2 [hbm4b:s16+s10], $0x100, $0x38;
	[tilespmem:$0x1DE00] =	vst v63  }
0x67: {  	_ =	swait.ge [sflag:s31], $0x2800  }
0x68: {  	[sflag:s31] =	ssyncset.done $0x0  }
0x69: {  	[sflag:s31] =	ssyncadd.s32 $0xFFFFD800  }
0x6a: {  	_ =	swait.ge [sflag:s0], $0x2800  }
0x6b: {  	[sflag:s0] =	ssyncset.done $0x0  }
0x6c: {  	[sflag:s0] =	ssyncadd.s32 $0xFFFFD800  }
0x6d: {  	_ =	swait.ge [sflag:s1], $0x2800  }
0x6e: {  	[sflag:s1] =	ssyncset.done $0x0  }
0x6f: {  	[sflag:s1] =	ssyncadd.s32 $0xFFFFD800  }
0x70: {  	_ =	swait.ge [sflag:s25], $0x2800  }
0x71: {  	[sflag:s25] =	ssyncset.done $0x0  }
0x72: {  	[sflag:s25] =	ssyncadd.s32 $0xFFFFD800  }
0x73: {  	[bflag:$0x0] =	sbarrier.arrive $0xFFFF  }
0x74: {  	s21 =	rddreg [dreg:$0x4]  }
0x75: {  	s22 =	rddreg [dreg:$0xb];
	s5 =	sor.u32 $0x1C10, s21  }
0x76: {  	[hbm:s22], [sflag:s5] =	dma.local [spmem:s17], $0x2700  }
0x77: {  	_ =	swait.ge [sflag:s26], $0x2700  }
0x78: {  	[sflag:s26] =	ssyncset.done $0x0  }
0x79: {  	s6 =	rddreg [dreg:$0xc];
	[sflag:s26] =	ssyncadd.s32 $0xFFFFD900  }
0x7a: {  	[hbm:s6], [sflag:s5] =	dma.local @!p0 [spmem:s18], $0x100  }
0x7b: {  	s5 =	simm.s32 @!p0 $0x10  }
0x7c: {  	_ =	swait.ge @!p0 [sflag:s5], $0x100  }
0x7d: {  	s28 =	sadd.s32 $0x1, s28;
	s29 =	rddreg [dreg:$0xd]  }
0x7e: {  	p1 =	sne.s32 s28, s29  }
.Ltmp1:
0x7f: {  	_ = 	snop;
	(pc) =	sbr.rel @p1 .LBB2_1-.Ltmp1, $3  }
0x80: {  	_ =	sdelay $0x1  }
0x81: {  	[sflag:s5] =	ssyncset.done @!p0 $0x0  }
0x82: {  	[sflag:s5] =	ssyncadd.s32 @!p0 $0xFFFFFF00  }
0x83: {  	_ =	sfence.sel $0x180000  }
0x84: {  	[bflag:$0x0] =	sbarrier.arrive $0xFFFF  }
0x85: {  	_ =	strace $0x90000050  }
0x86: {  	s0 =	stileid.u32;
	[bflag:$0x2] =	sbarrier.arrive $0xFFFF  }
0x87: {  	p0 =	sne.s32 s0, $0x0;
	s0 =	rddreg [dreg:$0x2]  }
0x88: {  	s0 =	sadd.s32 @!p0 $0x100000, s0  }
0x89: {  	[sflag:s0] =	ssyncadd.tile.s32 @!p0 $0x1;
	_ =	shalt  }
.Lfunc_end2:
_tile_overlayer_lowered:
.L_overlay_start_2:
0x8a: {  	(tag) =	ssettag $0x2  }
0x8b: {  	s0 =	rddreg [dreg:$0x0];
	s2 =	stileid.u32  }
0x8c: {  	s1 =	rddreg [dreg:$0x1];
	p0 =	sne.s32 s2, $0x0  }
0x8d: {  	s3 =	rddreg [dreg:$0x2];
	[bflag:$0x3] =	sbarrier.arrive $0xFFFF;
	s2 =	simm.s32 @!p0 $0x1C10  }
0x8e: {  	[timem:s3], [sflag:s2] =	dma.local @!p0 [hbm:s0], s1  }
0x8f: {  	s0 =	simm.s32 @!p0 $0x10  }
0x90: {  	_ =	swait.ge @!p0 [sflag:s0], s1  }
0x91: {  	s1 =	ssub.s32 @!p0 $0x0, s1;
	[sflag:s0] =	ssyncset.done @!p0 $0x0  }
0x92: {  	[sflag:s0] =	ssyncadd.s32 @!p0 s1  }
0x93: {  	[bflag:$0x3] =	sbarrier.arrive $0xFFFF  }
0x94: {  	_ =	shalt  }

</sc_bundles>
